<compile_context>
chip_gen: v7x
topology: tpu7x:2x2x1
jax: 0.10.2.dev20260603
libtpu: 0.0.44.dev20260713+nightly
codegen_flags: <defaults>
</compile_context>

<pallas_src>
import functools

import jax
import jax.numpy as jnp
from jax import lax
from jax.experimental import pallas as pl
from jax.experimental.pallas import tpu as pltpu
from jax.experimental.pallas import tpu_sc as plsc

N = 10000
D = 128
E = 320000
CHUNK = 128
NCHUNKS = 2560
EPAD = NCHUNKS * CHUNK - E
NREAL = E // CHUNK
NC, NS = 2, 16
NW = NC * NS
CPT = NCHUNKS // NW
PASSES = 2
CPP = CPT // PASSES
NPAD = 10240
RPS = NPAD // NS
ZROWS = 16
LANES = 16


def _matmul_body(h_ref, w_ref, norm_ref, x_ref):
    x_ref[...] = (
        jnp.dot(h_ref[...], w_ref[...], preferred_element_type=jnp.float32)
        * norm_ref[...]
    )


def _xw_norm(h, W, norm):
    mb = 5000
    return pl.pallas_call(
        _matmul_body,
        grid=(N // mb,),
        in_specs=[
            pl.BlockSpec((mb, D), lambda i: (i, 0)),
            pl.BlockSpec((D, D), lambda i: (0, 0)),
            pl.BlockSpec((mb, 1), lambda i: (i, 0)),
        ],
        out_specs=pl.BlockSpec((mb, D), lambda i: (i, 0)),
        out_shape=jax.ShapeDtypeStruct((N, D), jnp.float32),
    )(h, W, norm)


def _sc_body(x_hbm, edge_hbm, out_hbm,
             sidx, didx, rows0, rows1, zbuf, acc,
             sem0, sem1, dsem):
    c = lax.axis_index("c")
    s = lax.axis_index("s")
    wid = c * NS + s

    zeros = jnp.zeros((LANES,), jnp.float32)

    def zrow(r, carry):
        for k in range(D // LANES):
            zbuf[r, pl.ds(k * LANES, LANES)] = zeros
        return carry

    lax.fori_loop(0, ZROWS, zrow, 0)

    def zcopy(i, carry):
        pltpu.sync_copy(zbuf, acc.at[pl.ds(s * RPS + i * ZROWS, ZROWS)])
        return carry

    rows = (rows0, rows1)
    sems = (sem0, sem1)
    ebase = wid * CPT

    def sidx_at(j):
        return sidx.at[pl.ds(j * CHUNK, CHUNK)]

    def stage_idx(base):
        sbase = jnp.minimum(base, NREAL - CPP)
        pltpu.sync_copy(
            edge_hbm.at[0, pl.ds(sbase * CHUNK, CPP * CHUNK)], sidx)
        for j in range(CPP):
            pltpu.async_copy(
                edge_hbm.at[1, pl.ds((sbase + j) * CHUNK, CHUNK)],
                didx.at[j], dsem)
        for j in range(CPP):
            pltpu.make_async_copy(
                edge_hbm.at[1, pl.ds((sbase + j) * CHUNK, CHUNK)],
                didx.at[j], dsem).wait()
        return base - sbase

    def prime(base, soff):
        for b in range(2):
            @pl.when(base + b < NREAL)
            def _():
                pltpu.async_copy(x_hbm.at[sidx_at(b + soff)], rows[b], sems[b])

    soff = stage_idx(ebase)
    prime(ebase, soff)

    lax.fori_loop(0, RPS // ZROWS, zcopy, 0)
    plsc.subcore_barrier()

    for p in range(PASSES):
        base = ebase + p * CPP
        if p > 0:
            soff = stage_idx(base)
            prime(base, soff)

        def body(g, carry):
            for b in range(2):
                j = g * 2 + b

                @pl.when(base + j < NREAL)
                def _():
                    pltpu.make_async_copy(
                        x_hbm.at[sidx_at(j + soff)], rows[b], sems[b]).wait()
                    pltpu.sync_copy(
                        rows[b], acc.at[didx.at[j + soff]], add=True)

                    @pl.when((j + 2 < CPP) & (base + j + 2 < NREAL))
                    def _():
                        pltpu.async_copy(
                            x_hbm.at[sidx_at(j + 2 + soff)], rows[b], sems[b])

            return carry

        lax.fori_loop(0, CPP // 2, body, 0)

    plsc.subcore_barrier()
    pltpu.sync_copy(
        acc.at[pl.ds(s * RPS, RPS)],
        out_hbm.at[c].at[pl.ds(s * RPS, RPS)],
    )


def _sc_segment_sum(x, edge_index):
    mesh = plsc.VectorSubcoreMesh(core_axis_name="c", subcore_axis_name="s")
    f = functools.partial(
        pl.kernel,
        out_type=jax.ShapeDtypeStruct((NC, NPAD, D), jnp.float32),
        mesh=mesh,
        scratch_types=[
            pltpu.VMEM((CPP * CHUNK,), jnp.int32),
            pltpu.VMEM((CPP, CHUNK), jnp.int32),
            pltpu.VMEM((CHUNK, D), jnp.float32),
            pltpu.VMEM((CHUNK, D), jnp.float32),
            pltpu.VMEM((ZROWS, D), jnp.float32),
            pltpu.VMEM_SHARED((NPAD, D), jnp.float32),
            pltpu.SemaphoreType.DMA,
            pltpu.SemaphoreType.DMA,
            pltpu.SemaphoreType.DMA,
        ],
    )(_sc_body)
    return f(x, edge_index)


def _combine_body(p_ref, norm_ref, b_ref, o_ref):
    o_ref[...] = jnp.maximum(
        (p_ref[0] + p_ref[1]) * norm_ref[...] + b_ref[...], 0.0
    )


def _combine(partials, norm, b2d):
    mb = 5000
    return pl.pallas_call(
        _combine_body,
        grid=(N // mb,),
        in_specs=[
            pl.BlockSpec((NC, mb, D), lambda i: (0, i, 0)),
            pl.BlockSpec((mb, 1), lambda i: (i, 0)),
            pl.BlockSpec((1, D), lambda i: (0, 0)),
        ],
        out_specs=pl.BlockSpec((mb, D), lambda i: (i, 0)),
        out_shape=jax.ShapeDtypeStruct((N, D), jnp.float32),
    )(partials, norm, b2d)


def kernel(h, edge_index, norm, W, b):
    x = _xw_norm(h, W, norm)
    partials = _sc_segment_sum(x, edge_index)
    return _combine(partials, norm, b.reshape(1, D))

# --- scband reference (transcript-rebuilt; emitter-appended) ---
"""Pipeline reference for scband-gcnlayer-51462298140984 (READ-ONLY COPY).

The authoritative reference and input builder live on the scoring server;
editing this copy changes nothing except your own understanding.
"""

import jax, jax.numpy as jnp
import numpy as np

N = 10000
E = 320000
D_IN = 128
D_OUT = 128


def setup_inputs(seed: int = 0) -> dict:
    key = jax.random.key(seed)
    k1, k2, k3, k4 = jax.random.split(key, 4)
    h = jax.random.normal(k1, (N, D_IN), dtype=jnp.float32)
    edge_index = jax.random.randint(k2, (2, E), 0, N, dtype=jnp.int32)
    # symmetric-normalization style per-node norm factor (deg^{-1/2} proxy), shape [N, 1]
    norm = jax.random.uniform(k3, (N, 1), dtype=jnp.float32, minval=0.01, maxval=1.0)
    # learned params per init_kwargs: weight [in_feats, out_feats], bias [out_feats]
    W = jax.random.normal(k4, (D_IN, D_OUT), dtype=jnp.float32) * 0.05
    b = jnp.zeros((D_OUT,), dtype=jnp.float32)
    return {"h": h, "edge_index": edge_index, "norm": norm, "W": W, "b": b}


def reference(h, edge_index, norm, W, b):
    # dropout rate is 0.0 -> no-op (and inference semantics anyway)
    # self.g.ndata['h'] = h @ W
    hw = jnp.matmul(h, W)
    src = edge_index[0]
    dst = edge_index[1]
    # gcn_msg: m_e = h[src] * norm[src]
    m = hw[src] * norm[src]
    # gcn_reduce: accum = sum_{e into v} m_e, then * norm[v]
    agg = jax.ops.segment_sum(m, dst, num_segments=N)
    out = agg * norm
    # bias + activation
    out = out + b
    out = jax.nn.relu(out)
    return out

if __name__ == "__main__":
    import jax
    _d = setup_inputs()
    print(jax.jit(kernel)(*tuple(_d.values())))

</pallas_src>

<mosaic_0001>
#map = affine_map<(d0, d1) -> (0, 0)>
#map1 = affine_map<(d0, d1) -> (0, 0, 0)>
module attributes {stable_mosaic.version = 14 : i64} {
  func.func @_sc_body(%arg0: i32, %arg1: i32, %arg2: memref<10000x128xf32, #tpu.memory_space<hbm>>, %arg3: memref<2x320000xi32, #tpu.memory_space<hbm>>, %arg4: memref<2x10240x128xf32, #tpu.memory_space<hbm>>, %arg5: memref<5120xi32, #tpu.memory_space<vmem>>, %arg6: memref<40x128xi32, #tpu.memory_space<vmem>>, %arg7: memref<128x128xf32, #tpu.memory_space<vmem>>, %arg8: memref<128x128xf32, #tpu.memory_space<vmem>>, %arg9: memref<16x128xf32, #tpu.memory_space<vmem>>, %arg10: memref<10240x128xf32, #tpu.memory_space<vmem_shared>>, %arg11: memref<!tpu.dma_semaphore, #tpu.memory_space<semaphore_mem>>, %arg12: memref<!tpu.dma_semaphore, #tpu.memory_space<semaphore_mem>>, %arg13: memref<!tpu.dma_semaphore, #tpu.memory_space<semaphore_mem>>) attributes {dimension_semantics = [#tpu.dimension_semantics<core_parallel>, #tpu.dimension_semantics<subcore_parallel>], iteration_bounds = array<i64: 2, 16>, scalar_prefetch = 0 : i64, scratch_operands = 9 : i64, tpu.core_type = #tpu.core_type<sc_vector_subcore>, window_params = [{transform_indices = #map}, {transform_indices = #map}, {transform_indices = #map1}]} {
    %mul3A = arith.constant 16 : i32
    %mul3A_0 = arith.muli %arg0, %mul3A : i32
    %add3A = arith.addi %mul3A_0, %arg1 : i32
    %broadcast_in_dim3A = arith.constant 0.000000e+00 : f32
    %broadcast_in_dim3A_1 = vector.broadcast %broadcast_in_dim3A : f32 to vector<16xf32>
    %scan3A = arith.constant 0 : i32
    %scan3A_2 = arith.constant 0 : i32
    %scan3A_3 = arith.constant 16 : i32
    %scan3A_4 = arith.addi %scan3A_2, %scan3A_3 : i32
    %scan3A_5 = arith.constant 1 : i32
    scf.for %scan3A_2628 = %scan3A_2 to %scan3A_4 step %scan3A_5  : i32 {
      %swap3A = arith.index_cast %scan3A_2628 : i32 to index
      %swap3A_2629 = arith.constant 0 : index
      %swap3A_2630 = tpu.vector_load %arg9[%swap3A, %swap3A_2629] {strides = array<i32>} : memref<16x128xf32, #tpu.memory_space<vmem>>, vector<1x16xf32>,
      %swap3A_2631 = vector.shape_cast %swap3A_2630 : vector<1x16xf32> to vector<16xf32>
      %swap3A_2632 = vector.shape_cast %broadcast_in_dim3A_1 : vector<16xf32> to vector<1x16xf32>
      tpu.vector_store %arg9[%swap3A, %swap3A_2629], %swap3A_2632 {strides = array<i32>} : memref<16x128xf32, #tpu.memory_space<vmem>>, vector<1x16xf32>,
      %swap3A_2633 = arith.index_cast %scan3A_2628 : i32 to index
      %swap3A_2634 = arith.constant 16 : index
      %swap3A_2635 = tpu.vector_load %arg9[%swap3A_2633, %swap3A_2634] {strides = array<i32>} : memref<16x128xf32, #tpu.memory_space<vmem>>, vector<1x16xf32>,
      %swap3A_2636 = vector.shape_cast %swap3A_2635 : vector<1x16xf32> to vector<16xf32>
      %swap3A_2637 = vector.shape_cast %broadcast_in_dim3A_1 : vector<16xf32> to vector<1x16xf32>
      tpu.vector_store %arg9[%swap3A_2633, %swap3A_2634], %swap3A_2637 {strides = array<i32>} : memref<16x128xf32, #tpu.memory_space<vmem>>, vector<1x16xf32>,
      %swap3A_2638 = arith.index_cast %scan3A_2628 : i32 to index
      %swap3A_2639 = arith.constant 32 : index
      %swap3A_2640 = tpu.vector_load %arg9[%swap3A_2638, %swap3A_2639] {strides = array<i32>} : memref<16x128xf32, #tpu.memory_space<vmem>>, vector<1x16xf32>,
      %swap3A_2641 = vector.shape_cast %swap3A_2640 : vector<1x16xf32> to vector<16xf32>
      %swap3A_2642 = vector.shape_cast %broadcast_in_dim3A_1 : vector<16xf32> to vector<1x16xf32>
      tpu.vector_store %arg9[%swap3A_2638, %swap3A_2639], %swap3A_2642 {strides = array<i32>} : memref<16x128xf32, #tpu.memory_space<vmem>>, vector<1x16xf32>,
      %swap3A_2643 = arith.index_cast %scan3A_2628 : i32 to index
      %swap3A_2644 = arith.constant 48 : index
      %swap3A_2645 = tpu.vector_load %arg9[%swap3A_2643, %swap3A_2644] {strides = array<i32>} : memref<16x128xf32, #tpu.memory_space<vmem>>, vector<1x16xf32>,
      %swap3A_2646 = vector.shape_cast %swap3A_2645 : vector<1x16xf32> to vector<16xf32>
      %swap3A_2647 = vector.shape_cast %broadcast_in_dim3A_1 : vector<16xf32> to vector<1x16xf32>
      tpu.vector_store %arg9[%swap3A_2643, %swap3A_2644], %swap3A_2647 {strides = array<i32>} : memref<16x128xf32, #tpu.memory_space<vmem>>, vector<1x16xf32>,
      %swap3A_2648 = arith.index_cast %scan3A_2628 : i32 to index
      %swap3A_2649 = arith.constant 64 : index
      %swap3A_2650 = tpu.vector_load %arg9[%swap3A_2648, %swap3A_2649] {strides = array<i32>} : memref<16x128xf32, #tpu.memory_space<vmem>>, vector<1x16xf32>,
      %swap3A_2651 = vector.shape_cast %swap3A_2650 : vector<1x16xf32> to vector<16xf32>
      %swap3A_2652 = vector.shape_cast %broadcast_in_dim3A_1 : vector<16xf32> to vector<1x16xf32>
      tpu.vector_store %arg9[%swap3A_2648, %swap3A_2649], %swap3A_2652 {strides = array<i32>} : memref<16x128xf32, #tpu.memory_space<vmem>>, vector<1x16xf32>,
      %swap3A_2653 = arith.index_cast %scan3A_2628 : i32 to index
      %swap3A_2654 = arith.constant 80 : index
      %swap3A_2655 = tpu.vector_load %arg9[%swap3A_2653, %swap3A_2654] {strides = array<i32>} : memref<16x128xf32, #tpu.memory_space<vmem>>, vector<1x16xf32>,
      %swap3A_2656 = vector.shape_cast %swap3A_2655 : vector<1x16xf32> to vector<16xf32>
      %swap3A_2657 = vector.shape_cast %broadcast_in_dim3A_1 : vector<16xf32> to vector<1x16xf32>
      tpu.vector_store %arg9[%swap3A_2653, %swap3A_2654], %swap3A_2657 {strides = array<i32>} : memref<16x128xf32, #tpu.memory_space<vmem>>, vector<1x16xf32>,
      %swap3A_2658 = arith.index_cast %scan3A_2628 : i32 to index
      %swap3A_2659 = arith.constant 96 : index
      %swap3A_2660 = tpu.vector_load %arg9[%swap3A_2658, %swap3A_2659] {strides = array<i32>} : memref<16x128xf32, #tpu.memory_space<vmem>>, vector<1x16xf32>,
      %swap3A_2661 = vector.shape_cast %swap3A_2660 : vector<1x16xf32> to vector<16xf32>
      %swap3A_2662 = vector.shape_cast %broadcast_in_dim3A_1 : vector<16xf32> to vector<1x16xf32>
      tpu.vector_store %arg9[%swap3A_2658, %swap3A_2659], %swap3A_2662 {strides = array<i32>} : memref<16x128xf32, #tpu.memory_space<vmem>>, vector<1x16xf32>,
      %swap3A_2663 = arith.index_cast %scan3A_2628 : i32 to index
      %swap3A_2664 = arith.constant 112 : index
      %swap3A_2665 = tpu.vector_load %arg9[%swap3A_2663, %swap3A_2664] {strides = array<i32>} : memref<16x128xf32, #tpu.memory_space<vmem>>, vector<1x16xf32>,
      %swap3A_2666 = vector.shape_cast %swap3A_2665 : vector<1x16xf32> to vector<16xf32>
      %swap3A_2667 = vector.shape_cast %broadcast_in_dim3A_1 : vector<16xf32> to vector<1x16xf32>
      tpu.vector_store %arg9[%swap3A_2663, %swap3A_2664], %swap3A_2667 {strides = array<i32>} : memref<16x128xf32, #tpu.memory_space<vmem>>, vector<1x16xf32>,
    }
    %scan3A_6 = arith.constant 16 : i32
    %mul3A_7 = arith.constant 80 : i32
    %mul3A_8 = arith.muli %add3A, %mul3A_7 : i32
    %min3A = arith.constant 2460 : i32
    %min3A_9 = arith.minsi %mul3A_8, %min3A : i32
    %mul3A_10 = arith.constant 128 : i32
    %mul3A_11 = arith.muli %min3A_9, %mul3A_10 : i32
    %run_scoped3A = arith.constant 0 : i32
    "tpu.region"() ({
      %run_scoped3A_2628 = tpu.sem_alloc : memref<!tpu.dma_semaphore, #tpu.memory_space<semaphore_mem>>
      %dma_start3A_2629 = tpu.memref_slice %arg3[%run_scoped3A, %mul3A_11] : memref<2x320000xi32, #tpu.memory_space<hbm>> -> memref<1x5120xi32, #tpu.memory_space<hbm>>
      %dma_start3A_2630 = tpu.memref_squeeze %dma_start3A_2629 : memref<1x5120xi32, #tpu.memory_space<hbm>> -> memref<5120xi32, #tpu.memory_space<hbm>>
      %dma_start3A_2631 = tpu.memref_slice %arg3[%run_scoped3A, %mul3A_11] : memref<2x320000xi32, #tpu.memory_space<hbm>> -> memref<1x5120xi32, #tpu.memory_space<hbm>>
      %dma_start3A_2632 = tpu.memref_squeeze %dma_start3A_2631 : memref<1x5120xi32, #tpu.memory_space<hbm>> -> memref<5120xi32, #tpu.memory_space<hbm>>
      tpu.enqueue_dma source(%dma_start3A_2632 : memref<5120xi32, #tpu.memory_space<hbm>>) target(%arg5 : memref<5120xi32, #tpu.memory_space<vmem>>) target_semaphore(%run_scoped3A_2628 : memref<!tpu.dma_semaphore, #tpu.memory_space<semaphore_mem>>)
      %dma_wait3A_2633 = tpu.memref_slice %arg3[%run_scoped3A, %mul3A_11] : memref<2x320000xi32, #tpu.memory_space<hbm>> -> memref<1x5120xi32, #tpu.memory_space<hbm>>
      %dma_wait3A_2634 = tpu.memref_squeeze %dma_wait3A_2633 : memref<1x5120xi32, #tpu.memory_space<hbm>> -> memref<5120xi32, #tpu.memory_space<hbm>>
      %dma_wait3A_2635 = tpu.memref_slice %arg3[%run_scoped3A, %mul3A_11] : memref<2x320000xi32, #tpu.memory_space<hbm>> -> memref<1x5120xi32, #tpu.memory_space<hbm>>
      %dma_wait3A_2636 = tpu.memref_squeeze %dma_wait3A_2635 : memref<1x5120xi32, #tpu.memory_space<hbm>> -> memref<5120xi32, #tpu.memory_space<hbm>>
      tpu.wait_dma2 semaphore(%run_scoped3A_2628 : memref<!tpu.dma_semaphore, #tpu.memory_space<semaphore_mem>>) src(%dma_wait3A_2636 : memref<5120xi32, #tpu.memory_space<hbm>>) dst(%arg5 : memref<5120xi32, #tpu.memory_space<vmem>>)
      tpu.yield
    }) : () -> ()
    %add3A_12 = arith.constant 0 : i32
    %add3A_13 = arith.addi %min3A_9, %add3A_12 : i32
    %mul3A_14 = arith.constant 128 : i32
    %mul3A_15 = arith.muli %add3A_13, %mul3A_14 : i32
    %dma_start3A = arith.constant 1 : i32
    %dma_start3A_16 = arith.constant 0 : i32
    %dma_start3A_17 = arith.constant 0 : i32
    %dma_start3A_18 = tpu.memref_slice %arg6[%dma_start3A_16, %dma_start3A_17] : memref<40x128xi32, #tpu.memory_space<vmem>> -> memref<1x128xi32, #tpu.memory_space<vmem>>
    %dma_start3A_19 = tpu.memref_squeeze %dma_start3A_18 : memref<1x128xi32, #tpu.memory_space<vmem>> -> memref<128xi32, #tpu.memory_space<vmem>>
    %dma_start3A_20 = tpu.memref_slice %arg3[%dma_start3A, %mul3A_15] : memref<2x320000xi32, #tpu.memory_space<hbm>> -> memref<1x128xi32, #tpu.memory_space<hbm>>
    %dma_start3A_21 = tpu.memref_squeeze %dma_start3A_20 : memref<1x128xi32, #tpu.memory_space<hbm>> -> memref<128xi32, #tpu.memory_space<hbm>>
    %dma_start3A_22 = arith.constant 0 : i32
    %dma_start3A_23 = tpu.memref_slice %arg6[%dma_start3A_16, %dma_start3A_22] : memref<40x128xi32, #tpu.memory_space<vmem>> -> memref<1x128xi32, #tpu.memory_space<vmem>>
    %dma_start3A_24 = tpu.memref_squeeze %dma_start3A_23 : memref<1x128xi32, #tpu.memory_space<vmem>> -> memref<128xi32, #tpu.memory_space<vmem>>
    %dma_start3A_25 = tpu.memref_slice %arg3[%dma_start3A, %mul3A_15] : memref<2x320000xi32, #tpu.memory_space<hbm>> -> memref<1x128xi32, #tpu.memory_space<hbm>>
    %dma_start3A_26 = tpu.memref_squeeze %dma_start3A_25 : memref<1x128xi32, #tpu.memory_space<hbm>> -> memref<128xi32, #tpu.memory_space<hbm>>
    tpu.enqueue_dma source(%dma_start3A_26 : memref<128xi32, #tpu.memory_space<hbm>>) target(%dma_start3A_24 : memref<128xi32, #tpu.memory_space<vmem>>) target_semaphore(%arg13 : memref<!tpu.dma_semaphore, #tpu.memory_space<semaphore_mem>>)
    %add3A_27 = arith.constant 1 : i32
    %add3A_28 = arith.addi %min3A_9, %add3A_27 : i32
    %mul3A_29 = arith.constant 128 : i32
    %mul3A_30 = arith.muli %add3A_28, %mul3A_29 : i32
    %dma_start3A_31 = arith.constant 1 : i32
    %dma_start3A_32 = arith.constant 1 : i32
    %dma_start3A_33 = arith.constant 0 : i32
    %dma_start3A_34 = tpu.memref_slice %arg6[%dma_start3A_32, %dma_start3A_33] : memref<40x128xi32, #tpu.memory_space<vmem>> -> memref<1x128xi32, #tpu.memory_space<vmem>>
    %dma_start3A_35 = tpu.memref_squeeze %dma_start3A_34 : memref<1x128xi32, #tpu.memory_space<vmem>> -> memref<128xi32, #tpu.memory_space<vmem>>
    %dma_start3A_36 = tpu.memref_slice %arg3[%dma_start3A_31, %mul3A_30] : memref<2x320000xi32, #tpu.memory_space<hbm>> -> memref<1x128xi32, #tpu.memory_space<hbm>>
    %dma_start3A_37 = tpu.memref_squeeze %dma_start3A_36 : memref<1x128xi32, #tpu.memory_space<hbm>> -> memref<128xi32, #tpu.memory_space<hbm>>
    %dma_start3A_38 = arith.constant 0 : i32
    %dma_start3A_39 = tpu.memref_slice %arg6[%dma_start3A_32, %dma_start3A_38] : memref<40x128xi32, #tpu.memory_space<vmem>> -> memref<1x128xi32, #tpu.memory_space<vmem>>
    %dma_start3A_40 = tpu.memref_squeeze %dma_start3A_39 : memref<1x128xi32, #tpu.memory_space<vmem>> -> memref<128xi32, #tpu.memory_space<vmem>>
    %dma_start3A_41 = tpu.memref_slice %arg3[%dma_start3A_31, %mul3A_30] : memref<2x320000xi32, #tpu.memory_space<hbm>> -> memref<1x128xi32, #tpu.memory_space<hbm>>
    %dma_start3A_42 = tpu.memref_squeeze %dma_start3A_41 : memref<1x128xi32, #tpu.memory_space<hbm>> -> memref<128xi32, #tpu.memory_space<hbm>>
    tpu.enqueue_dma source(%dma_start3A_42 : memref<128xi32, #tpu.memory_space<hbm>>) target(%dma_start3A_40 : memref<128xi32, #tpu.memory_space<vmem>>) target_semaphore(%arg13 : memref<!tpu.dma_semaphore, #tpu.memory_space<semaphore_mem>>)
    %add3A_43 = arith.constant 2 : i32
    %add3A_44 = arith.addi %min3A_9, %add3A_43 : i32
    %mul3A_45 = arith.constant 128 : i32
    %mul3A_46 = arith.muli %add3A_44, %mul3A_45 : i32
    %dma_start3A_47 = arith.constant 1 : i32
    %dma_start3A_48 = arith.constant 2 : i32
    %dma_start3A_49 = arith.constant 0 : i32
    %dma_start3A_50 = tpu.memref_slice %arg6[%dma_start3A_48, %dma_start3A_49] : memref<40x128xi32, #tpu.memory_space<vmem>> -> memref<1x128xi32, #tpu.memory_space<vmem>>
    %dma_start3A_51 = tpu.memref_squeeze %dma_start3A_50 : memref<1x128xi32, #tpu.memory_space<vmem>> -> memref<128xi32, #tpu.memory_space<vmem>>
    %dma_start3A_52 = tpu.memref_slice %arg3[%dma_start3A_47, %mul3A_46] : memref<2x320000xi32, #tpu.memory_space<hbm>> -> memref<1x128xi32, #tpu.memory_space<hbm>>
    %dma_start3A_53 = tpu.memref_squeeze %dma_start3A_52 : memref<1x128xi32, #tpu.memory_space<hbm>> -> memref<128xi32, #tpu.memory_space<hbm>>
    %dma_start3A_54 = arith.constant 0 : i32
    %dma_start3A_55 = tpu.memref_slice %arg6[%dma_start3A_48, %dma_start3A_54] : memref<40x128xi32, #tpu.memory_space<vmem>> -> memref<1x128xi32, #tpu.memory_space<vmem>>
    %dma_start3A_56 = tpu.memref_squeeze %dma_start3A_55 : memref<1x128xi32, #tpu.memory_space<vmem>> -> memref<128xi32, #tpu.memory_space<vmem>>
    %dma_start3A_57 = tpu.memref_slice %arg3[%dma_start3A_47, %mul3A_46] : memref<2x320000xi32, #tpu.memory_space<hbm>> -> memref<1x128xi32, #tpu.memory_space<hbm>>
    %dma_start3A_58 = tpu.memref_squeeze %dma_start3A_57 : memref<1x128xi32, #tpu.memory_space<hbm>> -> memref<128xi32, #tpu.memory_space<hbm>>
    tpu.enqueue_dma source(%dma_start3A_58 : memref<128xi32, #tpu.memory_space<hbm>>) target(%dma_start3A_56 : memref<128xi32, #tpu.memory_space<vmem>>) target_semaphore(%arg13 : memref<!tpu.dma_semaphore, #tpu.memory_space<semaphore_mem>>)
    %add3A_59 = arith.constant 3 : i32
    %add3A_60 = arith.addi %min3A_9, %add3A_59 : i32
    %mul3A_61 = arith.constant 128 : i32
    %mul3A_62 = arith.muli %add3A_60, %mul3A_61 : i32
    %dma_start3A_63 = arith.constant 1 : i32
    %dma_start3A_64 = arith.constant 3 : i32
    %dma_start3A_65 = arith.constant 0 : i32
    %dma_start3A_66 = tpu.memref_slice %arg6[%dma_start3A_64, %dma_start3A_65] : memref<40x128xi32, #tpu.memory_space<vmem>> -> memref<1x128xi32, #tpu.memory_space<vmem>>
    %dma_start3A_67 = tpu.memref_squeeze %dma_start3A_66 : memref<1x128xi32, #tpu.memory_space<vmem>> -> memref<128xi32, #tpu.memory_space<vmem>>
    %dma_start3A_68 = tpu.memref_slice %arg3[%dma_start3A_63, %mul3A_62] : memref<2x320000xi32, #tpu.memory_space<hbm>> -> memref<1x128xi32, #tpu.memory_space<hbm>>
    %dma_start3A_69 = tpu.memref_squeeze %dma_start3A_68 : memref<1x128xi32, #tpu.memory_space<hbm>> -> memref<128xi32, #tpu.memory_space<hbm>>
    %dma_start3A_70 = arith.constant 0 : i32
    %dma_start3A_71 = tpu.memref_slice %arg6[%dma_start3A_64, %dma_start3A_70] : memref<40x128xi32, #tpu.memory_space<vmem>> -> memref<1x128xi32, #tpu.memory_space<vmem>>
    %dma_start3A_72 = tpu.memref_squeeze %dma_start3A_71 : memref<1x128xi32, #tpu.memory_space<vmem>> -> memref<128xi32, #tpu.memory_space<vmem>>
    %dma_start3A_73 = tpu.memref_slice %arg3[%dma_start3A_63, %mul3A_62] : memref<2x320000xi32, #tpu.memory_space<hbm>> -> memref<1x128xi32, #tpu.memory_space<hbm>>
    %dma_start3A_74 = tpu.memref_squeeze %dma_start3A_73 : memref<1x128xi32, #tpu.memory_space<hbm>> -> memref<128xi32, #tpu.memory_space<hbm>>
    tpu.enqueue_dma source(%dma_start3A_74 : memref<128xi32, #tpu.memory_space<hbm>>) target(%dma_start3A_72 : memref<128xi32, #tpu.memory_space<vmem>>) target_semaphore(%arg13 : memref<!tpu.dma_semaphore, #tpu.memory_space<semaphore_mem>>)
    %add3A_75 = arith.constant 4 : i32
    %add3A_76 = arith.addi %min3A_9, %add3A_75 : i32
    %mul3A_77 = arith.constant 128 : i32
    %mul3A_78 = arith.muli %add3A_76, %mul3A_77 : i32
    %dma_start3A_79 = arith.constant 1 : i32
    %dma_start3A_80 = arith.constant 4 : i32
    %dma_start3A_81 = arith.constant 0 : i32
    %dma_start3A_82 = tpu.memref_slice %arg6[%dma_start3A_80, %dma_start3A_81] : memref<40x128xi32, #tpu.memory_space<vmem>> -> memref<1x128xi32, #tpu.memory_space<vmem>>
    %dma_start3A_83 = tpu.memref_squeeze %dma_start3A_82 : memref<1x128xi32, #tpu.memory_space<vmem>> -> memref<128xi32, #tpu.memory_space<vmem>>
    %dma_start3A_84 = tpu.memref_slice %arg3[%dma_start3A_79, %mul3A_78] : memref<2x320000xi32, #tpu.memory_space<hbm>> -> memref<1x128xi32, #tpu.memory_space<hbm>>
    %dma_start3A_85 = tpu.memref_squeeze %dma_start3A_84 : memref<1x128xi32, #tpu.memory_space<hbm>> -> memref<128xi32, #tpu.memory_space<hbm>>
    %dma_start3A_86 = arith.constant 0 : i32
    %dma_start3A_87 = tpu.memref_slice %arg6[%dma_start3A_80, %dma_start3A_86] : memref<40x128xi32, #tpu.memory_space<vmem>> -> memref<1x128xi32, #tpu.memory_space<vmem>>
    %dma_start3A_88 = tpu.memref_squeeze %dma_start3A_87 : memref<1x128xi32, #tpu.memory_space<vmem>> -> memref<128xi32, #tpu.memory_space<vmem>>
    %dma_start3A_89 = tpu.memref_slice %arg3[%dma_start3A_79, %mul3A_78] : memref<2x320000xi32, #tpu.memory_space<hbm>> -> memref<1x128xi32, #tpu.memory_space<hbm>>
    %dma_start3A_90 = tpu.memref_squeeze %dma_start3A_89 : memref<1x128xi32, #tpu.memory_space<hbm>> -> memref<128xi32, #tpu.memory_space<hbm>>
    tpu.enqueue_dma source(%dma_start3A_90 : memref<128xi32, #tpu.memory_space<hbm>>) target(%dma_start3A_88 : memref<128xi32, #tpu.memory_space<vmem>>) target_semaphore(%arg13 : memref<!tpu.dma_semaphore, #tpu.memory_space<semaphore_mem>>)
    %add3A_91 = arith.constant 5 : i32
    %add3A_92 = arith.addi %min3A_9, %add3A_91 : i32
    %mul3A_93 = arith.constant 128 : i32
    %mul3A_94 = arith.muli %add3A_92, %mul3A_93 : i32
    %dma_start3A_95 = arith.constant 1 : i32
    %dma_start3A_96 = arith.constant 5 : i32
    %dma_start3A_97 = arith.constant 0 : i32
    %dma_start3A_98 = tpu.memref_slice %arg6[%dma_start3A_96, %dma_start3A_97] : memref<40x128xi32, #tpu.memory_space<vmem>> -> memref<1x128xi32, #tpu.memory_space<vmem>>
    %dma_start3A_99 = tpu.memref_squeeze %dma_start3A_98 : memref<1x128xi32, #tpu.memory_space<vmem>> -> memref<128xi32, #tpu.memory_space<vmem>>
    %dma_start3A_100 = tpu.memref_slice %arg3[%dma_start3A_95, %mul3A_94] : memref<2x320000xi32, #tpu.memory_space<hbm>> -> memref<1x128xi32, #tpu.memory_space<hbm>>
    %dma_start3A_101 = tpu.memref_squeeze %dma_start3A_100 : memref<1x128xi32, #tpu.memory_space<hbm>> -> memref<128xi32, #tpu.memory_space<hbm>>
    %dma_start3A_102 = arith.constant 0 : i32
    %dma_start3A_103 = tpu.memref_slice %arg6[%dma_start3A_96, %dma_start3A_102] : memref<40x128xi32, #tpu.memory_space<vmem>> -> memref<1x128xi32, #tpu.memory_space<vmem>>
    %dma_start3A_104 = tpu.memref_squeeze %dma_start3A_103 : memref<1x128xi32, #tpu.memory_space<vmem>> -> memref<128xi32, #tpu.memory_space<vmem>>
    %dma_start3A_105 = tpu.memref_slice %arg3[%dma_start3A_95, %mul3A_94] : memref<2x320000xi32, #tpu.memory_space<hbm>> -> memref<1x128xi32, #tpu.memory_space<hbm>>
    %dma_start3A_106 = tpu.memref_squeeze %dma_start3A_105 : memref<1x128xi32, #tpu.memory_space<hbm>> -> memref<128xi32, #tpu.memory_space<hbm>>
    tpu.enqueue_dma source(%dma_start3A_106 : memref<128xi32, #tpu.memory_space<hbm>>) target(%dma_start3A_104 : memref<128xi32, #tpu.memory_space<vmem>>) target_semaphore(%arg13 : memref<!tpu.dma_semaphore, #tpu.memory_space<semaphore_mem>>)
    %add3A_107 = arith.constant 6 : i32
    %add3A_108 = arith.addi %min3A_9, %add3A_107 : i32
    %mul3A_109 = arith.constant 128 : i32
    %mul3A_110 = arith.muli %add3A_108, %mul3A_109 : i32
    %dma_start3A_111 = arith.constant 1 : i32
    %dma_start3A_112 = arith.constant 6 : i32
    %dma_start3A_113 = arith.constant 0 : i32
    %dma_start3A_114 = tpu.memref_slice %arg6[%dma_start3A_112, %dma_start3A_113] : memref<40x128xi32, #tpu.memory_space<vmem>> -> memref<1x128xi32, #tpu.memory_space<vmem>>
    %dma_start3A_115 = tpu.memref_squeeze %dma_start3A_114 : memref<1x128xi32, #tpu.memory_space<vmem>> -> memref<128xi32, #tpu.memory_space<vmem>>
    %dma_start3A_116 = tpu.memref_slice %arg3[%dma_start3A_111, %mul3A_110] : memref<2x320000xi32, #tpu.memory_space<hbm>> -> memref<1x128xi32, #tpu.memory_space<hbm>>
    %dma_start3A_117 = tpu.memref_squeeze %dma_start3A_116 : memref<1x128xi32, #tpu.memory_space<hbm>> -> memref<128xi32, #tpu.memory_space<hbm>>
    %dma_start3A_118 = arith.constant 0 : i32
    %dma_start3A_119 = tpu.memref_slice %arg6[%dma_start3A_112, %dma_start3A_118] : memref<40x128xi32, #tpu.memory_space<vmem>> -> memref<1x128xi32, #tpu.memory_space<vmem>>
    %dma_start3A_120 = tpu.memref_squeeze %dma_start3A_119 : memref<1x128xi32, #tpu.memory_space<vmem>> -> memref<128xi32, #tpu.memory_space<vmem>>
    %dma_start3A_121 = tpu.memref_slice %arg3[%dma_start3A_111, %mul3A_110] : memref<2x320000xi32, #tpu.memory_space<hbm>> -> memref<1x128xi32, #tpu.memory_space<hbm>>
    %dma_start3A_122 = tpu.memref_squeeze %dma_start3A_121 : memref<1x128xi32, #tpu.memory_space<hbm>> -> memref<128xi32, #tpu.memory_space<hbm>>
    tpu.enqueue_dma source(%dma_start3A_122 : memref<128xi32, #tpu.memory_space<hbm>>) target(%dma_start3A_120 : memref<128xi32, #tpu.memory_space<vmem>>) target_semaphore(%arg13 : memref<!tpu.dma_semaphore, #tpu.memory_space<semaphore_mem>>)
    %add3A_123 = arith.constant 7 : i32
    %add3A_124 = arith.addi %min3A_9, %add3A_123 : i32
    %mul3A_125 = arith.constant 128 : i32
    %mul3A_126 = arith.muli %add3A_124, %mul3A_125 : i32
    %dma_start3A_127 = arith.constant 1 : i32
    %dma_start3A_128 = arith.constant 7 : i32
    %dma_start3A_129 = arith.constant 0 : i32
    %dma_start3A_130 = tpu.memref_slice %arg6[%dma_start3A_128, %dma_start3A_129] : memref<40x128xi32, #tpu.memory_space<vmem>> -> memref<1x128xi32, #tpu.memory_space<vmem>>
    %dma_start3A_131 = tpu.memref_squeeze %dma_start3A_130 : memref<1x128xi32, #tpu.memory_space<vmem>> -> memref<128xi32, #tpu.memory_space<vmem>>
    %dma_start3A_132 = tpu.memref_slice %arg3[%dma_start3A_127, %mul3A_126] : memref<2x320000xi32, #tpu.memory_space<hbm>> -> memref<1x128xi32, #tpu.memory_space<hbm>>
    %dma_start3A_133 = tpu.memref_squeeze %dma_start3A_132 : memref<1x128xi32, #tpu.memory_space<hbm>> -> memref<128xi32, #tpu.memory_space<hbm>>
    %dma_start3A_134 = arith.constant 0 : i32
    %dma_start3A_135 = tpu.memref_slice %arg6[%dma_start3A_128, %dma_start3A_134] : memref<40x128xi32, #tpu.memory_space<vmem>> -> memref<1x128xi32, #tpu.memory_space<vmem>>
    %dma_start3A_136 = tpu.memref_squeeze %dma_start3A_135 : memref<1x128xi32, #tpu.memory_space<vmem>> -> memref<128xi32, #tpu.memory_space<vmem>>
    %dma_start3A_137 = tpu.memref_slice %arg3[%dma_start3A_127, %mul3A_126] : memref<2x320000xi32, #tpu.memory_space<hbm>> -> memref<1x128xi32, #tpu.memory_space<hbm>>
    %dma_start3A_138 = tpu.memref_squeeze %dma_start3A_137 : memref<1x128xi32, #tpu.memory_space<hbm>> -> memref<128xi32, #tpu.memory_space<hbm>>
    tpu.enqueue_dma source(%dma_start3A_138 : memref<128xi32, #tpu.memory_space<hbm>>) target(%dma_start3A_136 : memref<128xi32, #tpu.memory_space<vmem>>) target_semaphore(%arg13 : memref<!tpu.dma_semaphore, #tpu.memory_space<semaphore_mem>>)
    %add3A_139 = arith.constant 8 : i32
    %add3A_140 = arith.addi %min3A_9, %add3A_139 : i32
    %mul3A_141 = arith.constant 128 : i32
    %mul3A_142 = arith.muli %add3A_140, %mul3A_141 : i32
    %dma_start3A_143 = arith.constant 1 : i32
    %dma_start3A_144 = arith.constant 8 : i32
    %dma_start3A_145 = arith.constant 0 : i32
    %dma_start3A_146 = tpu.memref_slice %arg6[%dma_start3A_144, %dma_start3A_145] : memref<40x128xi32, #tpu.memory_space<vmem>> -> memref<1x128xi32, #tpu.memory_space<vmem>>
    %dma_start3A_147 = tpu.memref_squeeze %dma_start3A_146 : memref<1x128xi32, #tpu.memory_space<vmem>> -> memref<128xi32, #tpu.memory_space<vmem>>
    %dma_start3A_148 = tpu.memref_slice %arg3[%dma_start3A_143, %mul3A_142] : memref<2x320000xi32, #tpu.memory_space<hbm>> -> memref<1x128xi32, #tpu.memory_space<hbm>>
    %dma_start3A_149 = tpu.memref_squeeze %dma_start3A_148 : memref<1x128xi32, #tpu.memory_space<hbm>> -> memref<128xi32, #tpu.memory_space<hbm>>
    %dma_start3A_150 = arith.constant 0 : i32
    %dma_start3A_151 = tpu.memref_slice %arg6[%dma_start3A_144, %dma_start3A_150] : memref<40x128xi32, #tpu.memory_space<vmem>> -> memref<1x128xi32, #tpu.memory_space<vmem>>
    %dma_start3A_152 = tpu.memref_squeeze %dma_start3A_151 : memref<1x128xi32, #tpu.memory_space<vmem>> -> memref<128xi32, #tpu.memory_space<vmem>>
    %dma_start3A_153 = tpu.memref_slice %arg3[%dma_start3A_143, %mul3A_142] : memref<2x320000xi32, #tpu.memory_space<hbm>> -> memref<1x128xi32, #tpu.memory_space<hbm>>
    %dma_start3A_154 = tpu.memref_squeeze %dma_start3A_153 : memref<1x128xi32, #tpu.memory_space<hbm>> -> memref<128xi32, #tpu.memory_space<hbm>>
    tpu.enqueue_dma source(%dma_start3A_154 : memref<128xi32, #tpu.memory_space<hbm>>) target(%dma_start3A_152 : memref<128xi32, #tpu.memory_space<vmem>>) target_semaphore(%arg13 : memref<!tpu.dma_semaphore, #tpu.memory_space<semaphore_mem>>)
    %add3A_155 = arith.constant 9 : i32
    %add3A_156 = arith.addi %min3A_9, %add3A_155 : i32
    %mul3A_157 = arith.constant 128 : i32
    %mul3A_158 = arith.muli %add3A_156, %mul3A_157 : i32
    %dma_start3A_159 = arith.constant 1 : i32
    %dma_start3A_160 = arith.constant 9 : i32
    %dma_start3A_161 = arith.constant 0 : i32
    %dma_start3A_162 = tpu.memref_slice %arg6[%dma_start3A_160, %dma_start3A_161] : memref<40x128xi32, #tpu.memory_space<vmem>> -> memref<1x128xi32, #tpu.memory_space<vmem>>
    %dma_start3A_163 = tpu.memref_squeeze %dma_start3A_162 : memref<1x128xi32, #tpu.memory_space<vmem>> -> memref<128xi32, #tpu.memory_space<vmem>>
    %dma_start3A_164 = tpu.memref_slice %arg3[%dma_start3A_159, %mul3A_158] : memref<2x320000xi32, #tpu.memory_space<hbm>> -> memref<1x128xi32, #tpu.memory_space<hbm>>
    %dma_start3A_165 = tpu.memref_squeeze %dma_start3A_164 : memref<1x128xi32, #tpu.memory_space<hbm>> -> memref<128xi32, #tpu.memory_space<hbm>>
    %dma_start3A_166 = arith.constant 0 : i32
    %dma_start3A_167 = tpu.memref_slice %arg6[%dma_start3A_160, %dma_start3A_166] : memref<40x128xi32, #tpu.memory_space<vmem>> -> memref<1x128xi32, #tpu.memory_space<vmem>>
    %dma_start3A_168 = tpu.memref_squeeze %dma_start3A_167 : memref<1x128xi32, #tpu.memory_space<vmem>> -> memref<128xi32, #tpu.memory_space<vmem>>
    %dma_start3A_169 = tpu.memref_slice %arg3[%dma_start3A_159, %mul3A_158] : memref<2x320000xi32, #tpu.memory_space<hbm>> -> memref<1x128xi32, #tpu.memory_space<hbm>>
    %dma_start3A_170 = tpu.memref_squeeze %dma_start3A_169 : memref<1x128xi32, #tpu.memory_space<hbm>> -> memref<128xi32, #tpu.memory_space<hbm>>
    tpu.enqueue_dma source(%dma_start3A_170 : memref<128xi32, #tpu.memory_space<hbm>>) target(%dma_start3A_168 : memref<128xi32, #tpu.memory_space<vmem>>) target_semaphore(%arg13 : memref<!tpu.dma_semaphore, #tpu.memory_space<semaphore_mem>>)
    %add3A_171 = arith.constant 10 : i32
    %add3A_172 = arith.addi %min3A_9, %add3A_171 : i32
    %mul3A_173 = arith.constant 128 : i32
    %mul3A_174 = arith.muli %add3A_172, %mul3A_173 : i32
    %dma_start3A_175 = arith.constant 1 : i32
    %dma_start3A_176 = arith.constant 10 : i32
    %dma_start3A_177 = arith.constant 0 : i32
    %dma_start3A_178 = tpu.memref_slice %arg6[%dma_start3A_176, %dma_start3A_177] : memref<40x128xi32, #tpu.memory_space<vmem>> -> memref<1x128xi32, #tpu.memory_space<vmem>>
    %dma_start3A_179 = tpu.memref_squeeze %dma_start3A_178 : memref<1x128xi32, #tpu.memory_space<vmem>> -> memref<128xi32, #tpu.memory_space<vmem>>
    %dma_start3A_180 = tpu.memref_slice %arg3[%dma_start3A_175, %mul3A_174] : memref<2x320000xi32, #tpu.memory_space<hbm>> -> memref<1x128xi32, #tpu.memory_space<hbm>>
    %dma_start3A_181 = tpu.memref_squeeze %dma_start3A_180 : memref<1x128xi32, #tpu.memory_space<hbm>> -> memref<128xi32, #tpu.memory_space<hbm>>
    %dma_start3A_182 = arith.constant 0 : i32
    %dma_start3A_183 = tpu.memref_slice %arg6[%dma_start3A_176, %dma_start3A_182] : memref<40x128xi32, #tpu.memory_space<vmem>> -> memref<1x128xi32, #tpu.memory_space<vmem>>
    %dma_start3A_184 = tpu.memref_squeeze %dma_start3A_183 : memref<1x128xi32, #tpu.memory_space<vmem>> -> memref<128xi32, #tpu.memory_space<vmem>>
    %dma_start3A_185 = tpu.memref_slice %arg3[%dma_start3A_175, %mul3A_174] : memref<2x320000xi32, #tpu.memory_space<hbm>> -> memref<1x128xi32, #tpu.memory_space<hbm>>
    %dma_start3A_186 = tpu.memref_squeeze %dma_start3A_185 : memref<1x128xi32, #tpu.memory_space<hbm>> -> memref<128xi32, #tpu.memory_space<hbm>>
    tpu.enqueue_dma source(%dma_start3A_186 : memref<128xi32, #tpu.memory_space<hbm>>) target(%dma_start3A_184 : memref<128xi32, #tpu.memory_space<vmem>>) target_semaphore(%arg13 : memref<!tpu.dma_semaphore, #tpu.memory_space<semaphore_mem>>)
    %add3A_187 = arith.constant 11 : i32
    %add3A_188 = arith.addi %min3A_9, %add3A_187 : i32
    %mul3A_189 = arith.constant 128 : i32
    %mul3A_190 = arith.muli %add3A_188, %mul3A_189 : i32
    %dma_start3A_191 = arith.constant 1 : i32
    %dma_start3A_192 = arith.constant 11 : i32
    %dma_start3A_193 = arith.constant 0 : i32
    %dma_start3A_194 = tpu.memref_slice %arg6[%dma_start3A_192, %dma_start3A_193] : memref<40x128xi32, #tpu.memory_space<vmem>> -> memref<1x128xi32, #tpu.memory_space<vmem>>
    %dma_start3A_195 = tpu.memref_squeeze %dma_start3A_194 : memref<1x128xi32, #tpu.memory_space<vmem>> -> memref<128xi32, #tpu.memory_space<vmem>>
    %dma_start3A_196 = tpu.memref_slice %arg3[%dma_start3A_191, %mul3A_190] : memref<2x320000xi32, #tpu.memory_space<hbm>> -> memref<1x128xi32, #tpu.memory_space<hbm>>
    %dma_start3A_197 = tpu.memref_squeeze %dma_start3A_196 : memref<1x128xi32, #tpu.memory_space<hbm>> -> memref<128xi32, #tpu.memory_space<hbm>>
    %dma_start3A_198 = arith.constant 0 : i32
    %dma_start3A_199 = tpu.memref_slice %arg6[%dma_start3A_192, %dma_start3A_198] : memref<40x128xi32, #tpu.memory_space<vmem>> -> memref<1x128xi32, #tpu.memory_space<vmem>>
    %dma_start3A_200 = tpu.memref_squeeze %dma_start3A_199 : memref<1x128xi32, #tpu.memory_space<vmem>> -> memref<128xi32, #tpu.memory_space<vmem>>
    %dma_start3A_201 = tpu.memref_slice %arg3[%dma_start3A_191, %mul3A_190] : memref<2x320000xi32, #tpu.memory_space<hbm>> -> memref<1x128xi32, #tpu.memory_space<hbm>>
    %dma_start3A_202 = tpu.memref_squeeze %dma_start3A_201 : memref<1x128xi32, #tpu.memory_space<hbm>> -> memref<128xi32, #tpu.memory_space<hbm>>
    tpu.enqueue_dma source(%dma_start3A_202 : memref<128xi32, #tpu.memory_space<hbm>>) target(%dma_start3A_200 : memref<128xi32, #tpu.memory_space<vmem>>) target_semaphore(%arg13 : memref<!tpu.dma_semaphore, #tpu.memory_space<semaphore_mem>>)
    %add3A_203 = arith.constant 12 : i32
    %add3A_204 = arith.addi %min3A_9, %add3A_203 : i32
    %mul3A_205 = arith.constant 128 : i32
    %mul3A_206 = arith.muli %add3A_204, %mul3A_205 : i32
    %dma_start3A_207 = arith.constant 1 : i32
    %dma_start3A_208 = arith.constant 12 : i32
    %dma_start3A_209 = arith.constant 0 : i32
    %dma_start3A_210 = tpu.memref_slice %arg6[%dma_start3A_208, %dma_start3A_209] : memref<40x128xi32, #tpu.memory_space<vmem>> -> memref<1x128xi32, #tpu.memory_space<vmem>>
    %dma_start3A_211 = tpu.memref_squeeze %dma_start3A_210 : memref<1x128xi32, #tpu.memory_space<vmem>> -> memref<128xi32, #tpu.memory_space<vmem>>
    %dma_start3A_212 = tpu.memref_slice %arg3[%dma_start3A_207, %mul3A_206] : memref<2x320000xi32, #tpu.memory_space<hbm>> -> memref<1x128xi32, #tpu.memory_space<hbm>>
    %dma_start3A_213 = tpu.memref_squeeze %dma_start3A_212 : memref<1x128xi32, #tpu.memory_space<hbm>> -> memref<128xi32, #tpu.memory_space<hbm>>
    %dma_start3A_214 = arith.constant 0 : i32
    %dma_start3A_215 = tpu.memref_slice %arg6[%dma_start3A_208, %dma_start3A_214] : memref<40x128xi32, #tpu.memory_space<vmem>> -> memref<1x128xi32, #tpu.memory_space<vmem>>
    %dma_start3A_216 = tpu.memref_squeeze %dma_start3A_215 : memref<1x128xi32, #tpu.memory_space<vmem>> -> memref<128xi32, #tpu.memory_space<vmem>>
    %dma_start3A_217 = tpu.memref_slice %arg3[%dma_start3A_207, %mul3A_206] : memref<2x320000xi32, #tpu.memory_space<hbm>> -> memref<1x128xi32, #tpu.memory_space<hbm>>
    %dma_start3A_218 = tpu.memref_squeeze %dma_start3A_217 : memref<1x128xi32, #tpu.memory_space<hbm>> -> memref<128xi32, #tpu.memory_space<hbm>>
    tpu.enqueue_dma source(%dma_start3A_218 : memref<128xi32, #tpu.memory_space<hbm>>) target(%dma_start3A_216 : memref<128xi32, #tpu.memory_space<vmem>>) target_semaphore(%arg13 : memref<!tpu.dma_semaphore, #tpu.memory_space<semaphore_mem>>)
    %add3A_219 = arith.constant 13 : i32
    %add3A_220 = arith.addi %min3A_9, %add3A_219 : i32
    %mul3A_221 = arith.constant 128 : i32
    %mul3A_222 = arith.muli %add3A_220, %mul3A_221 : i32
    %dma_start3A_223 = arith.constant 1 : i32
    %dma_start3A_224 = arith.constant 13 : i32
    %dma_start3A_225 = arith.constant 0 : i32
    %dma_start3A_226 = tpu.memref_slice %arg6[%dma_start3A_224, %dma_start3A_225] : memref<40x128xi32, #tpu.memory_space<vmem>> -> memref<1x128xi32, #tpu.memory_space<vmem>>
    %dma_start3A_227 = tpu.memref_squeeze %dma_start3A_226 : memref<1x128xi32, #tpu.memory_space<vmem>> -> memref<128xi32, #tpu.memory_space<vmem>>
    %dma_start3A_228 = tpu.memref_slice %arg3[%dma_start3A_223, %mul3A_222] : memref<2x320000xi32, #tpu.memory_space<hbm>> -> memref<1x128xi32, #tpu.memory_space<hbm>>
    %dma_start3A_229 = tpu.memref_squeeze %dma_start3A_228 : memref<1x128xi32, #tpu.memory_space<hbm>> -> memref<128xi32, #tpu.memory_space<hbm>>
    %dma_start3A_230 = arith.constant 0 : i32
    %dma_start3A_231 = tpu.memref_slice %arg6[%dma_start3A_224, %dma_start3A_230] : memref<40x128xi32, #tpu.memory_space<vmem>> -> memref<1x128xi32, #tpu.memory_space<vmem>>
    %dma_start3A_232 = tpu.memref_squeeze %dma_start3A_231 : memref<1x128xi32, #tpu.memory_space<vmem>> -> memref<128xi32, #tpu.memory_space<vmem>>
    %dma_start3A_233 = tpu.memref_slice %arg3[%dma_start3A_223, %mul3A_222] : memref<2x320000xi32, #tpu.memory_space<hbm>> -> memref<1x128xi32, #tpu.memory_space<hbm>>
    %dma_start3A_234 = tpu.memref_squeeze %dma_start3A_233 : memref<1x128xi32, #tpu.memory_space<hbm>> -> memref<128xi32, #tpu.memory_space<hbm>>
    tpu.enqueue_dma source(%dma_start3A_234 : memref<128xi32, #tpu.memory_space<hbm>>) target(%dma_start3A_232 : memref<128xi32, #tpu.memory_space<vmem>>) target_semaphore(%arg13 : memref<!tpu.dma_semaphore, #tpu.memory_space<semaphore_mem>>)
    %add3A_235 = arith.constant 14 : i32
    %add3A_236 = arith.addi %min3A_9, %add3A_235 : i32
    %mul3A_237 = arith.constant 128 : i32
    %mul3A_238 = arith.muli %add3A_236, %mul3A_237 : i32
    %dma_start3A_239 = arith.constant 1 : i32
    %dma_start3A_240 = arith.constant 14 : i32
    %dma_start3A_241 = arith.constant 0 : i32
    %dma_start3A_242 = tpu.memref_slice %arg6[%dma_start3A_240, %dma_start3A_241] : memref<40x128xi32, #tpu.memory_space<vmem>> -> memref<1x128xi32, #tpu.memory_space<vmem>>
    %dma_start3A_243 = tpu.memref_squeeze %dma_start3A_242 : memref<1x128xi32, #tpu.memory_space<vmem>> -> memref<128xi32, #tpu.memory_space<vmem>>
    %dma_start3A_244 = tpu.memref_slice %arg3[%dma_start3A_239, %mul3A_238] : memref<2x320000xi32, #tpu.memory_space<hbm>> -> memref<1x128xi32, #tpu.memory_space<hbm>>
    %dma_start3A_245 = tpu.memref_squeeze %dma_start3A_244 : memref<1x128xi32, #tpu.memory_space<hbm>> -> memref<128xi32, #tpu.memory_space<hbm>>
    %dma_start3A_246 = arith.constant 0 : i32
    %dma_start3A_247 = tpu.memref_slice %arg6[%dma_start3A_240, %dma_start3A_246] : memref<40x128xi32, #tpu.memory_space<vmem>> -> memref<1x128xi32, #tpu.memory_space<vmem>>
    %dma_start3A_248 = tpu.memref_squeeze %dma_start3A_247 : memref<1x128xi32, #tpu.memory_space<vmem>> -> memref<128xi32, #tpu.memory_space<vmem>>
    %dma_start3A_249 = tpu.memref_slice %arg3[%dma_start3A_239, %mul3A_238] : memref<2x320000xi32, #tpu.memory_space<hbm>> -> memref<1x128xi32, #tpu.memory_space<hbm>>
    %dma_start3A_250 = tpu.memref_squeeze %dma_start3A_249 : memref<1x128xi32, #tpu.memory_space<hbm>> -> memref<128xi32, #tpu.memory_space<hbm>>
    tpu.enqueue_dma source(%dma_start3A_250 : memref<128xi32, #tpu.memory_space<hbm>>) target(%dma_start3A_248 : memref<128xi32, #tpu.memory_space<vmem>>) target_semaphore(%arg13 : memref<!tpu.dma_semaphore, #tpu.memory_space<semaphore_mem>>)
    %add3A_251 = arith.constant 15 : i32
    %add3A_252 = arith.addi %min3A_9, %add3A_251 : i32
    %mul3A_253 = arith.constant 128 : i32
    %mul3A_254 = arith.muli %add3A_252, %mul3A_253 : i32
    %dma_start3A_255 = arith.constant 1 : i32
    %dma_start3A_256 = arith.constant 15 : i32
    %dma_start3A_257 = arith.constant 0 : i32
    %dma_start3A_258 = tpu.memref_slice %arg6[%dma_start3A_256, %dma_start3A_257] : memref<40x128xi32, #tpu.memory_space<vmem>> -> memref<1x128xi32, #tpu.memory_space<vmem>>
    %dma_start3A_259 = tpu.memref_squeeze %dma_start3A_258 : memref<1x128xi32, #tpu.memory_space<vmem>> -> memref<128xi32, #tpu.memory_space<vmem>>
    %dma_start3A_260 = tpu.memref_slice %arg3[%dma_start3A_255, %mul3A_254] : memref<2x320000xi32, #tpu.memory_space<hbm>> -> memref<1x128xi32, #tpu.memory_space<hbm>>
    %dma_start3A_261 = tpu.memref_squeeze %dma_start3A_260 : memref<1x128xi32, #tpu.memory_space<hbm>> -> memref<128xi32, #tpu.memory_space<hbm>>
    %dma_start3A_262 = arith.constant 0 : i32
    %dma_start3A_263 = tpu.memref_slice %arg6[%dma_start3A_256, %dma_start3A_262] : memref<40x128xi32, #tpu.memory_space<vmem>> -> memref<1x128xi32, #tpu.memory_space<vmem>>
    %dma_start3A_264 = tpu.memref_squeeze %dma_start3A_263 : memref<1x128xi32, #tpu.memory_space<vmem>> -> memref<128xi32, #tpu.memory_space<vmem>>
    %dma_start3A_265 = tpu.memref_slice %arg3[%dma_start3A_255, %mul3A_254] : memref<2x320000xi32, #tpu.memory_space<hbm>> -> memref<1x128xi32, #tpu.memory_space<hbm>>
    %dma_start3A_266 = tpu.memref_squeeze %dma_start3A_265 : memref<1x128xi32, #tpu.memory_space<hbm>> -> memref<128xi32, #tpu.memory_space<hbm>>
    tpu.enqueue_dma source(%dma_start3A_266 : memref<128xi32, #tpu.memory_space<hbm>>) target(%dma_start3A_264 : memref<128xi32, #tpu.memory_space<vmem>>) target_semaphore(%arg13 : memref<!tpu.dma_semaphore, #tpu.memory_space<semaphore_mem>>)
    %add3A_267 = arith.constant 16 : i32
    %add3A_268 = arith.addi %min3A_9, %add3A_267 : i32
    %mul3A_269 = arith.constant 128 : i32
    %mul3A_270 = arith.muli %add3A_268, %mul3A_269 : i32
    %dma_start3A_271 = arith.constant 1 : i32
    %dma_start3A_272 = arith.constant 16 : i32
    %dma_start3A_273 = arith.constant 0 : i32
    %dma_start3A_274 = tpu.memref_slice %arg6[%dma_start3A_272, %dma_start3A_273] : memref<40x128xi32, #tpu.memory_space<vmem>> -> memref<1x128xi32, #tpu.memory_space<vmem>>
    %dma_start3A_275 = tpu.memref_squeeze %dma_start3A_274 : memref<1x128xi32, #tpu.memory_space<vmem>> -> memref<128xi32, #tpu.memory_space<vmem>>
    %dma_start3A_276 = tpu.memref_slice %arg3[%dma_start3A_271, %mul3A_270] : memref<2x320000xi32, #tpu.memory_space<hbm>> -> memref<1x128xi32, #tpu.memory_space<hbm>>
    %dma_start3A_277 = tpu.memref_squeeze %dma_start3A_276 : memref<1x128xi32, #tpu.memory_space<hbm>> -> memref<128xi32, #tpu.memory_space<hbm>>
    %dma_start3A_278 = arith.constant 0 : i32
    %dma_start3A_279 = tpu.memref_slice %arg6[%dma_start3A_272, %dma_start3A_278] : memref<40x128xi32, #tpu.memory_space<vmem>> -> memref<1x128xi32, #tpu.memory_space<vmem>>
    %dma_start3A_280 = tpu.memref_squeeze %dma_start3A_279 : memref<1x128xi32, #tpu.memory_space<vmem>> -> memref<128xi32, #tpu.memory_space<vmem>>
    %dma_start3A_281 = tpu.memref_slice %arg3[%dma_start3A_271, %mul3A_270] : memref<2x320000xi32, #tpu.memory_space<hbm>> -> memref<1x128xi32, #tpu.memory_space<hbm>>
    %dma_start3A_282 = tpu.memref_squeeze %dma_start3A_281 : memref<1x128xi32, #tpu.memory_space<hbm>> -> memref<128xi32, #tpu.memory_space<hbm>>
    tpu.enqueue_dma source(%dma_start3A_282 : memref<128xi32, #tpu.memory_space<hbm>>) target(%dma_start3A_280 : memref<128xi32, #tpu.memory_space<vmem>>) target_semaphore(%arg13 : memref<!tpu.dma_semaphore, #tpu.memory_space<semaphore_mem>>)
    %add3A_283 = arith.constant 17 : i32
    %add3A_284 = arith.addi %min3A_9, %add3A_283 : i32
    %mul3A_285 = arith.constant 128 : i32
    %mul3A_286 = arith.muli %add3A_284, %mul3A_285 : i32
    %dma_start3A_287 = arith.constant 1 : i32
    %dma_start3A_288 = arith.constant 17 : i32
    %dma_start3A_289 = arith.constant 0 : i32
    %dma_start3A_290 = tpu.memref_slice %arg6[%dma_start3A_288, %dma_start3A_289] : memref<40x128xi32, #tpu.memory_space<vmem>> -> memref<1x128xi32, #tpu.memory_space<vmem>>
    %dma_start3A_291 = tpu.memref_squeeze %dma_start3A_290 : memref<1x128xi32, #tpu.memory_space<vmem>> -> memref<128xi32, #tpu.memory_space<vmem>>
    %dma_start3A_292 = tpu.memref_slice %arg3[%dma_start3A_287, %mul3A_286] : memref<2x320000xi32, #tpu.memory_space<hbm>> -> memref<1x128xi32, #tpu.memory_space<hbm>>
    %dma_start3A_293 = tpu.memref_squeeze %dma_start3A_292 : memref<1x128xi32, #tpu.memory_space<hbm>> -> memref<128xi32, #tpu.memory_space<hbm>>
    %dma_start3A_294 = arith.constant 0 : i32
    %dma_start3A_295 = tpu.memref_slice %arg6[%dma_start3A_288, %dma_start3A_294] : memref<40x128xi32, #tpu.memory_space<vmem>> -> memref<1x128xi32, #tpu.memory_space<vmem>>
    %dma_start3A_296 = tpu.memref_squeeze %dma_start3A_295 : memref<1x128xi32, #tpu.memory_space<vmem>> -> memref<128xi32, #tpu.memory_space<vmem>>
    %dma_start3A_297 = tpu.memref_slice %arg3[%dma_start3A_287, %mul3A_286] : memref<2x320000xi32, #tpu.memory_space<hbm>> -> memref<1x128xi32, #tpu.memory_space<hbm>>
    %dma_start3A_298 = tpu.memref_squeeze %dma_start3A_297 : memref<1x128xi32, #tpu.memory_space<hbm>> -> memref<128xi32, #tpu.memory_space<hbm>>
    tpu.enqueue_dma source(%dma_start3A_298 : memref<128xi32, #tpu.memory_space<hbm>>) target(%dma_start3A_296 : memref<128xi32, #tpu.memory_space<vmem>>) target_semaphore(%arg13 : memref<!tpu.dma_semaphore, #tpu.memory_space<semaphore_mem>>)
    %add3A_299 = arith.constant 18 : i32
    %add3A_300 = arith.addi %min3A_9, %add3A_299 : i32
    %mul3A_301 = arith.constant 128 : i32
    %mul3A_302 = arith.muli %add3A_300, %mul3A_301 : i32
    %dma_start3A_303 = arith.constant 1 : i32
    %dma_start3A_304 = arith.constant 18 : i32
    %dma_start3A_305 = arith.constant 0 : i32
    %dma_start3A_306 = tpu.memref_slice %arg6[%dma_start3A_304, %dma_start3A_305] : memref<40x128xi32, #tpu.memory_space<vmem>> -> memref<1x128xi32, #tpu.memory_space<vmem>>
    %dma_start3A_307 = tpu.memref_squeeze %dma_start3A_306 : memref<1x128xi32, #tpu.memory_space<vmem>> -> memref<128xi32, #tpu.memory_space<vmem>>
    %dma_start3A_308 = tpu.memref_slice %arg3[%dma_start3A_303, %mul3A_302] : memref<2x320000xi32, #tpu.memory_space<hbm>> -> memref<1x128xi32, #tpu.memory_space<hbm>>
    %dma_start3A_309 = tpu.memref_squeeze %dma_start3A_308 : memref<1x128xi32, #tpu.memory_space<hbm>> -> memref<128xi32, #tpu.memory_space<hbm>>
    %dma_start3A_310 = arith.constant 0 : i32
    %dma_start3A_311 = tpu.memref_slice %arg6[%dma_start3A_304, %dma_start3A_310] : memref<40x128xi32, #tpu.memory_space<vmem>> -> memref<1x128xi32, #tpu.memory_space<vmem>>
    %dma_start3A_312 = tpu.memref_squeeze %dma_start3A_311 : memref<1x128xi32, #tpu.memory_space<vmem>> -> memref<128xi32, #tpu.memory_space<vmem>>
    %dma_start3A_313 = tpu.memref_slice %arg3[%dma_start3A_303, %mul3A_302] : memref<2x320000xi32, #tpu.memory_space<hbm>> -> memref<1x128xi32, #tpu.memory_space<hbm>>
    %dma_start3A_314 = tpu.memref_squeeze %dma_start3A_313 : memref<1x128xi32, #tpu.memory_space<hbm>> -> memref<128xi32, #tpu.memory_space<hbm>>
    tpu.enqueue_dma source(%dma_start3A_314 : memref<128xi32, #tpu.memory_space<hbm>>) target(%dma_start3A_312 : memref<128xi32, #tpu.memory_space<vmem>>) target_semaphore(%arg13 : memref<!tpu.dma_semaphore, #tpu.memory_space<semaphore_mem>>)
    %add3A_315 = arith.constant 19 : i32
    %add3A_316 = arith.addi %min3A_9, %add3A_315 : i32
    %mul3A_317 = arith.constant 128 : i32
    %mul3A_318 = arith.muli %add3A_316, %mul3A_317 : i32
    %dma_start3A_319 = arith.constant 1 : i32
    %dma_start3A_320 = arith.constant 19 : i32
    %dma_start3A_321 = arith.constant 0 : i32
    %dma_start3A_322 = tpu.memref_slice %arg6[%dma_start3A_320, %dma_start3A_321] : memref<40x128xi32, #tpu.memory_space<vmem>> -> memref<1x128xi32, #tpu.memory_space<vmem>>
    %dma_start3A_323 = tpu.memref_squeeze %dma_start3A_322 : memref<1x128xi32, #tpu.memory_space<vmem>> -> memref<128xi32, #tpu.memory_space<vmem>>
    %dma_start3A_324 = tpu.memref_slice %arg3[%dma_start3A_319, %mul3A_318] : memref<2x320000xi32, #tpu.memory_space<hbm>> -> memref<1x128xi32, #tpu.memory_space<hbm>>
    %dma_start3A_325 = tpu.memref_squeeze %dma_start3A_324 : memref<1x128xi32, #tpu.memory_space<hbm>> -> memref<128xi32, #tpu.memory_space<hbm>>
    %dma_start3A_326 = arith.constant 0 : i32
    %dma_start3A_327 = tpu.memref_slice %arg6[%dma_start3A_320, %dma_start3A_326] : memref<40x128xi32, #tpu.memory_space<vmem>> -> memref<1x128xi32, #tpu.memory_space<vmem>>
    %dma_start3A_328 = tpu.memref_squeeze %dma_start3A_327 : memref<1x128xi32, #tpu.memory_space<vmem>> -> memref<128xi32, #tpu.memory_space<vmem>>
    %dma_start3A_329 = tpu.memref_slice %arg3[%dma_start3A_319, %mul3A_318] : memref<2x320000xi32, #tpu.memory_space<hbm>> -> memref<1x128xi32, #tpu.memory_space<hbm>>
    %dma_start3A_330 = tpu.memref_squeeze %dma_start3A_329 : memref<1x128xi32, #tpu.memory_space<hbm>> -> memref<128xi32, #tpu.memory_space<hbm>>
    tpu.enqueue_dma source(%dma_start3A_330 : memref<128xi32, #tpu.memory_space<hbm>>) target(%dma_start3A_328 : memref<128xi32, #tpu.memory_space<vmem>>) target_semaphore(%arg13 : memref<!tpu.dma_semaphore, #tpu.memory_space<semaphore_mem>>)
    %add3A_331 = arith.constant 20 : i32
    %add3A_332 = arith.addi %min3A_9, %add3A_331 : i32
    %mul3A_333 = arith.constant 128 : i32
    %mul3A_334 = arith.muli %add3A_332, %mul3A_333 : i32
    %dma_start3A_335 = arith.constant 1 : i32
    %dma_start3A_336 = arith.constant 20 : i32
    %dma_start3A_337 = arith.constant 0 : i32
    %dma_start3A_338 = tpu.memref_slice %arg6[%dma_start3A_336, %dma_start3A_337] : memref<40x128xi32, #tpu.memory_space<vmem>> -> memref<1x128xi32, #tpu.memory_space<vmem>>
    %dma_start3A_339 = tpu.memref_squeeze %dma_start3A_338 : memref<1x128xi32, #tpu.memory_space<vmem>> -> memref<128xi32, #tpu.memory_space<vmem>>
    %dma_start3A_340 = tpu.memref_slice %arg3[%dma_start3A_335, %mul3A_334] : memref<2x320000xi32, #tpu.memory_space<hbm>> -> memref<1x128xi32, #tpu.memory_space<hbm>>
    %dma_start3A_341 = tpu.memref_squeeze %dma_start3A_340 : memref<1x128xi32, #tpu.memory_space<hbm>> -> memref<128xi32, #tpu.memory_space<hbm>>
    %dma_start3A_342 = arith.constant 0 : i32
    %dma_start3A_343 = tpu.memref_slice %arg6[%dma_start3A_336, %dma_start3A_342] : memref<40x128xi32, #tpu.memory_space<vmem>> -> memref<1x128xi32, #tpu.memory_space<vmem>>
    %dma_start3A_344 = tpu.memref_squeeze %dma_start3A_343 : memref<1x128xi32, #tpu.memory_space<vmem>> -> memref<128xi32, #tpu.memory_space<vmem>>
    %dma_start3A_345 = tpu.memref_slice %arg3[%dma_start3A_335, %mul3A_334] : memref<2x320000xi32, #tpu.memory_space<hbm>> -> memref<1x128xi32, #tpu.memory_space<hbm>>
    %dma_start3A_346 = tpu.memref_squeeze %dma_start3A_345 : memref<1x128xi32, #tpu.memory_space<hbm>> -> memref<128xi32, #tpu.memory_space<hbm>>
    tpu.enqueue_dma source(%dma_start3A_346 : memref<128xi32, #tpu.memory_space<hbm>>) target(%dma_start3A_344 : memref<128xi32, #tpu.memory_space<vmem>>) target_semaphore(%arg13 : memref<!tpu.dma_semaphore, #tpu.memory_space<semaphore_mem>>)
    %add3A_347 = arith.constant 21 : i32
    %add3A_348 = arith.addi %min3A_9, %add3A_347 : i32
    %mul3A_349 = arith.constant 128 : i32
    %mul3A_350 = arith.muli %add3A_348, %mul3A_349 : i32
    %dma_start3A_351 = arith.constant 1 : i32
    %dma_start3A_352 = arith.constant 21 : i32
    %dma_start3A_353 = arith.constant 0 : i32
    %dma_start3A_354 = tpu.memref_slice %arg6[%dma_start3A_352, %dma_start3A_353] : memref<40x128xi32, #tpu.memory_space<vmem>> -> memref<1x128xi32, #tpu.memory_space<vmem>>
    %dma_start3A_355 = tpu.memref_squeeze %dma_start3A_354 : memref<1x128xi32, #tpu.memory_space<vmem>> -> memref<128xi32, #tpu.memory_space<vmem>>
    %dma_start3A_356 = tpu.memref_slice %arg3[%dma_start3A_351, %mul3A_350] : memref<2x320000xi32, #tpu.memory_space<hbm>> -> memref<1x128xi32, #tpu.memory_space<hbm>>
    %dma_start3A_357 = tpu.memref_squeeze %dma_start3A_356 : memref<1x128xi32, #tpu.memory_space<hbm>> -> memref<128xi32, #tpu.memory_space<hbm>>
    %dma_start3A_358 = arith.constant 0 : i32
    %dma_start3A_359 = tpu.memref_slice %arg6[%dma_start3A_352, %dma_start3A_358] : memref<40x128xi32, #tpu.memory_space<vmem>> -> memref<1x128xi32, #tpu.memory_space<vmem>>
    %dma_start3A_360 = tpu.memref_squeeze %dma_start3A_359 : memref<1x128xi32, #tpu.memory_space<vmem>> -> memref<128xi32, #tpu.memory_space<vmem>>
    %dma_start3A_361 = tpu.memref_slice %arg3[%dma_start3A_351, %mul3A_350] : memref<2x320000xi32, #tpu.memory_space<hbm>> -> memref<1x128xi32, #tpu.memory_space<hbm>>
    %dma_start3A_362 = tpu.memref_squeeze %dma_start3A_361 : memref<1x128xi32, #tpu.memory_space<hbm>> -> memref<128xi32, #tpu.memory_space<hbm>>
    tpu.enqueue_dma source(%dma_start3A_362 : memref<128xi32, #tpu.memory_space<hbm>>) target(%dma_start3A_360 : memref<128xi32, #tpu.memory_space<vmem>>) target_semaphore(%arg13 : memref<!tpu.dma_semaphore, #tpu.memory_space<semaphore_mem>>)
    %add3A_363 = arith.constant 22 : i32
    %add3A_364 = arith.addi %min3A_9, %add3A_363 : i32
    %mul3A_365 = arith.constant 128 : i32
    %mul3A_366 = arith.muli %add3A_364, %mul3A_365 : i32
    %dma_start3A_367 = arith.constant 1 : i32
    %dma_start3A_368 = arith.constant 22 : i32
    %dma_start3A_369 = arith.constant 0 : i32
    %dma_start3A_370 = tpu.memref_slice %arg6[%dma_start3A_368, %dma_start3A_369] : memref<40x128xi32, #tpu.memory_space<vmem>> -> memref<1x128xi32, #tpu.memory_space<vmem>>
    %dma_start3A_371 = tpu.memref_squeeze %dma_start3A_370 : memref<1x128xi32, #tpu.memory_space<vmem>> -> memref<128xi32, #tpu.memory_space<vmem>>
    %dma_start3A_372 = tpu.memref_slice %arg3[%dma_start3A_367, %mul3A_366] : memref<2x320000xi32, #tpu.memory_space<hbm>> -> memref<1x128xi32, #tpu.memory_space<hbm>>
    %dma_start3A_373 = tpu.memref_squeeze %dma_start3A_372 : memref<1x128xi32, #tpu.memory_space<hbm>> -> memref<128xi32, #tpu.memory_space<hbm>>
    %dma_start3A_374 = arith.constant 0 : i32
    %dma_start3A_375 = tpu.memref_slice %arg6[%dma_start3A_368, %dma_start3A_374] : memref<40x128xi32, #tpu.memory_space<vmem>> -> memref<1x128xi32, #tpu.memory_space<vmem>>
    %dma_start3A_376 = tpu.memref_squeeze %dma_start3A_375 : memref<1x128xi32, #tpu.memory_space<vmem>> -> memref<128xi32, #tpu.memory_space<vmem>>
    %dma_start3A_377 = tpu.memref_slice %arg3[%dma_start3A_367, %mul3A_366] : memref<2x320000xi32, #tpu.memory_space<hbm>> -> memref<1x128xi32, #tpu.memory_space<hbm>>
    %dma_start3A_378 = tpu.memref_squeeze %dma_start3A_377 : memref<1x128xi32, #tpu.memory_space<hbm>> -> memref<128xi32, #tpu.memory_space<hbm>>
    tpu.enqueue_dma source(%dma_start3A_378 : memref<128xi32, #tpu.memory_space<hbm>>) target(%dma_start3A_376 : memref<128xi32, #tpu.memory_space<vmem>>) target_semaphore(%arg13 : memref<!tpu.dma_semaphore, #tpu.memory_space<semaphore_mem>>)
    %add3A_379 = arith.constant 23 : i32
    %add3A_380 = arith.addi %min3A_9, %add3A_379 : i32
    %mul3A_381 = arith.constant 128 : i32
    %mul3A_382 = arith.muli %add3A_380, %mul3A_381 : i32
    %dma_start3A_383 = arith.constant 1 : i32
    %dma_start3A_384 = arith.constant 23 : i32
    %dma_start3A_385 = arith.constant 0 : i32
    %dma_start3A_386 = tpu.memref_slice %arg6[%dma_start3A_384, %dma_start3A_385] : memref<40x128xi32, #tpu.memory_space<vmem>> -> memref<1x128xi32, #tpu.memory_space<vmem>>
    %dma_start3A_387 = tpu.memref_squeeze %dma_start3A_386 : memref<1x128xi32, #tpu.memory_space<vmem>> -> memref<128xi32, #tpu.memory_space<vmem>>
    %dma_start3A_388 = tpu.memref_slice %arg3[%dma_start3A_383, %mul3A_382] : memref<2x320000xi32, #tpu.memory_space<hbm>> -> memref<1x128xi32, #tpu.memory_space<hbm>>
    %dma_start3A_389 = tpu.memref_squeeze %dma_start3A_388 : memref<1x128xi32, #tpu.memory_space<hbm>> -> memref<128xi32, #tpu.memory_space<hbm>>
    %dma_start3A_390 = arith.constant 0 : i32
    %dma_start3A_391 = tpu.memref_slice %arg6[%dma_start3A_384, %dma_start3A_390] : memref<40x128xi32, #tpu.memory_space<vmem>> -> memref<1x128xi32, #tpu.memory_space<vmem>>
    %dma_start3A_392 = tpu.memref_squeeze %dma_start3A_391 : memref<1x128xi32, #tpu.memory_space<vmem>> -> memref<128xi32, #tpu.memory_space<vmem>>
    %dma_start3A_393 = tpu.memref_slice %arg3[%dma_start3A_383, %mul3A_382] : memref<2x320000xi32, #tpu.memory_space<hbm>> -> memref<1x128xi32, #tpu.memory_space<hbm>>
    %dma_start3A_394 = tpu.memref_squeeze %dma_start3A_393 : memref<1x128xi32, #tpu.memory_space<hbm>> -> memref<128xi32, #tpu.memory_space<hbm>>
    tpu.enqueue_dma source(%dma_start3A_394 : memref<128xi32, #tpu.memory_space<hbm>>) target(%dma_start3A_392 : memref<128xi32, #tpu.memory_space<vmem>>) target_semaphore(%arg13 : memref<!tpu.dma_semaphore, #tpu.memory_space<semaphore_mem>>)
    %add3A_395 = arith.constant 24 : i32
    %add3A_396 = arith.addi %min3A_9, %add3A_395 : i32
    %mul3A_397 = arith.constant 128 : i32
    %mul3A_398 = arith.muli %add3A_396, %mul3A_397 : i32
    %dma_start3A_399 = arith.constant 1 : i32
    %dma_start3A_400 = arith.constant 24 : i32
    %dma_start3A_401 = arith.constant 0 : i32
    %dma_start3A_402 = tpu.memref_slice %arg6[%dma_start3A_400, %dma_start3A_401] : memref<40x128xi32, #tpu.memory_space<vmem>> -> memref<1x128xi32, #tpu.memory_space<vmem>>
    %dma_start3A_403 = tpu.memref_squeeze %dma_start3A_402 : memref<1x128xi32, #tpu.memory_space<vmem>> -> memref<128xi32, #tpu.memory_space<vmem>>
    %dma_start3A_404 = tpu.memref_slice %arg3[%dma_start3A_399, %mul3A_398] : memref<2x320000xi32, #tpu.memory_space<hbm>> -> memref<1x128xi32, #tpu.memory_space<hbm>>
    %dma_start3A_405 = tpu.memref_squeeze %dma_start3A_404 : memref<1x128xi32, #tpu.memory_space<hbm>> -> memref<128xi32, #tpu.memory_space<hbm>>
    %dma_start3A_406 = arith.constant 0 : i32
    %dma_start3A_407 = tpu.memref_slice %arg6[%dma_start3A_400, %dma_start3A_406] : memref<40x128xi32, #tpu.memory_space<vmem>> -> memref<1x128xi32, #tpu.memory_space<vmem>>
    %dma_start3A_408 = tpu.memref_squeeze %dma_start3A_407 : memref<1x128xi32, #tpu.memory_space<vmem>> -> memref<128xi32, #tpu.memory_space<vmem>>
    %dma_start3A_409 = tpu.memref_slice %arg3[%dma_start3A_399, %mul3A_398] : memref<2x320000xi32, #tpu.memory_space<hbm>> -> memref<1x128xi32, #tpu.memory_space<hbm>>
    %dma_start3A_410 = tpu.memref_squeeze %dma_start3A_409 : memref<1x128xi32, #tpu.memory_space<hbm>> -> memref<128xi32, #tpu.memory_space<hbm>>
    tpu.enqueue_dma source(%dma_start3A_410 : memref<128xi32, #tpu.memory_space<hbm>>) target(%dma_start3A_408 : memref<128xi32, #tpu.memory_space<vmem>>) target_semaphore(%arg13 : memref<!tpu.dma_semaphore, #tpu.memory_space<semaphore_mem>>)
    %add3A_411 = arith.constant 25 : i32
    %add3A_412 = arith.addi %min3A_9, %add3A_411 : i32
    %mul3A_413 = arith.constant 128 : i32
    %mul3A_414 = arith.muli %add3A_412, %mul3A_413 : i32
    %dma_start3A_415 = arith.constant 1 : i32
    %dma_start3A_416 = arith.constant 25 : i32
    %dma_start3A_417 = arith.constant 0 : i32
    %dma_start3A_418 = tpu.memref_slice %arg6[%dma_start3A_416, %dma_start3A_417] : memref<40x128xi32, #tpu.memory_space<vmem>> -> memref<1x128xi32, #tpu.memory_space<vmem>>
    %dma_start3A_419 = tpu.memref_squeeze %dma_start3A_418 : memref<1x128xi32, #tpu.memory_space<vmem>> -> memref<128xi32, #tpu.memory_space<vmem>>
    %dma_start3A_420 = tpu.memref_slice %arg3[%dma_start3A_415, %mul3A_414] : memref<2x320000xi32, #tpu.memory_space<hbm>> -> memref<1x128xi32, #tpu.memory_space<hbm>>
    %dma_start3A_421 = tpu.memref_squeeze %dma_start3A_420 : memref<1x128xi32, #tpu.memory_space<hbm>> -> memref<128xi32, #tpu.memory_space<hbm>>
    %dma_start3A_422 = arith.constant 0 : i32
    %dma_start3A_423 = tpu.memref_slice %arg6[%dma_start3A_416, %dma_start3A_422] : memref<40x128xi32, #tpu.memory_space<vmem>> -> memref<1x128xi32, #tpu.memory_space<vmem>>
    %dma_start3A_424 = tpu.memref_squeeze %dma_start3A_423 : memref<1x128xi32, #tpu.memory_space<vmem>> -> memref<128xi32, #tpu.memory_space<vmem>>
    %dma_start3A_425 = tpu.memref_slice %arg3[%dma_start3A_415, %mul3A_414] : memref<2x320000xi32, #tpu.memory_space<hbm>> -> memref<1x128xi32, #tpu.memory_space<hbm>>
    %dma_start3A_426 = tpu.memref_squeeze %dma_start3A_425 : memref<1x128xi32, #tpu.memory_space<hbm>> -> memref<128xi32, #tpu.memory_space<hbm>>
    tpu.enqueue_dma source(%dma_start3A_426 : memref<128xi32, #tpu.memory_space<hbm>>) target(%dma_start3A_424 : memref<128xi32, #tpu.memory_space<vmem>>) target_semaphore(%arg13 : memref<!tpu.dma_semaphore, #tpu.memory_space<semaphore_mem>>)
    %add3A_427 = arith.constant 26 : i32
    %add3A_428 = arith.addi %min3A_9, %add3A_427 : i32
    %mul3A_429 = arith.constant 128 : i32
    %mul3A_430 = arith.muli %add3A_428, %mul3A_429 : i32
    %dma_start3A_431 = arith.constant 1 : i32
    %dma_start3A_432 = arith.constant 26 : i32
    %dma_start3A_433 = arith.constant 0 : i32
    %dma_start3A_434 = tpu.memref_slice %arg6[%dma_start3A_432, %dma_start3A_433] : memref<40x128xi32, #tpu.memory_space<vmem>> -> memref<1x128xi32, #tpu.memory_space<vmem>>
    %dma_start3A_435 = tpu.memref_squeeze %dma_start3A_434 : memref<1x128xi32, #tpu.memory_space<vmem>> -> memref<128xi32, #tpu.memory_space<vmem>>
    %dma_start3A_436 = tpu.memref_slice %arg3[%dma_start3A_431, %mul3A_430] : memref<2x320000xi32, #tpu.memory_space<hbm>> -> memref<1x128xi32, #tpu.memory_space<hbm>>
    %dma_start3A_437 = tpu.memref_squeeze %dma_start3A_436 : memref<1x128xi32, #tpu.memory_space<hbm>> -> memref<128xi32, #tpu.memory_space<hbm>>
    %dma_start3A_438 = arith.constant 0 : i32
    %dma_start3A_439 = tpu.memref_slice %arg6[%dma_start3A_432, %dma_start3A_438] : memref<40x128xi32, #tpu.memory_space<vmem>> -> memref<1x128xi32, #tpu.memory_space<vmem>>
    %dma_start3A_440 = tpu.memref_squeeze %dma_start3A_439 : memref<1x128xi32, #tpu.memory_space<vmem>> -> memref<128xi32, #tpu.memory_space<vmem>>
    %dma_start3A_441 = tpu.memref_slice %arg3[%dma_start3A_431, %mul3A_430] : memref<2x320000xi32, #tpu.memory_space<hbm>> -> memref<1x128xi32, #tpu.memory_space<hbm>>
    %dma_start3A_442 = tpu.memref_squeeze %dma_start3A_441 : memref<1x128xi32, #tpu.memory_space<hbm>> -> memref<128xi32, #tpu.memory_space<hbm>>
    tpu.enqueue_dma source(%dma_start3A_442 : memref<128xi32, #tpu.memory_space<hbm>>) target(%dma_start3A_440 : memref<128xi32, #tpu.memory_space<vmem>>) target_semaphore(%arg13 : memref<!tpu.dma_semaphore, #tpu.memory_space<semaphore_mem>>)
    %add3A_443 = arith.constant 27 : i32
    %add3A_444 = arith.addi %min3A_9, %add3A_443 : i32
    %mul3A_445 = arith.constant 128 : i32
    %mul3A_446 = arith.muli %add3A_444, %mul3A_445 : i32
    %dma_start3A_447 = arith.constant 1 : i32
    %dma_start3A_448 = arith.constant 27 : i32
    %dma_start3A_449 = arith.constant 0 : i32
    %dma_start3A_450 = tpu.memref_slice %arg6[%dma_start3A_448, %dma_start3A_449] : memref<40x128xi32, #tpu.memory_space<vmem>> -> memref<1x128xi32, #tpu.memory_space<vmem>>
    %dma_start3A_451 = tpu.memref_squeeze %dma_start3A_450 : memref<1x128xi32, #tpu.memory_space<vmem>> -> memref<128xi32, #tpu.memory_space<vmem>>
    %dma_start3A_452 = tpu.memref_slice %arg3[%dma_start3A_447, %mul3A_446] : memref<2x320000xi32, #tpu.memory_space<hbm>> -> memref<1x128xi32, #tpu.memory_space<hbm>>
    %dma_start3A_453 = tpu.memref_squeeze %dma_start3A_452 : memref<1x128xi32, #tpu.memory_space<hbm>> -> memref<128xi32, #tpu.memory_space<hbm>>
    %dma_start3A_454 = arith.constant 0 : i32
    %dma_start3A_455 = tpu.memref_slice %arg6[%dma_start3A_448, %dma_start3A_454] : memref<40x128xi32, #tpu.memory_space<vmem>> -> memref<1x128xi32, #tpu.memory_space<vmem>>
    %dma_start3A_456 = tpu.memref_squeeze %dma_start3A_455 : memref<1x128xi32, #tpu.memory_space<vmem>> -> memref<128xi32, #tpu.memory_space<vmem>>
    %dma_start3A_457 = tpu.memref_slice %arg3[%dma_start3A_447, %mul3A_446] : memref<2x320000xi32, #tpu.memory_space<hbm>> -> memref<1x128xi32, #tpu.memory_space<hbm>>
    %dma_start3A_458 = tpu.memref_squeeze %dma_start3A_457 : memref<1x128xi32, #tpu.memory_space<hbm>> -> memref<128xi32, #tpu.memory_space<hbm>>
    tpu.enqueue_dma source(%dma_start3A_458 : memref<128xi32, #tpu.memory_space<hbm>>) target(%dma_start3A_456 : memref<128xi32, #tpu.memory_space<vmem>>) target_semaphore(%arg13 : memref<!tpu.dma_semaphore, #tpu.memory_space<semaphore_mem>>)
    %add3A_459 = arith.constant 28 : i32
    %add3A_460 = arith.addi %min3A_9, %add3A_459 : i32
    %mul3A_461 = arith.constant 128 : i32
    %mul3A_462 = arith.muli %add3A_460, %mul3A_461 : i32
    %dma_start3A_463 = arith.constant 1 : i32
    %dma_start3A_464 = arith.constant 28 : i32
    %dma_start3A_465 = arith.constant 0 : i32
    %dma_start3A_466 = tpu.memref_slice %arg6[%dma_start3A_464, %dma_start3A_465] : memref<40x128xi32, #tpu.memory_space<vmem>> -> memref<1x128xi32, #tpu.memory_space<vmem>>
    %dma_start3A_467 = tpu.memref_squeeze %dma_start3A_466 : memref<1x128xi32, #tpu.memory_space<vmem>> -> memref<128xi32, #tpu.memory_space<vmem>>
    %dma_start3A_468 = tpu.memref_slice %arg3[%dma_start3A_463, %mul3A_462] : memref<2x320000xi32, #tpu.memory_space<hbm>> -> memref<1x128xi32, #tpu.memory_space<hbm>>
    %dma_start3A_469 = tpu.memref_squeeze %dma_start3A_468 : memref<1x128xi32, #tpu.memory_space<hbm>> -> memref<128xi32, #tpu.memory_space<hbm>>
    %dma_start3A_470 = arith.constant 0 : i32
    %dma_start3A_471 = tpu.memref_slice %arg6[%dma_start3A_464, %dma_start3A_470] : memref<40x128xi32, #tpu.memory_space<vmem>> -> memref<1x128xi32, #tpu.memory_space<vmem>>
    %dma_start3A_472 = tpu.memref_squeeze %dma_start3A_471 : memref<1x128xi32, #tpu.memory_space<vmem>> -> memref<128xi32, #tpu.memory_space<vmem>>
    %dma_start3A_473 = tpu.memref_slice %arg3[%dma_start3A_463, %mul3A_462] : memref<2x320000xi32, #tpu.memory_space<hbm>> -> memref<1x128xi32, #tpu.memory_space<hbm>>
    %dma_start3A_474 = tpu.memref_squeeze %dma_start3A_473 : memref<1x128xi32, #tpu.memory_space<hbm>> -> memref<128xi32, #tpu.memory_space<hbm>>
    tpu.enqueue_dma source(%dma_start3A_474 : memref<128xi32, #tpu.memory_space<hbm>>) target(%dma_start3A_472 : memref<128xi32, #tpu.memory_space<vmem>>) target_semaphore(%arg13 : memref<!tpu.dma_semaphore, #tpu.memory_space<semaphore_mem>>)
    %add3A_475 = arith.constant 29 : i32
    %add3A_476 = arith.addi %min3A_9, %add3A_475 : i32
    %mul3A_477 = arith.constant 128 : i32
    %mul3A_478 = arith.muli %add3A_476, %mul3A_477 : i32
    %dma_start3A_479 = arith.constant 1 : i32
    %dma_start3A_480 = arith.constant 29 : i32
    %dma_start3A_481 = arith.constant 0 : i32
    %dma_start3A_482 = tpu.memref_slice %arg6[%dma_start3A_480, %dma_start3A_481] : memref<40x128xi32, #tpu.memory_space<vmem>> -> memref<1x128xi32, #tpu.memory_space<vmem>>
    %dma_start3A_483 = tpu.memref_squeeze %dma_start3A_482 : memref<1x128xi32, #tpu.memory_space<vmem>> -> memref<128xi32, #tpu.memory_space<vmem>>
    %dma_start3A_484 = tpu.memref_slice %arg3[%dma_start3A_479, %mul3A_478] : memref<2x320000xi32, #tpu.memory_space<hbm>> -> memref<1x128xi32, #tpu.memory_space<hbm>>
    %dma_start3A_485 = tpu.memref_squeeze %dma_start3A_484 : memref<1x128xi32, #tpu.memory_space<hbm>> -> memref<128xi32, #tpu.memory_space<hbm>>
    %dma_start3A_486 = arith.constant 0 : i32
    %dma_start3A_487 = tpu.memref_slice %arg6[%dma_start3A_480, %dma_start3A_486] : memref<40x128xi32, #tpu.memory_space<vmem>> -> memref<1x128xi32, #tpu.memory_space<vmem>>
    %dma_start3A_488 = tpu.memref_squeeze %dma_start3A_487 : memref<1x128xi32, #tpu.memory_space<vmem>> -> memref<128xi32, #tpu.memory_space<vmem>>
    %dma_start3A_489 = tpu.memref_slice %arg3[%dma_start3A_479, %mul3A_478] : memref<2x320000xi32, #tpu.memory_space<hbm>> -> memref<1x128xi32, #tpu.memory_space<hbm>>
    %dma_start3A_490 = tpu.memref_squeeze %dma_start3A_489 : memref<1x128xi32, #tpu.memory_space<hbm>> -> memref<128xi32, #tpu.memory_space<hbm>>
    tpu.enqueue_dma source(%dma_start3A_490 : memref<128xi32, #tpu.memory_space<hbm>>) target(%dma_start3A_488 : memref<128xi32, #tpu.memory_space<vmem>>) target_semaphore(%arg13 : memref<!tpu.dma_semaphore, #tpu.memory_space<semaphore_mem>>)
    %add3A_491 = arith.constant 30 : i32
    %add3A_492 = arith.addi %min3A_9, %add3A_491 : i32
    %mul3A_493 = arith.constant 128 : i32
    %mul3A_494 = arith.muli %add3A_492, %mul3A_493 : i32
    %dma_start3A_495 = arith.constant 1 : i32
    %dma_start3A_496 = arith.constant 30 : i32
    %dma_start3A_497 = arith.constant 0 : i32
    %dma_start3A_498 = tpu.memref_slice %arg6[%dma_start3A_496, %dma_start3A_497] : memref<40x128xi32, #tpu.memory_space<vmem>> -> memref<1x128xi32, #tpu.memory_space<vmem>>
    %dma_start3A_499 = tpu.memref_squeeze %dma_start3A_498 : memref<1x128xi32, #tpu.memory_space<vmem>> -> memref<128xi32, #tpu.memory_space<vmem>>
    %dma_start3A_500 = tpu.memref_slice %arg3[%dma_start3A_495, %mul3A_494] : memref<2x320000xi32, #tpu.memory_space<hbm>> -> memref<1x128xi32, #tpu.memory_space<hbm>>
    %dma_start3A_501 = tpu.memref_squeeze %dma_start3A_500 : memref<1x128xi32, #tpu.memory_space<hbm>> -> memref<128xi32, #tpu.memory_space<hbm>>
    %dma_start3A_502 = arith.constant 0 : i32
    %dma_start3A_503 = tpu.memref_slice %arg6[%dma_start3A_496, %dma_start3A_502] : memref<40x128xi32, #tpu.memory_space<vmem>> -> memref<1x128xi32, #tpu.memory_space<vmem>>
    %dma_start3A_504 = tpu.memref_squeeze %dma_start3A_503 : memref<1x128xi32, #tpu.memory_space<vmem>> -> memref<128xi32, #tpu.memory_space<vmem>>
    %dma_start3A_505 = tpu.memref_slice %arg3[%dma_start3A_495, %mul3A_494] : memref<2x320000xi32, #tpu.memory_space<hbm>> -> memref<1x128xi32, #tpu.memory_space<hbm>>
    %dma_start3A_506 = tpu.memref_squeeze %dma_start3A_505 : memref<1x128xi32, #tpu.memory_space<hbm>> -> memref<128xi32, #tpu.memory_space<hbm>>
    tpu.enqueue_dma source(%dma_start3A_506 : memref<128xi32, #tpu.memory_space<hbm>>) target(%dma_start3A_504 : memref<128xi32, #tpu.memory_space<vmem>>) target_semaphore(%arg13 : memref<!tpu.dma_semaphore, #tpu.memory_space<semaphore_mem>>)
    %add3A_507 = arith.constant 31 : i32
    %add3A_508 = arith.addi %min3A_9, %add3A_507 : i32
    %mul3A_509 = arith.constant 128 : i32
    %mul3A_510 = arith.muli %add3A_508, %mul3A_509 : i32
    %dma_start3A_511 = arith.constant 1 : i32
    %dma_start3A_512 = arith.constant 31 : i32
    %dma_start3A_513 = arith.constant 0 : i32
    %dma_start3A_514 = tpu.memref_slice %arg6[%dma_start3A_512, %dma_start3A_513] : memref<40x128xi32, #tpu.memory_space<vmem>> -> memref<1x128xi32, #tpu.memory_space<vmem>>
    %dma_start3A_515 = tpu.memref_squeeze %dma_start3A_514 : memref<1x128xi32, #tpu.memory_space<vmem>> -> memref<128xi32, #tpu.memory_space<vmem>>
    %dma_start3A_516 = tpu.memref_slice %arg3[%dma_start3A_511, %mul3A_510] : memref<2x320000xi32, #tpu.memory_space<hbm>> -> memref<1x128xi32, #tpu.memory_space<hbm>>
    %dma_start3A_517 = tpu.memref_squeeze %dma_start3A_516 : memref<1x128xi32, #tpu.memory_space<hbm>> -> memref<128xi32, #tpu.memory_space<hbm>>
    %dma_start3A_518 = arith.constant 0 : i32
    %dma_start3A_519 = tpu.memref_slice %arg6[%dma_start3A_512, %dma_start3A_518] : memref<40x128xi32, #tpu.memory_space<vmem>> -> memref<1x128xi32, #tpu.memory_space<vmem>>
    %dma_start3A_520 = tpu.memref_squeeze %dma_start3A_519 : memref<1x128xi32, #tpu.memory_space<vmem>> -> memref<128xi32, #tpu.memory_space<vmem>>
    %dma_start3A_521 = tpu.memref_slice %arg3[%dma_start3A_511, %mul3A_510] : memref<2x320000xi32, #tpu.memory_space<hbm>> -> memref<1x128xi32, #tpu.memory_space<hbm>>
    %dma_start3A_522 = tpu.memref_squeeze %dma_start3A_521 : memref<1x128xi32, #tpu.memory_space<hbm>> -> memref<128xi32, #tpu.memory_space<hbm>>
    tpu.enqueue_dma source(%dma_start3A_522 : memref<128xi32, #tpu.memory_space<hbm>>) target(%dma_start3A_520 : memref<128xi32, #tpu.memory_space<vmem>>) target_semaphore(%arg13 : memref<!tpu.dma_semaphore, #tpu.memory_space<semaphore_mem>>)
    %add3A_523 = arith.constant 32 : i32
    %add3A_524 = arith.addi %min3A_9, %add3A_523 : i32
    %mul3A_525 = arith.constant 128 : i32
    %mul3A_526 = arith.muli %add3A_524, %mul3A_525 : i32
    %dma_start3A_527 = arith.constant 1 : i32
    %dma_start3A_528 = arith.constant 32 : i32
    %dma_start3A_529 = arith.constant 0 : i32
    %dma_start3A_530 = tpu.memref_slice %arg6[%dma_start3A_528, %dma_start3A_529] : memref<40x128xi32, #tpu.memory_space<vmem>> -> memref<1x128xi32, #tpu.memory_space<vmem>>
    %dma_start3A_531 = tpu.memref_squeeze %dma_start3A_530 : memref<1x128xi32, #tpu.memory_space<vmem>> -> memref<128xi32, #tpu.memory_space<vmem>>
    %dma_start3A_532 = tpu.memref_slice %arg3[%dma_start3A_527, %mul3A_526] : memref<2x320000xi32, #tpu.memory_space<hbm>> -> memref<1x128xi32, #tpu.memory_space<hbm>>
    %dma_start3A_533 = tpu.memref_squeeze %dma_start3A_532 : memref<1x128xi32, #tpu.memory_space<hbm>> -> memref<128xi32, #tpu.memory_space<hbm>>
    %dma_start3A_534 = arith.constant 0 : i32
    %dma_start3A_535 = tpu.memref_slice %arg6[%dma_start3A_528, %dma_start3A_534] : memref<40x128xi32, #tpu.memory_space<vmem>> -> memref<1x128xi32, #tpu.memory_space<vmem>>
    %dma_start3A_536 = tpu.memref_squeeze %dma_start3A_535 : memref<1x128xi32, #tpu.memory_space<vmem>> -> memref<128xi32, #tpu.memory_space<vmem>>
    %dma_start3A_537 = tpu.memref_slice %arg3[%dma_start3A_527, %mul3A_526] : memref<2x320000xi32, #tpu.memory_space<hbm>> -> memref<1x128xi32, #tpu.memory_space<hbm>>
    %dma_start3A_538 = tpu.memref_squeeze %dma_start3A_537 : memref<1x128xi32, #tpu.memory_space<hbm>> -> memref<128xi32, #tpu.memory_space<hbm>>
    tpu.enqueue_dma source(%dma_start3A_538 : memref<128xi32, #tpu.memory_space<hbm>>) target(%dma_start3A_536 : memref<128xi32, #tpu.memory_space<vmem>>) target_semaphore(%arg13 : memref<!tpu.dma_semaphore, #tpu.memory_space<semaphore_mem>>)
    %add3A_539 = arith.constant 33 : i32
    %add3A_540 = arith.addi %min3A_9, %add3A_539 : i32
    %mul3A_541 = arith.constant 128 : i32
    %mul3A_542 = arith.muli %add3A_540, %mul3A_541 : i32
    %dma_start3A_543 = arith.constant 1 : i32
    %dma_start3A_544 = arith.constant 33 : i32
    %dma_start3A_545 = arith.constant 0 : i32
    %dma_start3A_546 = tpu.memref_slice %arg6[%dma_start3A_544, %dma_start3A_545] : memref<40x128xi32, #tpu.memory_space<vmem>> -> memref<1x128xi32, #tpu.memory_space<vmem>>
    %dma_start3A_547 = tpu.memref_squeeze %dma_start3A_546 : memref<1x128xi32, #tpu.memory_space<vmem>> -> memref<128xi32, #tpu.memory_space<vmem>>
    %dma_start3A_548 = tpu.memref_slice %arg3[%dma_start3A_543, %mul3A_542] : memref<2x320000xi32, #tpu.memory_space<hbm>> -> memref<1x128xi32, #tpu.memory_space<hbm>>
    %dma_start3A_549 = tpu.memref_squeeze %dma_start3A_548 : memref<1x128xi32, #tpu.memory_space<hbm>> -> memref<128xi32, #tpu.memory_space<hbm>>
    %dma_start3A_550 = arith.constant 0 : i32
    %dma_start3A_551 = tpu.memref_slice %arg6[%dma_start3A_544, %dma_start3A_550] : memref<40x128xi32, #tpu.memory_space<vmem>> -> memref<1x128xi32, #tpu.memory_space<vmem>>
    %dma_start3A_552 = tpu.memref_squeeze %dma_start3A_551 : memref<1x128xi32, #tpu.memory_space<vmem>> -> memref<128xi32, #tpu.memory_space<vmem>>
    %dma_start3A_553 = tpu.memref_slice %arg3[%dma_start3A_543, %mul3A_542] : memref<2x320000xi32, #tpu.memory_space<hbm>> -> memref<1x128xi32, #tpu.memory_space<hbm>>
    %dma_start3A_554 = tpu.memref_squeeze %dma_start3A_553 : memref<1x128xi32, #tpu.memory_space<hbm>> -> memref<128xi32, #tpu.memory_space<hbm>>
    tpu.enqueue_dma source(%dma_start3A_554 : memref<128xi32, #tpu.memory_space<hbm>>) target(%dma_start3A_552 : memref<128xi32, #tpu.memory_space<vmem>>) target_semaphore(%arg13 : memref<!tpu.dma_semaphore, #tpu.memory_space<semaphore_mem>>)
    %add3A_555 = arith.constant 34 : i32
    %add3A_556 = arith.addi %min3A_9, %add3A_555 : i32
    %mul3A_557 = arith.constant 128 : i32
    %mul3A_558 = arith.muli %add3A_556, %mul3A_557 : i32
    %dma_start3A_559 = arith.constant 1 : i32
    %dma_start3A_560 = arith.constant 34 : i32
    %dma_start3A_561 = arith.constant 0 : i32
    %dma_start3A_562 = tpu.memref_slice %arg6[%dma_start3A_560, %dma_start3A_561] : memref<40x128xi32, #tpu.memory_space<vmem>> -> memref<1x128xi32, #tpu.memory_space<vmem>>
    %dma_start3A_563 = tpu.memref_squeeze %dma_start3A_562 : memref<1x128xi32, #tpu.memory_space<vmem>> -> memref<128xi32, #tpu.memory_space<vmem>>
    %dma_start3A_564 = tpu.memref_slice %arg3[%dma_start3A_559, %mul3A_558] : memref<2x320000xi32, #tpu.memory_space<hbm>> -> memref<1x128xi32, #tpu.memory_space<hbm>>
    %dma_start3A_565 = tpu.memref_squeeze %dma_start3A_564 : memref<1x128xi32, #tpu.memory_space<hbm>> -> memref<128xi32, #tpu.memory_space<hbm>>
    %dma_start3A_566 = arith.constant 0 : i32
    %dma_start3A_567 = tpu.memref_slice %arg6[%dma_start3A_560, %dma_start3A_566] : memref<40x128xi32, #tpu.memory_space<vmem>> -> memref<1x128xi32, #tpu.memory_space<vmem>>
    %dma_start3A_568 = tpu.memref_squeeze %dma_start3A_567 : memref<1x128xi32, #tpu.memory_space<vmem>> -> memref<128xi32, #tpu.memory_space<vmem>>
    %dma_start3A_569 = tpu.memref_slice %arg3[%dma_start3A_559, %mul3A_558] : memref<2x320000xi32, #tpu.memory_space<hbm>> -> memref<1x128xi32, #tpu.memory_space<hbm>>
    %dma_start3A_570 = tpu.memref_squeeze %dma_start3A_569 : memref<1x128xi32, #tpu.memory_space<hbm>> -> memref<128xi32, #tpu.memory_space<hbm>>
    tpu.enqueue_dma source(%dma_start3A_570 : memref<128xi32, #tpu.memory_space<hbm>>) target(%dma_start3A_568 : memref<128xi32, #tpu.memory_space<vmem>>) target_semaphore(%arg13 : memref<!tpu.dma_semaphore, #tpu.memory_space<semaphore_mem>>)
    %add3A_571 = arith.constant 35 : i32
    %add3A_572 = arith.addi %min3A_9, %add3A_571 : i32
    %mul3A_573 = arith.constant 128 : i32
    %mul3A_574 = arith.muli %add3A_572, %mul3A_573 : i32
    %dma_start3A_575 = arith.constant 1 : i32
    %dma_start3A_576 = arith.constant 35 : i32
    %dma_start3A_577 = arith.constant 0 : i32
    %dma_start3A_578 = tpu.memref_slice %arg6[%dma_start3A_576, %dma_start3A_577] : memref<40x128xi32, #tpu.memory_space<vmem>> -> memref<1x128xi32, #tpu.memory_space<vmem>>
    %dma_start3A_579 = tpu.memref_squeeze %dma_start3A_578 : memref<1x128xi32, #tpu.memory_space<vmem>> -> memref<128xi32, #tpu.memory_space<vmem>>
    %dma_start3A_580 = tpu.memref_slice %arg3[%dma_start3A_575, %mul3A_574] : memref<2x320000xi32, #tpu.memory_space<hbm>> -> memref<1x128xi32, #tpu.memory_space<hbm>>
    %dma_start3A_581 = tpu.memref_squeeze %dma_start3A_580 : memref<1x128xi32, #tpu.memory_space<hbm>> -> memref<128xi32, #tpu.memory_space<hbm>>
    %dma_start3A_582 = arith.constant 0 : i32
    %dma_start3A_583 = tpu.memref_slice %arg6[%dma_start3A_576, %dma_start3A_582] : memref<40x128xi32, #tpu.memory_space<vmem>> -> memref<1x128xi32, #tpu.memory_space<vmem>>
    %dma_start3A_584 = tpu.memref_squeeze %dma_start3A_583 : memref<1x128xi32, #tpu.memory_space<vmem>> -> memref<128xi32, #tpu.memory_space<vmem>>
    %dma_start3A_585 = tpu.memref_slice %arg3[%dma_start3A_575, %mul3A_574] : memref<2x320000xi32, #tpu.memory_space<hbm>> -> memref<1x128xi32, #tpu.memory_space<hbm>>
    %dma_start3A_586 = tpu.memref_squeeze %dma_start3A_585 : memref<1x128xi32, #tpu.memory_space<hbm>> -> memref<128xi32, #tpu.memory_space<hbm>>
    tpu.enqueue_dma source(%dma_start3A_586 : memref<128xi32, #tpu.memory_space<hbm>>) target(%dma_start3A_584 : memref<128xi32, #tpu.memory_space<vmem>>) target_semaphore(%arg13 : memref<!tpu.dma_semaphore, #tpu.memory_space<semaphore_mem>>)
    %add3A_587 = arith.constant 36 : i32
    %add3A_588 = arith.addi %min3A_9, %add3A_587 : i32
    %mul3A_589 = arith.constant 128 : i32
    %mul3A_590 = arith.muli %add3A_588, %mul3A_589 : i32
    %dma_start3A_591 = arith.constant 1 : i32
    %dma_start3A_592 = arith.constant 36 : i32
    %dma_start3A_593 = arith.constant 0 : i32
    %dma_start3A_594 = tpu.memref_slice %arg6[%dma_start3A_592, %dma_start3A_593] : memref<40x128xi32, #tpu.memory_space<vmem>> -> memref<1x128xi32, #tpu.memory_space<vmem>>
    %dma_start3A_595 = tpu.memref_squeeze %dma_start3A_594 : memref<1x128xi32, #tpu.memory_space<vmem>> -> memref<128xi32, #tpu.memory_space<vmem>>
    %dma_start3A_596 = tpu.memref_slice %arg3[%dma_start3A_591, %mul3A_590] : memref<2x320000xi32, #tpu.memory_space<hbm>> -> memref<1x128xi32, #tpu.memory_space<hbm>>
    %dma_start3A_597 = tpu.memref_squeeze %dma_start3A_596 : memref<1x128xi32, #tpu.memory_space<hbm>> -> memref<128xi32, #tpu.memory_space<hbm>>
    %dma_start3A_598 = arith.constant 0 : i32
    %dma_start3A_599 = tpu.memref_slice %arg6[%dma_start3A_592, %dma_start3A_598] : memref<40x128xi32, #tpu.memory_space<vmem>> -> memref<1x128xi32, #tpu.memory_space<vmem>>
    %dma_start3A_600 = tpu.memref_squeeze %dma_start3A_599 : memref<1x128xi32, #tpu.memory_space<vmem>> -> memref<128xi32, #tpu.memory_space<vmem>>
    %dma_start3A_601 = tpu.memref_slice %arg3[%dma_start3A_591, %mul3A_590] : memref<2x320000xi32, #tpu.memory_space<hbm>> -> memref<1x128xi32, #tpu.memory_space<hbm>>
    %dma_start3A_602 = tpu.memref_squeeze %dma_start3A_601 : memref<1x128xi32, #tpu.memory_space<hbm>> -> memref<128xi32, #tpu.memory_space<hbm>>
    tpu.enqueue_dma source(%dma_start3A_602 : memref<128xi32, #tpu.memory_space<hbm>>) target(%dma_start3A_600 : memref<128xi32, #tpu.memory_space<vmem>>) target_semaphore(%arg13 : memref<!tpu.dma_semaphore, #tpu.memory_space<semaphore_mem>>)
    %add3A_603 = arith.constant 37 : i32
    %add3A_604 = arith.addi %min3A_9, %add3A_603 : i32
    %mul3A_605 = arith.constant 128 : i32
    %mul3A_606 = arith.muli %add3A_604, %mul3A_605 : i32
    %dma_start3A_607 = arith.constant 1 : i32
    %dma_start3A_608 = arith.constant 37 : i32
    %dma_start3A_609 = arith.constant 0 : i32
    %dma_start3A_610 = tpu.memref_slice %arg6[%dma_start3A_608, %dma_start3A_609] : memref<40x128xi32, #tpu.memory_space<vmem>> -> memref<1x128xi32, #tpu.memory_space<vmem>>
    %dma_start3A_611 = tpu.memref_squeeze %dma_start3A_610 : memref<1x128xi32, #tpu.memory_space<vmem>> -> memref<128xi32, #tpu.memory_space<vmem>>
    %dma_start3A_612 = tpu.memref_slice %arg3[%dma_start3A_607, %mul3A_606] : memref<2x320000xi32, #tpu.memory_space<hbm>> -> memref<1x128xi32, #tpu.memory_space<hbm>>
    %dma_start3A_613 = tpu.memref_squeeze %dma_start3A_612 : memref<1x128xi32, #tpu.memory_space<hbm>> -> memref<128xi32, #tpu.memory_space<hbm>>
    %dma_start3A_614 = arith.constant 0 : i32
    %dma_start3A_615 = tpu.memref_slice %arg6[%dma_start3A_608, %dma_start3A_614] : memref<40x128xi32, #tpu.memory_space<vmem>> -> memref<1x128xi32, #tpu.memory_space<vmem>>
    %dma_start3A_616 = tpu.memref_squeeze %dma_start3A_615 : memref<1x128xi32, #tpu.memory_space<vmem>> -> memref<128xi32, #tpu.memory_space<vmem>>
    %dma_start3A_617 = tpu.memref_slice %arg3[%dma_start3A_607, %mul3A_606] : memref<2x320000xi32, #tpu.memory_space<hbm>> -> memref<1x128xi32, #tpu.memory_space<hbm>>
    %dma_start3A_618 = tpu.memref_squeeze %dma_start3A_617 : memref<1x128xi32, #tpu.memory_space<hbm>> -> memref<128xi32, #tpu.memory_space<hbm>>
    tpu.enqueue_dma source(%dma_start3A_618 : memref<128xi32, #tpu.memory_space<hbm>>) target(%dma_start3A_616 : memref<128xi32, #tpu.memory_space<vmem>>) target_semaphore(%arg13 : memref<!tpu.dma_semaphore, #tpu.memory_space<semaphore_mem>>)
    %add3A_619 = arith.constant 38 : i32
    %add3A_620 = arith.addi %min3A_9, %add3A_619 : i32
    %mul3A_621 = arith.constant 128 : i32
    %mul3A_622 = arith.muli %add3A_620, %mul3A_621 : i32
    %dma_start3A_623 = arith.constant 1 : i32
    %dma_start3A_624 = arith.constant 38 : i32
    %dma_start3A_625 = arith.constant 0 : i32
    %dma_start3A_626 = tpu.memref_slice %arg6[%dma_start3A_624, %dma_start3A_625] : memref<40x128xi32, #tpu.memory_space<vmem>> -> memref<1x128xi32, #tpu.memory_space<vmem>>
    %dma_start3A_627 = tpu.memref_squeeze %dma_start3A_626 : memref<1x128xi32, #tpu.memory_space<vmem>> -> memref<128xi32, #tpu.memory_space<vmem>>
    %dma_start3A_628 = tpu.memref_slice %arg3[%dma_start3A_623, %mul3A_622] : memref<2x320000xi32, #tpu.memory_space<hbm>> -> memref<1x128xi32, #tpu.memory_space<hbm>>
    %dma_start3A_629 = tpu.memref_squeeze %dma_start3A_628 : memref<1x128xi32, #tpu.memory_space<hbm>> -> memref<128xi32, #tpu.memory_space<hbm>>
    %dma_start3A_630 = arith.constant 0 : i32
    %dma_start3A_631 = tpu.memref_slice %arg6[%dma_start3A_624, %dma_start3A_630] : memref<40x128xi32, #tpu.memory_space<vmem>> -> memref<1x128xi32, #tpu.memory_space<vmem>>
    %dma_start3A_632 = tpu.memref_squeeze %dma_start3A_631 : memref<1x128xi32, #tpu.memory_space<vmem>> -> memref<128xi32, #tpu.memory_space<vmem>>
    %dma_start3A_633 = tpu.memref_slice %arg3[%dma_start3A_623, %mul3A_622] : memref<2x320000xi32, #tpu.memory_space<hbm>> -> memref<1x128xi32, #tpu.memory_space<hbm>>
    %dma_start3A_634 = tpu.memref_squeeze %dma_start3A_633 : memref<1x128xi32, #tpu.memory_space<hbm>> -> memref<128xi32, #tpu.memory_space<hbm>>
    tpu.enqueue_dma source(%dma_start3A_634 : memref<128xi32, #tpu.memory_space<hbm>>) target(%dma_start3A_632 : memref<128xi32, #tpu.memory_space<vmem>>) target_semaphore(%arg13 : memref<!tpu.dma_semaphore, #tpu.memory_space<semaphore_mem>>)
    %add3A_635 = arith.constant 39 : i32
    %add3A_636 = arith.addi %min3A_9, %add3A_635 : i32
    %mul3A_637 = arith.constant 128 : i32
    %mul3A_638 = arith.muli %add3A_636, %mul3A_637 : i32
    %dma_start3A_639 = arith.constant 1 : i32
    %dma_start3A_640 = arith.constant 39 : i32
    %dma_start3A_641 = arith.constant 0 : i32
    %dma_start3A_642 = tpu.memref_slice %arg6[%dma_start3A_640, %dma_start3A_641] : memref<40x128xi32, #tpu.memory_space<vmem>> -> memref<1x128xi32, #tpu.memory_space<vmem>>
    %dma_start3A_643 = tpu.memref_squeeze %dma_start3A_642 : memref<1x128xi32, #tpu.memory_space<vmem>> -> memref<128xi32, #tpu.memory_space<vmem>>
    %dma_start3A_644 = tpu.memref_slice %arg3[%dma_start3A_639, %mul3A_638] : memref<2x320000xi32, #tpu.memory_space<hbm>> -> memref<1x128xi32, #tpu.memory_space<hbm>>
    %dma_start3A_645 = tpu.memref_squeeze %dma_start3A_644 : memref<1x128xi32, #tpu.memory_space<hbm>> -> memref<128xi32, #tpu.memory_space<hbm>>
    %dma_start3A_646 = arith.constant 0 : i32
    %dma_start3A_647 = tpu.memref_slice %arg6[%dma_start3A_640, %dma_start3A_646] : memref<40x128xi32, #tpu.memory_space<vmem>> -> memref<1x128xi32, #tpu.memory_space<vmem>>
    %dma_start3A_648 = tpu.memref_squeeze %dma_start3A_647 : memref<1x128xi32, #tpu.memory_space<vmem>> -> memref<128xi32, #tpu.memory_space<vmem>>
    %dma_start3A_649 = tpu.memref_slice %arg3[%dma_start3A_639, %mul3A_638] : memref<2x320000xi32, #tpu.memory_space<hbm>> -> memref<1x128xi32, #tpu.memory_space<hbm>>
    %dma_start3A_650 = tpu.memref_squeeze %dma_start3A_649 : memref<1x128xi32, #tpu.memory_space<hbm>> -> memref<128xi32, #tpu.memory_space<hbm>>
    tpu.enqueue_dma source(%dma_start3A_650 : memref<128xi32, #tpu.memory_space<hbm>>) target(%dma_start3A_648 : memref<128xi32, #tpu.memory_space<vmem>>) target_semaphore(%arg13 : memref<!tpu.dma_semaphore, #tpu.memory_space<semaphore_mem>>)
    %add3A_651 = arith.constant 0 : i32
    %add3A_652 = arith.addi %min3A_9, %add3A_651 : i32
    %mul3A_653 = arith.constant 128 : i32
    %mul3A_654 = arith.muli %add3A_652, %mul3A_653 : i32
    %dma_wait3A = arith.constant 1 : i32
    %dma_wait3A_655 = arith.constant 0 : i32
    %dma_wait3A_656 = arith.constant 0 : i32
    %dma_wait3A_657 = tpu.memref_slice %arg6[%dma_wait3A_655, %dma_wait3A_656] : memref<40x128xi32, #tpu.memory_space<vmem>> -> memref<1x128xi32, #tpu.memory_space<vmem>>
    %dma_wait3A_658 = tpu.memref_squeeze %dma_wait3A_657 : memref<1x128xi32, #tpu.memory_space<vmem>> -> memref<128xi32, #tpu.memory_space<vmem>>
    %dma_wait3A_659 = tpu.memref_slice %arg3[%dma_wait3A, %mul3A_654] : memref<2x320000xi32, #tpu.memory_space<hbm>> -> memref<1x128xi32, #tpu.memory_space<hbm>>
    %dma_wait3A_660 = tpu.memref_squeeze %dma_wait3A_659 : memref<1x128xi32, #tpu.memory_space<hbm>> -> memref<128xi32, #tpu.memory_space<hbm>>
    %dma_wait3A_661 = arith.constant 0 : i32
    %dma_wait3A_662 = tpu.memref_slice %arg6[%dma_wait3A_655, %dma_wait3A_661] : memref<40x128xi32, #tpu.memory_space<vmem>> -> memref<1x128xi32, #tpu.memory_space<vmem>>
    %dma_wait3A_663 = tpu.memref_squeeze %dma_wait3A_662 : memref<1x128xi32, #tpu.memory_space<vmem>> -> memref<128xi32, #tpu.memory_space<vmem>>
    %dma_wait3A_664 = tpu.memref_slice %arg3[%dma_wait3A, %mul3A_654] : memref<2x320000xi32, #tpu.memory_space<hbm>> -> memref<1x128xi32, #tpu.memory_space<hbm>>
    %dma_wait3A_665 = tpu.memref_squeeze %dma_wait3A_664 : memref<1x128xi32, #tpu.memory_space<hbm>> -> memref<128xi32, #tpu.memory_space<hbm>>
    tpu.wait_dma2 semaphore(%arg13 : memref<!tpu.dma_semaphore, #tpu.memory_space<semaphore_mem>>) src(%dma_wait3A_665 : memref<128xi32, #tpu.memory_space<hbm>>) dst(%dma_wait3A_663 : memref<128xi32, #tpu.memory_space<vmem>>)
    %add3A_666 = arith.constant 1 : i32
    %add3A_667 = arith.addi %min3A_9, %add3A_666 : i32
    %mul3A_668 = arith.constant 128 : i32
    %mul3A_669 = arith.muli %add3A_667, %mul3A_668 : i32
    %dma_wait3A_670 = arith.constant 1 : i32
    %dma_wait3A_671 = arith.constant 1 : i32
    %dma_wait3A_672 = arith.constant 0 : i32
    %dma_wait3A_673 = tpu.memref_slice %arg6[%dma_wait3A_671, %dma_wait3A_672] : memref<40x128xi32, #tpu.memory_space<vmem>> -> memref<1x128xi32, #tpu.memory_space<vmem>>
    %dma_wait3A_674 = tpu.memref_squeeze %dma_wait3A_673 : memref<1x128xi32, #tpu.memory_space<vmem>> -> memref<128xi32, #tpu.memory_space<vmem>>
    %dma_wait3A_675 = tpu.memref_slice %arg3[%dma_wait3A_670, %mul3A_669] : memref<2x320000xi32, #tpu.memory_space<hbm>> -> memref<1x128xi32, #tpu.memory_space<hbm>>
    %dma_wait3A_676 = tpu.memref_squeeze %dma_wait3A_675 : memref<1x128xi32, #tpu.memory_space<hbm>> -> memref<128xi32, #tpu.memory_space<hbm>>
    %dma_wait3A_677 = arith.constant 0 : i32
    %dma_wait3A_678 = tpu.memref_slice %arg6[%dma_wait3A_671, %dma_wait3A_677] : memref<40x128xi32, #tpu.memory_space<vmem>> -> memref<1x128xi32, #tpu.memory_space<vmem>>
    %dma_wait3A_679 = tpu.memref_squeeze %dma_wait3A_678 : memref<1x128xi32, #tpu.memory_space<vmem>> -> memref<128xi32, #tpu.memory_space<vmem>>
    %dma_wait3A_680 = tpu.memref_slice %arg3[%dma_wait3A_670, %mul3A_669] : memref<2x320000xi32, #tpu.memory_space<hbm>> -> memref<1x128xi32, #tpu.memory_space<hbm>>
    %dma_wait3A_681 = tpu.memref_squeeze %dma_wait3A_680 : memref<1x128xi32, #tpu.memory_space<hbm>> -> memref<128xi32, #tpu.memory_space<hbm>>
    tpu.wait_dma2 semaphore(%arg13 : memref<!tpu.dma_semaphore, #tpu.memory_space<semaphore_mem>>) src(%dma_wait3A_681 : memref<128xi32, #tpu.memory_space<hbm>>) dst(%dma_wait3A_679 : memref<128xi32, #tpu.memory_space<vmem>>)
    %add3A_682 = arith.constant 2 : i32
    %add3A_683 = arith.addi %min3A_9, %add3A_682 : i32
    %mul3A_684 = arith.constant 128 : i32
    %mul3A_685 = arith.muli %add3A_683, %mul3A_684 : i32
    %dma_wait3A_686 = arith.constant 1 : i32
    %dma_wait3A_687 = arith.constant 2 : i32
    %dma_wait3A_688 = arith.constant 0 : i32
    %dma_wait3A_689 = tpu.memref_slice %arg6[%dma_wait3A_687, %dma_wait3A_688] : memref<40x128xi32, #tpu.memory_space<vmem>> -> memref<1x128xi32, #tpu.memory_space<vmem>>
    %dma_wait3A_690 = tpu.memref_squeeze %dma_wait3A_689 : memref<1x128xi32, #tpu.memory_space<vmem>> -> memref<128xi32, #tpu.memory_space<vmem>>
    %dma_wait3A_691 = tpu.memref_slice %arg3[%dma_wait3A_686, %mul3A_685] : memref<2x320000xi32, #tpu.memory_space<hbm>> -> memref<1x128xi32, #tpu.memory_space<hbm>>
    %dma_wait3A_692 = tpu.memref_squeeze %dma_wait3A_691 : memref<1x128xi32, #tpu.memory_space<hbm>> -> memref<128xi32, #tpu.memory_space<hbm>>
    %dma_wait3A_693 = arith.constant 0 : i32
    %dma_wait3A_694 = tpu.memref_slice %arg6[%dma_wait3A_687, %dma_wait3A_693] : memref<40x128xi32, #tpu.memory_space<vmem>> -> memref<1x128xi32, #tpu.memory_space<vmem>>
    %dma_wait3A_695 = tpu.memref_squeeze %dma_wait3A_694 : memref<1x128xi32, #tpu.memory_space<vmem>> -> memref<128xi32, #tpu.memory_space<vmem>>
    %dma_wait3A_696 = tpu.memref_slice %arg3[%dma_wait3A_686, %mul3A_685] : memref<2x320000xi32, #tpu.memory_space<hbm>> -> memref<1x128xi32, #tpu.memory_space<hbm>>
    %dma_wait3A_697 = tpu.memref_squeeze %dma_wait3A_696 : memref<1x128xi32, #tpu.memory_space<hbm>> -> memref<128xi32, #tpu.memory_space<hbm>>
    tpu.wait_dma2 semaphore(%arg13 : memref<!tpu.dma_semaphore, #tpu.memory_space<semaphore_mem>>) src(%dma_wait3A_697 : memref<128xi32, #tpu.memory_space<hbm>>) dst(%dma_wait3A_695 : memref<128xi32, #tpu.memory_space<vmem>>)
    %add3A_698 = arith.constant 3 : i32
    %add3A_699 = arith.addi %min3A_9, %add3A_698 : i32
    %mul3A_700 = arith.constant 128 : i32
    %mul3A_701 = arith.muli %add3A_699, %mul3A_700 : i32
    %dma_wait3A_702 = arith.constant 1 : i32
    %dma_wait3A_703 = arith.constant 3 : i32
    %dma_wait3A_704 = arith.constant 0 : i32
    %dma_wait3A_705 = tpu.memref_slice %arg6[%dma_wait3A_703, %dma_wait3A_704] : memref<40x128xi32, #tpu.memory_space<vmem>> -> memref<1x128xi32, #tpu.memory_space<vmem>>
    %dma_wait3A_706 = tpu.memref_squeeze %dma_wait3A_705 : memref<1x128xi32, #tpu.memory_space<vmem>> -> memref<128xi32, #tpu.memory_space<vmem>>
    %dma_wait3A_707 = tpu.memref_slice %arg3[%dma_wait3A_702, %mul3A_701] : memref<2x320000xi32, #tpu.memory_space<hbm>> -> memref<1x128xi32, #tpu.memory_space<hbm>>
    %dma_wait3A_708 = tpu.memref_squeeze %dma_wait3A_707 : memref<1x128xi32, #tpu.memory_space<hbm>> -> memref<128xi32, #tpu.memory_space<hbm>>
    %dma_wait3A_709 = arith.constant 0 : i32
    %dma_wait3A_710 = tpu.memref_slice %arg6[%dma_wait3A_703, %dma_wait3A_709] : memref<40x128xi32, #tpu.memory_space<vmem>> -> memref<1x128xi32, #tpu.memory_space<vmem>>
    %dma_wait3A_711 = tpu.memref_squeeze %dma_wait3A_710 : memref<1x128xi32, #tpu.memory_space<vmem>> -> memref<128xi32, #tpu.memory_space<vmem>>
    %dma_wait3A_712 = tpu.memref_slice %arg3[%dma_wait3A_702, %mul3A_701] : memref<2x320000xi32, #tpu.memory_space<hbm>> -> memref<1x128xi32, #tpu.memory_space<hbm>>
    %dma_wait3A_713 = tpu.memref_squeeze %dma_wait3A_712 : memref<1x128xi32, #tpu.memory_space<hbm>> -> memref<128xi32, #tpu.memory_space<hbm>>
    tpu.wait_dma2 semaphore(%arg13 : memref<!tpu.dma_semaphore, #tpu.memory_space<semaphore_mem>>) src(%dma_wait3A_713 : memref<128xi32, #tpu.memory_space<hbm>>) dst(%dma_wait3A_711 : memref<128xi32, #tpu.memory_space<vmem>>)
    %add3A_714 = arith.constant 4 : i32
    %add3A_715 = arith.addi %min3A_9, %add3A_714 : i32
    %mul3A_716 = arith.constant 128 : i32
    %mul3A_717 = arith.muli %add3A_715, %mul3A_716 : i32
    %dma_wait3A_718 = arith.constant 1 : i32
    %dma_wait3A_719 = arith.constant 4 : i32
    %dma_wait3A_720 = arith.constant 0 : i32
    %dma_wait3A_721 = tpu.memref_slice %arg6[%dma_wait3A_719, %dma_wait3A_720] : memref<40x128xi32, #tpu.memory_space<vmem>> -> memref<1x128xi32, #tpu.memory_space<vmem>>
    %dma_wait3A_722 = tpu.memref_squeeze %dma_wait3A_721 : memref<1x128xi32, #tpu.memory_space<vmem>> -> memref<128xi32, #tpu.memory_space<vmem>>
    %dma_wait3A_723 = tpu.memref_slice %arg3[%dma_wait3A_718, %mul3A_717] : memref<2x320000xi32, #tpu.memory_space<hbm>> -> memref<1x128xi32, #tpu.memory_space<hbm>>
    %dma_wait3A_724 = tpu.memref_squeeze %dma_wait3A_723 : memref<1x128xi32, #tpu.memory_space<hbm>> -> memref<128xi32, #tpu.memory_space<hbm>>
    %dma_wait3A_725 = arith.constant 0 : i32
    %dma_wait3A_726 = tpu.memref_slice %arg6[%dma_wait3A_719, %dma_wait3A_725] : memref<40x128xi32, #tpu.memory_space<vmem>> -> memref<1x128xi32, #tpu.memory_space<vmem>>
    %dma_wait3A_727 = tpu.memref_squeeze %dma_wait3A_726 : memref<1x128xi32, #tpu.memory_space<vmem>> -> memref<128xi32, #tpu.memory_space<vmem>>
    %dma_wait3A_728 = tpu.memref_slice %arg3[%dma_wait3A_718, %mul3A_717] : memref<2x320000xi32, #tpu.memory_space<hbm>> -> memref<1x128xi32, #tpu.memory_space<hbm>>
    %dma_wait3A_729 = tpu.memref_squeeze %dma_wait3A_728 : memref<1x128xi32, #tpu.memory_space<hbm>> -> memref<128xi32, #tpu.memory_space<hbm>>
    tpu.wait_dma2 semaphore(%arg13 : memref<!tpu.dma_semaphore, #tpu.memory_space<semaphore_mem>>) src(%dma_wait3A_729 : memref<128xi32, #tpu.memory_space<hbm>>) dst(%dma_wait3A_727 : memref<128xi32, #tpu.memory_space<vmem>>)
    %add3A_730 = arith.constant 5 : i32
    %add3A_731 = arith.addi %min3A_9, %add3A_730 : i32
    %mul3A_732 = arith.constant 128 : i32
    %mul3A_733 = arith.muli %add3A_731, %mul3A_732 : i32
    %dma_wait3A_734 = arith.constant 1 : i32
    %dma_wait3A_735 = arith.constant 5 : i32
    %dma_wait3A_736 = arith.constant 0 : i32
    %dma_wait3A_737 = tpu.memref_slice %arg6[%dma_wait3A_735, %dma_wait3A_736] : memref<40x128xi32, #tpu.memory_space<vmem>> -> memref<1x128xi32, #tpu.memory_space<vmem>>
    %dma_wait3A_738 = tpu.memref_squeeze %dma_wait3A_737 : memref<1x128xi32, #tpu.memory_space<vmem>> -> memref<128xi32, #tpu.memory_space<vmem>>
    %dma_wait3A_739 = tpu.memref_slice %arg3[%dma_wait3A_734, %mul3A_733] : memref<2x320000xi32, #tpu.memory_space<hbm>> -> memref<1x128xi32, #tpu.memory_space<hbm>>
    %dma_wait3A_740 = tpu.memref_squeeze %dma_wait3A_739 : memref<1x128xi32, #tpu.memory_space<hbm>> -> memref<128xi32, #tpu.memory_space<hbm>>
    %dma_wait3A_741 = arith.constant 0 : i32
    %dma_wait3A_742 = tpu.memref_slice %arg6[%dma_wait3A_735, %dma_wait3A_741] : memref<40x128xi32, #tpu.memory_space<vmem>> -> memref<1x128xi32, #tpu.memory_space<vmem>>
    %dma_wait3A_743 = tpu.memref_squeeze %dma_wait3A_742 : memref<1x128xi32, #tpu.memory_space<vmem>> -> memref<128xi32, #tpu.memory_space<vmem>>
    %dma_wait3A_744 = tpu.memref_slice %arg3[%dma_wait3A_734, %mul3A_733] : memref<2x320000xi32, #tpu.memory_space<hbm>> -> memref<1x128xi32, #tpu.memory_space<hbm>>
    %dma_wait3A_745 = tpu.memref_squeeze %dma_wait3A_744 : memref<1x128xi32, #tpu.memory_space<hbm>> -> memref<128xi32, #tpu.memory_space<hbm>>
    tpu.wait_dma2 semaphore(%arg13 : memref<!tpu.dma_semaphore, #tpu.memory_space<semaphore_mem>>) src(%dma_wait3A_745 : memref<128xi32, #tpu.memory_space<hbm>>) dst(%dma_wait3A_743 : memref<128xi32, #tpu.memory_space<vmem>>)
    %add3A_746 = arith.constant 6 : i32
    %add3A_747 = arith.addi %min3A_9, %add3A_746 : i32
    %mul3A_748 = arith.constant 128 : i32
    %mul3A_749 = arith.muli %add3A_747, %mul3A_748 : i32
    %dma_wait3A_750 = arith.constant 1 : i32
    %dma_wait3A_751 = arith.constant 6 : i32
    %dma_wait3A_752 = arith.constant 0 : i32
    %dma_wait3A_753 = tpu.memref_slice %arg6[%dma_wait3A_751, %dma_wait3A_752] : memref<40x128xi32, #tpu.memory_space<vmem>> -> memref<1x128xi32, #tpu.memory_space<vmem>>
    %dma_wait3A_754 = tpu.memref_squeeze %dma_wait3A_753 : memref<1x128xi32, #tpu.memory_space<vmem>> -> memref<128xi32, #tpu.memory_space<vmem>>
    %dma_wait3A_755 = tpu.memref_slice %arg3[%dma_wait3A_750, %mul3A_749] : memref<2x320000xi32, #tpu.memory_space<hbm>> -> memref<1x128xi32, #tpu.memory_space<hbm>>
    %dma_wait3A_756 = tpu.memref_squeeze %dma_wait3A_755 : memref<1x128xi32, #tpu.memory_space<hbm>> -> memref<128xi32, #tpu.memory_space<hbm>>
    %dma_wait3A_757 = arith.constant 0 : i32
    %dma_wait3A_758 = tpu.memref_slice %arg6[%dma_wait3A_751, %dma_wait3A_757] : memref<40x128xi32, #tpu.memory_space<vmem>> -> memref<1x128xi32, #tpu.memory_space<vmem>>
    %dma_wait3A_759 = tpu.memref_squeeze %dma_wait3A_758 : memref<1x128xi32, #tpu.memory_space<vmem>> -> memref<128xi32, #tpu.memory_space<vmem>>
    %dma_wait3A_760 = tpu.memref_slice %arg3[%dma_wait3A_750, %mul3A_749] : memref<2x320000xi32, #tpu.memory_space<hbm>> -> memref<1x128xi32, #tpu.memory_space<hbm>>
    %dma_wait3A_761 = tpu.memref_squeeze %dma_wait3A_760 : memref<1x128xi32, #tpu.memory_space<hbm>> -> memref<128xi32, #tpu.memory_space<hbm>>
    tpu.wait_dma2 semaphore(%arg13 : memref<!tpu.dma_semaphore, #tpu.memory_space<semaphore_mem>>) src(%dma_wait3A_761 : memref<128xi32, #tpu.memory_space<hbm>>) dst(%dma_wait3A_759 : memref<128xi32, #tpu.memory_space<vmem>>)
    %add3A_762 = arith.constant 7 : i32
    %add3A_763 = arith.addi %min3A_9, %add3A_762 : i32
    %mul3A_764 = arith.constant 128 : i32
    %mul3A_765 = arith.muli %add3A_763, %mul3A_764 : i32
    %dma_wait3A_766 = arith.constant 1 : i32
    %dma_wait3A_767 = arith.constant 7 : i32
    %dma_wait3A_768 = arith.constant 0 : i32
    %dma_wait3A_769 = tpu.memref_slice %arg6[%dma_wait3A_767, %dma_wait3A_768] : memref<40x128xi32, #tpu.memory_space<vmem>> -> memref<1x128xi32, #tpu.memory_space<vmem>>
    %dma_wait3A_770 = tpu.memref_squeeze %dma_wait3A_769 : memref<1x128xi32, #tpu.memory_space<vmem>> -> memref<128xi32, #tpu.memory_space<vmem>>
    %dma_wait3A_771 = tpu.memref_slice %arg3[%dma_wait3A_766, %mul3A_765] : memref<2x320000xi32, #tpu.memory_space<hbm>> -> memref<1x128xi32, #tpu.memory_space<hbm>>
    %dma_wait3A_772 = tpu.memref_squeeze %dma_wait3A_771 : memref<1x128xi32, #tpu.memory_space<hbm>> -> memref<128xi32, #tpu.memory_space<hbm>>
    %dma_wait3A_773 = arith.constant 0 : i32
    %dma_wait3A_774 = tpu.memref_slice %arg6[%dma_wait3A_767, %dma_wait3A_773] : memref<40x128xi32, #tpu.memory_space<vmem>> -> memref<1x128xi32, #tpu.memory_space<vmem>>
    %dma_wait3A_775 = tpu.memref_squeeze %dma_wait3A_774 : memref<1x128xi32, #tpu.memory_space<vmem>> -> memref<128xi32, #tpu.memory_space<vmem>>
    %dma_wait3A_776 = tpu.memref_slice %arg3[%dma_wait3A_766, %mul3A_765] : memref<2x320000xi32, #tpu.memory_space<hbm>> -> memref<1x128xi32, #tpu.memory_space<hbm>>
    %dma_wait3A_777 = tpu.memref_squeeze %dma_wait3A_776 : memref<1x128xi32, #tpu.memory_space<hbm>> -> memref<128xi32, #tpu.memory_space<hbm>>
    tpu.wait_dma2 semaphore(%arg13 : memref<!tpu.dma_semaphore, #tpu.memory_space<semaphore_mem>>) src(%dma_wait3A_777 : memref<128xi32, #tpu.memory_space<hbm>>) dst(%dma_wait3A_775 : memref<128xi32, #tpu.memory_space<vmem>>)
    %add3A_778 = arith.constant 8 : i32
    %add3A_779 = arith.addi %min3A_9, %add3A_778 : i32
    %mul3A_780 = arith.constant 128 : i32
    %mul3A_781 = arith.muli %add3A_779, %mul3A_780 : i32
    %dma_wait3A_782 = arith.constant 1 : i32
    %dma_wait3A_783 = arith.constant 8 : i32
    %dma_wait3A_784 = arith.constant 0 : i32
    %dma_wait3A_785 = tpu.memref_slice %arg6[%dma_wait3A_783, %dma_wait3A_784] : memref<40x128xi32, #tpu.memory_space<vmem>> -> memref<1x128xi32, #tpu.memory_space<vmem>>
    %dma_wait3A_786 = tpu.memref_squeeze %dma_wait3A_785 : memref<1x128xi32, #tpu.memory_space<vmem>> -> memref<128xi32, #tpu.memory_space<vmem>>
    %dma_wait3A_787 = tpu.memref_slice %arg3[%dma_wait3A_782, %mul3A_781] : memref<2x320000xi32, #tpu.memory_space<hbm>> -> memref<1x128xi32, #tpu.memory_space<hbm>>
    %dma_wait3A_788 = tpu.memref_squeeze %dma_wait3A_787 : memref<1x128xi32, #tpu.memory_space<hbm>> -> memref<128xi32, #tpu.memory_space<hbm>>
    %dma_wait3A_789 = arith.constant 0 : i32
    %dma_wait3A_790 = tpu.memref_slice %arg6[%dma_wait3A_783, %dma_wait3A_789] : memref<40x128xi32, #tpu.memory_space<vmem>> -> memref<1x128xi32, #tpu.memory_space<vmem>>
    %dma_wait3A_791 = tpu.memref_squeeze %dma_wait3A_790 : memref<1x128xi32, #tpu.memory_space<vmem>> -> memref<128xi32, #tpu.memory_space<vmem>>
    %dma_wait3A_792 = tpu.memref_slice %arg3[%dma_wait3A_782, %mul3A_781] : memref<2x320000xi32, #tpu.memory_space<hbm>> -> memref<1x128xi32, #tpu.memory_space<hbm>>
    %dma_wait3A_793 = tpu.memref_squeeze %dma_wait3A_792 : memref<1x128xi32, #tpu.memory_space<hbm>> -> memref<128xi32, #tpu.memory_space<hbm>>
    tpu.wait_dma2 semaphore(%arg13 : memref<!tpu.dma_semaphore, #tpu.memory_space<semaphore_mem>>) src(%dma_wait3A_793 : memref<128xi32, #tpu.memory_space<hbm>>) dst(%dma_wait3A_791 : memref<128xi32, #tpu.memory_space<vmem>>)
    %add3A_794 = arith.constant 9 : i32
    %add3A_795 = arith.addi %min3A_9, %add3A_794 : i32
    %mul3A_796 = arith.constant 128 : i32
    %mul3A_797 = arith.muli %add3A_795, %mul3A_796 : i32
    %dma_wait3A_798 = arith.constant 1 : i32
    %dma_wait3A_799 = arith.constant 9 : i32
    %dma_wait3A_800 = arith.constant 0 : i32
    %dma_wait3A_801 = tpu.memref_slice %arg6[%dma_wait3A_799, %dma_wait3A_800] : memref<40x128xi32, #tpu.memory_space<vmem>> -> memref<1x128xi32, #tpu.memory_space<vmem>>
    %dma_wait3A_802 = tpu.memref_squeeze %dma_wait3A_801 : memref<1x128xi32, #tpu.memory_space<vmem>> -> memref<128xi32, #tpu.memory_space<vmem>>
    %dma_wait3A_803 = tpu.memref_slice %arg3[%dma_wait3A_798, %mul3A_797] : memref<2x320000xi32, #tpu.memory_space<hbm>> -> memref<1x128xi32, #tpu.memory_space<hbm>>
    %dma_wait3A_804 = tpu.memref_squeeze %dma_wait3A_803 : memref<1x128xi32, #tpu.memory_space<hbm>> -> memref<128xi32, #tpu.memory_space<hbm>>
    %dma_wait3A_805 = arith.constant 0 : i32
    %dma_wait3A_806 = tpu.memref_slice %arg6[%dma_wait3A_799, %dma_wait3A_805] : memref<40x128xi32, #tpu.memory_space<vmem>> -> memref<1x128xi32, #tpu.memory_space<vmem>>
    %dma_wait3A_807 = tpu.memref_squeeze %dma_wait3A_806 : memref<1x128xi32, #tpu.memory_space<vmem>> -> memref<128xi32, #tpu.memory_space<vmem>>
    %dma_wait3A_808 = tpu.memref_slice %arg3[%dma_wait3A_798, %mul3A_797] : memref<2x320000xi32, #tpu.memory_space<hbm>> -> memref<1x128xi32, #tpu.memory_space<hbm>>
    %dma_wait3A_809 = tpu.memref_squeeze %dma_wait3A_808 : memref<1x128xi32, #tpu.memory_space<hbm>> -> memref<128xi32, #tpu.memory_space<hbm>>
    tpu.wait_dma2 semaphore(%arg13 : memref<!tpu.dma_semaphore, #tpu.memory_space<semaphore_mem>>) src(%dma_wait3A_809 : memref<128xi32, #tpu.memory_space<hbm>>) dst(%dma_wait3A_807 : memref<128xi32, #tpu.memory_space<vmem>>)
    %add3A_810 = arith.constant 10 : i32
    %add3A_811 = arith.addi %min3A_9, %add3A_810 : i32
    %mul3A_812 = arith.constant 128 : i32
    %mul3A_813 = arith.muli %add3A_811, %mul3A_812 : i32
    %dma_wait3A_814 = arith.constant 1 : i32
    %dma_wait3A_815 = arith.constant 10 : i32
    %dma_wait3A_816 = arith.constant 0 : i32
    %dma_wait3A_817 = tpu.memref_slice %arg6[%dma_wait3A_815, %dma_wait3A_816] : memref<40x128xi32, #tpu.memory_space<vmem>> -> memref<1x128xi32, #tpu.memory_space<vmem>>
    %dma_wait3A_818 = tpu.memref_squeeze %dma_wait3A_817 : memref<1x128xi32, #tpu.memory_space<vmem>> -> memref<128xi32, #tpu.memory_space<vmem>>
    %dma_wait3A_819 = tpu.memref_slice %arg3[%dma_wait3A_814, %mul3A_813] : memref<2x320000xi32, #tpu.memory_space<hbm>> -> memref<1x128xi32, #tpu.memory_space<hbm>>
    %dma_wait3A_820 = tpu.memref_squeeze %dma_wait3A_819 : memref<1x128xi32, #tpu.memory_space<hbm>> -> memref<128xi32, #tpu.memory_space<hbm>>
    %dma_wait3A_821 = arith.constant 0 : i32
    %dma_wait3A_822 = tpu.memref_slice %arg6[%dma_wait3A_815, %dma_wait3A_821] : memref<40x128xi32, #tpu.memory_space<vmem>> -> memref<1x128xi32, #tpu.memory_space<vmem>>
    %dma_wait3A_823 = tpu.memref_squeeze %dma_wait3A_822 : memref<1x128xi32, #tpu.memory_space<vmem>> -> memref<128xi32, #tpu.memory_space<vmem>>
    %dma_wait3A_824 = tpu.memref_slice %arg3[%dma_wait3A_814, %mul3A_813] : memref<2x320000xi32, #tpu.memory_space<hbm>> -> memref<1x128xi32, #tpu.memory_space<hbm>>
    %dma_wait3A_825 = tpu.memref_squeeze %dma_wait3A_824 : memref<1x128xi32, #tpu.memory_space<hbm>> -> memref<128xi32, #tpu.memory_space<hbm>>
    tpu.wait_dma2 semaphore(%arg13 : memref<!tpu.dma_semaphore, #tpu.memory_space<semaphore_mem>>) src(%dma_wait3A_825 : memref<128xi32, #tpu.memory_space<hbm>>) dst(%dma_wait3A_823 : memref<128xi32, #tpu.memory_space<vmem>>)
    %add3A_826 = arith.constant 11 : i32
    %add3A_827 = arith.addi %min3A_9, %add3A_826 : i32
    %mul3A_828 = arith.constant 128 : i32
    %mul3A_829 = arith.muli %add3A_827, %mul3A_828 : i32
    %dma_wait3A_830 = arith.constant 1 : i32
    %dma_wait3A_831 = arith.constant 11 : i32
    %dma_wait3A_832 = arith.constant 0 : i32
    %dma_wait3A_833 = tpu.memref_slice %arg6[%dma_wait3A_831, %dma_wait3A_832] : memref<40x128xi32, #tpu.memory_space<vmem>> -> memref<1x128xi32, #tpu.memory_space<vmem>>
    %dma_wait3A_834 = tpu.memref_squeeze %dma_wait3A_833 : memref<1x128xi32, #tpu.memory_space<vmem>> -> memref<128xi32, #tpu.memory_space<vmem>>
    %dma_wait3A_835 = tpu.memref_slice %arg3[%dma_wait3A_830, %mul3A_829] : memref<2x320000xi32, #tpu.memory_space<hbm>> -> memref<1x128xi32, #tpu.memory_space<hbm>>
    %dma_wait3A_836 = tpu.memref_squeeze %dma_wait3A_835 : memref<1x128xi32, #tpu.memory_space<hbm>> -> memref<128xi32, #tpu.memory_space<hbm>>
    %dma_wait3A_837 = arith.constant 0 : i32
    %dma_wait3A_838 = tpu.memref_slice %arg6[%dma_wait3A_831, %dma_wait3A_837] : memref<40x128xi32, #tpu.memory_space<vmem>> -> memref<1x128xi32, #tpu.memory_space<vmem>>
    %dma_wait3A_839 = tpu.memref_squeeze %dma_wait3A_838 : memref<1x128xi32, #tpu.memory_space<vmem>> -> memref<128xi32, #tpu.memory_space<vmem>>
    %dma_wait3A_840 = tpu.memref_slice %arg3[%dma_wait3A_830, %mul3A_829] : memref<2x320000xi32, #tpu.memory_space<hbm>> -> memref<1x128xi32, #tpu.memory_space<hbm>>
    %dma_wait3A_841 = tpu.memref_squeeze %dma_wait3A_840 : memref<1x128xi32, #tpu.memory_space<hbm>> -> memref<128xi32, #tpu.memory_space<hbm>>
    tpu.wait_dma2 semaphore(%arg13 : memref<!tpu.dma_semaphore, #tpu.memory_space<semaphore_mem>>) src(%dma_wait3A_841 : memref<128xi32, #tpu.memory_space<hbm>>) dst(%dma_wait3A_839 : memref<128xi32, #tpu.memory_space<vmem>>)
    %add3A_842 = arith.constant 12 : i32
    %add3A_843 = arith.addi %min3A_9, %add3A_842 : i32
    %mul3A_844 = arith.constant 128 : i32
    %mul3A_845 = arith.muli %add3A_843, %mul3A_844 : i32
    %dma_wait3A_846 = arith.constant 1 : i32
    %dma_wait3A_847 = arith.constant 12 : i32
    %dma_wait3A_848 = arith.constant 0 : i32
    %dma_wait3A_849 = tpu.memref_slice %arg6[%dma_wait3A_847, %dma_wait3A_848] : memref<40x128xi32, #tpu.memory_space<vmem>> -> memref<1x128xi32, #tpu.memory_space<vmem>>
    %dma_wait3A_850 = tpu.memref_squeeze %dma_wait3A_849 : memref<1x128xi32, #tpu.memory_space<vmem>> -> memref<128xi32, #tpu.memory_space<vmem>>
    %dma_wait3A_851 = tpu.memref_slice %arg3[%dma_wait3A_846, %mul3A_845] : memref<2x320000xi32, #tpu.memory_space<hbm>> -> memref<1x128xi32, #tpu.memory_space<hbm>>
    %dma_wait3A_852 = tpu.memref_squeeze %dma_wait3A_851 : memref<1x128xi32, #tpu.memory_space<hbm>> -> memref<128xi32, #tpu.memory_space<hbm>>
    %dma_wait3A_853 = arith.constant 0 : i32
    %dma_wait3A_854 = tpu.memref_slice %arg6[%dma_wait3A_847, %dma_wait3A_853] : memref<40x128xi32, #tpu.memory_space<vmem>> -> memref<1x128xi32, #tpu.memory_space<vmem>>
    %dma_wait3A_855 = tpu.memref_squeeze %dma_wait3A_854 : memref<1x128xi32, #tpu.memory_space<vmem>> -> memref<128xi32, #tpu.memory_space<vmem>>
    %dma_wait3A_856 = tpu.memref_slice %arg3[%dma_wait3A_846, %mul3A_845] : memref<2x320000xi32, #tpu.memory_space<hbm>> -> memref<1x128xi32, #tpu.memory_space<hbm>>
    %dma_wait3A_857 = tpu.memref_squeeze %dma_wait3A_856 : memref<1x128xi32, #tpu.memory_space<hbm>> -> memref<128xi32, #tpu.memory_space<hbm>>
    tpu.wait_dma2 semaphore(%arg13 : memref<!tpu.dma_semaphore, #tpu.memory_space<semaphore_mem>>) src(%dma_wait3A_857 : memref<128xi32, #tpu.memory_space<hbm>>) dst(%dma_wait3A_855 : memref<128xi32, #tpu.memory_space<vmem>>)
    %add3A_858 = arith.constant 13 : i32
    %add3A_859 = arith.addi %min3A_9, %add3A_858 : i32
    %mul3A_860 = arith.constant 128 : i32
    %mul3A_861 = arith.muli %add3A_859, %mul3A_860 : i32
    %dma_wait3A_862 = arith.constant 1 : i32
    %dma_wait3A_863 = arith.constant 13 : i32
    %dma_wait3A_864 = arith.constant 0 : i32
    %dma_wait3A_865 = tpu.memref_slice %arg6[%dma_wait3A_863, %dma_wait3A_864] : memref<40x128xi32, #tpu.memory_space<vmem>> -> memref<1x128xi32, #tpu.memory_space<vmem>>
    %dma_wait3A_866 = tpu.memref_squeeze %dma_wait3A_865 : memref<1x128xi32, #tpu.memory_space<vmem>> -> memref<128xi32, #tpu.memory_space<vmem>>
    %dma_wait3A_867 = tpu.memref_slice %arg3[%dma_wait3A_862, %mul3A_861] : memref<2x320000xi32, #tpu.memory_space<hbm>> -> memref<1x128xi32, #tpu.memory_space<hbm>>
    %dma_wait3A_868 = tpu.memref_squeeze %dma_wait3A_867 : memref<1x128xi32, #tpu.memory_space<hbm>> -> memref<128xi32, #tpu.memory_space<hbm>>
    %dma_wait3A_869 = arith.constant 0 : i32
    %dma_wait3A_870 = tpu.memref_slice %arg6[%dma_wait3A_863, %dma_wait3A_869] : memref<40x128xi32, #tpu.memory_space<vmem>> -> memref<1x128xi32, #tpu.memory_space<vmem>>
    %dma_wait3A_871 = tpu.memref_squeeze %dma_wait3A_870 : memref<1x128xi32, #tpu.memory_space<vmem>> -> memref<128xi32, #tpu.memory_space<vmem>>
    %dma_wait3A_872 = tpu.memref_slice %arg3[%dma_wait3A_862, %mul3A_861] : memref<2x320000xi32, #tpu.memory_space<hbm>> -> memref<1x128xi32, #tpu.memory_space<hbm>>
    %dma_wait3A_873 = tpu.memref_squeeze %dma_wait3A_872 : memref<1x128xi32, #tpu.memory_space<hbm>> -> memref<128xi32, #tpu.memory_space<hbm>>
    tpu.wait_dma2 semaphore(%arg13 : memref<!tpu.dma_semaphore, #tpu.memory_space<semaphore_mem>>) src(%dma_wait3A_873 : memref<128xi32, #tpu.memory_space<hbm>>) dst(%dma_wait3A_871 : memref<128xi32, #tpu.memory_space<vmem>>)
    %add3A_874 = arith.constant 14 : i32
    %add3A_875 = arith.addi %min3A_9, %add3A_874 : i32
    %mul3A_876 = arith.constant 128 : i32
    %mul3A_877 = arith.muli %add3A_875, %mul3A_876 : i32
    %dma_wait3A_878 = arith.constant 1 : i32
    %dma_wait3A_879 = arith.constant 14 : i32
    %dma_wait3A_880 = arith.constant 0 : i32
    %dma_wait3A_881 = tpu.memref_slice %arg6[%dma_wait3A_879, %dma_wait3A_880] : memref<40x128xi32, #tpu.memory_space<vmem>> -> memref<1x128xi32, #tpu.memory_space<vmem>>
    %dma_wait3A_882 = tpu.memref_squeeze %dma_wait3A_881 : memref<1x128xi32, #tpu.memory_space<vmem>> -> memref<128xi32, #tpu.memory_space<vmem>>
    %dma_wait3A_883 = tpu.memref_slice %arg3[%dma_wait3A_878, %mul3A_877] : memref<2x320000xi32, #tpu.memory_space<hbm>> -> memref<1x128xi32, #tpu.memory_space<hbm>>
    %dma_wait3A_884 = tpu.memref_squeeze %dma_wait3A_883 : memref<1x128xi32, #tpu.memory_space<hbm>> -> memref<128xi32, #tpu.memory_space<hbm>>
    %dma_wait3A_885 = arith.constant 0 : i32
    %dma_wait3A_886 = tpu.memref_slice %arg6[%dma_wait3A_879, %dma_wait3A_885] : memref<40x128xi32, #tpu.memory_space<vmem>> -> memref<1x128xi32, #tpu.memory_space<vmem>>
    %dma_wait3A_887 = tpu.memref_squeeze %dma_wait3A_886 : memref<1x128xi32, #tpu.memory_space<vmem>> -> memref<128xi32, #tpu.memory_space<vmem>>
    %dma_wait3A_888 = tpu.memref_slice %arg3[%dma_wait3A_878, %mul3A_877] : memref<2x320000xi32, #tpu.memory_space<hbm>> -> memref<1x128xi32, #tpu.memory_space<hbm>>
    %dma_wait3A_889 = tpu.memref_squeeze %dma_wait3A_888 : memref<1x128xi32, #tpu.memory_space<hbm>> -> memref<128xi32, #tpu.memory_space<hbm>>
    tpu.wait_dma2 semaphore(%arg13 : memref<!tpu.dma_semaphore, #tpu.memory_space<semaphore_mem>>) src(%dma_wait3A_889 : memref<128xi32, #tpu.memory_space<hbm>>) dst(%dma_wait3A_887 : memref<128xi32, #tpu.memory_space<vmem>>)
    %add3A_890 = arith.constant 15 : i32
    %add3A_891 = arith.addi %min3A_9, %add3A_890 : i32
    %mul3A_892 = arith.constant 128 : i32
    %mul3A_893 = arith.muli %add3A_891, %mul3A_892 : i32
    %dma_wait3A_894 = arith.constant 1 : i32
    %dma_wait3A_895 = arith.constant 15 : i32
    %dma_wait3A_896 = arith.constant 0 : i32
    %dma_wait3A_897 = tpu.memref_slice %arg6[%dma_wait3A_895, %dma_wait3A_896] : memref<40x128xi32, #tpu.memory_space<vmem>> -> memref<1x128xi32, #tpu.memory_space<vmem>>
    %dma_wait3A_898 = tpu.memref_squeeze %dma_wait3A_897 : memref<1x128xi32, #tpu.memory_space<vmem>> -> memref<128xi32, #tpu.memory_space<vmem>>
    %dma_wait3A_899 = tpu.memref_slice %arg3[%dma_wait3A_894, %mul3A_893] : memref<2x320000xi32, #tpu.memory_space<hbm>> -> memref<1x128xi32, #tpu.memory_space<hbm>>
    %dma_wait3A_900 = tpu.memref_squeeze %dma_wait3A_899 : memref<1x128xi32, #tpu.memory_space<hbm>> -> memref<128xi32, #tpu.memory_space<hbm>>
    %dma_wait3A_901 = arith.constant 0 : i32
    %dma_wait3A_902 = tpu.memref_slice %arg6[%dma_wait3A_895, %dma_wait3A_901] : memref<40x128xi32, #tpu.memory_space<vmem>> -> memref<1x128xi32, #tpu.memory_space<vmem>>
    %dma_wait3A_903 = tpu.memref_squeeze %dma_wait3A_902 : memref<1x128xi32, #tpu.memory_space<vmem>> -> memref<128xi32, #tpu.memory_space<vmem>>
    %dma_wait3A_904 = tpu.memref_slice %arg3[%dma_wait3A_894, %mul3A_893] : memref<2x320000xi32, #tpu.memory_space<hbm>> -> memref<1x128xi32, #tpu.memory_space<hbm>>
    %dma_wait3A_905 = tpu.memref_squeeze %dma_wait3A_904 : memref<1x128xi32, #tpu.memory_space<hbm>> -> memref<128xi32, #tpu.memory_space<hbm>>
    tpu.wait_dma2 semaphore(%arg13 : memref<!tpu.dma_semaphore, #tpu.memory_space<semaphore_mem>>) src(%dma_wait3A_905 : memref<128xi32, #tpu.memory_space<hbm>>) dst(%dma_wait3A_903 : memref<128xi32, #tpu.memory_space<vmem>>)
    %add3A_906 = arith.constant 16 : i32
    %add3A_907 = arith.addi %min3A_9, %add3A_906 : i32
    %mul3A_908 = arith.constant 128 : i32
    %mul3A_909 = arith.muli %add3A_907, %mul3A_908 : i32
    %dma_wait3A_910 = arith.constant 1 : i32
    %dma_wait3A_911 = arith.constant 16 : i32
    %dma_wait3A_912 = arith.constant 0 : i32
    %dma_wait3A_913 = tpu.memref_slice %arg6[%dma_wait3A_911, %dma_wait3A_912] : memref<40x128xi32, #tpu.memory_space<vmem>> -> memref<1x128xi32, #tpu.memory_space<vmem>>
    %dma_wait3A_914 = tpu.memref_squeeze %dma_wait3A_913 : memref<1x128xi32, #tpu.memory_space<vmem>> -> memref<128xi32, #tpu.memory_space<vmem>>
    %dma_wait3A_915 = tpu.memref_slice %arg3[%dma_wait3A_910, %mul3A_909] : memref<2x320000xi32, #tpu.memory_space<hbm>> -> memref<1x128xi32, #tpu.memory_space<hbm>>
    %dma_wait3A_916 = tpu.memref_squeeze %dma_wait3A_915 : memref<1x128xi32, #tpu.memory_space<hbm>> -> memref<128xi32, #tpu.memory_space<hbm>>
    %dma_wait3A_917 = arith.constant 0 : i32
    %dma_wait3A_918 = tpu.memref_slice %arg6[%dma_wait3A_911, %dma_wait3A_917] : memref<40x128xi32, #tpu.memory_space<vmem>> -> memref<1x128xi32, #tpu.memory_space<vmem>>
    %dma_wait3A_919 = tpu.memref_squeeze %dma_wait3A_918 : memref<1x128xi32, #tpu.memory_space<vmem>> -> memref<128xi32, #tpu.memory_space<vmem>>
    %dma_wait3A_920 = tpu.memref_slice %arg3[%dma_wait3A_910, %mul3A_909] : memref<2x320000xi32, #tpu.memory_space<hbm>> -> memref<1x128xi32, #tpu.memory_space<hbm>>
    %dma_wait3A_921 = tpu.memref_squeeze %dma_wait3A_920 : memref<1x128xi32, #tpu.memory_space<hbm>> -> memref<128xi32, #tpu.memory_space<hbm>>
    tpu.wait_dma2 semaphore(%arg13 : memref<!tpu.dma_semaphore, #tpu.memory_space<semaphore_mem>>) src(%dma_wait3A_921 : memref<128xi32, #tpu.memory_space<hbm>>) dst(%dma_wait3A_919 : memref<128xi32, #tpu.memory_space<vmem>>)
    %add3A_922 = arith.constant 17 : i32
    %add3A_923 = arith.addi %min3A_9, %add3A_922 : i32
    %mul3A_924 = arith.constant 128 : i32
    %mul3A_925 = arith.muli %add3A_923, %mul3A_924 : i32
    %dma_wait3A_926 = arith.constant 1 : i32
    %dma_wait3A_927 = arith.constant 17 : i32
    %dma_wait3A_928 = arith.constant 0 : i32
    %dma_wait3A_929 = tpu.memref_slice %arg6[%dma_wait3A_927, %dma_wait3A_928] : memref<40x128xi32, #tpu.memory_space<vmem>> -> memref<1x128xi32, #tpu.memory_space<vmem>>
    %dma_wait3A_930 = tpu.memref_squeeze %dma_wait3A_929 : memref<1x128xi32, #tpu.memory_space<vmem>> -> memref<128xi32, #tpu.memory_space<vmem>>
    %dma_wait3A_931 = tpu.memref_slice %arg3[%dma_wait3A_926, %mul3A_925] : memref<2x320000xi32, #tpu.memory_space<hbm>> -> memref<1x128xi32, #tpu.memory_space<hbm>>
    %dma_wait3A_932 = tpu.memref_squeeze %dma_wait3A_931 : memref<1x128xi32, #tpu.memory_space<hbm>> -> memref<128xi32, #tpu.memory_space<hbm>>
    %dma_wait3A_933 = arith.constant 0 : i32
    %dma_wait3A_934 = tpu.memref_slice %arg6[%dma_wait3A_927, %dma_wait3A_933] : memref<40x128xi32, #tpu.memory_space<vmem>> -> memref<1x128xi32, #tpu.memory_space<vmem>>
    %dma_wait3A_935 = tpu.memref_squeeze %dma_wait3A_934 : memref<1x128xi32, #tpu.memory_space<vmem>> -> memref<128xi32, #tpu.memory_space<vmem>>
    %dma_wait3A_936 = tpu.memref_slice %arg3[%dma_wait3A_926, %mul3A_925] : memref<2x320000xi32, #tpu.memory_space<hbm>> -> memref<1x128xi32, #tpu.memory_space<hbm>>
    %dma_wait3A_937 = tpu.memref_squeeze %dma_wait3A_936 : memref<1x128xi32, #tpu.memory_space<hbm>> -> memref<128xi32, #tpu.memory_space<hbm>>
    tpu.wait_dma2 semaphore(%arg13 : memref<!tpu.dma_semaphore, #tpu.memory_space<semaphore_mem>>) src(%dma_wait3A_937 : memref<128xi32, #tpu.memory_space<hbm>>) dst(%dma_wait3A_935 : memref<128xi32, #tpu.memory_space<vmem>>)
    %add3A_938 = arith.constant 18 : i32
    %add3A_939 = arith.addi %min3A_9, %add3A_938 : i32
    %mul3A_940 = arith.constant 128 : i32
    %mul3A_941 = arith.muli %add3A_939, %mul3A_940 : i32
    %dma_wait3A_942 = arith.constant 1 : i32
    %dma_wait3A_943 = arith.constant 18 : i32
    %dma_wait3A_944 = arith.constant 0 : i32
    %dma_wait3A_945 = tpu.memref_slice %arg6[%dma_wait3A_943, %dma_wait3A_944] : memref<40x128xi32, #tpu.memory_space<vmem>> -> memref<1x128xi32, #tpu.memory_space<vmem>>
    %dma_wait3A_946 = tpu.memref_squeeze %dma_wait3A_945 : memref<1x128xi32, #tpu.memory_space<vmem>> -> memref<128xi32, #tpu.memory_space<vmem>>
    %dma_wait3A_947 = tpu.memref_slice %arg3[%dma_wait3A_942, %mul3A_941] : memref<2x320000xi32, #tpu.memory_space<hbm>> -> memref<1x128xi32, #tpu.memory_space<hbm>>
    %dma_wait3A_948 = tpu.memref_squeeze %dma_wait3A_947 : memref<1x128xi32, #tpu.memory_space<hbm>> -> memref<128xi32, #tpu.memory_space<hbm>>
    %dma_wait3A_949 = arith.constant 0 : i32
    %dma_wait3A_950 = tpu.memref_slice %arg6[%dma_wait3A_943, %dma_wait3A_949] : memref<40x128xi32, #tpu.memory_space<vmem>> -> memref<1x128xi32, #tpu.memory_space<vmem>>
    %dma_wait3A_951 = tpu.memref_squeeze %dma_wait3A_950 : memref<1x128xi32, #tpu.memory_space<vmem>> -> memref<128xi32, #tpu.memory_space<vmem>>
    %dma_wait3A_952 = tpu.memref_slice %arg3[%dma_wait3A_942, %mul3A_941] : memref<2x320000xi32, #tpu.memory_space<hbm>> -> memref<1x128xi32, #tpu.memory_space<hbm>>
    %dma_wait3A_953 = tpu.memref_squeeze %dma_wait3A_952 : memref<1x128xi32, #tpu.memory_space<hbm>> -> memref<128xi32, #tpu.memory_space<hbm>>
    tpu.wait_dma2 semaphore(%arg13 : memref<!tpu.dma_semaphore, #tpu.memory_space<semaphore_mem>>) src(%dma_wait3A_953 : memref<128xi32, #tpu.memory_space<hbm>>) dst(%dma_wait3A_951 : memref<128xi32, #tpu.memory_space<vmem>>)
    %add3A_954 = arith.constant 19 : i32
    %add3A_955 = arith.addi %min3A_9, %add3A_954 : i32
    %mul3A_956 = arith.constant 128 : i32
    %mul3A_957 = arith.muli %add3A_955, %mul3A_956 : i32
    %dma_wait3A_958 = arith.constant 1 : i32
    %dma_wait3A_959 = arith.constant 19 : i32
    %dma_wait3A_960 = arith.constant 0 : i32
    %dma_wait3A_961 = tpu.memref_slice %arg6[%dma_wait3A_959, %dma_wait3A_960] : memref<40x128xi32, #tpu.memory_space<vmem>> -> memref<1x128xi32, #tpu.memory_space<vmem>>
    %dma_wait3A_962 = tpu.memref_squeeze %dma_wait3A_961 : memref<1x128xi32, #tpu.memory_space<vmem>> -> memref<128xi32, #tpu.memory_space<vmem>>
    %dma_wait3A_963 = tpu.memref_slice %arg3[%dma_wait3A_958, %mul3A_957] : memref<2x320000xi32, #tpu.memory_space<hbm>> -> memref<1x128xi32, #tpu.memory_space<hbm>>
    %dma_wait3A_964 = tpu.memref_squeeze %dma_wait3A_963 : memref<1x128xi32, #tpu.memory_space<hbm>> -> memref<128xi32, #tpu.memory_space<hbm>>
    %dma_wait3A_965 = arith.constant 0 : i32
    %dma_wait3A_966 = tpu.memref_slice %arg6[%dma_wait3A_959, %dma_wait3A_965] : memref<40x128xi32, #tpu.memory_space<vmem>> -> memref<1x128xi32, #tpu.memory_space<vmem>>
    %dma_wait3A_967 = tpu.memref_squeeze %dma_wait3A_966 : memref<1x128xi32, #tpu.memory_space<vmem>> -> memref<128xi32, #tpu.memory_space<vmem>>
    %dma_wait3A_968 = tpu.memref_slice %arg3[%dma_wait3A_958, %mul3A_957] : memref<2x320000xi32, #tpu.memory_space<hbm>> -> memref<1x128xi32, #tpu.memory_space<hbm>>
    %dma_wait3A_969 = tpu.memref_squeeze %dma_wait3A_968 : memref<1x128xi32, #tpu.memory_space<hbm>> -> memref<128xi32, #tpu.memory_space<hbm>>
    tpu.wait_dma2 semaphore(%arg13 : memref<!tpu.dma_semaphore, #tpu.memory_space<semaphore_mem>>) src(%dma_wait3A_969 : memref<128xi32, #tpu.memory_space<hbm>>) dst(%dma_wait3A_967 : memref<128xi32, #tpu.memory_space<vmem>>)
    %add3A_970 = arith.constant 20 : i32
    %add3A_971 = arith.addi %min3A_9, %add3A_970 : i32
    %mul3A_972 = arith.constant 128 : i32
    %mul3A_973 = arith.muli %add3A_971, %mul3A_972 : i32
    %dma_wait3A_974 = arith.constant 1 : i32
    %dma_wait3A_975 = arith.constant 20 : i32
    %dma_wait3A_976 = arith.constant 0 : i32
    %dma_wait3A_977 = tpu.memref_slice %arg6[%dma_wait3A_975, %dma_wait3A_976] : memref<40x128xi32, #tpu.memory_space<vmem>> -> memref<1x128xi32, #tpu.memory_space<vmem>>
    %dma_wait3A_978 = tpu.memref_squeeze %dma_wait3A_977 : memref<1x128xi32, #tpu.memory_space<vmem>> -> memref<128xi32, #tpu.memory_space<vmem>>
    %dma_wait3A_979 = tpu.memref_slice %arg3[%dma_wait3A_974, %mul3A_973] : memref<2x320000xi32, #tpu.memory_space<hbm>> -> memref<1x128xi32, #tpu.memory_space<hbm>>
    %dma_wait3A_980 = tpu.memref_squeeze %dma_wait3A_979 : memref<1x128xi32, #tpu.memory_space<hbm>> -> memref<128xi32, #tpu.memory_space<hbm>>
    %dma_wait3A_981 = arith.constant 0 : i32
    %dma_wait3A_982 = tpu.memref_slice %arg6[%dma_wait3A_975, %dma_wait3A_981] : memref<40x128xi32, #tpu.memory_space<vmem>> -> memref<1x128xi32, #tpu.memory_space<vmem>>
    %dma_wait3A_983 = tpu.memref_squeeze %dma_wait3A_982 : memref<1x128xi32, #tpu.memory_space<vmem>> -> memref<128xi32, #tpu.memory_space<vmem>>
    %dma_wait3A_984 = tpu.memref_slice %arg3[%dma_wait3A_974, %mul3A_973] : memref<2x320000xi32, #tpu.memory_space<hbm>> -> memref<1x128xi32, #tpu.memory_space<hbm>>
    %dma_wait3A_985 = tpu.memref_squeeze %dma_wait3A_984 : memref<1x128xi32, #tpu.memory_space<hbm>> -> memref<128xi32, #tpu.memory_space<hbm>>
    tpu.wait_dma2 semaphore(%arg13 : memref<!tpu.dma_semaphore, #tpu.memory_space<semaphore_mem>>) src(%dma_wait3A_985 : memref<128xi32, #tpu.memory_space<hbm>>) dst(%dma_wait3A_983 : memref<128xi32, #tpu.memory_space<vmem>>)
    %add3A_986 = arith.constant 21 : i32
    %add3A_987 = arith.addi %min3A_9, %add3A_986 : i32
    %mul3A_988 = arith.constant 128 : i32
    %mul3A_989 = arith.muli %add3A_987, %mul3A_988 : i32
    %dma_wait3A_990 = arith.constant 1 : i32
    %dma_wait3A_991 = arith.constant 21 : i32
    %dma_wait3A_992 = arith.constant 0 : i32
    %dma_wait3A_993 = tpu.memref_slice %arg6[%dma_wait3A_991, %dma_wait3A_992] : memref<40x128xi32, #tpu.memory_space<vmem>> -> memref<1x128xi32, #tpu.memory_space<vmem>>
    %dma_wait3A_994 = tpu.memref_squeeze %dma_wait3A_993 : memref<1x128xi32, #tpu.memory_space<vmem>> -> memref<128xi32, #tpu.memory_space<vmem>>
    %dma_wait3A_995 = tpu.memref_slice %arg3[%dma_wait3A_990, %mul3A_989] : memref<2x320000xi32, #tpu.memory_space<hbm>> -> memref<1x128xi32, #tpu.memory_space<hbm>>
    %dma_wait3A_996 = tpu.memref_squeeze %dma_wait3A_995 : memref<1x128xi32, #tpu.memory_space<hbm>> -> memref<128xi32, #tpu.memory_space<hbm>>
    %dma_wait3A_997 = arith.constant 0 : i32
    %dma_wait3A_998 = tpu.memref_slice %arg6[%dma_wait3A_991, %dma_wait3A_997] : memref<40x128xi32, #tpu.memory_space<vmem>> -> memref<1x128xi32, #tpu.memory_space<vmem>>
    %dma_wait3A_999 = tpu.memref_squeeze %dma_wait3A_998 : memref<1x128xi32, #tpu.memory_space<vmem>> -> memref<128xi32, #tpu.memory_space<vmem>>
    %dma_wait3A_1000 = tpu.memref_slice %arg3[%dma_wait3A_990, %mul3A_989] : memref<2x320000xi32, #tpu.memory_space<hbm>> -> memref<1x128xi32, #tpu.memory_space<hbm>>
    %dma_wait3A_1001 = tpu.memref_squeeze %dma_wait3A_1000 : memref<1x128xi32, #tpu.memory_space<hbm>> -> memref<128xi32, #tpu.memory_space<hbm>>
    tpu.wait_dma2 semaphore(%arg13 : memref<!tpu.dma_semaphore, #tpu.memory_space<semaphore_mem>>) src(%dma_wait3A_1001 : memref<128xi32, #tpu.memory_space<hbm>>) dst(%dma_wait3A_999 : memref<128xi32, #tpu.memory_space<vmem>>)
    %add3A_1002 = arith.constant 22 : i32
    %add3A_1003 = arith.addi %min3A_9, %add3A_1002 : i32
    %mul3A_1004 = arith.constant 128 : i32
    %mul3A_1005 = arith.muli %add3A_1003, %mul3A_1004 : i32
    %dma_wait3A_1006 = arith.constant 1 : i32
    %dma_wait3A_1007 = arith.constant 22 : i32
    %dma_wait3A_1008 = arith.constant 0 : i32
    %dma_wait3A_1009 = tpu.memref_slice %arg6[%dma_wait3A_1007, %dma_wait3A_1008] : memref<40x128xi32, #tpu.memory_space<vmem>> -> memref<1x128xi32, #tpu.memory_space<vmem>>
    %dma_wait3A_1010 = tpu.memref_squeeze %dma_wait3A_1009 : memref<1x128xi32, #tpu.memory_space<vmem>> -> memref<128xi32, #tpu.memory_space<vmem>>
    %dma_wait3A_1011 = tpu.memref_slice %arg3[%dma_wait3A_1006, %mul3A_1005] : memref<2x320000xi32, #tpu.memory_space<hbm>> -> memref<1x128xi32, #tpu.memory_space<hbm>>
    %dma_wait3A_1012 = tpu.memref_squeeze %dma_wait3A_1011 : memref<1x128xi32, #tpu.memory_space<hbm>> -> memref<128xi32, #tpu.memory_space<hbm>>
    %dma_wait3A_1013 = arith.constant 0 : i32
    %dma_wait3A_1014 = tpu.memref_slice %arg6[%dma_wait3A_1007, %dma_wait3A_1013] : memref<40x128xi32, #tpu.memory_space<vmem>> -> memref<1x128xi32, #tpu.memory_space<vmem>>
    %dma_wait3A_1015 = tpu.memref_squeeze %dma_wait3A_1014 : memref<1x128xi32, #tpu.memory_space<vmem>> -> memref<128xi32, #tpu.memory_space<vmem>>
    %dma_wait3A_1016 = tpu.memref_slice %arg3[%dma_wait3A_1006, %mul3A_1005] : memref<2x320000xi32, #tpu.memory_space<hbm>> -> memref<1x128xi32, #tpu.memory_space<hbm>>
    %dma_wait3A_1017 = tpu.memref_squeeze %dma_wait3A_1016 : memref<1x128xi32, #tpu.memory_space<hbm>> -> memref<128xi32, #tpu.memory_space<hbm>>
    tpu.wait_dma2 semaphore(%arg13 : memref<!tpu.dma_semaphore, #tpu.memory_space<semaphore_mem>>) src(%dma_wait3A_1017 : memref<128xi32, #tpu.memory_space<hbm>>) dst(%dma_wait3A_1015 : memref<128xi32, #tpu.memory_space<vmem>>)
    %add3A_1018 = arith.constant 23 : i32
    %add3A_1019 = arith.addi %min3A_9, %add3A_1018 : i32
    %mul3A_1020 = arith.constant 128 : i32
    %mul3A_1021 = arith.muli %add3A_1019, %mul3A_1020 : i32
    %dma_wait3A_1022 = arith.constant 1 : i32
    %dma_wait3A_1023 = arith.constant 23 : i32
    %dma_wait3A_1024 = arith.constant 0 : i32
    %dma_wait3A_1025 = tpu.memref_slice %arg6[%dma_wait3A_1023, %dma_wait3A_1024] : memref<40x128xi32, #tpu.memory_space<vmem>> -> memref<1x128xi32, #tpu.memory_space<vmem>>
    %dma_wait3A_1026 = tpu.memref_squeeze %dma_wait3A_1025 : memref<1x128xi32, #tpu.memory_space<vmem>> -> memref<128xi32, #tpu.memory_space<vmem>>
    %dma_wait3A_1027 = tpu.memref_slice %arg3[%dma_wait3A_1022, %mul3A_1021] : memref<2x320000xi32, #tpu.memory_space<hbm>> -> memref<1x128xi32, #tpu.memory_space<hbm>>
    %dma_wait3A_1028 = tpu.memref_squeeze %dma_wait3A_1027 : memref<1x128xi32, #tpu.memory_space<hbm>> -> memref<128xi32, #tpu.memory_space<hbm>>
    %dma_wait3A_1029 = arith.constant 0 : i32
    %dma_wait3A_1030 = tpu.memref_slice %arg6[%dma_wait3A_1023, %dma_wait3A_1029] : memref<40x128xi32, #tpu.memory_space<vmem>> -> memref<1x128xi32, #tpu.memory_space<vmem>>
    %dma_wait3A_1031 = tpu.memref_squeeze %dma_wait3A_1030 : memref<1x128xi32, #tpu.memory_space<vmem>> -> memref<128xi32, #tpu.memory_space<vmem>>
    %dma_wait3A_1032 = tpu.memref_slice %arg3[%dma_wait3A_1022, %mul3A_1021] : memref<2x320000xi32, #tpu.memory_space<hbm>> -> memref<1x128xi32, #tpu.memory_space<hbm>>
    %dma_wait3A_1033 = tpu.memref_squeeze %dma_wait3A_1032 : memref<1x128xi32, #tpu.memory_space<hbm>> -> memref<128xi32, #tpu.memory_space<hbm>>
    tpu.wait_dma2 semaphore(%arg13 : memref<!tpu.dma_semaphore, #tpu.memory_space<semaphore_mem>>) src(%dma_wait3A_1033 : memref<128xi32, #tpu.memory_space<hbm>>) dst(%dma_wait3A_1031 : memref<128xi32, #tpu.memory_space<vmem>>)
    %add3A_1034 = arith.constant 24 : i32
    %add3A_1035 = arith.addi %min3A_9, %add3A_1034 : i32
    %mul3A_1036 = arith.constant 128 : i32
    %mul3A_1037 = arith.muli %add3A_1035, %mul3A_1036 : i32
    %dma_wait3A_1038 = arith.constant 1 : i32
    %dma_wait3A_1039 = arith.constant 24 : i32
    %dma_wait3A_1040 = arith.constant 0 : i32
    %dma_wait3A_1041 = tpu.memref_slice %arg6[%dma_wait3A_1039, %dma_wait3A_1040] : memref<40x128xi32, #tpu.memory_space<vmem>> -> memref<1x128xi32, #tpu.memory_space<vmem>>
    %dma_wait3A_1042 = tpu.memref_squeeze %dma_wait3A_1041 : memref<1x128xi32, #tpu.memory_space<vmem>> -> memref<128xi32, #tpu.memory_space<vmem>>
    %dma_wait3A_1043 = tpu.memref_slice %arg3[%dma_wait3A_1038, %mul3A_1037] : memref<2x320000xi32, #tpu.memory_space<hbm>> -> memref<1x128xi32, #tpu.memory_space<hbm>>
    %dma_wait3A_1044 = tpu.memref_squeeze %dma_wait3A_1043 : memref<1x128xi32, #tpu.memory_space<hbm>> -> memref<128xi32, #tpu.memory_space<hbm>>
    %dma_wait3A_1045 = arith.constant 0 : i32
    %dma_wait3A_1046 = tpu.memref_slice %arg6[%dma_wait3A_1039, %dma_wait3A_1045] : memref<40x128xi32, #tpu.memory_space<vmem>> -> memref<1x128xi32, #tpu.memory_space<vmem>>
    %dma_wait3A_1047 = tpu.memref_squeeze %dma_wait3A_1046 : memref<1x128xi32, #tpu.memory_space<vmem>> -> memref<128xi32, #tpu.memory_space<vmem>>
    %dma_wait3A_1048 = tpu.memref_slice %arg3[%dma_wait3A_1038, %mul3A_1037] : memref<2x320000xi32, #tpu.memory_space<hbm>> -> memref<1x128xi32, #tpu.memory_space<hbm>>
    %dma_wait3A_1049 = tpu.memref_squeeze %dma_wait3A_1048 : memref<1x128xi32, #tpu.memory_space<hbm>> -> memref<128xi32, #tpu.memory_space<hbm>>
    tpu.wait_dma2 semaphore(%arg13 : memref<!tpu.dma_semaphore, #tpu.memory_space<semaphore_mem>>) src(%dma_wait3A_1049 : memref<128xi32, #tpu.memory_space<hbm>>) dst(%dma_wait3A_1047 : memref<128xi32, #tpu.memory_space<vmem>>)
    %add3A_1050 = arith.constant 25 : i32
    %add3A_1051 = arith.addi %min3A_9, %add3A_1050 : i32
    %mul3A_1052 = arith.constant 128 : i32
    %mul3A_1053 = arith.muli %add3A_1051, %mul3A_1052 : i32
    %dma_wait3A_1054 = arith.constant 1 : i32
    %dma_wait3A_1055 = arith.constant 25 : i32
    %dma_wait3A_1056 = arith.constant 0 : i32
    %dma_wait3A_1057 = tpu.memref_slice %arg6[%dma_wait3A_1055, %dma_wait3A_1056] : memref<40x128xi32, #tpu.memory_space<vmem>> -> memref<1x128xi32, #tpu.memory_space<vmem>>
    %dma_wait3A_1058 = tpu.memref_squeeze %dma_wait3A_1057 : memref<1x128xi32, #tpu.memory_space<vmem>> -> memref<128xi32, #tpu.memory_space<vmem>>
    %dma_wait3A_1059 = tpu.memref_slice %arg3[%dma_wait3A_1054, %mul3A_1053] : memref<2x320000xi32, #tpu.memory_space<hbm>> -> memref<1x128xi32, #tpu.memory_space<hbm>>
    %dma_wait3A_1060 = tpu.memref_squeeze %dma_wait3A_1059 : memref<1x128xi32, #tpu.memory_space<hbm>> -> memref<128xi32, #tpu.memory_space<hbm>>
    %dma_wait3A_1061 = arith.constant 0 : i32
    %dma_wait3A_1062 = tpu.memref_slice %arg6[%dma_wait3A_1055, %dma_wait3A_1061] : memref<40x128xi32, #tpu.memory_space<vmem>> -> memref<1x128xi32, #tpu.memory_space<vmem>>
    %dma_wait3A_1063 = tpu.memref_squeeze %dma_wait3A_1062 : memref<1x128xi32, #tpu.memory_space<vmem>> -> memref<128xi32, #tpu.memory_space<vmem>>
    %dma_wait3A_1064 = tpu.memref_slice %arg3[%dma_wait3A_1054, %mul3A_1053] : memref<2x320000xi32, #tpu.memory_space<hbm>> -> memref<1x128xi32, #tpu.memory_space<hbm>>
    %dma_wait3A_1065 = tpu.memref_squeeze %dma_wait3A_1064 : memref<1x128xi32, #tpu.memory_space<hbm>> -> memref<128xi32, #tpu.memory_space<hbm>>
    tpu.wait_dma2 semaphore(%arg13 : memref<!tpu.dma_semaphore, #tpu.memory_space<semaphore_mem>>) src(%dma_wait3A_1065 : memref<128xi32, #tpu.memory_space<hbm>>) dst(%dma_wait3A_1063 : memref<128xi32, #tpu.memory_space<vmem>>)
    %add3A_1066 = arith.constant 26 : i32
    %add3A_1067 = arith.addi %min3A_9, %add3A_1066 : i32
    %mul3A_1068 = arith.constant 128 : i32
    %mul3A_1069 = arith.muli %add3A_1067, %mul3A_1068 : i32
    %dma_wait3A_1070 = arith.constant 1 : i32
    %dma_wait3A_1071 = arith.constant 26 : i32
    %dma_wait3A_1072 = arith.constant 0 : i32
    %dma_wait3A_1073 = tpu.memref_slice %arg6[%dma_wait3A_1071, %dma_wait3A_1072] : memref<40x128xi32, #tpu.memory_space<vmem>> -> memref<1x128xi32, #tpu.memory_space<vmem>>
    %dma_wait3A_1074 = tpu.memref_squeeze %dma_wait3A_1073 : memref<1x128xi32, #tpu.memory_space<vmem>> -> memref<128xi32, #tpu.memory_space<vmem>>
    %dma_wait3A_1075 = tpu.memref_slice %arg3[%dma_wait3A_1070, %mul3A_1069] : memref<2x320000xi32, #tpu.memory_space<hbm>> -> memref<1x128xi32, #tpu.memory_space<hbm>>
    %dma_wait3A_1076 = tpu.memref_squeeze %dma_wait3A_1075 : memref<1x128xi32, #tpu.memory_space<hbm>> -> memref<128xi32, #tpu.memory_space<hbm>>
    %dma_wait3A_1077 = arith.constant 0 : i32
    %dma_wait3A_1078 = tpu.memref_slice %arg6[%dma_wait3A_1071, %dma_wait3A_1077] : memref<40x128xi32, #tpu.memory_space<vmem>> -> memref<1x128xi32, #tpu.memory_space<vmem>>
    %dma_wait3A_1079 = tpu.memref_squeeze %dma_wait3A_1078 : memref<1x128xi32, #tpu.memory_space<vmem>> -> memref<128xi32, #tpu.memory_space<vmem>>
    %dma_wait3A_1080 = tpu.memref_slice %arg3[%dma_wait3A_1070, %mul3A_1069] : memref<2x320000xi32, #tpu.memory_space<hbm>> -> memref<1x128xi32, #tpu.memory_space<hbm>>
    %dma_wait3A_1081 = tpu.memref_squeeze %dma_wait3A_1080 : memref<1x128xi32, #tpu.memory_space<hbm>> -> memref<128xi32, #tpu.memory_space<hbm>>
    tpu.wait_dma2 semaphore(%arg13 : memref<!tpu.dma_semaphore, #tpu.memory_space<semaphore_mem>>) src(%dma_wait3A_1081 : memref<128xi32, #tpu.memory_space<hbm>>) dst(%dma_wait3A_1079 : memref<128xi32, #tpu.memory_space<vmem>>)
    %add3A_1082 = arith.constant 27 : i32
    %add3A_1083 = arith.addi %min3A_9, %add3A_1082 : i32
    %mul3A_1084 = arith.constant 128 : i32
    %mul3A_1085 = arith.muli %add3A_1083, %mul3A_1084 : i32
    %dma_wait3A_1086 = arith.constant 1 : i32
    %dma_wait3A_1087 = arith.constant 27 : i32
    %dma_wait3A_1088 = arith.constant 0 : i32
    %dma_wait3A_1089 = tpu.memref_slice %arg6[%dma_wait3A_1087, %dma_wait3A_1088] : memref<40x128xi32, #tpu.memory_space<vmem>> -> memref<1x128xi32, #tpu.memory_space<vmem>>
    %dma_wait3A_1090 = tpu.memref_squeeze %dma_wait3A_1089 : memref<1x128xi32, #tpu.memory_space<vmem>> -> memref<128xi32, #tpu.memory_space<vmem>>
    %dma_wait3A_1091 = tpu.memref_slice %arg3[%dma_wait3A_1086, %mul3A_1085] : memref<2x320000xi32, #tpu.memory_space<hbm>> -> memref<1x128xi32, #tpu.memory_space<hbm>>
    %dma_wait3A_1092 = tpu.memref_squeeze %dma_wait3A_1091 : memref<1x128xi32, #tpu.memory_space<hbm>> -> memref<128xi32, #tpu.memory_space<hbm>>
    %dma_wait3A_1093 = arith.constant 0 : i32
    %dma_wait3A_1094 = tpu.memref_slice %arg6[%dma_wait3A_1087, %dma_wait3A_1093] : memref<40x128xi32, #tpu.memory_space<vmem>> -> memref<1x128xi32, #tpu.memory_space<vmem>>
    %dma_wait3A_1095 = tpu.memref_squeeze %dma_wait3A_1094 : memref<1x128xi32, #tpu.memory_space<vmem>> -> memref<128xi32, #tpu.memory_space<vmem>>
    %dma_wait3A_1096 = tpu.memref_slice %arg3[%dma_wait3A_1086, %mul3A_1085] : memref<2x320000xi32, #tpu.memory_space<hbm>> -> memref<1x128xi32, #tpu.memory_space<hbm>>
    %dma_wait3A_1097 = tpu.memref_squeeze %dma_wait3A_1096 : memref<1x128xi32, #tpu.memory_space<hbm>> -> memref<128xi32, #tpu.memory_space<hbm>>
    tpu.wait_dma2 semaphore(%arg13 : memref<!tpu.dma_semaphore, #tpu.memory_space<semaphore_mem>>) src(%dma_wait3A_1097 : memref<128xi32, #tpu.memory_space<hbm>>) dst(%dma_wait3A_1095 : memref<128xi32, #tpu.memory_space<vmem>>)
    %add3A_1098 = arith.constant 28 : i32
    %add3A_1099 = arith.addi %min3A_9, %add3A_1098 : i32
    %mul3A_1100 = arith.constant 128 : i32
    %mul3A_1101 = arith.muli %add3A_1099, %mul3A_1100 : i32
    %dma_wait3A_1102 = arith.constant 1 : i32
    %dma_wait3A_1103 = arith.constant 28 : i32
    %dma_wait3A_1104 = arith.constant 0 : i32
    %dma_wait3A_1105 = tpu.memref_slice %arg6[%dma_wait3A_1103, %dma_wait3A_1104] : memref<40x128xi32, #tpu.memory_space<vmem>> -> memref<1x128xi32, #tpu.memory_space<vmem>>
    %dma_wait3A_1106 = tpu.memref_squeeze %dma_wait3A_1105 : memref<1x128xi32, #tpu.memory_space<vmem>> -> memref<128xi32, #tpu.memory_space<vmem>>
    %dma_wait3A_1107 = tpu.memref_slice %arg3[%dma_wait3A_1102, %mul3A_1101] : memref<2x320000xi32, #tpu.memory_space<hbm>> -> memref<1x128xi32, #tpu.memory_space<hbm>>
    %dma_wait3A_1108 = tpu.memref_squeeze %dma_wait3A_1107 : memref<1x128xi32, #tpu.memory_space<hbm>> -> memref<128xi32, #tpu.memory_space<hbm>>
    %dma_wait3A_1109 = arith.constant 0 : i32
    %dma_wait3A_1110 = tpu.memref_slice %arg6[%dma_wait3A_1103, %dma_wait3A_1109] : memref<40x128xi32, #tpu.memory_space<vmem>> -> memref<1x128xi32, #tpu.memory_space<vmem>>
    %dma_wait3A_1111 = tpu.memref_squeeze %dma_wait3A_1110 : memref<1x128xi32, #tpu.memory_space<vmem>> -> memref<128xi32, #tpu.memory_space<vmem>>
    %dma_wait3A_1112 = tpu.memref_slice %arg3[%dma_wait3A_1102, %mul3A_1101] : memref<2x320000xi32, #tpu.memory_space<hbm>> -> memref<1x128xi32, #tpu.memory_space<hbm>>
    %dma_wait3A_1113 = tpu.memref_squeeze %dma_wait3A_1112 : memref<1x128xi32, #tpu.memory_space<hbm>> -> memref<128xi32, #tpu.memory_space<hbm>>
    tpu.wait_dma2 semaphore(%arg13 : memref<!tpu.dma_semaphore, #tpu.memory_space<semaphore_mem>>) src(%dma_wait3A_1113 : memref<128xi32, #tpu.memory_space<hbm>>) dst(%dma_wait3A_1111 : memref<128xi32, #tpu.memory_space<vmem>>)
    %add3A_1114 = arith.constant 29 : i32
    %add3A_1115 = arith.addi %min3A_9, %add3A_1114 : i32
    %mul3A_1116 = arith.constant 128 : i32
    %mul3A_1117 = arith.muli %add3A_1115, %mul3A_1116 : i32
    %dma_wait3A_1118 = arith.constant 1 : i32
    %dma_wait3A_1119 = arith.constant 29 : i32
    %dma_wait3A_1120 = arith.constant 0 : i32
    %dma_wait3A_1121 = tpu.memref_slice %arg6[%dma_wait3A_1119, %dma_wait3A_1120] : memref<40x128xi32, #tpu.memory_space<vmem>> -> memref<1x128xi32, #tpu.memory_space<vmem>>
    %dma_wait3A_1122 = tpu.memref_squeeze %dma_wait3A_1121 : memref<1x128xi32, #tpu.memory_space<vmem>> -> memref<128xi32, #tpu.memory_space<vmem>>
    %dma_wait3A_1123 = tpu.memref_slice %arg3[%dma_wait3A_1118, %mul3A_1117] : memref<2x320000xi32, #tpu.memory_space<hbm>> -> memref<1x128xi32, #tpu.memory_space<hbm>>
    %dma_wait3A_1124 = tpu.memref_squeeze %dma_wait3A_1123 : memref<1x128xi32, #tpu.memory_space<hbm>> -> memref<128xi32, #tpu.memory_space<hbm>>
    %dma_wait3A_1125 = arith.constant 0 : i32
    %dma_wait3A_1126 = tpu.memref_slice %arg6[%dma_wait3A_1119, %dma_wait3A_1125] : memref<40x128xi32, #tpu.memory_space<vmem>> -> memref<1x128xi32, #tpu.memory_space<vmem>>
    %dma_wait3A_1127 = tpu.memref_squeeze %dma_wait3A_1126 : memref<1x128xi32, #tpu.memory_space<vmem>> -> memref<128xi32, #tpu.memory_space<vmem>>
    %dma_wait3A_1128 = tpu.memref_slice %arg3[%dma_wait3A_1118, %mul3A_1117] : memref<2x320000xi32, #tpu.memory_space<hbm>> -> memref<1x128xi32, #tpu.memory_space<hbm>>
    %dma_wait3A_1129 = tpu.memref_squeeze %dma_wait3A_1128 : memref<1x128xi32, #tpu.memory_space<hbm>> -> memref<128xi32, #tpu.memory_space<hbm>>
    tpu.wait_dma2 semaphore(%arg13 : memref<!tpu.dma_semaphore, #tpu.memory_space<semaphore_mem>>) src(%dma_wait3A_1129 : memref<128xi32, #tpu.memory_space<hbm>>) dst(%dma_wait3A_1127 : memref<128xi32, #tpu.memory_space<vmem>>)
    %add3A_1130 = arith.constant 30 : i32
    %add3A_1131 = arith.addi %min3A_9, %add3A_1130 : i32
    %mul3A_1132 = arith.constant 128 : i32
    %mul3A_1133 = arith.muli %add3A_1131, %mul3A_1132 : i32
    %dma_wait3A_1134 = arith.constant 1 : i32
    %dma_wait3A_1135 = arith.constant 30 : i32
    %dma_wait3A_1136 = arith.constant 0 : i32
    %dma_wait3A_1137 = tpu.memref_slice %arg6[%dma_wait3A_1135, %dma_wait3A_1136] : memref<40x128xi32, #tpu.memory_space<vmem>> -> memref<1x128xi32, #tpu.memory_space<vmem>>
    %dma_wait3A_1138 = tpu.memref_squeeze %dma_wait3A_1137 : memref<1x128xi32, #tpu.memory_space<vmem>> -> memref<128xi32, #tpu.memory_space<vmem>>
    %dma_wait3A_1139 = tpu.memref_slice %arg3[%dma_wait3A_1134, %mul3A_1133] : memref<2x320000xi32, #tpu.memory_space<hbm>> -> memref<1x128xi32, #tpu.memory_space<hbm>>
    %dma_wait3A_1140 = tpu.memref_squeeze %dma_wait3A_1139 : memref<1x128xi32, #tpu.memory_space<hbm>> -> memref<128xi32, #tpu.memory_space<hbm>>
    %dma_wait3A_1141 = arith.constant 0 : i32
    %dma_wait3A_1142 = tpu.memref_slice %arg6[%dma_wait3A_1135, %dma_wait3A_1141] : memref<40x128xi32, #tpu.memory_space<vmem>> -> memref<1x128xi32, #tpu.memory_space<vmem>>
    %dma_wait3A_1143 = tpu.memref_squeeze %dma_wait3A_1142 : memref<1x128xi32, #tpu.memory_space<vmem>> -> memref<128xi32, #tpu.memory_space<vmem>>
    %dma_wait3A_1144 = tpu.memref_slice %arg3[%dma_wait3A_1134, %mul3A_1133] : memref<2x320000xi32, #tpu.memory_space<hbm>> -> memref<1x128xi32, #tpu.memory_space<hbm>>
    %dma_wait3A_1145 = tpu.memref_squeeze %dma_wait3A_1144 : memref<1x128xi32, #tpu.memory_space<hbm>> -> memref<128xi32, #tpu.memory_space<hbm>>
    tpu.wait_dma2 semaphore(%arg13 : memref<!tpu.dma_semaphore, #tpu.memory_space<semaphore_mem>>) src(%dma_wait3A_1145 : memref<128xi32, #tpu.memory_space<hbm>>) dst(%dma_wait3A_1143 : memref<128xi32, #tpu.memory_space<vmem>>)
    %add3A_1146 = arith.constant 31 : i32
    %add3A_1147 = arith.addi %min3A_9, %add3A_1146 : i32
    %mul3A_1148 = arith.constant 128 : i32
    %mul3A_1149 = arith.muli %add3A_1147, %mul3A_1148 : i32
    %dma_wait3A_1150 = arith.constant 1 : i32
    %dma_wait3A_1151 = arith.constant 31 : i32
    %dma_wait3A_1152 = arith.constant 0 : i32
    %dma_wait3A_1153 = tpu.memref_slice %arg6[%dma_wait3A_1151, %dma_wait3A_1152] : memref<40x128xi32, #tpu.memory_space<vmem>> -> memref<1x128xi32, #tpu.memory_space<vmem>>
    %dma_wait3A_1154 = tpu.memref_squeeze %dma_wait3A_1153 : memref<1x128xi32, #tpu.memory_space<vmem>> -> memref<128xi32, #tpu.memory_space<vmem>>
    %dma_wait3A_1155 = tpu.memref_slice %arg3[%dma_wait3A_1150, %mul3A_1149] : memref<2x320000xi32, #tpu.memory_space<hbm>> -> memref<1x128xi32, #tpu.memory_space<hbm>>
    %dma_wait3A_1156 = tpu.memref_squeeze %dma_wait3A_1155 : memref<1x128xi32, #tpu.memory_space<hbm>> -> memref<128xi32, #tpu.memory_space<hbm>>
    %dma_wait3A_1157 = arith.constant 0 : i32
    %dma_wait3A_1158 = tpu.memref_slice %arg6[%dma_wait3A_1151, %dma_wait3A_1157] : memref<40x128xi32, #tpu.memory_space<vmem>> -> memref<1x128xi32, #tpu.memory_space<vmem>>
    %dma_wait3A_1159 = tpu.memref_squeeze %dma_wait3A_1158 : memref<1x128xi32, #tpu.memory_space<vmem>> -> memref<128xi32, #tpu.memory_space<vmem>>
    %dma_wait3A_1160 = tpu.memref_slice %arg3[%dma_wait3A_1150, %mul3A_1149] : memref<2x320000xi32, #tpu.memory_space<hbm>> -> memref<1x128xi32, #tpu.memory_space<hbm>>
    %dma_wait3A_1161 = tpu.memref_squeeze %dma_wait3A_1160 : memref<1x128xi32, #tpu.memory_space<hbm>> -> memref<128xi32, #tpu.memory_space<hbm>>
    tpu.wait_dma2 semaphore(%arg13 : memref<!tpu.dma_semaphore, #tpu.memory_space<semaphore_mem>>) src(%dma_wait3A_1161 : memref<128xi32, #tpu.memory_space<hbm>>) dst(%dma_wait3A_1159 : memref<128xi32, #tpu.memory_space<vmem>>)
    %add3A_1162 = arith.constant 32 : i32
    %add3A_1163 = arith.addi %min3A_9, %add3A_1162 : i32
    %mul3A_1164 = arith.constant 128 : i32
    %mul3A_1165 = arith.muli %add3A_1163, %mul3A_1164 : i32
    %dma_wait3A_1166 = arith.constant 1 : i32
    %dma_wait3A_1167 = arith.constant 32 : i32
    %dma_wait3A_1168 = arith.constant 0 : i32
    %dma_wait3A_1169 = tpu.memref_slice %arg6[%dma_wait3A_1167, %dma_wait3A_1168] : memref<40x128xi32, #tpu.memory_space<vmem>> -> memref<1x128xi32, #tpu.memory_space<vmem>>
    %dma_wait3A_1170 = tpu.memref_squeeze %dma_wait3A_1169 : memref<1x128xi32, #tpu.memory_space<vmem>> -> memref<128xi32, #tpu.memory_space<vmem>>
    %dma_wait3A_1171 = tpu.memref_slice %arg3[%dma_wait3A_1166, %mul3A_1165] : memref<2x320000xi32, #tpu.memory_space<hbm>> -> memref<1x128xi32, #tpu.memory_space<hbm>>
    %dma_wait3A_1172 = tpu.memref_squeeze %dma_wait3A_1171 : memref<1x128xi32, #tpu.memory_space<hbm>> -> memref<128xi32, #tpu.memory_space<hbm>>
    %dma_wait3A_1173 = arith.constant 0 : i32
    %dma_wait3A_1174 = tpu.memref_slice %arg6[%dma_wait3A_1167, %dma_wait3A_1173] : memref<40x128xi32, #tpu.memory_space<vmem>> -> memref<1x128xi32, #tpu.memory_space<vmem>>
    %dma_wait3A_1175 = tpu.memref_squeeze %dma_wait3A_1174 : memref<1x128xi32, #tpu.memory_space<vmem>> -> memref<128xi32, #tpu.memory_space<vmem>>
    %dma_wait3A_1176 = tpu.memref_slice %arg3[%dma_wait3A_1166, %mul3A_1165] : memref<2x320000xi32, #tpu.memory_space<hbm>> -> memref<1x128xi32, #tpu.memory_space<hbm>>
    %dma_wait3A_1177 = tpu.memref_squeeze %dma_wait3A_1176 : memref<1x128xi32, #tpu.memory_space<hbm>> -> memref<128xi32, #tpu.memory_space<hbm>>
    tpu.wait_dma2 semaphore(%arg13 : memref<!tpu.dma_semaphore, #tpu.memory_space<semaphore_mem>>) src(%dma_wait3A_1177 : memref<128xi32, #tpu.memory_space<hbm>>) dst(%dma_wait3A_1175 : memref<128xi32, #tpu.memory_space<vmem>>)
    %add3A_1178 = arith.constant 33 : i32
    %add3A_1179 = arith.addi %min3A_9, %add3A_1178 : i32
    %mul3A_1180 = arith.constant 128 : i32
    %mul3A_1181 = arith.muli %add3A_1179, %mul3A_1180 : i32
    %dma_wait3A_1182 = arith.constant 1 : i32
    %dma_wait3A_1183 = arith.constant 33 : i32
    %dma_wait3A_1184 = arith.constant 0 : i32
    %dma_wait3A_1185 = tpu.memref_slice %arg6[%dma_wait3A_1183, %dma_wait3A_1184] : memref<40x128xi32, #tpu.memory_space<vmem>> -> memref<1x128xi32, #tpu.memory_space<vmem>>
    %dma_wait3A_1186 = tpu.memref_squeeze %dma_wait3A_1185 : memref<1x128xi32, #tpu.memory_space<vmem>> -> memref<128xi32, #tpu.memory_space<vmem>>
    %dma_wait3A_1187 = tpu.memref_slice %arg3[%dma_wait3A_1182, %mul3A_1181] : memref<2x320000xi32, #tpu.memory_space<hbm>> -> memref<1x128xi32, #tpu.memory_space<hbm>>
    %dma_wait3A_1188 = tpu.memref_squeeze %dma_wait3A_1187 : memref<1x128xi32, #tpu.memory_space<hbm>> -> memref<128xi32, #tpu.memory_space<hbm>>
    %dma_wait3A_1189 = arith.constant 0 : i32
    %dma_wait3A_1190 = tpu.memref_slice %arg6[%dma_wait3A_1183, %dma_wait3A_1189] : memref<40x128xi32, #tpu.memory_space<vmem>> -> memref<1x128xi32, #tpu.memory_space<vmem>>
    %dma_wait3A_1191 = tpu.memref_squeeze %dma_wait3A_1190 : memref<1x128xi32, #tpu.memory_space<vmem>> -> memref<128xi32, #tpu.memory_space<vmem>>
    %dma_wait3A_1192 = tpu.memref_slice %arg3[%dma_wait3A_1182, %mul3A_1181] : memref<2x320000xi32, #tpu.memory_space<hbm>> -> memref<1x128xi32, #tpu.memory_space<hbm>>
    %dma_wait3A_1193 = tpu.memref_squeeze %dma_wait3A_1192 : memref<1x128xi32, #tpu.memory_space<hbm>> -> memref<128xi32, #tpu.memory_space<hbm>>
    tpu.wait_dma2 semaphore(%arg13 : memref<!tpu.dma_semaphore, #tpu.memory_space<semaphore_mem>>) src(%dma_wait3A_1193 : memref<128xi32, #tpu.memory_space<hbm>>) dst(%dma_wait3A_1191 : memref<128xi32, #tpu.memory_space<vmem>>)
    %add3A_1194 = arith.constant 34 : i32
    %add3A_1195 = arith.addi %min3A_9, %add3A_1194 : i32
    %mul3A_1196 = arith.constant 128 : i32
    %mul3A_1197 = arith.muli %add3A_1195, %mul3A_1196 : i32
    %dma_wait3A_1198 = arith.constant 1 : i32
    %dma_wait3A_1199 = arith.constant 34 : i32
    %dma_wait3A_1200 = arith.constant 0 : i32
    %dma_wait3A_1201 = tpu.memref_slice %arg6[%dma_wait3A_1199, %dma_wait3A_1200] : memref<40x128xi32, #tpu.memory_space<vmem>> -> memref<1x128xi32, #tpu.memory_space<vmem>>
    %dma_wait3A_1202 = tpu.memref_squeeze %dma_wait3A_1201 : memref<1x128xi32, #tpu.memory_space<vmem>> -> memref<128xi32, #tpu.memory_space<vmem>>
    %dma_wait3A_1203 = tpu.memref_slice %arg3[%dma_wait3A_1198, %mul3A_1197] : memref<2x320000xi32, #tpu.memory_space<hbm>> -> memref<1x128xi32, #tpu.memory_space<hbm>>
    %dma_wait3A_1204 = tpu.memref_squeeze %dma_wait3A_1203 : memref<1x128xi32, #tpu.memory_space<hbm>> -> memref<128xi32, #tpu.memory_space<hbm>>
    %dma_wait3A_1205 = arith.constant 0 : i32
    %dma_wait3A_1206 = tpu.memref_slice %arg6[%dma_wait3A_1199, %dma_wait3A_1205] : memref<40x128xi32, #tpu.memory_space<vmem>> -> memref<1x128xi32, #tpu.memory_space<vmem>>
    %dma_wait3A_1207 = tpu.memref_squeeze %dma_wait3A_1206 : memref<1x128xi32, #tpu.memory_space<vmem>> -> memref<128xi32, #tpu.memory_space<vmem>>
    %dma_wait3A_1208 = tpu.memref_slice %arg3[%dma_wait3A_1198, %mul3A_1197] : memref<2x320000xi32, #tpu.memory_space<hbm>> -> memref<1x128xi32, #tpu.memory_space<hbm>>
    %dma_wait3A_1209 = tpu.memref_squeeze %dma_wait3A_1208 : memref<1x128xi32, #tpu.memory_space<hbm>> -> memref<128xi32, #tpu.memory_space<hbm>>
    tpu.wait_dma2 semaphore(%arg13 : memref<!tpu.dma_semaphore, #tpu.memory_space<semaphore_mem>>) src(%dma_wait3A_1209 : memref<128xi32, #tpu.memory_space<hbm>>) dst(%dma_wait3A_1207 : memref<128xi32, #tpu.memory_space<vmem>>)
    %add3A_1210 = arith.constant 35 : i32
    %add3A_1211 = arith.addi %min3A_9, %add3A_1210 : i32
    %mul3A_1212 = arith.constant 128 : i32
    %mul3A_1213 = arith.muli %add3A_1211, %mul3A_1212 : i32
    %dma_wait3A_1214 = arith.constant 1 : i32
    %dma_wait3A_1215 = arith.constant 35 : i32
    %dma_wait3A_1216 = arith.constant 0 : i32
    %dma_wait3A_1217 = tpu.memref_slice %arg6[%dma_wait3A_1215, %dma_wait3A_1216] : memref<40x128xi32, #tpu.memory_space<vmem>> -> memref<1x128xi32, #tpu.memory_space<vmem>>
    %dma_wait3A_1218 = tpu.memref_squeeze %dma_wait3A_1217 : memref<1x128xi32, #tpu.memory_space<vmem>> -> memref<128xi32, #tpu.memory_space<vmem>>
    %dma_wait3A_1219 = tpu.memref_slice %arg3[%dma_wait3A_1214, %mul3A_1213] : memref<2x320000xi32, #tpu.memory_space<hbm>> -> memref<1x128xi32, #tpu.memory_space<hbm>>
    %dma_wait3A_1220 = tpu.memref_squeeze %dma_wait3A_1219 : memref<1x128xi32, #tpu.memory_space<hbm>> -> memref<128xi32, #tpu.memory_space<hbm>>
    %dma_wait3A_1221 = arith.constant 0 : i32
    %dma_wait3A_1222 = tpu.memref_slice %arg6[%dma_wait3A_1215, %dma_wait3A_1221] : memref<40x128xi32, #tpu.memory_space<vmem>> -> memref<1x128xi32, #tpu.memory_space<vmem>>
    %dma_wait3A_1223 = tpu.memref_squeeze %dma_wait3A_1222 : memref<1x128xi32, #tpu.memory_space<vmem>> -> memref<128xi32, #tpu.memory_space<vmem>>
    %dma_wait3A_1224 = tpu.memref_slice %arg3[%dma_wait3A_1214, %mul3A_1213] : memref<2x320000xi32, #tpu.memory_space<hbm>> -> memref<1x128xi32, #tpu.memory_space<hbm>>
    %dma_wait3A_1225 = tpu.memref_squeeze %dma_wait3A_1224 : memref<1x128xi32, #tpu.memory_space<hbm>> -> memref<128xi32, #tpu.memory_space<hbm>>
    tpu.wait_dma2 semaphore(%arg13 : memref<!tpu.dma_semaphore, #tpu.memory_space<semaphore_mem>>) src(%dma_wait3A_1225 : memref<128xi32, #tpu.memory_space<hbm>>) dst(%dma_wait3A_1223 : memref<128xi32, #tpu.memory_space<vmem>>)
    %add3A_1226 = arith.constant 36 : i32
    %add3A_1227 = arith.addi %min3A_9, %add3A_1226 : i32
    %mul3A_1228 = arith.constant 128 : i32
    %mul3A_1229 = arith.muli %add3A_1227, %mul3A_1228 : i32
    %dma_wait3A_1230 = arith.constant 1 : i32
    %dma_wait3A_1231 = arith.constant 36 : i32
    %dma_wait3A_1232 = arith.constant 0 : i32
    %dma_wait3A_1233 = tpu.memref_slice %arg6[%dma_wait3A_1231, %dma_wait3A_1232] : memref<40x128xi32, #tpu.memory_space<vmem>> -> memref<1x128xi32, #tpu.memory_space<vmem>>
    %dma_wait3A_1234 = tpu.memref_squeeze %dma_wait3A_1233 : memref<1x128xi32, #tpu.memory_space<vmem>> -> memref<128xi32, #tpu.memory_space<vmem>>
    %dma_wait3A_1235 = tpu.memref_slice %arg3[%dma_wait3A_1230, %mul3A_1229] : memref<2x320000xi32, #tpu.memory_space<hbm>> -> memref<1x128xi32, #tpu.memory_space<hbm>>
    %dma_wait3A_1236 = tpu.memref_squeeze %dma_wait3A_1235 : memref<1x128xi32, #tpu.memory_space<hbm>> -> memref<128xi32, #tpu.memory_space<hbm>>
    %dma_wait3A_1237 = arith.constant 0 : i32
    %dma_wait3A_1238 = tpu.memref_slice %arg6[%dma_wait3A_1231, %dma_wait3A_1237] : memref<40x128xi32, #tpu.memory_space<vmem>> -> memref<1x128xi32, #tpu.memory_space<vmem>>
    %dma_wait3A_1239 = tpu.memref_squeeze %dma_wait3A_1238 : memref<1x128xi32, #tpu.memory_space<vmem>> -> memref<128xi32, #tpu.memory_space<vmem>>
    %dma_wait3A_1240 = tpu.memref_slice %arg3[%dma_wait3A_1230, %mul3A_1229] : memref<2x320000xi32, #tpu.memory_space<hbm>> -> memref<1x128xi32, #tpu.memory_space<hbm>>
    %dma_wait3A_1241 = tpu.memref_squeeze %dma_wait3A_1240 : memref<1x128xi32, #tpu.memory_space<hbm>> -> memref<128xi32, #tpu.memory_space<hbm>>
    tpu.wait_dma2 semaphore(%arg13 : memref<!tpu.dma_semaphore, #tpu.memory_space<semaphore_mem>>) src(%dma_wait3A_1241 : memref<128xi32, #tpu.memory_space<hbm>>) dst(%dma_wait3A_1239 : memref<128xi32, #tpu.memory_space<vmem>>)
    %add3A_1242 = arith.constant 37 : i32
    %add3A_1243 = arith.addi %min3A_9, %add3A_1242 : i32
    %mul3A_1244 = arith.constant 128 : i32
    %mul3A_1245 = arith.muli %add3A_1243, %mul3A_1244 : i32
    %dma_wait3A_1246 = arith.constant 1 : i32
    %dma_wait3A_1247 = arith.constant 37 : i32
    %dma_wait3A_1248 = arith.constant 0 : i32
    %dma_wait3A_1249 = tpu.memref_slice %arg6[%dma_wait3A_1247, %dma_wait3A_1248] : memref<40x128xi32, #tpu.memory_space<vmem>> -> memref<1x128xi32, #tpu.memory_space<vmem>>
    %dma_wait3A_1250 = tpu.memref_squeeze %dma_wait3A_1249 : memref<1x128xi32, #tpu.memory_space<vmem>> -> memref<128xi32, #tpu.memory_space<vmem>>
    %dma_wait3A_1251 = tpu.memref_slice %arg3[%dma_wait3A_1246, %mul3A_1245] : memref<2x320000xi32, #tpu.memory_space<hbm>> -> memref<1x128xi32, #tpu.memory_space<hbm>>
    %dma_wait3A_1252 = tpu.memref_squeeze %dma_wait3A_1251 : memref<1x128xi32, #tpu.memory_space<hbm>> -> memref<128xi32, #tpu.memory_space<hbm>>
    %dma_wait3A_1253 = arith.constant 0 : i32
    %dma_wait3A_1254 = tpu.memref_slice %arg6[%dma_wait3A_1247, %dma_wait3A_1253] : memref<40x128xi32, #tpu.memory_space<vmem>> -> memref<1x128xi32, #tpu.memory_space<vmem>>
    %dma_wait3A_1255 = tpu.memref_squeeze %dma_wait3A_1254 : memref<1x128xi32, #tpu.memory_space<vmem>> -> memref<128xi32, #tpu.memory_space<vmem>>
    %dma_wait3A_1256 = tpu.memref_slice %arg3[%dma_wait3A_1246, %mul3A_1245] : memref<2x320000xi32, #tpu.memory_space<hbm>> -> memref<1x128xi32, #tpu.memory_space<hbm>>
    %dma_wait3A_1257 = tpu.memref_squeeze %dma_wait3A_1256 : memref<1x128xi32, #tpu.memory_space<hbm>> -> memref<128xi32, #tpu.memory_space<hbm>>
    tpu.wait_dma2 semaphore(%arg13 : memref<!tpu.dma_semaphore, #tpu.memory_space<semaphore_mem>>) src(%dma_wait3A_1257 : memref<128xi32, #tpu.memory_space<hbm>>) dst(%dma_wait3A_1255 : memref<128xi32, #tpu.memory_space<vmem>>)
    %add3A_1258 = arith.constant 38 : i32
    %add3A_1259 = arith.addi %min3A_9, %add3A_1258 : i32
    %mul3A_1260 = arith.constant 128 : i32
    %mul3A_1261 = arith.muli %add3A_1259, %mul3A_1260 : i32
    %dma_wait3A_1262 = arith.constant 1 : i32
    %dma_wait3A_1263 = arith.constant 38 : i32
    %dma_wait3A_1264 = arith.constant 0 : i32
    %dma_wait3A_1265 = tpu.memref_slice %arg6[%dma_wait3A_1263, %dma_wait3A_1264] : memref<40x128xi32, #tpu.memory_space<vmem>> -> memref<1x128xi32, #tpu.memory_space<vmem>>
    %dma_wait3A_1266 = tpu.memref_squeeze %dma_wait3A_1265 : memref<1x128xi32, #tpu.memory_space<vmem>> -> memref<128xi32, #tpu.memory_space<vmem>>
    %dma_wait3A_1267 = tpu.memref_slice %arg3[%dma_wait3A_1262, %mul3A_1261] : memref<2x320000xi32, #tpu.memory_space<hbm>> -> memref<1x128xi32, #tpu.memory_space<hbm>>
    %dma_wait3A_1268 = tpu.memref_squeeze %dma_wait3A_1267 : memref<1x128xi32, #tpu.memory_space<hbm>> -> memref<128xi32, #tpu.memory_space<hbm>>
    %dma_wait3A_1269 = arith.constant 0 : i32
    %dma_wait3A_1270 = tpu.memref_slice %arg6[%dma_wait3A_1263, %dma_wait3A_1269] : memref<40x128xi32, #tpu.memory_space<vmem>> -> memref<1x128xi32, #tpu.memory_space<vmem>>
    %dma_wait3A_1271 = tpu.memref_squeeze %dma_wait3A_1270 : memref<1x128xi32, #tpu.memory_space<vmem>> -> memref<128xi32, #tpu.memory_space<vmem>>
    %dma_wait3A_1272 = tpu.memref_slice %arg3[%dma_wait3A_1262, %mul3A_1261] : memref<2x320000xi32, #tpu.memory_space<hbm>> -> memref<1x128xi32, #tpu.memory_space<hbm>>
    %dma_wait3A_1273 = tpu.memref_squeeze %dma_wait3A_1272 : memref<1x128xi32, #tpu.memory_space<hbm>> -> memref<128xi32, #tpu.memory_space<hbm>>
    tpu.wait_dma2 semaphore(%arg13 : memref<!tpu.dma_semaphore, #tpu.memory_space<semaphore_mem>>) src(%dma_wait3A_1273 : memref<128xi32, #tpu.memory_space<hbm>>) dst(%dma_wait3A_1271 : memref<128xi32, #tpu.memory_space<vmem>>)
    %add3A_1274 = arith.constant 39 : i32
    %add3A_1275 = arith.addi %min3A_9, %add3A_1274 : i32
    %mul3A_1276 = arith.constant 128 : i32
    %mul3A_1277 = arith.muli %add3A_1275, %mul3A_1276 : i32
    %dma_wait3A_1278 = arith.constant 1 : i32
    %dma_wait3A_1279 = arith.constant 39 : i32
    %dma_wait3A_1280 = arith.constant 0 : i32
    %dma_wait3A_1281 = tpu.memref_slice %arg6[%dma_wait3A_1279, %dma_wait3A_1280] : memref<40x128xi32, #tpu.memory_space<vmem>> -> memref<1x128xi32, #tpu.memory_space<vmem>>
    %dma_wait3A_1282 = tpu.memref_squeeze %dma_wait3A_1281 : memref<1x128xi32, #tpu.memory_space<vmem>> -> memref<128xi32, #tpu.memory_space<vmem>>
    %dma_wait3A_1283 = tpu.memref_slice %arg3[%dma_wait3A_1278, %mul3A_1277] : memref<2x320000xi32, #tpu.memory_space<hbm>> -> memref<1x128xi32, #tpu.memory_space<hbm>>
    %dma_wait3A_1284 = tpu.memref_squeeze %dma_wait3A_1283 : memref<1x128xi32, #tpu.memory_space<hbm>> -> memref<128xi32, #tpu.memory_space<hbm>>
    %dma_wait3A_1285 = arith.constant 0 : i32
    %dma_wait3A_1286 = tpu.memref_slice %arg6[%dma_wait3A_1279, %dma_wait3A_1285] : memref<40x128xi32, #tpu.memory_space<vmem>> -> memref<1x128xi32, #tpu.memory_space<vmem>>
    %dma_wait3A_1287 = tpu.memref_squeeze %dma_wait3A_1286 : memref<1x128xi32, #tpu.memory_space<vmem>> -> memref<128xi32, #tpu.memory_space<vmem>>
    %dma_wait3A_1288 = tpu.memref_slice %arg3[%dma_wait3A_1278, %mul3A_1277] : memref<2x320000xi32, #tpu.memory_space<hbm>> -> memref<1x128xi32, #tpu.memory_space<hbm>>
    %dma_wait3A_1289 = tpu.memref_squeeze %dma_wait3A_1288 : memref<1x128xi32, #tpu.memory_space<hbm>> -> memref<128xi32, #tpu.memory_space<hbm>>
    tpu.wait_dma2 semaphore(%arg13 : memref<!tpu.dma_semaphore, #tpu.memory_space<semaphore_mem>>) src(%dma_wait3A_1289 : memref<128xi32, #tpu.memory_space<hbm>>) dst(%dma_wait3A_1287 : memref<128xi32, #tpu.memory_space<vmem>>)
    %sub3A = arith.subi %mul3A_8, %min3A_9 : i32
    %add3A_1290 = arith.constant 0 : i32
    %add3A_1291 = arith.addi %mul3A_8, %add3A_1290 : i32
    %lt3A = arith.constant 2500 : i32
    %lt3A_1292 = arith.cmpi slt, %add3A_1291, %lt3A : i32
    %convert_element_type3A = arith.extui %lt3A_1292 : i1 to i32
    %cond3A = arith.constant 0 : i32
    %cond3A_1293 = arith.cmpi ne, %convert_element_type3A, %cond3A : i32
    scf.if %cond3A_1293 {
      %add3A_2628 = arith.constant 0 : i32
      %add3A_2629 = arith.addi %add3A_2628, %sub3A : i32
      %mul3A_2630 = arith.constant 128 : i32
      %mul3A_2631 = arith.muli %add3A_2629, %mul3A_2630 : i32
      %dma_start3A_2632 = tpu.memref_slice %arg5[%mul3A_2631] : memref<5120xi32, #tpu.memory_space<vmem>> -> memref<128xi32, #tpu.memory_space<vmem>>
      %dma_start3A_2633 = arith.constant 0 : i32
      %dma_start3A_2634 = arith.constant 0 : i32
      %dma_start3A_2635 = tpu.memref_slice %arg2[%dma_start3A_2633, %dma_start3A_2634] : memref<10000x128xf32, #tpu.memory_space<hbm>> -> memref<10000x128xf32, #tpu.memory_space<hbm>>
      tpu.enqueue_indirect_dma source(%dma_start3A_2635 : memref<10000x128xf32, #tpu.memory_space<hbm>>) target(%arg7 : memref<128x128xf32, #tpu.memory_space<vmem>>) offsets(%dma_start3A_2632 : memref<128xi32, #tpu.memory_space<vmem>>) semaphore(%arg11 : memref<!tpu.dma_semaphore, #tpu.memory_space<semaphore_mem>>)
    } else {
    }
    %add3A_1294 = arith.constant 1 : i32
    %add3A_1295 = arith.addi %mul3A_8, %add3A_1294 : i32
    %lt3A_1296 = arith.constant 2500 : i32
    %lt3A_1297 = arith.cmpi slt, %add3A_1295, %lt3A_1296 : i32
    %convert_element_type3A_1298 = arith.extui %lt3A_1297 : i1 to i32
    %cond3A_1299 = arith.constant 0 : i32
    %cond3A_1300 = arith.cmpi ne, %convert_element_type3A_1298, %cond3A_1299 : i32
    scf.if %cond3A_1300 {
      %add3A_2628 = arith.constant 1 : i32
      %add3A_2629 = arith.addi %add3A_2628, %sub3A : i32
      %mul3A_2630 = arith.constant 128 : i32
      %mul3A_2631 = arith.muli %add3A_2629, %mul3A_2630 : i32
      %dma_start3A_2632 = tpu.memref_slice %arg5[%mul3A_2631] : memref<5120xi32, #tpu.memory_space<vmem>> -> memref<128xi32, #tpu.memory_space<vmem>>
      %dma_start3A_2633 = arith.constant 0 : i32
      %dma_start3A_2634 = arith.constant 0 : i32
      %dma_start3A_2635 = tpu.memref_slice %arg2[%dma_start3A_2633, %dma_start3A_2634] : memref<10000x128xf32, #tpu.memory_space<hbm>> -> memref<10000x128xf32, #tpu.memory_space<hbm>>
      tpu.enqueue_indirect_dma source(%dma_start3A_2635 : memref<10000x128xf32, #tpu.memory_space<hbm>>) target(%arg8 : memref<128x128xf32, #tpu.memory_space<vmem>>) offsets(%dma_start3A_2632 : memref<128xi32, #tpu.memory_space<vmem>>) semaphore(%arg12 : memref<!tpu.dma_semaphore, #tpu.memory_space<semaphore_mem>>)
    } else {
    }
    %scan3A_1301 = arith.constant 0 : i32
    %scan3A_1302 = arith.constant 0 : i32
    %scan3A_1303 = arith.constant 40 : i32
    %scan3A_1304 = arith.addi %scan3A_1302, %scan3A_1303 : i32
    %scan3A_1305 = arith.constant 1 : i32
    scf.for %scan3A_2628 = %scan3A_1302 to %scan3A_1304 step %scan3A_1305  : i32 {
      %mul3A_2629 = arith.constant 640 : i32
      %mul3A_2630 = arith.muli %arg1, %mul3A_2629 : i32
      %mul3A_2631 = arith.constant 16 : i32
      %mul3A_2632 = arith.muli %scan3A_2628, %mul3A_2631 : i32
      %add3A_2633 = arith.addi %mul3A_2630, %mul3A_2632 : i32
      "tpu.region"() ({
        %run_scoped3A_2634 = tpu.sem_alloc : memref<!tpu.dma_semaphore, #tpu.memory_space<semaphore_mem>>
        %dma_start3A_2635 = arith.constant 0 : i32
        %dma_start3A_2636 = tpu.memref_slice %arg10[%add3A_2633, %dma_start3A_2635] : memref<10240x128xf32, #tpu.memory_space<vmem_shared>> -> memref<16x128xf32, #tpu.memory_space<vmem_shared>>
        %dma_start3A_2637 = arith.constant 0 : i32
        %dma_start3A_2638 = tpu.memref_slice %arg10[%add3A_2633, %dma_start3A_2637] : memref<10240x128xf32, #tpu.memory_space<vmem_shared>> -> memref<16x128xf32, #tpu.memory_space<vmem_shared>>
        tpu.enqueue_dma source(%arg9 : memref<16x128xf32, #tpu.memory_space<vmem>>) target(%dma_start3A_2638 : memref<16x128xf32, #tpu.memory_space<vmem_shared>>) target_semaphore(%run_scoped3A_2634 : memref<!tpu.dma_semaphore, #tpu.memory_space<semaphore_mem>>)
        %dma_wait3A_2639 = arith.constant 0 : i32
        %dma_wait3A_2640 = tpu.memref_slice %arg10[%add3A_2633, %dma_wait3A_2639] : memref<10240x128xf32, #tpu.memory_space<vmem_shared>> -> memref<16x128xf32, #tpu.memory_space<vmem_shared>>
        %dma_wait3A_2641 = arith.constant 0 : i32
        %dma_wait3A_2642 = tpu.memref_slice %arg10[%add3A_2633, %dma_wait3A_2641] : memref<10240x128xf32, #tpu.memory_space<vmem_shared>> -> memref<16x128xf32, #tpu.memory_space<vmem_shared>>
        tpu.wait_dma2 semaphore(%run_scoped3A_2634 : memref<!tpu.dma_semaphore, #tpu.memory_space<semaphore_mem>>) src(%arg9 : memref<16x128xf32, #tpu.memory_space<vmem>>) dst(%dma_wait3A_2642 : memref<16x128xf32, #tpu.memory_space<vmem_shared>>)
        tpu.yield
      }) : () -> ()
    }
    %scan3A_1306 = arith.constant 40 : i32
    %barrier3A = arith.constant 0 : index
    tpu.barrier barrier_id(%barrier3A)
    %add3A_1307 = arith.constant 0 : i32
    %add3A_1308 = arith.addi %mul3A_8, %add3A_1307 : i32
    %scan3A_1309 = arith.constant 0 : i32
    %scan3A_1310 = arith.constant 0 : i32
    %scan3A_1311 = arith.constant 20 : i32
    %scan3A_1312 = arith.addi %scan3A_1310, %scan3A_1311 : i32
    %scan3A_1313 = arith.constant 1 : i32
    scf.for %scan3A_2628 = %scan3A_1310 to %scan3A_1312 step %scan3A_1313  : i32 {
      %mul3A_2629 = arith.constant 2 : i32
      %mul3A_2630 = arith.muli %scan3A_2628, %mul3A_2629 : i32
      %add3A_2631 = arith.constant 0 : i32
      %add3A_2632 = arith.addi %mul3A_2630, %add3A_2631 : i32
      %add3A_2633 = arith.addi %add3A_1308, %add3A_2632 : i32
      %lt3A_2634 = arith.constant 2500 : i32
      %lt3A_2635 = arith.cmpi slt, %add3A_2633, %lt3A_2634 : i32
      %convert_element_type3A_2636 = arith.extui %lt3A_2635 : i1 to i32
      %cond3A_2637 = arith.constant 0 : i32
      %cond3A_2638 = arith.cmpi ne, %convert_element_type3A_2636, %cond3A_2637 : i32
      scf.if %cond3A_2638 {
        %add3A_2649 = arith.addi %add3A_2632, %sub3A : i32
        %mul3A_2650 = arith.constant 128 : i32
        %mul3A_2651 = arith.muli %add3A_2649, %mul3A_2650 : i32
        %dma_wait3A_2652 = tpu.memref_slice %arg5[%mul3A_2651] : memref<5120xi32, #tpu.memory_space<vmem>> -> memref<128xi32, #tpu.memory_space<vmem>>
        %dma_wait3A_2653 = arith.constant 0 : i32
        %dma_wait3A_2654 = arith.constant 0 : i32
        %dma_wait3A_2655 = tpu.memref_slice %arg2[%dma_wait3A_2653, %dma_wait3A_2654] : memref<10000x128xf32, #tpu.memory_space<hbm>> -> memref<10000x128xf32, #tpu.memory_space<hbm>>
        tpu.wait_indirect_dma semaphore(%arg11 : memref<!tpu.dma_semaphore, #tpu.memory_space<semaphore_mem>>) src(%dma_wait3A_2655 : memref<10000x128xf32, #tpu.memory_space<hbm>>) dst(%arg7 : memref<128x128xf32, #tpu.memory_space<vmem>>)
        %add3A_2656 = arith.addi %add3A_2632, %sub3A : i32
        "tpu.region"() ({
          %run_scoped3A_2669 = tpu.sem_alloc : memref<!tpu.dma_semaphore, #tpu.memory_space<semaphore_mem>>
          %dma_start3A_2670 = arith.constant 0 : i32
          %dma_start3A_2671 = tpu.memref_slice %arg6[%add3A_2656, %dma_start3A_2670] : memref<40x128xi32, #tpu.memory_space<vmem>> -> memref<1x128xi32, #tpu.memory_space<vmem>>
          %dma_start3A_2672 = tpu.memref_squeeze %dma_start3A_2671 : memref<1x128xi32, #tpu.memory_space<vmem>> -> memref<128xi32, #tpu.memory_space<vmem>>
          %dma_start3A_2673 = arith.constant 0 : i32
          %dma_start3A_2674 = arith.constant 0 : i32
          %dma_start3A_2675 = tpu.memref_slice %arg10[%dma_start3A_2673, %dma_start3A_2674] : memref<10240x128xf32, #tpu.memory_space<vmem_shared>> -> memref<10240x128xf32, #tpu.memory_space<vmem_shared>>
          tpu.enqueue_indirect_dma source(%arg7 : memref<128x128xf32, #tpu.memory_space<vmem>>) target(%dma_start3A_2675 : memref<10240x128xf32, #tpu.memory_space<vmem_shared>>) offsets(%dma_start3A_2672 : memref<128xi32, #tpu.memory_space<vmem>>) semaphore(%run_scoped3A_2669 : memref<!tpu.dma_semaphore, #tpu.memory_space<semaphore_mem>>) {add = true}
          %dma_wait3A_2676 = arith.constant 0 : i32
          %dma_wait3A_2677 = tpu.memref_slice %arg6[%add3A_2656, %dma_wait3A_2676] : memref<40x128xi32, #tpu.memory_space<vmem>> -> memref<1x128xi32, #tpu.memory_space<vmem>>
          %dma_wait3A_2678 = tpu.memref_squeeze %dma_wait3A_2677 : memref<1x128xi32, #tpu.memory_space<vmem>> -> memref<128xi32, #tpu.memory_space<vmem>>
          %dma_wait3A_2679 = arith.constant 0 : i32
          %dma_wait3A_2680 = arith.constant 0 : i32
          %dma_wait3A_2681 = tpu.memref_slice %arg10[%dma_wait3A_2679, %dma_wait3A_2680] : memref<10240x128xf32, #tpu.memory_space<vmem_shared>> -> memref<10240x128xf32, #tpu.memory_space<vmem_shared>>
          tpu.wait_indirect_dma semaphore(%run_scoped3A_2669 : memref<!tpu.dma_semaphore, #tpu.memory_space<semaphore_mem>>) src(%arg7 : memref<128x128xf32, #tpu.memory_space<vmem>>) dst(%dma_wait3A_2681 : memref<10240x128xf32, #tpu.memory_space<vmem_shared>>)
          tpu.yield
        }) : () -> ()
        %add3A_2657 = arith.constant 2 : i32
        %add3A_2658 = arith.addi %add3A_2632, %add3A_2657 : i32
        %lt3A_2659 = arith.constant 40 : i32
        %lt3A_2660 = arith.cmpi slt, %add3A_2658, %lt3A_2659 : i32
        %add3A_2661 = arith.addi %add3A_1308, %add3A_2632 : i32
        %add3A_2662 = arith.constant 2 : i32
        %add3A_2663 = arith.addi %add3A_2661, %add3A_2662 : i32
        %lt3A_2664 = arith.constant 2500 : i32
        %lt3A_2665 = arith.cmpi slt, %add3A_2663, %lt3A_2664 : i32
        %and3A = arith.andi %lt3A_2660, %lt3A_2665 : i1
        %convert_element_type3A_2666 = arith.extui %and3A : i1 to i32
        %cond3A_2667 = arith.constant 0 : i32
        %cond3A_2668 = arith.cmpi ne, %convert_element_type3A_2666, %cond3A_2667 : i32
        scf.if %cond3A_2668 {
          %add3A_2669 = arith.constant 2 : i32
          %add3A_2670 = arith.addi %add3A_2632, %add3A_2669 : i32
          %add3A_2671 = arith.addi %add3A_2670, %sub3A : i32
          %mul3A_2672 = arith.constant 128 : i32
          %mul3A_2673 = arith.muli %add3A_2671, %mul3A_2672 : i32
          %dma_start3A_2674 = tpu.memref_slice %arg5[%mul3A_2673] : memref<5120xi32, #tpu.memory_space<vmem>> -> memref<128xi32, #tpu.memory_space<vmem>>
          %dma_start3A_2675 = arith.constant 0 : i32
          %dma_start3A_2676 = arith.constant 0 : i32
          %dma_start3A_2677 = tpu.memref_slice %arg2[%dma_start3A_2675, %dma_start3A_2676] : memref<10000x128xf32, #tpu.memory_space<hbm>> -> memref<10000x128xf32, #tpu.memory_space<hbm>>
          tpu.enqueue_indirect_dma source(%dma_start3A_2677 : memref<10000x128xf32, #tpu.memory_space<hbm>>) target(%arg7 : memref<128x128xf32, #tpu.memory_space<vmem>>) offsets(%dma_start3A_2674 : memref<128xi32, #tpu.memory_space<vmem>>) semaphore(%arg11 : memref<!tpu.dma_semaphore, #tpu.memory_space<semaphore_mem>>)
        } else {
        }
      } else {
      }
      %mul3A_2639 = arith.constant 2 : i32
      %mul3A_2640 = arith.muli %scan3A_2628, %mul3A_2639 : i32
      %add3A_2641 = arith.constant 1 : i32
      %add3A_2642 = arith.addi %mul3A_2640, %add3A_2641 : i32
      %add3A_2643 = arith.addi %add3A_1308, %add3A_2642 : i32
      %lt3A_2644 = arith.constant 2500 : i32
      %lt3A_2645 = arith.cmpi slt, %add3A_2643, %lt3A_2644 : i32
      %convert_element_type3A_2646 = arith.extui %lt3A_2645 : i1 to i32
      %cond3A_2647 = arith.constant 0 : i32
      %cond3A_2648 = arith.cmpi ne, %convert_element_type3A_2646, %cond3A_2647 : i32
      scf.if %cond3A_2648 {
        %add3A_2649 = arith.addi %add3A_2642, %sub3A : i32
        %mul3A_2650 = arith.constant 128 : i32
        %mul3A_2651 = arith.muli %add3A_2649, %mul3A_2650 : i32
        %dma_wait3A_2652 = tpu.memref_slice %arg5[%mul3A_2651] : memref<5120xi32, #tpu.memory_space<vmem>> -> memref<128xi32, #tpu.memory_space<vmem>>
        %dma_wait3A_2653 = arith.constant 0 : i32
        %dma_wait3A_2654 = arith.constant 0 : i32
        %dma_wait3A_2655 = tpu.memref_slice %arg2[%dma_wait3A_2653, %dma_wait3A_2654] : memref<10000x128xf32, #tpu.memory_space<hbm>> -> memref<10000x128xf32, #tpu.memory_space<hbm>>
        tpu.wait_indirect_dma semaphore(%arg12 : memref<!tpu.dma_semaphore, #tpu.memory_space<semaphore_mem>>) src(%dma_wait3A_2655 : memref<10000x128xf32, #tpu.memory_space<hbm>>) dst(%arg8 : memref<128x128xf32, #tpu.memory_space<vmem>>)
        %add3A_2656 = arith.addi %add3A_2642, %sub3A : i32
        "tpu.region"() ({
          %run_scoped3A_2669 = tpu.sem_alloc : memref<!tpu.dma_semaphore, #tpu.memory_space<semaphore_mem>>
          %dma_start3A_2670 = arith.constant 0 : i32
          %dma_start3A_2671 = tpu.memref_slice %arg6[%add3A_2656, %dma_start3A_2670] : memref<40x128xi32, #tpu.memory_space<vmem>> -> memref<1x128xi32, #tpu.memory_space<vmem>>
          %dma_start3A_2672 = tpu.memref_squeeze %dma_start3A_2671 : memref<1x128xi32, #tpu.memory_space<vmem>> -> memref<128xi32, #tpu.memory_space<vmem>>
          %dma_start3A_2673 = arith.constant 0 : i32
          %dma_start3A_2674 = arith.constant 0 : i32
          %dma_start3A_2675 = tpu.memref_slice %arg10[%dma_start3A_2673, %dma_start3A_2674] : memref<10240x128xf32, #tpu.memory_space<vmem_shared>> -> memref<10240x128xf32, #tpu.memory_space<vmem_shared>>
          tpu.enqueue_indirect_dma source(%arg8 : memref<128x128xf32, #tpu.memory_space<vmem>>) target(%dma_start3A_2675 : memref<10240x128xf32, #tpu.memory_space<vmem_shared>>) offsets(%dma_start3A_2672 : memref<128xi32, #tpu.memory_space<vmem>>) semaphore(%run_scoped3A_2669 : memref<!tpu.dma_semaphore, #tpu.memory_space<semaphore_mem>>) {add = true}
          %dma_wait3A_2676 = arith.constant 0 : i32
          %dma_wait3A_2677 = tpu.memref_slice %arg6[%add3A_2656, %dma_wait3A_2676] : memref<40x128xi32, #tpu.memory_space<vmem>> -> memref<1x128xi32, #tpu.memory_space<vmem>>
          %dma_wait3A_2678 = tpu.memref_squeeze %dma_wait3A_2677 : memref<1x128xi32, #tpu.memory_space<vmem>> -> memref<128xi32, #tpu.memory_space<vmem>>
          %dma_wait3A_2679 = arith.constant 0 : i32
          %dma_wait3A_2680 = arith.constant 0 : i32
          %dma_wait3A_2681 = tpu.memref_slice %arg10[%dma_wait3A_2679, %dma_wait3A_2680] : memref<10240x128xf32, #tpu.memory_space<vmem_shared>> -> memref<10240x128xf32, #tpu.memory_space<vmem_shared>>
          tpu.wait_indirect_dma semaphore(%run_scoped3A_2669 : memref<!tpu.dma_semaphore, #tpu.memory_space<semaphore_mem>>) src(%arg8 : memref<128x128xf32, #tpu.memory_space<vmem>>) dst(%dma_wait3A_2681 : memref<10240x128xf32, #tpu.memory_space<vmem_shared>>)
          tpu.yield
        }) : () -> ()
        %add3A_2657 = arith.constant 2 : i32
        %add3A_2658 = arith.addi %add3A_2642, %add3A_2657 : i32
        %lt3A_2659 = arith.constant 40 : i32
        %lt3A_2660 = arith.cmpi slt, %add3A_2658, %lt3A_2659 : i32
        %add3A_2661 = arith.addi %add3A_1308, %add3A_2642 : i32
        %add3A_2662 = arith.constant 2 : i32
        %add3A_2663 = arith.addi %add3A_2661, %add3A_2662 : i32
        %lt3A_2664 = arith.constant 2500 : i32
        %lt3A_2665 = arith.cmpi slt, %add3A_2663, %lt3A_2664 : i32
        %and3A = arith.andi %lt3A_2660, %lt3A_2665 : i1
        %convert_element_type3A_2666 = arith.extui %and3A : i1 to i32
        %cond3A_2667 = arith.constant 0 : i32
        %cond3A_2668 = arith.cmpi ne, %convert_element_type3A_2666, %cond3A_2667 : i32
        scf.if %cond3A_2668 {
          %add3A_2669 = arith.constant 2 : i32
          %add3A_2670 = arith.addi %add3A_2642, %add3A_2669 : i32
          %add3A_2671 = arith.addi %add3A_2670, %sub3A : i32
          %mul3A_2672 = arith.constant 128 : i32
          %mul3A_2673 = arith.muli %add3A_2671, %mul3A_2672 : i32
          %dma_start3A_2674 = tpu.memref_slice %arg5[%mul3A_2673] : memref<5120xi32, #tpu.memory_space<vmem>> -> memref<128xi32, #tpu.memory_space<vmem>>
          %dma_start3A_2675 = arith.constant 0 : i32
          %dma_start3A_2676 = arith.constant 0 : i32
          %dma_start3A_2677 = tpu.memref_slice %arg2[%dma_start3A_2675, %dma_start3A_2676] : memref<10000x128xf32, #tpu.memory_space<hbm>> -> memref<10000x128xf32, #tpu.memory_space<hbm>>
          tpu.enqueue_indirect_dma source(%dma_start3A_2677 : memref<10000x128xf32, #tpu.memory_space<hbm>>) target(%arg8 : memref<128x128xf32, #tpu.memory_space<vmem>>) offsets(%dma_start3A_2674 : memref<128xi32, #tpu.memory_space<vmem>>) semaphore(%arg12 : memref<!tpu.dma_semaphore, #tpu.memory_space<semaphore_mem>>)
        } else {
        }
      } else {
      }
    }
    %scan3A_1314 = arith.constant 20 : i32
    %add3A_1315 = arith.constant 40 : i32
    %add3A_1316 = arith.addi %mul3A_8, %add3A_1315 : i32
    %min3A_1317 = arith.constant 2460 : i32
    %min3A_1318 = arith.minsi %add3A_1316, %min3A_1317 : i32
    %mul3A_1319 = arith.constant 128 : i32
    %mul3A_1320 = arith.muli %min3A_1318, %mul3A_1319 : i32
    %run_scoped3A_1321 = arith.constant 0 : i32
    "tpu.region"() ({
      %run_scoped3A_2628 = tpu.sem_alloc : memref<!tpu.dma_semaphore, #tpu.memory_space<semaphore_mem>>
      %dma_start3A_2629 = tpu.memref_slice %arg3[%run_scoped3A_1321, %mul3A_1320] : memref<2x320000xi32, #tpu.memory_space<hbm>> -> memref<1x5120xi32, #tpu.memory_space<hbm>>
      %dma_start3A_2630 = tpu.memref_squeeze %dma_start3A_2629 : memref<1x5120xi32, #tpu.memory_space<hbm>> -> memref<5120xi32, #tpu.memory_space<hbm>>
      %dma_start3A_2631 = tpu.memref_slice %arg3[%run_scoped3A_1321, %mul3A_1320] : memref<2x320000xi32, #tpu.memory_space<hbm>> -> memref<1x5120xi32, #tpu.memory_space<hbm>>
      %dma_start3A_2632 = tpu.memref_squeeze %dma_start3A_2631 : memref<1x5120xi32, #tpu.memory_space<hbm>> -> memref<5120xi32, #tpu.memory_space<hbm>>
      tpu.enqueue_dma source(%dma_start3A_2632 : memref<5120xi32, #tpu.memory_space<hbm>>) target(%arg5 : memref<5120xi32, #tpu.memory_space<vmem>>) target_semaphore(%run_scoped3A_2628 : memref<!tpu.dma_semaphore, #tpu.memory_space<semaphore_mem>>)
      %dma_wait3A_2633 = tpu.memref_slice %arg3[%run_scoped3A_1321, %mul3A_1320] : memref<2x320000xi32, #tpu.memory_space<hbm>> -> memref<1x5120xi32, #tpu.memory_space<hbm>>
      %dma_wait3A_2634 = tpu.memref_squeeze %dma_wait3A_2633 : memref<1x5120xi32, #tpu.memory_space<hbm>> -> memref<5120xi32, #tpu.memory_space<hbm>>
      %dma_wait3A_2635 = tpu.memref_slice %arg3[%run_scoped3A_1321, %mul3A_1320] : memref<2x320000xi32, #tpu.memory_space<hbm>> -> memref<1x5120xi32, #tpu.memory_space<hbm>>
      %dma_wait3A_2636 = tpu.memref_squeeze %dma_wait3A_2635 : memref<1x5120xi32, #tpu.memory_space<hbm>> -> memref<5120xi32, #tpu.memory_space<hbm>>
      tpu.wait_dma2 semaphore(%run_scoped3A_2628 : memref<!tpu.dma_semaphore, #tpu.memory_space<semaphore_mem>>) src(%dma_wait3A_2636 : memref<5120xi32, #tpu.memory_space<hbm>>) dst(%arg5 : memref<5120xi32, #tpu.memory_space<vmem>>)
      tpu.yield
    }) : () -> ()
    %add3A_1322 = arith.constant 0 : i32
    %add3A_1323 = arith.addi %min3A_1318, %add3A_1322 : i32
    %mul3A_1324 = arith.constant 128 : i32
    %mul3A_1325 = arith.muli %add3A_1323, %mul3A_1324 : i32
    %dma_start3A_1326 = arith.constant 1 : i32
    %dma_start3A_1327 = arith.constant 0 : i32
    %dma_start3A_1328 = arith.constant 0 : i32
    %dma_start3A_1329 = tpu.memref_slice %arg6[%dma_start3A_1327, %dma_start3A_1328] : memref<40x128xi32, #tpu.memory_space<vmem>> -> memref<1x128xi32, #tpu.memory_space<vmem>>
    %dma_start3A_1330 = tpu.memref_squeeze %dma_start3A_1329 : memref<1x128xi32, #tpu.memory_space<vmem>> -> memref<128xi32, #tpu.memory_space<vmem>>
    %dma_start3A_1331 = tpu.memref_slice %arg3[%dma_start3A_1326, %mul3A_1325] : memref<2x320000xi32, #tpu.memory_space<hbm>> -> memref<1x128xi32, #tpu.memory_space<hbm>>
    %dma_start3A_1332 = tpu.memref_squeeze %dma_start3A_1331 : memref<1x128xi32, #tpu.memory_space<hbm>> -> memref<128xi32, #tpu.memory_space<hbm>>
    %dma_start3A_1333 = arith.constant 0 : i32
    %dma_start3A_1334 = tpu.memref_slice %arg6[%dma_start3A_1327, %dma_start3A_1333] : memref<40x128xi32, #tpu.memory_space<vmem>> -> memref<1x128xi32, #tpu.memory_space<vmem>>
    %dma_start3A_1335 = tpu.memref_squeeze %dma_start3A_1334 : memref<1x128xi32, #tpu.memory_space<vmem>> -> memref<128xi32, #tpu.memory_space<vmem>>
    %dma_start3A_1336 = tpu.memref_slice %arg3[%dma_start3A_1326, %mul3A_1325] : memref<2x320000xi32, #tpu.memory_space<hbm>> -> memref<1x128xi32, #tpu.memory_space<hbm>>
    %dma_start3A_1337 = tpu.memref_squeeze %dma_start3A_1336 : memref<1x128xi32, #tpu.memory_space<hbm>> -> memref<128xi32, #tpu.memory_space<hbm>>
    tpu.enqueue_dma source(%dma_start3A_1337 : memref<128xi32, #tpu.memory_space<hbm>>) target(%dma_start3A_1335 : memref<128xi32, #tpu.memory_space<vmem>>) target_semaphore(%arg13 : memref<!tpu.dma_semaphore, #tpu.memory_space<semaphore_mem>>)
    %add3A_1338 = arith.constant 1 : i32
    %add3A_1339 = arith.addi %min3A_1318, %add3A_1338 : i32
    %mul3A_1340 = arith.constant 128 : i32
    %mul3A_1341 = arith.muli %add3A_1339, %mul3A_1340 : i32
    %dma_start3A_1342 = arith.constant 1 : i32
    %dma_start3A_1343 = arith.constant 1 : i32
    %dma_start3A_1344 = arith.constant 0 : i32
    %dma_start3A_1345 = tpu.memref_slice %arg6[%dma_start3A_1343, %dma_start3A_1344] : memref<40x128xi32, #tpu.memory_space<vmem>> -> memref<1x128xi32, #tpu.memory_space<vmem>>
    %dma_start3A_1346 = tpu.memref_squeeze %dma_start3A_1345 : memref<1x128xi32, #tpu.memory_space<vmem>> -> memref<128xi32, #tpu.memory_space<vmem>>
    %dma_start3A_1347 = tpu.memref_slice %arg3[%dma_start3A_1342, %mul3A_1341] : memref<2x320000xi32, #tpu.memory_space<hbm>> -> memref<1x128xi32, #tpu.memory_space<hbm>>
    %dma_start3A_1348 = tpu.memref_squeeze %dma_start3A_1347 : memref<1x128xi32, #tpu.memory_space<hbm>> -> memref<128xi32, #tpu.memory_space<hbm>>
    %dma_start3A_1349 = arith.constant 0 : i32
    %dma_start3A_1350 = tpu.memref_slice %arg6[%dma_start3A_1343, %dma_start3A_1349] : memref<40x128xi32, #tpu.memory_space<vmem>> -> memref<1x128xi32, #tpu.memory_space<vmem>>
    %dma_start3A_1351 = tpu.memref_squeeze %dma_start3A_1350 : memref<1x128xi32, #tpu.memory_space<vmem>> -> memref<128xi32, #tpu.memory_space<vmem>>
    %dma_start3A_1352 = tpu.memref_slice %arg3[%dma_start3A_1342, %mul3A_1341] : memref<2x320000xi32, #tpu.memory_space<hbm>> -> memref<1x128xi32, #tpu.memory_space<hbm>>
    %dma_start3A_1353 = tpu.memref_squeeze %dma_start3A_1352 : memref<1x128xi32, #tpu.memory_space<hbm>> -> memref<128xi32, #tpu.memory_space<hbm>>
    tpu.enqueue_dma source(%dma_start3A_1353 : memref<128xi32, #tpu.memory_space<hbm>>) target(%dma_start3A_1351 : memref<128xi32, #tpu.memory_space<vmem>>) target_semaphore(%arg13 : memref<!tpu.dma_semaphore, #tpu.memory_space<semaphore_mem>>)
    %add3A_1354 = arith.constant 2 : i32
    %add3A_1355 = arith.addi %min3A_1318, %add3A_1354 : i32
    %mul3A_1356 = arith.constant 128 : i32
    %mul3A_1357 = arith.muli %add3A_1355, %mul3A_1356 : i32
    %dma_start3A_1358 = arith.constant 1 : i32
    %dma_start3A_1359 = arith.constant 2 : i32
    %dma_start3A_1360 = arith.constant 0 : i32
    %dma_start3A_1361 = tpu.memref_slice %arg6[%dma_start3A_1359, %dma_start3A_1360] : memref<40x128xi32, #tpu.memory_space<vmem>> -> memref<1x128xi32, #tpu.memory_space<vmem>>
    %dma_start3A_1362 = tpu.memref_squeeze %dma_start3A_1361 : memref<1x128xi32, #tpu.memory_space<vmem>> -> memref<128xi32, #tpu.memory_space<vmem>>
    %dma_start3A_1363 = tpu.memref_slice %arg3[%dma_start3A_1358, %mul3A_1357] : memref<2x320000xi32, #tpu.memory_space<hbm>> -> memref<1x128xi32, #tpu.memory_space<hbm>>
    %dma_start3A_1364 = tpu.memref_squeeze %dma_start3A_1363 : memref<1x128xi32, #tpu.memory_space<hbm>> -> memref<128xi32, #tpu.memory_space<hbm>>
    %dma_start3A_1365 = arith.constant 0 : i32
    %dma_start3A_1366 = tpu.memref_slice %arg6[%dma_start3A_1359, %dma_start3A_1365] : memref<40x128xi32, #tpu.memory_space<vmem>> -> memref<1x128xi32, #tpu.memory_space<vmem>>
    %dma_start3A_1367 = tpu.memref_squeeze %dma_start3A_1366 : memref<1x128xi32, #tpu.memory_space<vmem>> -> memref<128xi32, #tpu.memory_space<vmem>>
    %dma_start3A_1368 = tpu.memref_slice %arg3[%dma_start3A_1358, %mul3A_1357] : memref<2x320000xi32, #tpu.memory_space<hbm>> -> memref<1x128xi32, #tpu.memory_space<hbm>>
    %dma_start3A_1369 = tpu.memref_squeeze %dma_start3A_1368 : memref<1x128xi32, #tpu.memory_space<hbm>> -> memref<128xi32, #tpu.memory_space<hbm>>
    tpu.enqueue_dma source(%dma_start3A_1369 : memref<128xi32, #tpu.memory_space<hbm>>) target(%dma_start3A_1367 : memref<128xi32, #tpu.memory_space<vmem>>) target_semaphore(%arg13 : memref<!tpu.dma_semaphore, #tpu.memory_space<semaphore_mem>>)
    %add3A_1370 = arith.constant 3 : i32
    %add3A_1371 = arith.addi %min3A_1318, %add3A_1370 : i32
    %mul3A_1372 = arith.constant 128 : i32
    %mul3A_1373 = arith.muli %add3A_1371, %mul3A_1372 : i32
    %dma_start3A_1374 = arith.constant 1 : i32
    %dma_start3A_1375 = arith.constant 3 : i32
    %dma_start3A_1376 = arith.constant 0 : i32
    %dma_start3A_1377 = tpu.memref_slice %arg6[%dma_start3A_1375, %dma_start3A_1376] : memref<40x128xi32, #tpu.memory_space<vmem>> -> memref<1x128xi32, #tpu.memory_space<vmem>>
    %dma_start3A_1378 = tpu.memref_squeeze %dma_start3A_1377 : memref<1x128xi32, #tpu.memory_space<vmem>> -> memref<128xi32, #tpu.memory_space<vmem>>
    %dma_start3A_1379 = tpu.memref_slice %arg3[%dma_start3A_1374, %mul3A_1373] : memref<2x320000xi32, #tpu.memory_space<hbm>> -> memref<1x128xi32, #tpu.memory_space<hbm>>
    %dma_start3A_1380 = tpu.memref_squeeze %dma_start3A_1379 : memref<1x128xi32, #tpu.memory_space<hbm>> -> memref<128xi32, #tpu.memory_space<hbm>>
    %dma_start3A_1381 = arith.constant 0 : i32
    %dma_start3A_1382 = tpu.memref_slice %arg6[%dma_start3A_1375, %dma_start3A_1381] : memref<40x128xi32, #tpu.memory_space<vmem>> -> memref<1x128xi32, #tpu.memory_space<vmem>>
    %dma_start3A_1383 = tpu.memref_squeeze %dma_start3A_1382 : memref<1x128xi32, #tpu.memory_space<vmem>> -> memref<128xi32, #tpu.memory_space<vmem>>
    %dma_start3A_1384 = tpu.memref_slice %arg3[%dma_start3A_1374, %mul3A_1373] : memref<2x320000xi32, #tpu.memory_space<hbm>> -> memref<1x128xi32, #tpu.memory_space<hbm>>
    %dma_start3A_1385 = tpu.memref_squeeze %dma_start3A_1384 : memref<1x128xi32, #tpu.memory_space<hbm>> -> memref<128xi32, #tpu.memory_space<hbm>>
    tpu.enqueue_dma source(%dma_start3A_1385 : memref<128xi32, #tpu.memory_space<hbm>>) target(%dma_start3A_1383 : memref<128xi32, #tpu.memory_space<vmem>>) target_semaphore(%arg13 : memref<!tpu.dma_semaphore, #tpu.memory_space<semaphore_mem>>)
    %add3A_1386 = arith.constant 4 : i32
    %add3A_1387 = arith.addi %min3A_1318, %add3A_1386 : i32
    %mul3A_1388 = arith.constant 128 : i32
    %mul3A_1389 = arith.muli %add3A_1387, %mul3A_1388 : i32
    %dma_start3A_1390 = arith.constant 1 : i32
    %dma_start3A_1391 = arith.constant 4 : i32
    %dma_start3A_1392 = arith.constant 0 : i32
    %dma_start3A_1393 = tpu.memref_slice %arg6[%dma_start3A_1391, %dma_start3A_1392] : memref<40x128xi32, #tpu.memory_space<vmem>> -> memref<1x128xi32, #tpu.memory_space<vmem>>
    %dma_start3A_1394 = tpu.memref_squeeze %dma_start3A_1393 : memref<1x128xi32, #tpu.memory_space<vmem>> -> memref<128xi32, #tpu.memory_space<vmem>>
    %dma_start3A_1395 = tpu.memref_slice %arg3[%dma_start3A_1390, %mul3A_1389] : memref<2x320000xi32, #tpu.memory_space<hbm>> -> memref<1x128xi32, #tpu.memory_space<hbm>>
    %dma_start3A_1396 = tpu.memref_squeeze %dma_start3A_1395 : memref<1x128xi32, #tpu.memory_space<hbm>> -> memref<128xi32, #tpu.memory_space<hbm>>
    %dma_start3A_1397 = arith.constant 0 : i32
    %dma_start3A_1398 = tpu.memref_slice %arg6[%dma_start3A_1391, %dma_start3A_1397] : memref<40x128xi32, #tpu.memory_space<vmem>> -> memref<1x128xi32, #tpu.memory_space<vmem>>
    %dma_start3A_1399 = tpu.memref_squeeze %dma_start3A_1398 : memref<1x128xi32, #tpu.memory_space<vmem>> -> memref<128xi32, #tpu.memory_space<vmem>>
    %dma_start3A_1400 = tpu.memref_slice %arg3[%dma_start3A_1390, %mul3A_1389] : memref<2x320000xi32, #tpu.memory_space<hbm>> -> memref<1x128xi32, #tpu.memory_space<hbm>>
    %dma_start3A_1401 = tpu.memref_squeeze %dma_start3A_1400 : memref<1x128xi32, #tpu.memory_space<hbm>> -> memref<128xi32, #tpu.memory_space<hbm>>
    tpu.enqueue_dma source(%dma_start3A_1401 : memref<128xi32, #tpu.memory_space<hbm>>) target(%dma_start3A_1399 : memref<128xi32, #tpu.memory_space<vmem>>) target_semaphore(%arg13 : memref<!tpu.dma_semaphore, #tpu.memory_space<semaphore_mem>>)
    %add3A_1402 = arith.constant 5 : i32
    %add3A_1403 = arith.addi %min3A_1318, %add3A_1402 : i32
    %mul3A_1404 = arith.constant 128 : i32
    %mul3A_1405 = arith.muli %add3A_1403, %mul3A_1404 : i32
    %dma_start3A_1406 = arith.constant 1 : i32
    %dma_start3A_1407 = arith.constant 5 : i32
    %dma_start3A_1408 = arith.constant 0 : i32
    %dma_start3A_1409 = tpu.memref_slice %arg6[%dma_start3A_1407, %dma_start3A_1408] : memref<40x128xi32, #tpu.memory_space<vmem>> -> memref<1x128xi32, #tpu.memory_space<vmem>>
    %dma_start3A_1410 = tpu.memref_squeeze %dma_start3A_1409 : memref<1x128xi32, #tpu.memory_space<vmem>> -> memref<128xi32, #tpu.memory_space<vmem>>
    %dma_start3A_1411 = tpu.memref_slice %arg3[%dma_start3A_1406, %mul3A_1405] : memref<2x320000xi32, #tpu.memory_space<hbm>> -> memref<1x128xi32, #tpu.memory_space<hbm>>
    %dma_start3A_1412 = tpu.memref_squeeze %dma_start3A_1411 : memref<1x128xi32, #tpu.memory_space<hbm>> -> memref<128xi32, #tpu.memory_space<hbm>>
    %dma_start3A_1413 = arith.constant 0 : i32
    %dma_start3A_1414 = tpu.memref_slice %arg6[%dma_start3A_1407, %dma_start3A_1413] : memref<40x128xi32, #tpu.memory_space<vmem>> -> memref<1x128xi32, #tpu.memory_space<vmem>>
    %dma_start3A_1415 = tpu.memref_squeeze %dma_start3A_1414 : memref<1x128xi32, #tpu.memory_space<vmem>> -> memref<128xi32, #tpu.memory_space<vmem>>
    %dma_start3A_1416 = tpu.memref_slice %arg3[%dma_start3A_1406, %mul3A_1405] : memref<2x320000xi32, #tpu.memory_space<hbm>> -> memref<1x128xi32, #tpu.memory_space<hbm>>
    %dma_start3A_1417 = tpu.memref_squeeze %dma_start3A_1416 : memref<1x128xi32, #tpu.memory_space<hbm>> -> memref<128xi32, #tpu.memory_space<hbm>>
    tpu.enqueue_dma source(%dma_start3A_1417 : memref<128xi32, #tpu.memory_space<hbm>>) target(%dma_start3A_1415 : memref<128xi32, #tpu.memory_space<vmem>>) target_semaphore(%arg13 : memref<!tpu.dma_semaphore, #tpu.memory_space<semaphore_mem>>)
    %add3A_1418 = arith.constant 6 : i32
    %add3A_1419 = arith.addi %min3A_1318, %add3A_1418 : i32
    %mul3A_1420 = arith.constant 128 : i32
    %mul3A_1421 = arith.muli %add3A_1419, %mul3A_1420 : i32
    %dma_start3A_1422 = arith.constant 1 : i32
    %dma_start3A_1423 = arith.constant 6 : i32
    %dma_start3A_1424 = arith.constant 0 : i32
    %dma_start3A_1425 = tpu.memref_slice %arg6[%dma_start3A_1423, %dma_start3A_1424] : memref<40x128xi32, #tpu.memory_space<vmem>> -> memref<1x128xi32, #tpu.memory_space<vmem>>
    %dma_start3A_1426 = tpu.memref_squeeze %dma_start3A_1425 : memref<1x128xi32, #tpu.memory_space<vmem>> -> memref<128xi32, #tpu.memory_space<vmem>>
    %dma_start3A_1427 = tpu.memref_slice %arg3[%dma_start3A_1422, %mul3A_1421] : memref<2x320000xi32, #tpu.memory_space<hbm>> -> memref<1x128xi32, #tpu.memory_space<hbm>>
    %dma_start3A_1428 = tpu.memref_squeeze %dma_start3A_1427 : memref<1x128xi32, #tpu.memory_space<hbm>> -> memref<128xi32, #tpu.memory_space<hbm>>
    %dma_start3A_1429 = arith.constant 0 : i32
    %dma_start3A_1430 = tpu.memref_slice %arg6[%dma_start3A_1423, %dma_start3A_1429] : memref<40x128xi32, #tpu.memory_space<vmem>> -> memref<1x128xi32, #tpu.memory_space<vmem>>
    %dma_start3A_1431 = tpu.memref_squeeze %dma_start3A_1430 : memref<1x128xi32, #tpu.memory_space<vmem>> -> memref<128xi32, #tpu.memory_space<vmem>>
    %dma_start3A_1432 = tpu.memref_slice %arg3[%dma_start3A_1422, %mul3A_1421] : memref<2x320000xi32, #tpu.memory_space<hbm>> -> memref<1x128xi32, #tpu.memory_space<hbm>>
    %dma_start3A_1433 = tpu.memref_squeeze %dma_start3A_1432 : memref<1x128xi32, #tpu.memory_space<hbm>> -> memref<128xi32, #tpu.memory_space<hbm>>
    tpu.enqueue_dma source(%dma_start3A_1433 : memref<128xi32, #tpu.memory_space<hbm>>) target(%dma_start3A_1431 : memref<128xi32, #tpu.memory_space<vmem>>) target_semaphore(%arg13 : memref<!tpu.dma_semaphore, #tpu.memory_space<semaphore_mem>>)
    %add3A_1434 = arith.constant 7 : i32
    %add3A_1435 = arith.addi %min3A_1318, %add3A_1434 : i32
    %mul3A_1436 = arith.constant 128 : i32
    %mul3A_1437 = arith.muli %add3A_1435, %mul3A_1436 : i32
    %dma_start3A_1438 = arith.constant 1 : i32
    %dma_start3A_1439 = arith.constant 7 : i32
    %dma_start3A_1440 = arith.constant 0 : i32
    %dma_start3A_1441 = tpu.memref_slice %arg6[%dma_start3A_1439, %dma_start3A_1440] : memref<40x128xi32, #tpu.memory_space<vmem>> -> memref<1x128xi32, #tpu.memory_space<vmem>>
    %dma_start3A_1442 = tpu.memref_squeeze %dma_start3A_1441 : memref<1x128xi32, #tpu.memory_space<vmem>> -> memref<128xi32, #tpu.memory_space<vmem>>
    %dma_start3A_1443 = tpu.memref_slice %arg3[%dma_start3A_1438, %mul3A_1437] : memref<2x320000xi32, #tpu.memory_space<hbm>> -> memref<1x128xi32, #tpu.memory_space<hbm>>
    %dma_start3A_1444 = tpu.memref_squeeze %dma_start3A_1443 : memref<1x128xi32, #tpu.memory_space<hbm>> -> memref<128xi32, #tpu.memory_space<hbm>>
    %dma_start3A_1445 = arith.constant 0 : i32
    %dma_start3A_1446 = tpu.memref_slice %arg6[%dma_start3A_1439, %dma_start3A_1445] : memref<40x128xi32, #tpu.memory_space<vmem>> -> memref<1x128xi32, #tpu.memory_space<vmem>>
    %dma_start3A_1447 = tpu.memref_squeeze %dma_start3A_1446 : memref<1x128xi32, #tpu.memory_space<vmem>> -> memref<128xi32, #tpu.memory_space<vmem>>
    %dma_start3A_1448 = tpu.memref_slice %arg3[%dma_start3A_1438, %mul3A_1437] : memref<2x320000xi32, #tpu.memory_space<hbm>> -> memref<1x128xi32, #tpu.memory_space<hbm>>
    %dma_start3A_1449 = tpu.memref_squeeze %dma_start3A_1448 : memref<1x128xi32, #tpu.memory_space<hbm>> -> memref<128xi32, #tpu.memory_space<hbm>>
    tpu.enqueue_dma source(%dma_start3A_1449 : memref<128xi32, #tpu.memory_space<hbm>>) target(%dma_start3A_1447 : memref<128xi32, #tpu.memory_space<vmem>>) target_semaphore(%arg13 : memref<!tpu.dma_semaphore, #tpu.memory_space<semaphore_mem>>)
    %add3A_1450 = arith.constant 8 : i32
    %add3A_1451 = arith.addi %min3A_1318, %add3A_1450 : i32
    %mul3A_1452 = arith.constant 128 : i32
    %mul3A_1453 = arith.muli %add3A_1451, %mul3A_1452 : i32
    %dma_start3A_1454 = arith.constant 1 : i32
    %dma_start3A_1455 = arith.constant 8 : i32
    %dma_start3A_1456 = arith.constant 0 : i32
    %dma_start3A_1457 = tpu.memref_slice %arg6[%dma_start3A_1455, %dma_start3A_1456] : memref<40x128xi32, #tpu.memory_space<vmem>> -> memref<1x128xi32, #tpu.memory_space<vmem>>
    %dma_start3A_1458 = tpu.memref_squeeze %dma_start3A_1457 : memref<1x128xi32, #tpu.memory_space<vmem>> -> memref<128xi32, #tpu.memory_space<vmem>>
    %dma_start3A_1459 = tpu.memref_slice %arg3[%dma_start3A_1454, %mul3A_1453] : memref<2x320000xi32, #tpu.memory_space<hbm>> -> memref<1x128xi32, #tpu.memory_space<hbm>>
    %dma_start3A_1460 = tpu.memref_squeeze %dma_start3A_1459 : memref<1x128xi32, #tpu.memory_space<hbm>> -> memref<128xi32, #tpu.memory_space<hbm>>
    %dma_start3A_1461 = arith.constant 0 : i32
    %dma_start3A_1462 = tpu.memref_slice %arg6[%dma_start3A_1455, %dma_start3A_1461] : memref<40x128xi32, #tpu.memory_space<vmem>> -> memref<1x128xi32, #tpu.memory_space<vmem>>
    %dma_start3A_1463 = tpu.memref_squeeze %dma_start3A_1462 : memref<1x128xi32, #tpu.memory_space<vmem>> -> memref<128xi32, #tpu.memory_space<vmem>>
    %dma_start3A_1464 = tpu.memref_slice %arg3[%dma_start3A_1454, %mul3A_1453] : memref<2x320000xi32, #tpu.memory_space<hbm>> -> memref<1x128xi32, #tpu.memory_space<hbm>>
    %dma_start3A_1465 = tpu.memref_squeeze %dma_start3A_1464 : memref<1x128xi32, #tpu.memory_space<hbm>> -> memref<128xi32, #tpu.memory_space<hbm>>
    tpu.enqueue_dma source(%dma_start3A_1465 : memref<128xi32, #tpu.memory_space<hbm>>) target(%dma_start3A_1463 : memref<128xi32, #tpu.memory_space<vmem>>) target_semaphore(%arg13 : memref<!tpu.dma_semaphore, #tpu.memory_space<semaphore_mem>>)
    %add3A_1466 = arith.constant 9 : i32
    %add3A_1467 = arith.addi %min3A_1318, %add3A_1466 : i32
    %mul3A_1468 = arith.constant 128 : i32
    %mul3A_1469 = arith.muli %add3A_1467, %mul3A_1468 : i32
    %dma_start3A_1470 = arith.constant 1 : i32
    %dma_start3A_1471 = arith.constant 9 : i32
    %dma_start3A_1472 = arith.constant 0 : i32
    %dma_start3A_1473 = tpu.memref_slice %arg6[%dma_start3A_1471, %dma_start3A_1472] : memref<40x128xi32, #tpu.memory_space<vmem>> -> memref<1x128xi32, #tpu.memory_space<vmem>>
    %dma_start3A_1474 = tpu.memref_squeeze %dma_start3A_1473 : memref<1x128xi32, #tpu.memory_space<vmem>> -> memref<128xi32, #tpu.memory_space<vmem>>
    %dma_start3A_1475 = tpu.memref_slice %arg3[%dma_start3A_1470, %mul3A_1469] : memref<2x320000xi32, #tpu.memory_space<hbm>> -> memref<1x128xi32, #tpu.memory_space<hbm>>
    %dma_start3A_1476 = tpu.memref_squeeze %dma_start3A_1475 : memref<1x128xi32, #tpu.memory_space<hbm>> -> memref<128xi32, #tpu.memory_space<hbm>>
    %dma_start3A_1477 = arith.constant 0 : i32
    %dma_start3A_1478 = tpu.memref_slice %arg6[%dma_start3A_1471, %dma_start3A_1477] : memref<40x128xi32, #tpu.memory_space<vmem>> -> memref<1x128xi32, #tpu.memory_space<vmem>>
    %dma_start3A_1479 = tpu.memref_squeeze %dma_start3A_1478 : memref<1x128xi32, #tpu.memory_space<vmem>> -> memref<128xi32, #tpu.memory_space<vmem>>
    %dma_start3A_1480 = tpu.memref_slice %arg3[%dma_start3A_1470, %mul3A_1469] : memref<2x320000xi32, #tpu.memory_space<hbm>> -> memref<1x128xi32, #tpu.memory_space<hbm>>
    %dma_start3A_1481 = tpu.memref_squeeze %dma_start3A_1480 : memref<1x128xi32, #tpu.memory_space<hbm>> -> memref<128xi32, #tpu.memory_space<hbm>>
    tpu.enqueue_dma source(%dma_start3A_1481 : memref<128xi32, #tpu.memory_space<hbm>>) target(%dma_start3A_1479 : memref<128xi32, #tpu.memory_space<vmem>>) target_semaphore(%arg13 : memref<!tpu.dma_semaphore, #tpu.memory_space<semaphore_mem>>)
    %add3A_1482 = arith.constant 10 : i32
    %add3A_1483 = arith.addi %min3A_1318, %add3A_1482 : i32
    %mul3A_1484 = arith.constant 128 : i32
    %mul3A_1485 = arith.muli %add3A_1483, %mul3A_1484 : i32
    %dma_start3A_1486 = arith.constant 1 : i32
    %dma_start3A_1487 = arith.constant 10 : i32
    %dma_start3A_1488 = arith.constant 0 : i32
    %dma_start3A_1489 = tpu.memref_slice %arg6[%dma_start3A_1487, %dma_start3A_1488] : memref<40x128xi32, #tpu.memory_space<vmem>> -> memref<1x128xi32, #tpu.memory_space<vmem>>
    %dma_start3A_1490 = tpu.memref_squeeze %dma_start3A_1489 : memref<1x128xi32, #tpu.memory_space<vmem>> -> memref<128xi32, #tpu.memory_space<vmem>>
    %dma_start3A_1491 = tpu.memref_slice %arg3[%dma_start3A_1486, %mul3A_1485] : memref<2x320000xi32, #tpu.memory_space<hbm>> -> memref<1x128xi32, #tpu.memory_space<hbm>>
    %dma_start3A_1492 = tpu.memref_squeeze %dma_start3A_1491 : memref<1x128xi32, #tpu.memory_space<hbm>> -> memref<128xi32, #tpu.memory_space<hbm>>
    %dma_start3A_1493 = arith.constant 0 : i32
    %dma_start3A_1494 = tpu.memref_slice %arg6[%dma_start3A_1487, %dma_start3A_1493] : memref<40x128xi32, #tpu.memory_space<vmem>> -> memref<1x128xi32, #tpu.memory_space<vmem>>
    %dma_start3A_1495 = tpu.memref_squeeze %dma_start3A_1494 : memref<1x128xi32, #tpu.memory_space<vmem>> -> memref<128xi32, #tpu.memory_space<vmem>>
    %dma_start3A_1496 = tpu.memref_slice %arg3[%dma_start3A_1486, %mul3A_1485] : memref<2x320000xi32, #tpu.memory_space<hbm>> -> memref<1x128xi32, #tpu.memory_space<hbm>>
    %dma_start3A_1497 = tpu.memref_squeeze %dma_start3A_1496 : memref<1x128xi32, #tpu.memory_space<hbm>> -> memref<128xi32, #tpu.memory_space<hbm>>
    tpu.enqueue_dma source(%dma_start3A_1497 : memref<128xi32, #tpu.memory_space<hbm>>) target(%dma_start3A_1495 : memref<128xi32, #tpu.memory_space<vmem>>) target_semaphore(%arg13 : memref<!tpu.dma_semaphore, #tpu.memory_space<semaphore_mem>>)
    %add3A_1498 = arith.constant 11 : i32
    %add3A_1499 = arith.addi %min3A_1318, %add3A_1498 : i32
    %mul3A_1500 = arith.constant 128 : i32
    %mul3A_1501 = arith.muli %add3A_1499, %mul3A_1500 : i32
    %dma_start3A_1502 = arith.constant 1 : i32
    %dma_start3A_1503 = arith.constant 11 : i32
    %dma_start3A_1504 = arith.constant 0 : i32
    %dma_start3A_1505 = tpu.memref_slice %arg6[%dma_start3A_1503, %dma_start3A_1504] : memref<40x128xi32, #tpu.memory_space<vmem>> -> memref<1x128xi32, #tpu.memory_space<vmem>>
    %dma_start3A_1506 = tpu.memref_squeeze %dma_start3A_1505 : memref<1x128xi32, #tpu.memory_space<vmem>> -> memref<128xi32, #tpu.memory_space<vmem>>
    %dma_start3A_1507 = tpu.memref_slice %arg3[%dma_start3A_1502, %mul3A_1501] : memref<2x320000xi32, #tpu.memory_space<hbm>> -> memref<1x128xi32, #tpu.memory_space<hbm>>
    %dma_start3A_1508 = tpu.memref_squeeze %dma_start3A_1507 : memref<1x128xi32, #tpu.memory_space<hbm>> -> memref<128xi32, #tpu.memory_space<hbm>>
    %dma_start3A_1509 = arith.constant 0 : i32
    %dma_start3A_1510 = tpu.memref_slice %arg6[%dma_start3A_1503, %dma_start3A_1509] : memref<40x128xi32, #tpu.memory_space<vmem>> -> memref<1x128xi32, #tpu.memory_space<vmem>>
    %dma_start3A_1511 = tpu.memref_squeeze %dma_start3A_1510 : memref<1x128xi32, #tpu.memory_space<vmem>> -> memref<128xi32, #tpu.memory_space<vmem>>
    %dma_start3A_1512 = tpu.memref_slice %arg3[%dma_start3A_1502, %mul3A_1501] : memref<2x320000xi32, #tpu.memory_space<hbm>> -> memref<1x128xi32, #tpu.memory_space<hbm>>
    %dma_start3A_1513 = tpu.memref_squeeze %dma_start3A_1512 : memref<1x128xi32, #tpu.memory_space<hbm>> -> memref<128xi32, #tpu.memory_space<hbm>>
    tpu.enqueue_dma source(%dma_start3A_1513 : memref<128xi32, #tpu.memory_space<hbm>>) target(%dma_start3A_1511 : memref<128xi32, #tpu.memory_space<vmem>>) target_semaphore(%arg13 : memref<!tpu.dma_semaphore, #tpu.memory_space<semaphore_mem>>)
    %add3A_1514 = arith.constant 12 : i32
    %add3A_1515 = arith.addi %min3A_1318, %add3A_1514 : i32
    %mul3A_1516 = arith.constant 128 : i32
    %mul3A_1517 = arith.muli %add3A_1515, %mul3A_1516 : i32
    %dma_start3A_1518 = arith.constant 1 : i32
    %dma_start3A_1519 = arith.constant 12 : i32
    %dma_start3A_1520 = arith.constant 0 : i32
    %dma_start3A_1521 = tpu.memref_slice %arg6[%dma_start3A_1519, %dma_start3A_1520] : memref<40x128xi32, #tpu.memory_space<vmem>> -> memref<1x128xi32, #tpu.memory_space<vmem>>
    %dma_start3A_1522 = tpu.memref_squeeze %dma_start3A_1521 : memref<1x128xi32, #tpu.memory_space<vmem>> -> memref<128xi32, #tpu.memory_space<vmem>>
    %dma_start3A_1523 = tpu.memref_slice %arg3[%dma_start3A_1518, %mul3A_1517] : memref<2x320000xi32, #tpu.memory_space<hbm>> -> memref<1x128xi32, #tpu.memory_space<hbm>>
    %dma_start3A_1524 = tpu.memref_squeeze %dma_start3A_1523 : memref<1x128xi32, #tpu.memory_space<hbm>> -> memref<128xi32, #tpu.memory_space<hbm>>
    %dma_start3A_1525 = arith.constant 0 : i32
    %dma_start3A_1526 = tpu.memref_slice %arg6[%dma_start3A_1519, %dma_start3A_1525] : memref<40x128xi32, #tpu.memory_space<vmem>> -> memref<1x128xi32, #tpu.memory_space<vmem>>
    %dma_start3A_1527 = tpu.memref_squeeze %dma_start3A_1526 : memref<1x128xi32, #tpu.memory_space<vmem>> -> memref<128xi32, #tpu.memory_space<vmem>>
    %dma_start3A_1528 = tpu.memref_slice %arg3[%dma_start3A_1518, %mul3A_1517] : memref<2x320000xi32, #tpu.memory_space<hbm>> -> memref<1x128xi32, #tpu.memory_space<hbm>>
    %dma_start3A_1529 = tpu.memref_squeeze %dma_start3A_1528 : memref<1x128xi32, #tpu.memory_space<hbm>> -> memref<128xi32, #tpu.memory_space<hbm>>
    tpu.enqueue_dma source(%dma_start3A_1529 : memref<128xi32, #tpu.memory_space<hbm>>) target(%dma_start3A_1527 : memref<128xi32, #tpu.memory_space<vmem>>) target_semaphore(%arg13 : memref<!tpu.dma_semaphore, #tpu.memory_space<semaphore_mem>>)
    %add3A_1530 = arith.constant 13 : i32
    %add3A_1531 = arith.addi %min3A_1318, %add3A_1530 : i32
    %mul3A_1532 = arith.constant 128 : i32
    %mul3A_1533 = arith.muli %add3A_1531, %mul3A_1532 : i32
    %dma_start3A_1534 = arith.constant 1 : i32
    %dma_start3A_1535 = arith.constant 13 : i32
    %dma_start3A_1536 = arith.constant 0 : i32
    %dma_start3A_1537 = tpu.memref_slice %arg6[%dma_start3A_1535, %dma_start3A_1536] : memref<40x128xi32, #tpu.memory_space<vmem>> -> memref<1x128xi32, #tpu.memory_space<vmem>>
    %dma_start3A_1538 = tpu.memref_squeeze %dma_start3A_1537 : memref<1x128xi32, #tpu.memory_space<vmem>> -> memref<128xi32, #tpu.memory_space<vmem>>
    %dma_start3A_1539 = tpu.memref_slice %arg3[%dma_start3A_1534, %mul3A_1533] : memref<2x320000xi32, #tpu.memory_space<hbm>> -> memref<1x128xi32, #tpu.memory_space<hbm>>
    %dma_start3A_1540 = tpu.memref_squeeze %dma_start3A_1539 : memref<1x128xi32, #tpu.memory_space<hbm>> -> memref<128xi32, #tpu.memory_space<hbm>>
    %dma_start3A_1541 = arith.constant 0 : i32
    %dma_start3A_1542 = tpu.memref_slice %arg6[%dma_start3A_1535, %dma_start3A_1541] : memref<40x128xi32, #tpu.memory_space<vmem>> -> memref<1x128xi32, #tpu.memory_space<vmem>>
    %dma_start3A_1543 = tpu.memref_squeeze %dma_start3A_1542 : memref<1x128xi32, #tpu.memory_space<vmem>> -> memref<128xi32, #tpu.memory_space<vmem>>
    %dma_start3A_1544 = tpu.memref_slice %arg3[%dma_start3A_1534, %mul3A_1533] : memref<2x320000xi32, #tpu.memory_space<hbm>> -> memref<1x128xi32, #tpu.memory_space<hbm>>
    %dma_start3A_1545 = tpu.memref_squeeze %dma_start3A_1544 : memref<1x128xi32, #tpu.memory_space<hbm>> -> memref<128xi32, #tpu.memory_space<hbm>>
    tpu.enqueue_dma source(%dma_start3A_1545 : memref<128xi32, #tpu.memory_space<hbm>>) target(%dma_start3A_1543 : memref<128xi32, #tpu.memory_space<vmem>>) target_semaphore(%arg13 : memref<!tpu.dma_semaphore, #tpu.memory_space<semaphore_mem>>)
    %add3A_1546 = arith.constant 14 : i32
    %add3A_1547 = arith.addi %min3A_1318, %add3A_1546 : i32
    %mul3A_1548 = arith.constant 128 : i32
    %mul3A_1549 = arith.muli %add3A_1547, %mul3A_1548 : i32
    %dma_start3A_1550 = arith.constant 1 : i32
    %dma_start3A_1551 = arith.constant 14 : i32
    %dma_start3A_1552 = arith.constant 0 : i32
    %dma_start3A_1553 = tpu.memref_slice %arg6[%dma_start3A_1551, %dma_start3A_1552] : memref<40x128xi32, #tpu.memory_space<vmem>> -> memref<1x128xi32, #tpu.memory_space<vmem>>
    %dma_start3A_1554 = tpu.memref_squeeze %dma_start3A_1553 : memref<1x128xi32, #tpu.memory_space<vmem>> -> memref<128xi32, #tpu.memory_space<vmem>>
    %dma_start3A_1555 = tpu.memref_slice %arg3[%dma_start3A_1550, %mul3A_1549] : memref<2x320000xi32, #tpu.memory_space<hbm>> -> memref<1x128xi32, #tpu.memory_space<hbm>>
    %dma_start3A_1556 = tpu.memref_squeeze %dma_start3A_1555 : memref<1x128xi32, #tpu.memory_space<hbm>> -> memref<128xi32, #tpu.memory_space<hbm>>
    %dma_start3A_1557 = arith.constant 0 : i32
    %dma_start3A_1558 = tpu.memref_slice %arg6[%dma_start3A_1551, %dma_start3A_1557] : memref<40x128xi32, #tpu.memory_space<vmem>> -> memref<1x128xi32, #tpu.memory_space<vmem>>
    %dma_start3A_1559 = tpu.memref_squeeze %dma_start3A_1558 : memref<1x128xi32, #tpu.memory_space<vmem>> -> memref<128xi32, #tpu.memory_space<vmem>>
    %dma_start3A_1560 = tpu.memref_slice %arg3[%dma_start3A_1550, %mul3A_1549] : memref<2x320000xi32, #tpu.memory_space<hbm>> -> memref<1x128xi32, #tpu.memory_space<hbm>>
    %dma_start3A_1561 = tpu.memref_squeeze %dma_start3A_1560 : memref<1x128xi32, #tpu.memory_space<hbm>> -> memref<128xi32, #tpu.memory_space<hbm>>
    tpu.enqueue_dma source(%dma_start3A_1561 : memref<128xi32, #tpu.memory_space<hbm>>) target(%dma_start3A_1559 : memref<128xi32, #tpu.memory_space<vmem>>) target_semaphore(%arg13 : memref<!tpu.dma_semaphore, #tpu.memory_space<semaphore_mem>>)
    %add3A_1562 = arith.constant 15 : i32
    %add3A_1563 = arith.addi %min3A_1318, %add3A_1562 : i32
    %mul3A_1564 = arith.constant 128 : i32
    %mul3A_1565 = arith.muli %add3A_1563, %mul3A_1564 : i32
    %dma_start3A_1566 = arith.constant 1 : i32
    %dma_start3A_1567 = arith.constant 15 : i32
    %dma_start3A_1568 = arith.constant 0 : i32
    %dma_start3A_1569 = tpu.memref_slice %arg6[%dma_start3A_1567, %dma_start3A_1568] : memref<40x128xi32, #tpu.memory_space<vmem>> -> memref<1x128xi32, #tpu.memory_space<vmem>>
    %dma_start3A_1570 = tpu.memref_squeeze %dma_start3A_1569 : memref<1x128xi32, #tpu.memory_space<vmem>> -> memref<128xi32, #tpu.memory_space<vmem>>
    %dma_start3A_1571 = tpu.memref_slice %arg3[%dma_start3A_1566, %mul3A_1565] : memref<2x320000xi32, #tpu.memory_space<hbm>> -> memref<1x128xi32, #tpu.memory_space<hbm>>
    %dma_start3A_1572 = tpu.memref_squeeze %dma_start3A_1571 : memref<1x128xi32, #tpu.memory_space<hbm>> -> memref<128xi32, #tpu.memory_space<hbm>>
    %dma_start3A_1573 = arith.constant 0 : i32
    %dma_start3A_1574 = tpu.memref_slice %arg6[%dma_start3A_1567, %dma_start3A_1573] : memref<40x128xi32, #tpu.memory_space<vmem>> -> memref<1x128xi32, #tpu.memory_space<vmem>>
    %dma_start3A_1575 = tpu.memref_squeeze %dma_start3A_1574 : memref<1x128xi32, #tpu.memory_space<vmem>> -> memref<128xi32, #tpu.memory_space<vmem>>
    %dma_start3A_1576 = tpu.memref_slice %arg3[%dma_start3A_1566, %mul3A_1565] : memref<2x320000xi32, #tpu.memory_space<hbm>> -> memref<1x128xi32, #tpu.memory_space<hbm>>
    %dma_start3A_1577 = tpu.memref_squeeze %dma_start3A_1576 : memref<1x128xi32, #tpu.memory_space<hbm>> -> memref<128xi32, #tpu.memory_space<hbm>>
    tpu.enqueue_dma source(%dma_start3A_1577 : memref<128xi32, #tpu.memory_space<hbm>>) target(%dma_start3A_1575 : memref<128xi32, #tpu.memory_space<vmem>>) target_semaphore(%arg13 : memref<!tpu.dma_semaphore, #tpu.memory_space<semaphore_mem>>)
    %add3A_1578 = arith.constant 16 : i32
    %add3A_1579 = arith.addi %min3A_1318, %add3A_1578 : i32
    %mul3A_1580 = arith.constant 128 : i32
    %mul3A_1581 = arith.muli %add3A_1579, %mul3A_1580 : i32
    %dma_start3A_1582 = arith.constant 1 : i32
    %dma_start3A_1583 = arith.constant 16 : i32
    %dma_start3A_1584 = arith.constant 0 : i32
    %dma_start3A_1585 = tpu.memref_slice %arg6[%dma_start3A_1583, %dma_start3A_1584] : memref<40x128xi32, #tpu.memory_space<vmem>> -> memref<1x128xi32, #tpu.memory_space<vmem>>
    %dma_start3A_1586 = tpu.memref_squeeze %dma_start3A_1585 : memref<1x128xi32, #tpu.memory_space<vmem>> -> memref<128xi32, #tpu.memory_space<vmem>>
    %dma_start3A_1587 = tpu.memref_slice %arg3[%dma_start3A_1582, %mul3A_1581] : memref<2x320000xi32, #tpu.memory_space<hbm>> -> memref<1x128xi32, #tpu.memory_space<hbm>>
    %dma_start3A_1588 = tpu.memref_squeeze %dma_start3A_1587 : memref<1x128xi32, #tpu.memory_space<hbm>> -> memref<128xi32, #tpu.memory_space<hbm>>
    %dma_start3A_1589 = arith.constant 0 : i32
    %dma_start3A_1590 = tpu.memref_slice %arg6[%dma_start3A_1583, %dma_start3A_1589] : memref<40x128xi32, #tpu.memory_space<vmem>> -> memref<1x128xi32, #tpu.memory_space<vmem>>
    %dma_start3A_1591 = tpu.memref_squeeze %dma_start3A_1590 : memref<1x128xi32, #tpu.memory_space<vmem>> -> memref<128xi32, #tpu.memory_space<vmem>>
    %dma_start3A_1592 = tpu.memref_slice %arg3[%dma_start3A_1582, %mul3A_1581] : memref<2x320000xi32, #tpu.memory_space<hbm>> -> memref<1x128xi32, #tpu.memory_space<hbm>>
    %dma_start3A_1593 = tpu.memref_squeeze %dma_start3A_1592 : memref<1x128xi32, #tpu.memory_space<hbm>> -> memref<128xi32, #tpu.memory_space<hbm>>
    tpu.enqueue_dma source(%dma_start3A_1593 : memref<128xi32, #tpu.memory_space<hbm>>) target(%dma_start3A_1591 : memref<128xi32, #tpu.memory_space<vmem>>) target_semaphore(%arg13 : memref<!tpu.dma_semaphore, #tpu.memory_space<semaphore_mem>>)
    %add3A_1594 = arith.constant 17 : i32
    %add3A_1595 = arith.addi %min3A_1318, %add3A_1594 : i32
    %mul3A_1596 = arith.constant 128 : i32
    %mul3A_1597 = arith.muli %add3A_1595, %mul3A_1596 : i32
    %dma_start3A_1598 = arith.constant 1 : i32
    %dma_start3A_1599 = arith.constant 17 : i32
    %dma_start3A_1600 = arith.constant 0 : i32
    %dma_start3A_1601 = tpu.memref_slice %arg6[%dma_start3A_1599, %dma_start3A_1600] : memref<40x128xi32, #tpu.memory_space<vmem>> -> memref<1x128xi32, #tpu.memory_space<vmem>>
    %dma_start3A_1602 = tpu.memref_squeeze %dma_start3A_1601 : memref<1x128xi32, #tpu.memory_space<vmem>> -> memref<128xi32, #tpu.memory_space<vmem>>
    %dma_start3A_1603 = tpu.memref_slice %arg3[%dma_start3A_1598, %mul3A_1597] : memref<2x320000xi32, #tpu.memory_space<hbm>> -> memref<1x128xi32, #tpu.memory_space<hbm>>
    %dma_start3A_1604 = tpu.memref_squeeze %dma_start3A_1603 : memref<1x128xi32, #tpu.memory_space<hbm>> -> memref<128xi32, #tpu.memory_space<hbm>>
    %dma_start3A_1605 = arith.constant 0 : i32
    %dma_start3A_1606 = tpu.memref_slice %arg6[%dma_start3A_1599, %dma_start3A_1605] : memref<40x128xi32, #tpu.memory_space<vmem>> -> memref<1x128xi32, #tpu.memory_space<vmem>>
    %dma_start3A_1607 = tpu.memref_squeeze %dma_start3A_1606 : memref<1x128xi32, #tpu.memory_space<vmem>> -> memref<128xi32, #tpu.memory_space<vmem>>
    %dma_start3A_1608 = tpu.memref_slice %arg3[%dma_start3A_1598, %mul3A_1597] : memref<2x320000xi32, #tpu.memory_space<hbm>> -> memref<1x128xi32, #tpu.memory_space<hbm>>
    %dma_start3A_1609 = tpu.memref_squeeze %dma_start3A_1608 : memref<1x128xi32, #tpu.memory_space<hbm>> -> memref<128xi32, #tpu.memory_space<hbm>>
    tpu.enqueue_dma source(%dma_start3A_1609 : memref<128xi32, #tpu.memory_space<hbm>>) target(%dma_start3A_1607 : memref<128xi32, #tpu.memory_space<vmem>>) target_semaphore(%arg13 : memref<!tpu.dma_semaphore, #tpu.memory_space<semaphore_mem>>)
    %add3A_1610 = arith.constant 18 : i32
    %add3A_1611 = arith.addi %min3A_1318, %add3A_1610 : i32
    %mul3A_1612 = arith.constant 128 : i32
    %mul3A_1613 = arith.muli %add3A_1611, %mul3A_1612 : i32
    %dma_start3A_1614 = arith.constant 1 : i32
    %dma_start3A_1615 = arith.constant 18 : i32
    %dma_start3A_1616 = arith.constant 0 : i32
    %dma_start3A_1617 = tpu.memref_slice %arg6[%dma_start3A_1615, %dma_start3A_1616] : memref<40x128xi32, #tpu.memory_space<vmem>> -> memref<1x128xi32, #tpu.memory_space<vmem>>
    %dma_start3A_1618 = tpu.memref_squeeze %dma_start3A_1617 : memref<1x128xi32, #tpu.memory_space<vmem>> -> memref<128xi32, #tpu.memory_space<vmem>>
    %dma_start3A_1619 = tpu.memref_slice %arg3[%dma_start3A_1614, %mul3A_1613] : memref<2x320000xi32, #tpu.memory_space<hbm>> -> memref<1x128xi32, #tpu.memory_space<hbm>>
    %dma_start3A_1620 = tpu.memref_squeeze %dma_start3A_1619 : memref<1x128xi32, #tpu.memory_space<hbm>> -> memref<128xi32, #tpu.memory_space<hbm>>
    %dma_start3A_1621 = arith.constant 0 : i32
    %dma_start3A_1622 = tpu.memref_slice %arg6[%dma_start3A_1615, %dma_start3A_1621] : memref<40x128xi32, #tpu.memory_space<vmem>> -> memref<1x128xi32, #tpu.memory_space<vmem>>
    %dma_start3A_1623 = tpu.memref_squeeze %dma_start3A_1622 : memref<1x128xi32, #tpu.memory_space<vmem>> -> memref<128xi32, #tpu.memory_space<vmem>>
    %dma_start3A_1624 = tpu.memref_slice %arg3[%dma_start3A_1614, %mul3A_1613] : memref<2x320000xi32, #tpu.memory_space<hbm>> -> memref<1x128xi32, #tpu.memory_space<hbm>>
    %dma_start3A_1625 = tpu.memref_squeeze %dma_start3A_1624 : memref<1x128xi32, #tpu.memory_space<hbm>> -> memref<128xi32, #tpu.memory_space<hbm>>
    tpu.enqueue_dma source(%dma_start3A_1625 : memref<128xi32, #tpu.memory_space<hbm>>) target(%dma_start3A_1623 : memref<128xi32, #tpu.memory_space<vmem>>) target_semaphore(%arg13 : memref<!tpu.dma_semaphore, #tpu.memory_space<semaphore_mem>>)
    %add3A_1626 = arith.constant 19 : i32
    %add3A_1627 = arith.addi %min3A_1318, %add3A_1626 : i32
    %mul3A_1628 = arith.constant 128 : i32
    %mul3A_1629 = arith.muli %add3A_1627, %mul3A_1628 : i32
    %dma_start3A_1630 = arith.constant 1 : i32
    %dma_start3A_1631 = arith.constant 19 : i32
    %dma_start3A_1632 = arith.constant 0 : i32
    %dma_start3A_1633 = tpu.memref_slice %arg6[%dma_start3A_1631, %dma_start3A_1632] : memref<40x128xi32, #tpu.memory_space<vmem>> -> memref<1x128xi32, #tpu.memory_space<vmem>>
    %dma_start3A_1634 = tpu.memref_squeeze %dma_start3A_1633 : memref<1x128xi32, #tpu.memory_space<vmem>> -> memref<128xi32, #tpu.memory_space<vmem>>
    %dma_start3A_1635 = tpu.memref_slice %arg3[%dma_start3A_1630, %mul3A_1629] : memref<2x320000xi32, #tpu.memory_space<hbm>> -> memref<1x128xi32, #tpu.memory_space<hbm>>
    %dma_start3A_1636 = tpu.memref_squeeze %dma_start3A_1635 : memref<1x128xi32, #tpu.memory_space<hbm>> -> memref<128xi32, #tpu.memory_space<hbm>>
    %dma_start3A_1637 = arith.constant 0 : i32
    %dma_start3A_1638 = tpu.memref_slice %arg6[%dma_start3A_1631, %dma_start3A_1637] : memref<40x128xi32, #tpu.memory_space<vmem>> -> memref<1x128xi32, #tpu.memory_space<vmem>>
    %dma_start3A_1639 = tpu.memref_squeeze %dma_start3A_1638 : memref<1x128xi32, #tpu.memory_space<vmem>> -> memref<128xi32, #tpu.memory_space<vmem>>
    %dma_start3A_1640 = tpu.memref_slice %arg3[%dma_start3A_1630, %mul3A_1629] : memref<2x320000xi32, #tpu.memory_space<hbm>> -> memref<1x128xi32, #tpu.memory_space<hbm>>
    %dma_start3A_1641 = tpu.memref_squeeze %dma_start3A_1640 : memref<1x128xi32, #tpu.memory_space<hbm>> -> memref<128xi32, #tpu.memory_space<hbm>>
    tpu.enqueue_dma source(%dma_start3A_1641 : memref<128xi32, #tpu.memory_space<hbm>>) target(%dma_start3A_1639 : memref<128xi32, #tpu.memory_space<vmem>>) target_semaphore(%arg13 : memref<!tpu.dma_semaphore, #tpu.memory_space<semaphore_mem>>)
    %add3A_1642 = arith.constant 20 : i32
    %add3A_1643 = arith.addi %min3A_1318, %add3A_1642 : i32
    %mul3A_1644 = arith.constant 128 : i32
    %mul3A_1645 = arith.muli %add3A_1643, %mul3A_1644 : i32
    %dma_start3A_1646 = arith.constant 1 : i32
    %dma_start3A_1647 = arith.constant 20 : i32
    %dma_start3A_1648 = arith.constant 0 : i32
    %dma_start3A_1649 = tpu.memref_slice %arg6[%dma_start3A_1647, %dma_start3A_1648] : memref<40x128xi32, #tpu.memory_space<vmem>> -> memref<1x128xi32, #tpu.memory_space<vmem>>
    %dma_start3A_1650 = tpu.memref_squeeze %dma_start3A_1649 : memref<1x128xi32, #tpu.memory_space<vmem>> -> memref<128xi32, #tpu.memory_space<vmem>>
    %dma_start3A_1651 = tpu.memref_slice %arg3[%dma_start3A_1646, %mul3A_1645] : memref<2x320000xi32, #tpu.memory_space<hbm>> -> memref<1x128xi32, #tpu.memory_space<hbm>>
    %dma_start3A_1652 = tpu.memref_squeeze %dma_start3A_1651 : memref<1x128xi32, #tpu.memory_space<hbm>> -> memref<128xi32, #tpu.memory_space<hbm>>
    %dma_start3A_1653 = arith.constant 0 : i32
    %dma_start3A_1654 = tpu.memref_slice %arg6[%dma_start3A_1647, %dma_start3A_1653] : memref<40x128xi32, #tpu.memory_space<vmem>> -> memref<1x128xi32, #tpu.memory_space<vmem>>
    %dma_start3A_1655 = tpu.memref_squeeze %dma_start3A_1654 : memref<1x128xi32, #tpu.memory_space<vmem>> -> memref<128xi32, #tpu.memory_space<vmem>>
    %dma_start3A_1656 = tpu.memref_slice %arg3[%dma_start3A_1646, %mul3A_1645] : memref<2x320000xi32, #tpu.memory_space<hbm>> -> memref<1x128xi32, #tpu.memory_space<hbm>>
    %dma_start3A_1657 = tpu.memref_squeeze %dma_start3A_1656 : memref<1x128xi32, #tpu.memory_space<hbm>> -> memref<128xi32, #tpu.memory_space<hbm>>
    tpu.enqueue_dma source(%dma_start3A_1657 : memref<128xi32, #tpu.memory_space<hbm>>) target(%dma_start3A_1655 : memref<128xi32, #tpu.memory_space<vmem>>) target_semaphore(%arg13 : memref<!tpu.dma_semaphore, #tpu.memory_space<semaphore_mem>>)
    %add3A_1658 = arith.constant 21 : i32
    %add3A_1659 = arith.addi %min3A_1318, %add3A_1658 : i32
    %mul3A_1660 = arith.constant 128 : i32
    %mul3A_1661 = arith.muli %add3A_1659, %mul3A_1660 : i32
    %dma_start3A_1662 = arith.constant 1 : i32
    %dma_start3A_1663 = arith.constant 21 : i32
    %dma_start3A_1664 = arith.constant 0 : i32
    %dma_start3A_1665 = tpu.memref_slice %arg6[%dma_start3A_1663, %dma_start3A_1664] : memref<40x128xi32, #tpu.memory_space<vmem>> -> memref<1x128xi32, #tpu.memory_space<vmem>>
    %dma_start3A_1666 = tpu.memref_squeeze %dma_start3A_1665 : memref<1x128xi32, #tpu.memory_space<vmem>> -> memref<128xi32, #tpu.memory_space<vmem>>
    %dma_start3A_1667 = tpu.memref_slice %arg3[%dma_start3A_1662, %mul3A_1661] : memref<2x320000xi32, #tpu.memory_space<hbm>> -> memref<1x128xi32, #tpu.memory_space<hbm>>
    %dma_start3A_1668 = tpu.memref_squeeze %dma_start3A_1667 : memref<1x128xi32, #tpu.memory_space<hbm>> -> memref<128xi32, #tpu.memory_space<hbm>>
    %dma_start3A_1669 = arith.constant 0 : i32
    %dma_start3A_1670 = tpu.memref_slice %arg6[%dma_start3A_1663, %dma_start3A_1669] : memref<40x128xi32, #tpu.memory_space<vmem>> -> memref<1x128xi32, #tpu.memory_space<vmem>>
    %dma_start3A_1671 = tpu.memref_squeeze %dma_start3A_1670 : memref<1x128xi32, #tpu.memory_space<vmem>> -> memref<128xi32, #tpu.memory_space<vmem>>
    %dma_start3A_1672 = tpu.memref_slice %arg3[%dma_start3A_1662, %mul3A_1661] : memref<2x320000xi32, #tpu.memory_space<hbm>> -> memref<1x128xi32, #tpu.memory_space<hbm>>
    %dma_start3A_1673 = tpu.memref_squeeze %dma_start3A_1672 : memref<1x128xi32, #tpu.memory_space<hbm>> -> memref<128xi32, #tpu.memory_space<hbm>>
    tpu.enqueue_dma source(%dma_start3A_1673 : memref<128xi32, #tpu.memory_space<hbm>>) target(%dma_start3A_1671 : memref<128xi32, #tpu.memory_space<vmem>>) target_semaphore(%arg13 : memref<!tpu.dma_semaphore, #tpu.memory_space<semaphore_mem>>)
    %add3A_1674 = arith.constant 22 : i32
    %add3A_1675 = arith.addi %min3A_1318, %add3A_1674 : i32
    %mul3A_1676 = arith.constant 128 : i32
    %mul3A_1677 = arith.muli %add3A_1675, %mul3A_1676 : i32
    %dma_start3A_1678 = arith.constant 1 : i32
    %dma_start3A_1679 = arith.constant 22 : i32
    %dma_start3A_1680 = arith.constant 0 : i32
    %dma_start3A_1681 = tpu.memref_slice %arg6[%dma_start3A_1679, %dma_start3A_1680] : memref<40x128xi32, #tpu.memory_space<vmem>> -> memref<1x128xi32, #tpu.memory_space<vmem>>
    %dma_start3A_1682 = tpu.memref_squeeze %dma_start3A_1681 : memref<1x128xi32, #tpu.memory_space<vmem>> -> memref<128xi32, #tpu.memory_space<vmem>>
    %dma_start3A_1683 = tpu.memref_slice %arg3[%dma_start3A_1678, %mul3A_1677] : memref<2x320000xi32, #tpu.memory_space<hbm>> -> memref<1x128xi32, #tpu.memory_space<hbm>>
    %dma_start3A_1684 = tpu.memref_squeeze %dma_start3A_1683 : memref<1x128xi32, #tpu.memory_space<hbm>> -> memref<128xi32, #tpu.memory_space<hbm>>
    %dma_start3A_1685 = arith.constant 0 : i32
    %dma_start3A_1686 = tpu.memref_slice %arg6[%dma_start3A_1679, %dma_start3A_1685] : memref<40x128xi32, #tpu.memory_space<vmem>> -> memref<1x128xi32, #tpu.memory_space<vmem>>
    %dma_start3A_1687 = tpu.memref_squeeze %dma_start3A_1686 : memref<1x128xi32, #tpu.memory_space<vmem>> -> memref<128xi32, #tpu.memory_space<vmem>>
    %dma_start3A_1688 = tpu.memref_slice %arg3[%dma_start3A_1678, %mul3A_1677] : memref<2x320000xi32, #tpu.memory_space<hbm>> -> memref<1x128xi32, #tpu.memory_space<hbm>>
    %dma_start3A_1689 = tpu.memref_squeeze %dma_start3A_1688 : memref<1x128xi32, #tpu.memory_space<hbm>> -> memref<128xi32, #tpu.memory_space<hbm>>
    tpu.enqueue_dma source(%dma_start3A_1689 : memref<128xi32, #tpu.memory_space<hbm>>) target(%dma_start3A_1687 : memref<128xi32, #tpu.memory_space<vmem>>) target_semaphore(%arg13 : memref<!tpu.dma_semaphore, #tpu.memory_space<semaphore_mem>>)
    %add3A_1690 = arith.constant 23 : i32
    %add3A_1691 = arith.addi %min3A_1318, %add3A_1690 : i32
    %mul3A_1692 = arith.constant 128 : i32
    %mul3A_1693 = arith.muli %add3A_1691, %mul3A_1692 : i32
    %dma_start3A_1694 = arith.constant 1 : i32
    %dma_start3A_1695 = arith.constant 23 : i32
    %dma_start3A_1696 = arith.constant 0 : i32
    %dma_start3A_1697 = tpu.memref_slice %arg6[%dma_start3A_1695, %dma_start3A_1696] : memref<40x128xi32, #tpu.memory_space<vmem>> -> memref<1x128xi32, #tpu.memory_space<vmem>>
    %dma_start3A_1698 = tpu.memref_squeeze %dma_start3A_1697 : memref<1x128xi32, #tpu.memory_space<vmem>> -> memref<128xi32, #tpu.memory_space<vmem>>
    %dma_start3A_1699 = tpu.memref_slice %arg3[%dma_start3A_1694, %mul3A_1693] : memref<2x320000xi32, #tpu.memory_space<hbm>> -> memref<1x128xi32, #tpu.memory_space<hbm>>
    %dma_start3A_1700 = tpu.memref_squeeze %dma_start3A_1699 : memref<1x128xi32, #tpu.memory_space<hbm>> -> memref<128xi32, #tpu.memory_space<hbm>>
    %dma_start3A_1701 = arith.constant 0 : i32
    %dma_start3A_1702 = tpu.memref_slice %arg6[%dma_start3A_1695, %dma_start3A_1701] : memref<40x128xi32, #tpu.memory_space<vmem>> -> memref<1x128xi32, #tpu.memory_space<vmem>>
    %dma_start3A_1703 = tpu.memref_squeeze %dma_start3A_1702 : memref<1x128xi32, #tpu.memory_space<vmem>> -> memref<128xi32, #tpu.memory_space<vmem>>
    %dma_start3A_1704 = tpu.memref_slice %arg3[%dma_start3A_1694, %mul3A_1693] : memref<2x320000xi32, #tpu.memory_space<hbm>> -> memref<1x128xi32, #tpu.memory_space<hbm>>
    %dma_start3A_1705 = tpu.memref_squeeze %dma_start3A_1704 : memref<1x128xi32, #tpu.memory_space<hbm>> -> memref<128xi32, #tpu.memory_space<hbm>>
    tpu.enqueue_dma source(%dma_start3A_1705 : memref<128xi32, #tpu.memory_space<hbm>>) target(%dma_start3A_1703 : memref<128xi32, #tpu.memory_space<vmem>>) target_semaphore(%arg13 : memref<!tpu.dma_semaphore, #tpu.memory_space<semaphore_mem>>)
    %add3A_1706 = arith.constant 24 : i32
    %add3A_1707 = arith.addi %min3A_1318, %add3A_1706 : i32
    %mul3A_1708 = arith.constant 128 : i32
    %mul3A_1709 = arith.muli %add3A_1707, %mul3A_1708 : i32
    %dma_start3A_1710 = arith.constant 1 : i32
    %dma_start3A_1711 = arith.constant 24 : i32
    %dma_start3A_1712 = arith.constant 0 : i32
    %dma_start3A_1713 = tpu.memref_slice %arg6[%dma_start3A_1711, %dma_start3A_1712] : memref<40x128xi32, #tpu.memory_space<vmem>> -> memref<1x128xi32, #tpu.memory_space<vmem>>
    %dma_start3A_1714 = tpu.memref_squeeze %dma_start3A_1713 : memref<1x128xi32, #tpu.memory_space<vmem>> -> memref<128xi32, #tpu.memory_space<vmem>>
    %dma_start3A_1715 = tpu.memref_slice %arg3[%dma_start3A_1710, %mul3A_1709] : memref<2x320000xi32, #tpu.memory_space<hbm>> -> memref<1x128xi32, #tpu.memory_space<hbm>>
    %dma_start3A_1716 = tpu.memref_squeeze %dma_start3A_1715 : memref<1x128xi32, #tpu.memory_space<hbm>> -> memref<128xi32, #tpu.memory_space<hbm>>
    %dma_start3A_1717 = arith.constant 0 : i32
    %dma_start3A_1718 = tpu.memref_slice %arg6[%dma_start3A_1711, %dma_start3A_1717] : memref<40x128xi32, #tpu.memory_space<vmem>> -> memref<1x128xi32, #tpu.memory_space<vmem>>
    %dma_start3A_1719 = tpu.memref_squeeze %dma_start3A_1718 : memref<1x128xi32, #tpu.memory_space<vmem>> -> memref<128xi32, #tpu.memory_space<vmem>>
    %dma_start3A_1720 = tpu.memref_slice %arg3[%dma_start3A_1710, %mul3A_1709] : memref<2x320000xi32, #tpu.memory_space<hbm>> -> memref<1x128xi32, #tpu.memory_space<hbm>>
    %dma_start3A_1721 = tpu.memref_squeeze %dma_start3A_1720 : memref<1x128xi32, #tpu.memory_space<hbm>> -> memref<128xi32, #tpu.memory_space<hbm>>
    tpu.enqueue_dma source(%dma_start3A_1721 : memref<128xi32, #tpu.memory_space<hbm>>) target(%dma_start3A_1719 : memref<128xi32, #tpu.memory_space<vmem>>) target_semaphore(%arg13 : memref<!tpu.dma_semaphore, #tpu.memory_space<semaphore_mem>>)
    %add3A_1722 = arith.constant 25 : i32
    %add3A_1723 = arith.addi %min3A_1318, %add3A_1722 : i32
    %mul3A_1724 = arith.constant 128 : i32
    %mul3A_1725 = arith.muli %add3A_1723, %mul3A_1724 : i32
    %dma_start3A_1726 = arith.constant 1 : i32
    %dma_start3A_1727 = arith.constant 25 : i32
    %dma_start3A_1728 = arith.constant 0 : i32
    %dma_start3A_1729 = tpu.memref_slice %arg6[%dma_start3A_1727, %dma_start3A_1728] : memref<40x128xi32, #tpu.memory_space<vmem>> -> memref<1x128xi32, #tpu.memory_space<vmem>>
    %dma_start3A_1730 = tpu.memref_squeeze %dma_start3A_1729 : memref<1x128xi32, #tpu.memory_space<vmem>> -> memref<128xi32, #tpu.memory_space<vmem>>
    %dma_start3A_1731 = tpu.memref_slice %arg3[%dma_start3A_1726, %mul3A_1725] : memref<2x320000xi32, #tpu.memory_space<hbm>> -> memref<1x128xi32, #tpu.memory_space<hbm>>
    %dma_start3A_1732 = tpu.memref_squeeze %dma_start3A_1731 : memref<1x128xi32, #tpu.memory_space<hbm>> -> memref<128xi32, #tpu.memory_space<hbm>>
    %dma_start3A_1733 = arith.constant 0 : i32
    %dma_start3A_1734 = tpu.memref_slice %arg6[%dma_start3A_1727, %dma_start3A_1733] : memref<40x128xi32, #tpu.memory_space<vmem>> -> memref<1x128xi32, #tpu.memory_space<vmem>>
    %dma_start3A_1735 = tpu.memref_squeeze %dma_start3A_1734 : memref<1x128xi32, #tpu.memory_space<vmem>> -> memref<128xi32, #tpu.memory_space<vmem>>
    %dma_start3A_1736 = tpu.memref_slice %arg3[%dma_start3A_1726, %mul3A_1725] : memref<2x320000xi32, #tpu.memory_space<hbm>> -> memref<1x128xi32, #tpu.memory_space<hbm>>
    %dma_start3A_1737 = tpu.memref_squeeze %dma_start3A_1736 : memref<1x128xi32, #tpu.memory_space<hbm>> -> memref<128xi32, #tpu.memory_space<hbm>>
    tpu.enqueue_dma source(%dma_start3A_1737 : memref<128xi32, #tpu.memory_space<hbm>>) target(%dma_start3A_1735 : memref<128xi32, #tpu.memory_space<vmem>>) target_semaphore(%arg13 : memref<!tpu.dma_semaphore, #tpu.memory_space<semaphore_mem>>)
    %add3A_1738 = arith.constant 26 : i32
    %add3A_1739 = arith.addi %min3A_1318, %add3A_1738 : i32
    %mul3A_1740 = arith.constant 128 : i32
    %mul3A_1741 = arith.muli %add3A_1739, %mul3A_1740 : i32
    %dma_start3A_1742 = arith.constant 1 : i32
    %dma_start3A_1743 = arith.constant 26 : i32
    %dma_start3A_1744 = arith.constant 0 : i32
    %dma_start3A_1745 = tpu.memref_slice %arg6[%dma_start3A_1743, %dma_start3A_1744] : memref<40x128xi32, #tpu.memory_space<vmem>> -> memref<1x128xi32, #tpu.memory_space<vmem>>
    %dma_start3A_1746 = tpu.memref_squeeze %dma_start3A_1745 : memref<1x128xi32, #tpu.memory_space<vmem>> -> memref<128xi32, #tpu.memory_space<vmem>>
    %dma_start3A_1747 = tpu.memref_slice %arg3[%dma_start3A_1742, %mul3A_1741] : memref<2x320000xi32, #tpu.memory_space<hbm>> -> memref<1x128xi32, #tpu.memory_space<hbm>>
    %dma_start3A_1748 = tpu.memref_squeeze %dma_start3A_1747 : memref<1x128xi32, #tpu.memory_space<hbm>> -> memref<128xi32, #tpu.memory_space<hbm>>
    %dma_start3A_1749 = arith.constant 0 : i32
    %dma_start3A_1750 = tpu.memref_slice %arg6[%dma_start3A_1743, %dma_start3A_1749] : memref<40x128xi32, #tpu.memory_space<vmem>> -> memref<1x128xi32, #tpu.memory_space<vmem>>
    %dma_start3A_1751 = tpu.memref_squeeze %dma_start3A_1750 : memref<1x128xi32, #tpu.memory_space<vmem>> -> memref<128xi32, #tpu.memory_space<vmem>>
    %dma_start3A_1752 = tpu.memref_slice %arg3[%dma_start3A_1742, %mul3A_1741] : memref<2x320000xi32, #tpu.memory_space<hbm>> -> memref<1x128xi32, #tpu.memory_space<hbm>>
    %dma_start3A_1753 = tpu.memref_squeeze %dma_start3A_1752 : memref<1x128xi32, #tpu.memory_space<hbm>> -> memref<128xi32, #tpu.memory_space<hbm>>
    tpu.enqueue_dma source(%dma_start3A_1753 : memref<128xi32, #tpu.memory_space<hbm>>) target(%dma_start3A_1751 : memref<128xi32, #tpu.memory_space<vmem>>) target_semaphore(%arg13 : memref<!tpu.dma_semaphore, #tpu.memory_space<semaphore_mem>>)
    %add3A_1754 = arith.constant 27 : i32
    %add3A_1755 = arith.addi %min3A_1318, %add3A_1754 : i32
    %mul3A_1756 = arith.constant 128 : i32
    %mul3A_1757 = arith.muli %add3A_1755, %mul3A_1756 : i32
    %dma_start3A_1758 = arith.constant 1 : i32
    %dma_start3A_1759 = arith.constant 27 : i32
    %dma_start3A_1760 = arith.constant 0 : i32
    %dma_start3A_1761 = tpu.memref_slice %arg6[%dma_start3A_1759, %dma_start3A_1760] : memref<40x128xi32, #tpu.memory_space<vmem>> -> memref<1x128xi32, #tpu.memory_space<vmem>>
    %dma_start3A_1762 = tpu.memref_squeeze %dma_start3A_1761 : memref<1x128xi32, #tpu.memory_space<vmem>> -> memref<128xi32, #tpu.memory_space<vmem>>
    %dma_start3A_1763 = tpu.memref_slice %arg3[%dma_start3A_1758, %mul3A_1757] : memref<2x320000xi32, #tpu.memory_space<hbm>> -> memref<1x128xi32, #tpu.memory_space<hbm>>
    %dma_start3A_1764 = tpu.memref_squeeze %dma_start3A_1763 : memref<1x128xi32, #tpu.memory_space<hbm>> -> memref<128xi32, #tpu.memory_space<hbm>>
    %dma_start3A_1765 = arith.constant 0 : i32
    %dma_start3A_1766 = tpu.memref_slice %arg6[%dma_start3A_1759, %dma_start3A_1765] : memref<40x128xi32, #tpu.memory_space<vmem>> -> memref<1x128xi32, #tpu.memory_space<vmem>>
    %dma_start3A_1767 = tpu.memref_squeeze %dma_start3A_1766 : memref<1x128xi32, #tpu.memory_space<vmem>> -> memref<128xi32, #tpu.memory_space<vmem>>
    %dma_start3A_1768 = tpu.memref_slice %arg3[%dma_start3A_1758, %mul3A_1757] : memref<2x320000xi32, #tpu.memory_space<hbm>> -> memref<1x128xi32, #tpu.memory_space<hbm>>
    %dma_start3A_1769 = tpu.memref_squeeze %dma_start3A_1768 : memref<1x128xi32, #tpu.memory_space<hbm>> -> memref<128xi32, #tpu.memory_space<hbm>>
    tpu.enqueue_dma source(%dma_start3A_1769 : memref<128xi32, #tpu.memory_space<hbm>>) target(%dma_start3A_1767 : memref<128xi32, #tpu.memory_space<vmem>>) target_semaphore(%arg13 : memref<!tpu.dma_semaphore, #tpu.memory_space<semaphore_mem>>)
    %add3A_1770 = arith.constant 28 : i32
    %add3A_1771 = arith.addi %min3A_1318, %add3A_1770 : i32
    %mul3A_1772 = arith.constant 128 : i32
    %mul3A_1773 = arith.muli %add3A_1771, %mul3A_1772 : i32
    %dma_start3A_1774 = arith.constant 1 : i32
    %dma_start3A_1775 = arith.constant 28 : i32
    %dma_start3A_1776 = arith.constant 0 : i32
    %dma_start3A_1777 = tpu.memref_slice %arg6[%dma_start3A_1775, %dma_start3A_1776] : memref<40x128xi32, #tpu.memory_space<vmem>> -> memref<1x128xi32, #tpu.memory_space<vmem>>
    %dma_start3A_1778 = tpu.memref_squeeze %dma_start3A_1777 : memref<1x128xi32, #tpu.memory_space<vmem>> -> memref<128xi32, #tpu.memory_space<vmem>>
    %dma_start3A_1779 = tpu.memref_slice %arg3[%dma_start3A_1774, %mul3A_1773] : memref<2x320000xi32, #tpu.memory_space<hbm>> -> memref<1x128xi32, #tpu.memory_space<hbm>>
    %dma_start3A_1780 = tpu.memref_squeeze %dma_start3A_1779 : memref<1x128xi32, #tpu.memory_space<hbm>> -> memref<128xi32, #tpu.memory_space<hbm>>
    %dma_start3A_1781 = arith.constant 0 : i32
    %dma_start3A_1782 = tpu.memref_slice %arg6[%dma_start3A_1775, %dma_start3A_1781] : memref<40x128xi32, #tpu.memory_space<vmem>> -> memref<1x128xi32, #tpu.memory_space<vmem>>
    %dma_start3A_1783 = tpu.memref_squeeze %dma_start3A_1782 : memref<1x128xi32, #tpu.memory_space<vmem>> -> memref<128xi32, #tpu.memory_space<vmem>>
    %dma_start3A_1784 = tpu.memref_slice %arg3[%dma_start3A_1774, %mul3A_1773] : memref<2x320000xi32, #tpu.memory_space<hbm>> -> memref<1x128xi32, #tpu.memory_space<hbm>>
    %dma_start3A_1785 = tpu.memref_squeeze %dma_start3A_1784 : memref<1x128xi32, #tpu.memory_space<hbm>> -> memref<128xi32, #tpu.memory_space<hbm>>
    tpu.enqueue_dma source(%dma_start3A_1785 : memref<128xi32, #tpu.memory_space<hbm>>) target(%dma_start3A_1783 : memref<128xi32, #tpu.memory_space<vmem>>) target_semaphore(%arg13 : memref<!tpu.dma_semaphore, #tpu.memory_space<semaphore_mem>>)
    %add3A_1786 = arith.constant 29 : i32
    %add3A_1787 = arith.addi %min3A_1318, %add3A_1786 : i32
    %mul3A_1788 = arith.constant 128 : i32
    %mul3A_1789 = arith.muli %add3A_1787, %mul3A_1788 : i32
    %dma_start3A_1790 = arith.constant 1 : i32
    %dma_start3A_1791 = arith.constant 29 : i32
    %dma_start3A_1792 = arith.constant 0 : i32
    %dma_start3A_1793 = tpu.memref_slice %arg6[%dma_start3A_1791, %dma_start3A_1792] : memref<40x128xi32, #tpu.memory_space<vmem>> -> memref<1x128xi32, #tpu.memory_space<vmem>>
    %dma_start3A_1794 = tpu.memref_squeeze %dma_start3A_1793 : memref<1x128xi32, #tpu.memory_space<vmem>> -> memref<128xi32, #tpu.memory_space<vmem>>
    %dma_start3A_1795 = tpu.memref_slice %arg3[%dma_start3A_1790, %mul3A_1789] : memref<2x320000xi32, #tpu.memory_space<hbm>> -> memref<1x128xi32, #tpu.memory_space<hbm>>
    %dma_start3A_1796 = tpu.memref_squeeze %dma_start3A_1795 : memref<1x128xi32, #tpu.memory_space<hbm>> -> memref<128xi32, #tpu.memory_space<hbm>>
    %dma_start3A_1797 = arith.constant 0 : i32
    %dma_start3A_1798 = tpu.memref_slice %arg6[%dma_start3A_1791, %dma_start3A_1797] : memref<40x128xi32, #tpu.memory_space<vmem>> -> memref<1x128xi32, #tpu.memory_space<vmem>>
    %dma_start3A_1799 = tpu.memref_squeeze %dma_start3A_1798 : memref<1x128xi32, #tpu.memory_space<vmem>> -> memref<128xi32, #tpu.memory_space<vmem>>
    %dma_start3A_1800 = tpu.memref_slice %arg3[%dma_start3A_1790, %mul3A_1789] : memref<2x320000xi32, #tpu.memory_space<hbm>> -> memref<1x128xi32, #tpu.memory_space<hbm>>
    %dma_start3A_1801 = tpu.memref_squeeze %dma_start3A_1800 : memref<1x128xi32, #tpu.memory_space<hbm>> -> memref<128xi32, #tpu.memory_space<hbm>>
    tpu.enqueue_dma source(%dma_start3A_1801 : memref<128xi32, #tpu.memory_space<hbm>>) target(%dma_start3A_1799 : memref<128xi32, #tpu.memory_space<vmem>>) target_semaphore(%arg13 : memref<!tpu.dma_semaphore, #tpu.memory_space<semaphore_mem>>)
    %add3A_1802 = arith.constant 30 : i32
    %add3A_1803 = arith.addi %min3A_1318, %add3A_1802 : i32
    %mul3A_1804 = arith.constant 128 : i32
    %mul3A_1805 = arith.muli %add3A_1803, %mul3A_1804 : i32
    %dma_start3A_1806 = arith.constant 1 : i32
    %dma_start3A_1807 = arith.constant 30 : i32
    %dma_start3A_1808 = arith.constant 0 : i32
    %dma_start3A_1809 = tpu.memref_slice %arg6[%dma_start3A_1807, %dma_start3A_1808] : memref<40x128xi32, #tpu.memory_space<vmem>> -> memref<1x128xi32, #tpu.memory_space<vmem>>
    %dma_start3A_1810 = tpu.memref_squeeze %dma_start3A_1809 : memref<1x128xi32, #tpu.memory_space<vmem>> -> memref<128xi32, #tpu.memory_space<vmem>>
    %dma_start3A_1811 = tpu.memref_slice %arg3[%dma_start3A_1806, %mul3A_1805] : memref<2x320000xi32, #tpu.memory_space<hbm>> -> memref<1x128xi32, #tpu.memory_space<hbm>>
    %dma_start3A_1812 = tpu.memref_squeeze %dma_start3A_1811 : memref<1x128xi32, #tpu.memory_space<hbm>> -> memref<128xi32, #tpu.memory_space<hbm>>
    %dma_start3A_1813 = arith.constant 0 : i32
    %dma_start3A_1814 = tpu.memref_slice %arg6[%dma_start3A_1807, %dma_start3A_1813] : memref<40x128xi32, #tpu.memory_space<vmem>> -> memref<1x128xi32, #tpu.memory_space<vmem>>
    %dma_start3A_1815 = tpu.memref_squeeze %dma_start3A_1814 : memref<1x128xi32, #tpu.memory_space<vmem>> -> memref<128xi32, #tpu.memory_space<vmem>>
    %dma_start3A_1816 = tpu.memref_slice %arg3[%dma_start3A_1806, %mul3A_1805] : memref<2x320000xi32, #tpu.memory_space<hbm>> -> memref<1x128xi32, #tpu.memory_space<hbm>>
    %dma_start3A_1817 = tpu.memref_squeeze %dma_start3A_1816 : memref<1x128xi32, #tpu.memory_space<hbm>> -> memref<128xi32, #tpu.memory_space<hbm>>
    tpu.enqueue_dma source(%dma_start3A_1817 : memref<128xi32, #tpu.memory_space<hbm>>) target(%dma_start3A_1815 : memref<128xi32, #tpu.memory_space<vmem>>) target_semaphore(%arg13 : memref<!tpu.dma_semaphore, #tpu.memory_space<semaphore_mem>>)
    %add3A_1818 = arith.constant 31 : i32
    %add3A_1819 = arith.addi %min3A_1318, %add3A_1818 : i32
    %mul3A_1820 = arith.constant 128 : i32
    %mul3A_1821 = arith.muli %add3A_1819, %mul3A_1820 : i32
    %dma_start3A_1822 = arith.constant 1 : i32
    %dma_start3A_1823 = arith.constant 31 : i32
    %dma_start3A_1824 = arith.constant 0 : i32
    %dma_start3A_1825 = tpu.memref_slice %arg6[%dma_start3A_1823, %dma_start3A_1824] : memref<40x128xi32, #tpu.memory_space<vmem>> -> memref<1x128xi32, #tpu.memory_space<vmem>>
    %dma_start3A_1826 = tpu.memref_squeeze %dma_start3A_1825 : memref<1x128xi32, #tpu.memory_space<vmem>> -> memref<128xi32, #tpu.memory_space<vmem>>
    %dma_start3A_1827 = tpu.memref_slice %arg3[%dma_start3A_1822, %mul3A_1821] : memref<2x320000xi32, #tpu.memory_space<hbm>> -> memref<1x128xi32, #tpu.memory_space<hbm>>
    %dma_start3A_1828 = tpu.memref_squeeze %dma_start3A_1827 : memref<1x128xi32, #tpu.memory_space<hbm>> -> memref<128xi32, #tpu.memory_space<hbm>>
    %dma_start3A_1829 = arith.constant 0 : i32
    %dma_start3A_1830 = tpu.memref_slice %arg6[%dma_start3A_1823, %dma_start3A_1829] : memref<40x128xi32, #tpu.memory_space<vmem>> -> memref<1x128xi32, #tpu.memory_space<vmem>>
    %dma_start3A_1831 = tpu.memref_squeeze %dma_start3A_1830 : memref<1x128xi32, #tpu.memory_space<vmem>> -> memref<128xi32, #tpu.memory_space<vmem>>
    %dma_start3A_1832 = tpu.memref_slice %arg3[%dma_start3A_1822, %mul3A_1821] : memref<2x320000xi32, #tpu.memory_space<hbm>> -> memref<1x128xi32, #tpu.memory_space<hbm>>
    %dma_start3A_1833 = tpu.memref_squeeze %dma_start3A_1832 : memref<1x128xi32, #tpu.memory_space<hbm>> -> memref<128xi32, #tpu.memory_space<hbm>>
    tpu.enqueue_dma source(%dma_start3A_1833 : memref<128xi32, #tpu.memory_space<hbm>>) target(%dma_start3A_1831 : memref<128xi32, #tpu.memory_space<vmem>>) target_semaphore(%arg13 : memref<!tpu.dma_semaphore, #tpu.memory_space<semaphore_mem>>)
    %add3A_1834 = arith.constant 32 : i32
    %add3A_1835 = arith.addi %min3A_1318, %add3A_1834 : i32
    %mul3A_1836 = arith.constant 128 : i32
    %mul3A_1837 = arith.muli %add3A_1835, %mul3A_1836 : i32
    %dma_start3A_1838 = arith.constant 1 : i32
    %dma_start3A_1839 = arith.constant 32 : i32
    %dma_start3A_1840 = arith.constant 0 : i32
    %dma_start3A_1841 = tpu.memref_slice %arg6[%dma_start3A_1839, %dma_start3A_1840] : memref<40x128xi32, #tpu.memory_space<vmem>> -> memref<1x128xi32, #tpu.memory_space<vmem>>
    %dma_start3A_1842 = tpu.memref_squeeze %dma_start3A_1841 : memref<1x128xi32, #tpu.memory_space<vmem>> -> memref<128xi32, #tpu.memory_space<vmem>>
    %dma_start3A_1843 = tpu.memref_slice %arg3[%dma_start3A_1838, %mul3A_1837] : memref<2x320000xi32, #tpu.memory_space<hbm>> -> memref<1x128xi32, #tpu.memory_space<hbm>>
    %dma_start3A_1844 = tpu.memref_squeeze %dma_start3A_1843 : memref<1x128xi32, #tpu.memory_space<hbm>> -> memref<128xi32, #tpu.memory_space<hbm>>
    %dma_start3A_1845 = arith.constant 0 : i32
    %dma_start3A_1846 = tpu.memref_slice %arg6[%dma_start3A_1839, %dma_start3A_1845] : memref<40x128xi32, #tpu.memory_space<vmem>> -> memref<1x128xi32, #tpu.memory_space<vmem>>
    %dma_start3A_1847 = tpu.memref_squeeze %dma_start3A_1846 : memref<1x128xi32, #tpu.memory_space<vmem>> -> memref<128xi32, #tpu.memory_space<vmem>>
    %dma_start3A_1848 = tpu.memref_slice %arg3[%dma_start3A_1838, %mul3A_1837] : memref<2x320000xi32, #tpu.memory_space<hbm>> -> memref<1x128xi32, #tpu.memory_space<hbm>>
    %dma_start3A_1849 = tpu.memref_squeeze %dma_start3A_1848 : memref<1x128xi32, #tpu.memory_space<hbm>> -> memref<128xi32, #tpu.memory_space<hbm>>
    tpu.enqueue_dma source(%dma_start3A_1849 : memref<128xi32, #tpu.memory_space<hbm>>) target(%dma_start3A_1847 : memref<128xi32, #tpu.memory_space<vmem>>) target_semaphore(%arg13 : memref<!tpu.dma_semaphore, #tpu.memory_space<semaphore_mem>>)
    %add3A_1850 = arith.constant 33 : i32
    %add3A_1851 = arith.addi %min3A_1318, %add3A_1850 : i32
    %mul3A_1852 = arith.constant 128 : i32
    %mul3A_1853 = arith.muli %add3A_1851, %mul3A_1852 : i32
    %dma_start3A_1854 = arith.constant 1 : i32
    %dma_start3A_1855 = arith.constant 33 : i32
    %dma_start3A_1856 = arith.constant 0 : i32
    %dma_start3A_1857 = tpu.memref_slice %arg6[%dma_start3A_1855, %dma_start3A_1856] : memref<40x128xi32, #tpu.memory_space<vmem>> -> memref<1x128xi32, #tpu.memory_space<vmem>>
    %dma_start3A_1858 = tpu.memref_squeeze %dma_start3A_1857 : memref<1x128xi32, #tpu.memory_space<vmem>> -> memref<128xi32, #tpu.memory_space<vmem>>
    %dma_start3A_1859 = tpu.memref_slice %arg3[%dma_start3A_1854, %mul3A_1853] : memref<2x320000xi32, #tpu.memory_space<hbm>> -> memref<1x128xi32, #tpu.memory_space<hbm>>
    %dma_start3A_1860 = tpu.memref_squeeze %dma_start3A_1859 : memref<1x128xi32, #tpu.memory_space<hbm>> -> memref<128xi32, #tpu.memory_space<hbm>>
    %dma_start3A_1861 = arith.constant 0 : i32
    %dma_start3A_1862 = tpu.memref_slice %arg6[%dma_start3A_1855, %dma_start3A_1861] : memref<40x128xi32, #tpu.memory_space<vmem>> -> memref<1x128xi32, #tpu.memory_space<vmem>>
    %dma_start3A_1863 = tpu.memref_squeeze %dma_start3A_1862 : memref<1x128xi32, #tpu.memory_space<vmem>> -> memref<128xi32, #tpu.memory_space<vmem>>
    %dma_start3A_1864 = tpu.memref_slice %arg3[%dma_start3A_1854, %mul3A_1853] : memref<2x320000xi32, #tpu.memory_space<hbm>> -> memref<1x128xi32, #tpu.memory_space<hbm>>
    %dma_start3A_1865 = tpu.memref_squeeze %dma_start3A_1864 : memref<1x128xi32, #tpu.memory_space<hbm>> -> memref<128xi32, #tpu.memory_space<hbm>>
    tpu.enqueue_dma source(%dma_start3A_1865 : memref<128xi32, #tpu.memory_space<hbm>>) target(%dma_start3A_1863 : memref<128xi32, #tpu.memory_space<vmem>>) target_semaphore(%arg13 : memref<!tpu.dma_semaphore, #tpu.memory_space<semaphore_mem>>)
    %add3A_1866 = arith.constant 34 : i32
    %add3A_1867 = arith.addi %min3A_1318, %add3A_1866 : i32
    %mul3A_1868 = arith.constant 128 : i32
    %mul3A_1869 = arith.muli %add3A_1867, %mul3A_1868 : i32
    %dma_start3A_1870 = arith.constant 1 : i32
    %dma_start3A_1871 = arith.constant 34 : i32
    %dma_start3A_1872 = arith.constant 0 : i32
    %dma_start3A_1873 = tpu.memref_slice %arg6[%dma_start3A_1871, %dma_start3A_1872] : memref<40x128xi32, #tpu.memory_space<vmem>> -> memref<1x128xi32, #tpu.memory_space<vmem>>
    %dma_start3A_1874 = tpu.memref_squeeze %dma_start3A_1873 : memref<1x128xi32, #tpu.memory_space<vmem>> -> memref<128xi32, #tpu.memory_space<vmem>>
    %dma_start3A_1875 = tpu.memref_slice %arg3[%dma_start3A_1870, %mul3A_1869] : memref<2x320000xi32, #tpu.memory_space<hbm>> -> memref<1x128xi32, #tpu.memory_space<hbm>>
    %dma_start3A_1876 = tpu.memref_squeeze %dma_start3A_1875 : memref<1x128xi32, #tpu.memory_space<hbm>> -> memref<128xi32, #tpu.memory_space<hbm>>
    %dma_start3A_1877 = arith.constant 0 : i32
    %dma_start3A_1878 = tpu.memref_slice %arg6[%dma_start3A_1871, %dma_start3A_1877] : memref<40x128xi32, #tpu.memory_space<vmem>> -> memref<1x128xi32, #tpu.memory_space<vmem>>
    %dma_start3A_1879 = tpu.memref_squeeze %dma_start3A_1878 : memref<1x128xi32, #tpu.memory_space<vmem>> -> memref<128xi32, #tpu.memory_space<vmem>>
    %dma_start3A_1880 = tpu.memref_slice %arg3[%dma_start3A_1870, %mul3A_1869] : memref<2x320000xi32, #tpu.memory_space<hbm>> -> memref<1x128xi32, #tpu.memory_space<hbm>>
    %dma_start3A_1881 = tpu.memref_squeeze %dma_start3A_1880 : memref<1x128xi32, #tpu.memory_space<hbm>> -> memref<128xi32, #tpu.memory_space<hbm>>
    tpu.enqueue_dma source(%dma_start3A_1881 : memref<128xi32, #tpu.memory_space<hbm>>) target(%dma_start3A_1879 : memref<128xi32, #tpu.memory_space<vmem>>) target_semaphore(%arg13 : memref<!tpu.dma_semaphore, #tpu.memory_space<semaphore_mem>>)
    %add3A_1882 = arith.constant 35 : i32
    %add3A_1883 = arith.addi %min3A_1318, %add3A_1882 : i32
    %mul3A_1884 = arith.constant 128 : i32
    %mul3A_1885 = arith.muli %add3A_1883, %mul3A_1884 : i32
    %dma_start3A_1886 = arith.constant 1 : i32
    %dma_start3A_1887 = arith.constant 35 : i32
    %dma_start3A_1888 = arith.constant 0 : i32
    %dma_start3A_1889 = tpu.memref_slice %arg6[%dma_start3A_1887, %dma_start3A_1888] : memref<40x128xi32, #tpu.memory_space<vmem>> -> memref<1x128xi32, #tpu.memory_space<vmem>>
    %dma_start3A_1890 = tpu.memref_squeeze %dma_start3A_1889 : memref<1x128xi32, #tpu.memory_space<vmem>> -> memref<128xi32, #tpu.memory_space<vmem>>
    %dma_start3A_1891 = tpu.memref_slice %arg3[%dma_start3A_1886, %mul3A_1885] : memref<2x320000xi32, #tpu.memory_space<hbm>> -> memref<1x128xi32, #tpu.memory_space<hbm>>
    %dma_start3A_1892 = tpu.memref_squeeze %dma_start3A_1891 : memref<1x128xi32, #tpu.memory_space<hbm>> -> memref<128xi32, #tpu.memory_space<hbm>>
    %dma_start3A_1893 = arith.constant 0 : i32
    %dma_start3A_1894 = tpu.memref_slice %arg6[%dma_start3A_1887, %dma_start3A_1893] : memref<40x128xi32, #tpu.memory_space<vmem>> -> memref<1x128xi32, #tpu.memory_space<vmem>>
    %dma_start3A_1895 = tpu.memref_squeeze %dma_start3A_1894 : memref<1x128xi32, #tpu.memory_space<vmem>> -> memref<128xi32, #tpu.memory_space<vmem>>
    %dma_start3A_1896 = tpu.memref_slice %arg3[%dma_start3A_1886, %mul3A_1885] : memref<2x320000xi32, #tpu.memory_space<hbm>> -> memref<1x128xi32, #tpu.memory_space<hbm>>
    %dma_start3A_1897 = tpu.memref_squeeze %dma_start3A_1896 : memref<1x128xi32, #tpu.memory_space<hbm>> -> memref<128xi32, #tpu.memory_space<hbm>>
    tpu.enqueue_dma source(%dma_start3A_1897 : memref<128xi32, #tpu.memory_space<hbm>>) target(%dma_start3A_1895 : memref<128xi32, #tpu.memory_space<vmem>>) target_semaphore(%arg13 : memref<!tpu.dma_semaphore, #tpu.memory_space<semaphore_mem>>)
    %add3A_1898 = arith.constant 36 : i32
    %add3A_1899 = arith.addi %min3A_1318, %add3A_1898 : i32
    %mul3A_1900 = arith.constant 128 : i32
    %mul3A_1901 = arith.muli %add3A_1899, %mul3A_1900 : i32
    %dma_start3A_1902 = arith.constant 1 : i32
    %dma_start3A_1903 = arith.constant 36 : i32
    %dma_start3A_1904 = arith.constant 0 : i32
    %dma_start3A_1905 = tpu.memref_slice %arg6[%dma_start3A_1903, %dma_start3A_1904] : memref<40x128xi32, #tpu.memory_space<vmem>> -> memref<1x128xi32, #tpu.memory_space<vmem>>
    %dma_start3A_1906 = tpu.memref_squeeze %dma_start3A_1905 : memref<1x128xi32, #tpu.memory_space<vmem>> -> memref<128xi32, #tpu.memory_space<vmem>>
    %dma_start3A_1907 = tpu.memref_slice %arg3[%dma_start3A_1902, %mul3A_1901] : memref<2x320000xi32, #tpu.memory_space<hbm>> -> memref<1x128xi32, #tpu.memory_space<hbm>>
    %dma_start3A_1908 = tpu.memref_squeeze %dma_start3A_1907 : memref<1x128xi32, #tpu.memory_space<hbm>> -> memref<128xi32, #tpu.memory_space<hbm>>
    %dma_start3A_1909 = arith.constant 0 : i32
    %dma_start3A_1910 = tpu.memref_slice %arg6[%dma_start3A_1903, %dma_start3A_1909] : memref<40x128xi32, #tpu.memory_space<vmem>> -> memref<1x128xi32, #tpu.memory_space<vmem>>
    %dma_start3A_1911 = tpu.memref_squeeze %dma_start3A_1910 : memref<1x128xi32, #tpu.memory_space<vmem>> -> memref<128xi32, #tpu.memory_space<vmem>>
    %dma_start3A_1912 = tpu.memref_slice %arg3[%dma_start3A_1902, %mul3A_1901] : memref<2x320000xi32, #tpu.memory_space<hbm>> -> memref<1x128xi32, #tpu.memory_space<hbm>>
    %dma_start3A_1913 = tpu.memref_squeeze %dma_start3A_1912 : memref<1x128xi32, #tpu.memory_space<hbm>> -> memref<128xi32, #tpu.memory_space<hbm>>
    tpu.enqueue_dma source(%dma_start3A_1913 : memref<128xi32, #tpu.memory_space<hbm>>) target(%dma_start3A_1911 : memref<128xi32, #tpu.memory_space<vmem>>) target_semaphore(%arg13 : memref<!tpu.dma_semaphore, #tpu.memory_space<semaphore_mem>>)
    %add3A_1914 = arith.constant 37 : i32
    %add3A_1915 = arith.addi %min3A_1318, %add3A_1914 : i32
    %mul3A_1916 = arith.constant 128 : i32
    %mul3A_1917 = arith.muli %add3A_1915, %mul3A_1916 : i32
    %dma_start3A_1918 = arith.constant 1 : i32
    %dma_start3A_1919 = arith.constant 37 : i32
    %dma_start3A_1920 = arith.constant 0 : i32
    %dma_start3A_1921 = tpu.memref_slice %arg6[%dma_start3A_1919, %dma_start3A_1920] : memref<40x128xi32, #tpu.memory_space<vmem>> -> memref<1x128xi32, #tpu.memory_space<vmem>>
    %dma_start3A_1922 = tpu.memref_squeeze %dma_start3A_1921 : memref<1x128xi32, #tpu.memory_space<vmem>> -> memref<128xi32, #tpu.memory_space<vmem>>
    %dma_start3A_1923 = tpu.memref_slice %arg3[%dma_start3A_1918, %mul3A_1917] : memref<2x320000xi32, #tpu.memory_space<hbm>> -> memref<1x128xi32, #tpu.memory_space<hbm>>
    %dma_start3A_1924 = tpu.memref_squeeze %dma_start3A_1923 : memref<1x128xi32, #tpu.memory_space<hbm>> -> memref<128xi32, #tpu.memory_space<hbm>>
    %dma_start3A_1925 = arith.constant 0 : i32
    %dma_start3A_1926 = tpu.memref_slice %arg6[%dma_start3A_1919, %dma_start3A_1925] : memref<40x128xi32, #tpu.memory_space<vmem>> -> memref<1x128xi32, #tpu.memory_space<vmem>>
    %dma_start3A_1927 = tpu.memref_squeeze %dma_start3A_1926 : memref<1x128xi32, #tpu.memory_space<vmem>> -> memref<128xi32, #tpu.memory_space<vmem>>
    %dma_start3A_1928 = tpu.memref_slice %arg3[%dma_start3A_1918, %mul3A_1917] : memref<2x320000xi32, #tpu.memory_space<hbm>> -> memref<1x128xi32, #tpu.memory_space<hbm>>
    %dma_start3A_1929 = tpu.memref_squeeze %dma_start3A_1928 : memref<1x128xi32, #tpu.memory_space<hbm>> -> memref<128xi32, #tpu.memory_space<hbm>>
    tpu.enqueue_dma source(%dma_start3A_1929 : memref<128xi32, #tpu.memory_space<hbm>>) target(%dma_start3A_1927 : memref<128xi32, #tpu.memory_space<vmem>>) target_semaphore(%arg13 : memref<!tpu.dma_semaphore, #tpu.memory_space<semaphore_mem>>)
    %add3A_1930 = arith.constant 38 : i32
    %add3A_1931 = arith.addi %min3A_1318, %add3A_1930 : i32
    %mul3A_1932 = arith.constant 128 : i32
    %mul3A_1933 = arith.muli %add3A_1931, %mul3A_1932 : i32
    %dma_start3A_1934 = arith.constant 1 : i32
    %dma_start3A_1935 = arith.constant 38 : i32
    %dma_start3A_1936 = arith.constant 0 : i32
    %dma_start3A_1937 = tpu.memref_slice %arg6[%dma_start3A_1935, %dma_start3A_1936] : memref<40x128xi32, #tpu.memory_space<vmem>> -> memref<1x128xi32, #tpu.memory_space<vmem>>
    %dma_start3A_1938 = tpu.memref_squeeze %dma_start3A_1937 : memref<1x128xi32, #tpu.memory_space<vmem>> -> memref<128xi32, #tpu.memory_space<vmem>>
    %dma_start3A_1939 = tpu.memref_slice %arg3[%dma_start3A_1934, %mul3A_1933] : memref<2x320000xi32, #tpu.memory_space<hbm>> -> memref<1x128xi32, #tpu.memory_space<hbm>>
    %dma_start3A_1940 = tpu.memref_squeeze %dma_start3A_1939 : memref<1x128xi32, #tpu.memory_space<hbm>> -> memref<128xi32, #tpu.memory_space<hbm>>
    %dma_start3A_1941 = arith.constant 0 : i32
    %dma_start3A_1942 = tpu.memref_slice %arg6[%dma_start3A_1935, %dma_start3A_1941] : memref<40x128xi32, #tpu.memory_space<vmem>> -> memref<1x128xi32, #tpu.memory_space<vmem>>
    %dma_start3A_1943 = tpu.memref_squeeze %dma_start3A_1942 : memref<1x128xi32, #tpu.memory_space<vmem>> -> memref<128xi32, #tpu.memory_space<vmem>>
    %dma_start3A_1944 = tpu.memref_slice %arg3[%dma_start3A_1934, %mul3A_1933] : memref<2x320000xi32, #tpu.memory_space<hbm>> -> memref<1x128xi32, #tpu.memory_space<hbm>>
    %dma_start3A_1945 = tpu.memref_squeeze %dma_start3A_1944 : memref<1x128xi32, #tpu.memory_space<hbm>> -> memref<128xi32, #tpu.memory_space<hbm>>
    tpu.enqueue_dma source(%dma_start3A_1945 : memref<128xi32, #tpu.memory_space<hbm>>) target(%dma_start3A_1943 : memref<128xi32, #tpu.memory_space<vmem>>) target_semaphore(%arg13 : memref<!tpu.dma_semaphore, #tpu.memory_space<semaphore_mem>>)
    %add3A_1946 = arith.constant 39 : i32
    %add3A_1947 = arith.addi %min3A_1318, %add3A_1946 : i32
    %mul3A_1948 = arith.constant 128 : i32
    %mul3A_1949 = arith.muli %add3A_1947, %mul3A_1948 : i32
    %dma_start3A_1950 = arith.constant 1 : i32
    %dma_start3A_1951 = arith.constant 39 : i32
    %dma_start3A_1952 = arith.constant 0 : i32
    %dma_start3A_1953 = tpu.memref_slice %arg6[%dma_start3A_1951, %dma_start3A_1952] : memref<40x128xi32, #tpu.memory_space<vmem>> -> memref<1x128xi32, #tpu.memory_space<vmem>>
    %dma_start3A_1954 = tpu.memref_squeeze %dma_start3A_1953 : memref<1x128xi32, #tpu.memory_space<vmem>> -> memref<128xi32, #tpu.memory_space<vmem>>
    %dma_start3A_1955 = tpu.memref_slice %arg3[%dma_start3A_1950, %mul3A_1949] : memref<2x320000xi32, #tpu.memory_space<hbm>> -> memref<1x128xi32, #tpu.memory_space<hbm>>
    %dma_start3A_1956 = tpu.memref_squeeze %dma_start3A_1955 : memref<1x128xi32, #tpu.memory_space<hbm>> -> memref<128xi32, #tpu.memory_space<hbm>>
    %dma_start3A_1957 = arith.constant 0 : i32
    %dma_start3A_1958 = tpu.memref_slice %arg6[%dma_start3A_1951, %dma_start3A_1957] : memref<40x128xi32, #tpu.memory_space<vmem>> -> memref<1x128xi32, #tpu.memory_space<vmem>>
    %dma_start3A_1959 = tpu.memref_squeeze %dma_start3A_1958 : memref<1x128xi32, #tpu.memory_space<vmem>> -> memref<128xi32, #tpu.memory_space<vmem>>
    %dma_start3A_1960 = tpu.memref_slice %arg3[%dma_start3A_1950, %mul3A_1949] : memref<2x320000xi32, #tpu.memory_space<hbm>> -> memref<1x128xi32, #tpu.memory_space<hbm>>
    %dma_start3A_1961 = tpu.memref_squeeze %dma_start3A_1960 : memref<1x128xi32, #tpu.memory_space<hbm>> -> memref<128xi32, #tpu.memory_space<hbm>>
    tpu.enqueue_dma source(%dma_start3A_1961 : memref<128xi32, #tpu.memory_space<hbm>>) target(%dma_start3A_1959 : memref<128xi32, #tpu.memory_space<vmem>>) target_semaphore(%arg13 : memref<!tpu.dma_semaphore, #tpu.memory_space<semaphore_mem>>)
    %add3A_1962 = arith.constant 0 : i32
    %add3A_1963 = arith.addi %min3A_1318, %add3A_1962 : i32
    %mul3A_1964 = arith.constant 128 : i32
    %mul3A_1965 = arith.muli %add3A_1963, %mul3A_1964 : i32
    %dma_wait3A_1966 = arith.constant 1 : i32
    %dma_wait3A_1967 = arith.constant 0 : i32
    %dma_wait3A_1968 = arith.constant 0 : i32
    %dma_wait3A_1969 = tpu.memref_slice %arg6[%dma_wait3A_1967, %dma_wait3A_1968] : memref<40x128xi32, #tpu.memory_space<vmem>> -> memref<1x128xi32, #tpu.memory_space<vmem>>
    %dma_wait3A_1970 = tpu.memref_squeeze %dma_wait3A_1969 : memref<1x128xi32, #tpu.memory_space<vmem>> -> memref<128xi32, #tpu.memory_space<vmem>>
    %dma_wait3A_1971 = tpu.memref_slice %arg3[%dma_wait3A_1966, %mul3A_1965] : memref<2x320000xi32, #tpu.memory_space<hbm>> -> memref<1x128xi32, #tpu.memory_space<hbm>>
    %dma_wait3A_1972 = tpu.memref_squeeze %dma_wait3A_1971 : memref<1x128xi32, #tpu.memory_space<hbm>> -> memref<128xi32, #tpu.memory_space<hbm>>
    %dma_wait3A_1973 = arith.constant 0 : i32
    %dma_wait3A_1974 = tpu.memref_slice %arg6[%dma_wait3A_1967, %dma_wait3A_1973] : memref<40x128xi32, #tpu.memory_space<vmem>> -> memref<1x128xi32, #tpu.memory_space<vmem>>
    %dma_wait3A_1975 = tpu.memref_squeeze %dma_wait3A_1974 : memref<1x128xi32, #tpu.memory_space<vmem>> -> memref<128xi32, #tpu.memory_space<vmem>>
    %dma_wait3A_1976 = tpu.memref_slice %arg3[%dma_wait3A_1966, %mul3A_1965] : memref<2x320000xi32, #tpu.memory_space<hbm>> -> memref<1x128xi32, #tpu.memory_space<hbm>>
    %dma_wait3A_1977 = tpu.memref_squeeze %dma_wait3A_1976 : memref<1x128xi32, #tpu.memory_space<hbm>> -> memref<128xi32, #tpu.memory_space<hbm>>
    tpu.wait_dma2 semaphore(%arg13 : memref<!tpu.dma_semaphore, #tpu.memory_space<semaphore_mem>>) src(%dma_wait3A_1977 : memref<128xi32, #tpu.memory_space<hbm>>) dst(%dma_wait3A_1975 : memref<128xi32, #tpu.memory_space<vmem>>)
    %add3A_1978 = arith.constant 1 : i32
    %add3A_1979 = arith.addi %min3A_1318, %add3A_1978 : i32
    %mul3A_1980 = arith.constant 128 : i32
    %mul3A_1981 = arith.muli %add3A_1979, %mul3A_1980 : i32
    %dma_wait3A_1982 = arith.constant 1 : i32
    %dma_wait3A_1983 = arith.constant 1 : i32
    %dma_wait3A_1984 = arith.constant 0 : i32
    %dma_wait3A_1985 = tpu.memref_slice %arg6[%dma_wait3A_1983, %dma_wait3A_1984] : memref<40x128xi32, #tpu.memory_space<vmem>> -> memref<1x128xi32, #tpu.memory_space<vmem>>
    %dma_wait3A_1986 = tpu.memref_squeeze %dma_wait3A_1985 : memref<1x128xi32, #tpu.memory_space<vmem>> -> memref<128xi32, #tpu.memory_space<vmem>>
    %dma_wait3A_1987 = tpu.memref_slice %arg3[%dma_wait3A_1982, %mul3A_1981] : memref<2x320000xi32, #tpu.memory_space<hbm>> -> memref<1x128xi32, #tpu.memory_space<hbm>>
    %dma_wait3A_1988 = tpu.memref_squeeze %dma_wait3A_1987 : memref<1x128xi32, #tpu.memory_space<hbm>> -> memref<128xi32, #tpu.memory_space<hbm>>
    %dma_wait3A_1989 = arith.constant 0 : i32
    %dma_wait3A_1990 = tpu.memref_slice %arg6[%dma_wait3A_1983, %dma_wait3A_1989] : memref<40x128xi32, #tpu.memory_space<vmem>> -> memref<1x128xi32, #tpu.memory_space<vmem>>
    %dma_wait3A_1991 = tpu.memref_squeeze %dma_wait3A_1990 : memref<1x128xi32, #tpu.memory_space<vmem>> -> memref<128xi32, #tpu.memory_space<vmem>>
    %dma_wait3A_1992 = tpu.memref_slice %arg3[%dma_wait3A_1982, %mul3A_1981] : memref<2x320000xi32, #tpu.memory_space<hbm>> -> memref<1x128xi32, #tpu.memory_space<hbm>>
    %dma_wait3A_1993 = tpu.memref_squeeze %dma_wait3A_1992 : memref<1x128xi32, #tpu.memory_space<hbm>> -> memref<128xi32, #tpu.memory_space<hbm>>
    tpu.wait_dma2 semaphore(%arg13 : memref<!tpu.dma_semaphore, #tpu.memory_space<semaphore_mem>>) src(%dma_wait3A_1993 : memref<128xi32, #tpu.memory_space<hbm>>) dst(%dma_wait3A_1991 : memref<128xi32, #tpu.memory_space<vmem>>)
    %add3A_1994 = arith.constant 2 : i32
    %add3A_1995 = arith.addi %min3A_1318, %add3A_1994 : i32
    %mul3A_1996 = arith.constant 128 : i32
    %mul3A_1997 = arith.muli %add3A_1995, %mul3A_1996 : i32
    %dma_wait3A_1998 = arith.constant 1 : i32
    %dma_wait3A_1999 = arith.constant 2 : i32
    %dma_wait3A_2000 = arith.constant 0 : i32
    %dma_wait3A_2001 = tpu.memref_slice %arg6[%dma_wait3A_1999, %dma_wait3A_2000] : memref<40x128xi32, #tpu.memory_space<vmem>> -> memref<1x128xi32, #tpu.memory_space<vmem>>
    %dma_wait3A_2002 = tpu.memref_squeeze %dma_wait3A_2001 : memref<1x128xi32, #tpu.memory_space<vmem>> -> memref<128xi32, #tpu.memory_space<vmem>>
    %dma_wait3A_2003 = tpu.memref_slice %arg3[%dma_wait3A_1998, %mul3A_1997] : memref<2x320000xi32, #tpu.memory_space<hbm>> -> memref<1x128xi32, #tpu.memory_space<hbm>>
    %dma_wait3A_2004 = tpu.memref_squeeze %dma_wait3A_2003 : memref<1x128xi32, #tpu.memory_space<hbm>> -> memref<128xi32, #tpu.memory_space<hbm>>
    %dma_wait3A_2005 = arith.constant 0 : i32
    %dma_wait3A_2006 = tpu.memref_slice %arg6[%dma_wait3A_1999, %dma_wait3A_2005] : memref<40x128xi32, #tpu.memory_space<vmem>> -> memref<1x128xi32, #tpu.memory_space<vmem>>
    %dma_wait3A_2007 = tpu.memref_squeeze %dma_wait3A_2006 : memref<1x128xi32, #tpu.memory_space<vmem>> -> memref<128xi32, #tpu.memory_space<vmem>>
    %dma_wait3A_2008 = tpu.memref_slice %arg3[%dma_wait3A_1998, %mul3A_1997] : memref<2x320000xi32, #tpu.memory_space<hbm>> -> memref<1x128xi32, #tpu.memory_space<hbm>>
    %dma_wait3A_2009 = tpu.memref_squeeze %dma_wait3A_2008 : memref<1x128xi32, #tpu.memory_space<hbm>> -> memref<128xi32, #tpu.memory_space<hbm>>
    tpu.wait_dma2 semaphore(%arg13 : memref<!tpu.dma_semaphore, #tpu.memory_space<semaphore_mem>>) src(%dma_wait3A_2009 : memref<128xi32, #tpu.memory_space<hbm>>) dst(%dma_wait3A_2007 : memref<128xi32, #tpu.memory_space<vmem>>)
    %add3A_2010 = arith.constant 3 : i32
    %add3A_2011 = arith.addi %min3A_1318, %add3A_2010 : i32
    %mul3A_2012 = arith.constant 128 : i32
    %mul3A_2013 = arith.muli %add3A_2011, %mul3A_2012 : i32
    %dma_wait3A_2014 = arith.constant 1 : i32
    %dma_wait3A_2015 = arith.constant 3 : i32
    %dma_wait3A_2016 = arith.constant 0 : i32
    %dma_wait3A_2017 = tpu.memref_slice %arg6[%dma_wait3A_2015, %dma_wait3A_2016] : memref<40x128xi32, #tpu.memory_space<vmem>> -> memref<1x128xi32, #tpu.memory_space<vmem>>
    %dma_wait3A_2018 = tpu.memref_squeeze %dma_wait3A_2017 : memref<1x128xi32, #tpu.memory_space<vmem>> -> memref<128xi32, #tpu.memory_space<vmem>>
    %dma_wait3A_2019 = tpu.memref_slice %arg3[%dma_wait3A_2014, %mul3A_2013] : memref<2x320000xi32, #tpu.memory_space<hbm>> -> memref<1x128xi32, #tpu.memory_space<hbm>>
    %dma_wait3A_2020 = tpu.memref_squeeze %dma_wait3A_2019 : memref<1x128xi32, #tpu.memory_space<hbm>> -> memref<128xi32, #tpu.memory_space<hbm>>
    %dma_wait3A_2021 = arith.constant 0 : i32
    %dma_wait3A_2022 = tpu.memref_slice %arg6[%dma_wait3A_2015, %dma_wait3A_2021] : memref<40x128xi32, #tpu.memory_space<vmem>> -> memref<1x128xi32, #tpu.memory_space<vmem>>
    %dma_wait3A_2023 = tpu.memref_squeeze %dma_wait3A_2022 : memref<1x128xi32, #tpu.memory_space<vmem>> -> memref<128xi32, #tpu.memory_space<vmem>>
    %dma_wait3A_2024 = tpu.memref_slice %arg3[%dma_wait3A_2014, %mul3A_2013] : memref<2x320000xi32, #tpu.memory_space<hbm>> -> memref<1x128xi32, #tpu.memory_space<hbm>>
    %dma_wait3A_2025 = tpu.memref_squeeze %dma_wait3A_2024 : memref<1x128xi32, #tpu.memory_space<hbm>> -> memref<128xi32, #tpu.memory_space<hbm>>
    tpu.wait_dma2 semaphore(%arg13 : memref<!tpu.dma_semaphore, #tpu.memory_space<semaphore_mem>>) src(%dma_wait3A_2025 : memref<128xi32, #tpu.memory_space<hbm>>) dst(%dma_wait3A_2023 : memref<128xi32, #tpu.memory_space<vmem>>)
    %add3A_2026 = arith.constant 4 : i32
    %add3A_2027 = arith.addi %min3A_1318, %add3A_2026 : i32
    %mul3A_2028 = arith.constant 128 : i32
    %mul3A_2029 = arith.muli %add3A_2027, %mul3A_2028 : i32
    %dma_wait3A_2030 = arith.constant 1 : i32
    %dma_wait3A_2031 = arith.constant 4 : i32
    %dma_wait3A_2032 = arith.constant 0 : i32
    %dma_wait3A_2033 = tpu.memref_slice %arg6[%dma_wait3A_2031, %dma_wait3A_2032] : memref<40x128xi32, #tpu.memory_space<vmem>> -> memref<1x128xi32, #tpu.memory_space<vmem>>
    %dma_wait3A_2034 = tpu.memref_squeeze %dma_wait3A_2033 : memref<1x128xi32, #tpu.memory_space<vmem>> -> memref<128xi32, #tpu.memory_space<vmem>>
    %dma_wait3A_2035 = tpu.memref_slice %arg3[%dma_wait3A_2030, %mul3A_2029] : memref<2x320000xi32, #tpu.memory_space<hbm>> -> memref<1x128xi32, #tpu.memory_space<hbm>>
    %dma_wait3A_2036 = tpu.memref_squeeze %dma_wait3A_2035 : memref<1x128xi32, #tpu.memory_space<hbm>> -> memref<128xi32, #tpu.memory_space<hbm>>
    %dma_wait3A_2037 = arith.constant 0 : i32
    %dma_wait3A_2038 = tpu.memref_slice %arg6[%dma_wait3A_2031, %dma_wait3A_2037] : memref<40x128xi32, #tpu.memory_space<vmem>> -> memref<1x128xi32, #tpu.memory_space<vmem>>
    %dma_wait3A_2039 = tpu.memref_squeeze %dma_wait3A_2038 : memref<1x128xi32, #tpu.memory_space<vmem>> -> memref<128xi32, #tpu.memory_space<vmem>>
    %dma_wait3A_2040 = tpu.memref_slice %arg3[%dma_wait3A_2030, %mul3A_2029] : memref<2x320000xi32, #tpu.memory_space<hbm>> -> memref<1x128xi32, #tpu.memory_space<hbm>>
    %dma_wait3A_2041 = tpu.memref_squeeze %dma_wait3A_2040 : memref<1x128xi32, #tpu.memory_space<hbm>> -> memref<128xi32, #tpu.memory_space<hbm>>
    tpu.wait_dma2 semaphore(%arg13 : memref<!tpu.dma_semaphore, #tpu.memory_space<semaphore_mem>>) src(%dma_wait3A_2041 : memref<128xi32, #tpu.memory_space<hbm>>) dst(%dma_wait3A_2039 : memref<128xi32, #tpu.memory_space<vmem>>)
    %add3A_2042 = arith.constant 5 : i32
    %add3A_2043 = arith.addi %min3A_1318, %add3A_2042 : i32
    %mul3A_2044 = arith.constant 128 : i32
    %mul3A_2045 = arith.muli %add3A_2043, %mul3A_2044 : i32
    %dma_wait3A_2046 = arith.constant 1 : i32
    %dma_wait3A_2047 = arith.constant 5 : i32
    %dma_wait3A_2048 = arith.constant 0 : i32
    %dma_wait3A_2049 = tpu.memref_slice %arg6[%dma_wait3A_2047, %dma_wait3A_2048] : memref<40x128xi32, #tpu.memory_space<vmem>> -> memref<1x128xi32, #tpu.memory_space<vmem>>
    %dma_wait3A_2050 = tpu.memref_squeeze %dma_wait3A_2049 : memref<1x128xi32, #tpu.memory_space<vmem>> -> memref<128xi32, #tpu.memory_space<vmem>>
    %dma_wait3A_2051 = tpu.memref_slice %arg3[%dma_wait3A_2046, %mul3A_2045] : memref<2x320000xi32, #tpu.memory_space<hbm>> -> memref<1x128xi32, #tpu.memory_space<hbm>>
    %dma_wait3A_2052 = tpu.memref_squeeze %dma_wait3A_2051 : memref<1x128xi32, #tpu.memory_space<hbm>> -> memref<128xi32, #tpu.memory_space<hbm>>
    %dma_wait3A_2053 = arith.constant 0 : i32
    %dma_wait3A_2054 = tpu.memref_slice %arg6[%dma_wait3A_2047, %dma_wait3A_2053] : memref<40x128xi32, #tpu.memory_space<vmem>> -> memref<1x128xi32, #tpu.memory_space<vmem>>
    %dma_wait3A_2055 = tpu.memref_squeeze %dma_wait3A_2054 : memref<1x128xi32, #tpu.memory_space<vmem>> -> memref<128xi32, #tpu.memory_space<vmem>>
    %dma_wait3A_2056 = tpu.memref_slice %arg3[%dma_wait3A_2046, %mul3A_2045] : memref<2x320000xi32, #tpu.memory_space<hbm>> -> memref<1x128xi32, #tpu.memory_space<hbm>>
    %dma_wait3A_2057 = tpu.memref_squeeze %dma_wait3A_2056 : memref<1x128xi32, #tpu.memory_space<hbm>> -> memref<128xi32, #tpu.memory_space<hbm>>
    tpu.wait_dma2 semaphore(%arg13 : memref<!tpu.dma_semaphore, #tpu.memory_space<semaphore_mem>>) src(%dma_wait3A_2057 : memref<128xi32, #tpu.memory_space<hbm>>) dst(%dma_wait3A_2055 : memref<128xi32, #tpu.memory_space<vmem>>)
    %add3A_2058 = arith.constant 6 : i32
    %add3A_2059 = arith.addi %min3A_1318, %add3A_2058 : i32
    %mul3A_2060 = arith.constant 128 : i32
    %mul3A_2061 = arith.muli %add3A_2059, %mul3A_2060 : i32
    %dma_wait3A_2062 = arith.constant 1 : i32
    %dma_wait3A_2063 = arith.constant 6 : i32
    %dma_wait3A_2064 = arith.constant 0 : i32
    %dma_wait3A_2065 = tpu.memref_slice %arg6[%dma_wait3A_2063, %dma_wait3A_2064] : memref<40x128xi32, #tpu.memory_space<vmem>> -> memref<1x128xi32, #tpu.memory_space<vmem>>
    %dma_wait3A_2066 = tpu.memref_squeeze %dma_wait3A_2065 : memref<1x128xi32, #tpu.memory_space<vmem>> -> memref<128xi32, #tpu.memory_space<vmem>>
    %dma_wait3A_2067 = tpu.memref_slice %arg3[%dma_wait3A_2062, %mul3A_2061] : memref<2x320000xi32, #tpu.memory_space<hbm>> -> memref<1x128xi32, #tpu.memory_space<hbm>>
    %dma_wait3A_2068 = tpu.memref_squeeze %dma_wait3A_2067 : memref<1x128xi32, #tpu.memory_space<hbm>> -> memref<128xi32, #tpu.memory_space<hbm>>
    %dma_wait3A_2069 = arith.constant 0 : i32
    %dma_wait3A_2070 = tpu.memref_slice %arg6[%dma_wait3A_2063, %dma_wait3A_2069] : memref<40x128xi32, #tpu.memory_space<vmem>> -> memref<1x128xi32, #tpu.memory_space<vmem>>
    %dma_wait3A_2071 = tpu.memref_squeeze %dma_wait3A_2070 : memref<1x128xi32, #tpu.memory_space<vmem>> -> memref<128xi32, #tpu.memory_space<vmem>>
    %dma_wait3A_2072 = tpu.memref_slice %arg3[%dma_wait3A_2062, %mul3A_2061] : memref<2x320000xi32, #tpu.memory_space<hbm>> -> memref<1x128xi32, #tpu.memory_space<hbm>>
    %dma_wait3A_2073 = tpu.memref_squeeze %dma_wait3A_2072 : memref<1x128xi32, #tpu.memory_space<hbm>> -> memref<128xi32, #tpu.memory_space<hbm>>
    tpu.wait_dma2 semaphore(%arg13 : memref<!tpu.dma_semaphore, #tpu.memory_space<semaphore_mem>>) src(%dma_wait3A_2073 : memref<128xi32, #tpu.memory_space<hbm>>) dst(%dma_wait3A_2071 : memref<128xi32, #tpu.memory_space<vmem>>)
    %add3A_2074 = arith.constant 7 : i32
    %add3A_2075 = arith.addi %min3A_1318, %add3A_2074 : i32
    %mul3A_2076 = arith.constant 128 : i32
    %mul3A_2077 = arith.muli %add3A_2075, %mul3A_2076 : i32
    %dma_wait3A_2078 = arith.constant 1 : i32
    %dma_wait3A_2079 = arith.constant 7 : i32
    %dma_wait3A_2080 = arith.constant 0 : i32
    %dma_wait3A_2081 = tpu.memref_slice %arg6[%dma_wait3A_2079, %dma_wait3A_2080] : memref<40x128xi32, #tpu.memory_space<vmem>> -> memref<1x128xi32, #tpu.memory_space<vmem>>
    %dma_wait3A_2082 = tpu.memref_squeeze %dma_wait3A_2081 : memref<1x128xi32, #tpu.memory_space<vmem>> -> memref<128xi32, #tpu.memory_space<vmem>>
    %dma_wait3A_2083 = tpu.memref_slice %arg3[%dma_wait3A_2078, %mul3A_2077] : memref<2x320000xi32, #tpu.memory_space<hbm>> -> memref<1x128xi32, #tpu.memory_space<hbm>>
    %dma_wait3A_2084 = tpu.memref_squeeze %dma_wait3A_2083 : memref<1x128xi32, #tpu.memory_space<hbm>> -> memref<128xi32, #tpu.memory_space<hbm>>
    %dma_wait3A_2085 = arith.constant 0 : i32
    %dma_wait3A_2086 = tpu.memref_slice %arg6[%dma_wait3A_2079, %dma_wait3A_2085] : memref<40x128xi32, #tpu.memory_space<vmem>> -> memref<1x128xi32, #tpu.memory_space<vmem>>
    %dma_wait3A_2087 = tpu.memref_squeeze %dma_wait3A_2086 : memref<1x128xi32, #tpu.memory_space<vmem>> -> memref<128xi32, #tpu.memory_space<vmem>>
    %dma_wait3A_2088 = tpu.memref_slice %arg3[%dma_wait3A_2078, %mul3A_2077] : memref<2x320000xi32, #tpu.memory_space<hbm>> -> memref<1x128xi32, #tpu.memory_space<hbm>>
    %dma_wait3A_2089 = tpu.memref_squeeze %dma_wait3A_2088 : memref<1x128xi32, #tpu.memory_space<hbm>> -> memref<128xi32, #tpu.memory_space<hbm>>
    tpu.wait_dma2 semaphore(%arg13 : memref<!tpu.dma_semaphore, #tpu.memory_space<semaphore_mem>>) src(%dma_wait3A_2089 : memref<128xi32, #tpu.memory_space<hbm>>) dst(%dma_wait3A_2087 : memref<128xi32, #tpu.memory_space<vmem>>)
    %add3A_2090 = arith.constant 8 : i32
    %add3A_2091 = arith.addi %min3A_1318, %add3A_2090 : i32
    %mul3A_2092 = arith.constant 128 : i32
    %mul3A_2093 = arith.muli %add3A_2091, %mul3A_2092 : i32
    %dma_wait3A_2094 = arith.constant 1 : i32
    %dma_wait3A_2095 = arith.constant 8 : i32
    %dma_wait3A_2096 = arith.constant 0 : i32
    %dma_wait3A_2097 = tpu.memref_slice %arg6[%dma_wait3A_2095, %dma_wait3A_2096] : memref<40x128xi32, #tpu.memory_space<vmem>> -> memref<1x128xi32, #tpu.memory_space<vmem>>
    %dma_wait3A_2098 = tpu.memref_squeeze %dma_wait3A_2097 : memref<1x128xi32, #tpu.memory_space<vmem>> -> memref<128xi32, #tpu.memory_space<vmem>>
    %dma_wait3A_2099 = tpu.memref_slice %arg3[%dma_wait3A_2094, %mul3A_2093] : memref<2x320000xi32, #tpu.memory_space<hbm>> -> memref<1x128xi32, #tpu.memory_space<hbm>>
    %dma_wait3A_2100 = tpu.memref_squeeze %dma_wait3A_2099 : memref<1x128xi32, #tpu.memory_space<hbm>> -> memref<128xi32, #tpu.memory_space<hbm>>
    %dma_wait3A_2101 = arith.constant 0 : i32
    %dma_wait3A_2102 = tpu.memref_slice %arg6[%dma_wait3A_2095, %dma_wait3A_2101] : memref<40x128xi32, #tpu.memory_space<vmem>> -> memref<1x128xi32, #tpu.memory_space<vmem>>
    %dma_wait3A_2103 = tpu.memref_squeeze %dma_wait3A_2102 : memref<1x128xi32, #tpu.memory_space<vmem>> -> memref<128xi32, #tpu.memory_space<vmem>>
    %dma_wait3A_2104 = tpu.memref_slice %arg3[%dma_wait3A_2094, %mul3A_2093] : memref<2x320000xi32, #tpu.memory_space<hbm>> -> memref<1x128xi32, #tpu.memory_space<hbm>>
    %dma_wait3A_2105 = tpu.memref_squeeze %dma_wait3A_2104 : memref<1x128xi32, #tpu.memory_space<hbm>> -> memref<128xi32, #tpu.memory_space<hbm>>
    tpu.wait_dma2 semaphore(%arg13 : memref<!tpu.dma_semaphore, #tpu.memory_space<semaphore_mem>>) src(%dma_wait3A_2105 : memref<128xi32, #tpu.memory_space<hbm>>) dst(%dma_wait3A_2103 : memref<128xi32, #tpu.memory_space<vmem>>)
    %add3A_2106 = arith.constant 9 : i32
    %add3A_2107 = arith.addi %min3A_1318, %add3A_2106 : i32
    %mul3A_2108 = arith.constant 128 : i32
    %mul3A_2109 = arith.muli %add3A_2107, %mul3A_2108 : i32
    %dma_wait3A_2110 = arith.constant 1 : i32
    %dma_wait3A_2111 = arith.constant 9 : i32
    %dma_wait3A_2112 = arith.constant 0 : i32
    %dma_wait3A_2113 = tpu.memref_slice %arg6[%dma_wait3A_2111, %dma_wait3A_2112] : memref<40x128xi32, #tpu.memory_space<vmem>> -> memref<1x128xi32, #tpu.memory_space<vmem>>
    %dma_wait3A_2114 = tpu.memref_squeeze %dma_wait3A_2113 : memref<1x128xi32, #tpu.memory_space<vmem>> -> memref<128xi32, #tpu.memory_space<vmem>>
    %dma_wait3A_2115 = tpu.memref_slice %arg3[%dma_wait3A_2110, %mul3A_2109] : memref<2x320000xi32, #tpu.memory_space<hbm>> -> memref<1x128xi32, #tpu.memory_space<hbm>>
    %dma_wait3A_2116 = tpu.memref_squeeze %dma_wait3A_2115 : memref<1x128xi32, #tpu.memory_space<hbm>> -> memref<128xi32, #tpu.memory_space<hbm>>
    %dma_wait3A_2117 = arith.constant 0 : i32
    %dma_wait3A_2118 = tpu.memref_slice %arg6[%dma_wait3A_2111, %dma_wait3A_2117] : memref<40x128xi32, #tpu.memory_space<vmem>> -> memref<1x128xi32, #tpu.memory_space<vmem>>
    %dma_wait3A_2119 = tpu.memref_squeeze %dma_wait3A_2118 : memref<1x128xi32, #tpu.memory_space<vmem>> -> memref<128xi32, #tpu.memory_space<vmem>>
    %dma_wait3A_2120 = tpu.memref_slice %arg3[%dma_wait3A_2110, %mul3A_2109] : memref<2x320000xi32, #tpu.memory_space<hbm>> -> memref<1x128xi32, #tpu.memory_space<hbm>>
    %dma_wait3A_2121 = tpu.memref_squeeze %dma_wait3A_2120 : memref<1x128xi32, #tpu.memory_space<hbm>> -> memref<128xi32, #tpu.memory_space<hbm>>
    tpu.wait_dma2 semaphore(%arg13 : memref<!tpu.dma_semaphore, #tpu.memory_space<semaphore_mem>>) src(%dma_wait3A_2121 : memref<128xi32, #tpu.memory_space<hbm>>) dst(%dma_wait3A_2119 : memref<128xi32, #tpu.memory_space<vmem>>)
    %add3A_2122 = arith.constant 10 : i32
    %add3A_2123 = arith.addi %min3A_1318, %add3A_2122 : i32
    %mul3A_2124 = arith.constant 128 : i32
    %mul3A_2125 = arith.muli %add3A_2123, %mul3A_2124 : i32
    %dma_wait3A_2126 = arith.constant 1 : i32
    %dma_wait3A_2127 = arith.constant 10 : i32
    %dma_wait3A_2128 = arith.constant 0 : i32
    %dma_wait3A_2129 = tpu.memref_slice %arg6[%dma_wait3A_2127, %dma_wait3A_2128] : memref<40x128xi32, #tpu.memory_space<vmem>> -> memref<1x128xi32, #tpu.memory_space<vmem>>
    %dma_wait3A_2130 = tpu.memref_squeeze %dma_wait3A_2129 : memref<1x128xi32, #tpu.memory_space<vmem>> -> memref<128xi32, #tpu.memory_space<vmem>>
    %dma_wait3A_2131 = tpu.memref_slice %arg3[%dma_wait3A_2126, %mul3A_2125] : memref<2x320000xi32, #tpu.memory_space<hbm>> -> memref<1x128xi32, #tpu.memory_space<hbm>>
    %dma_wait3A_2132 = tpu.memref_squeeze %dma_wait3A_2131 : memref<1x128xi32, #tpu.memory_space<hbm>> -> memref<128xi32, #tpu.memory_space<hbm>>
    %dma_wait3A_2133 = arith.constant 0 : i32
    %dma_wait3A_2134 = tpu.memref_slice %arg6[%dma_wait3A_2127, %dma_wait3A_2133] : memref<40x128xi32, #tpu.memory_space<vmem>> -> memref<1x128xi32, #tpu.memory_space<vmem>>
    %dma_wait3A_2135 = tpu.memref_squeeze %dma_wait3A_2134 : memref<1x128xi32, #tpu.memory_space<vmem>> -> memref<128xi32, #tpu.memory_space<vmem>>
    %dma_wait3A_2136 = tpu.memref_slice %arg3[%dma_wait3A_2126, %mul3A_2125] : memref<2x320000xi32, #tpu.memory_space<hbm>> -> memref<1x128xi32, #tpu.memory_space<hbm>>
    %dma_wait3A_2137 = tpu.memref_squeeze %dma_wait3A_2136 : memref<1x128xi32, #tpu.memory_space<hbm>> -> memref<128xi32, #tpu.memory_space<hbm>>
    tpu.wait_dma2 semaphore(%arg13 : memref<!tpu.dma_semaphore, #tpu.memory_space<semaphore_mem>>) src(%dma_wait3A_2137 : memref<128xi32, #tpu.memory_space<hbm>>) dst(%dma_wait3A_2135 : memref<128xi32, #tpu.memory_space<vmem>>)
    %add3A_2138 = arith.constant 11 : i32
    %add3A_2139 = arith.addi %min3A_1318, %add3A_2138 : i32
    %mul3A_2140 = arith.constant 128 : i32
    %mul3A_2141 = arith.muli %add3A_2139, %mul3A_2140 : i32
    %dma_wait3A_2142 = arith.constant 1 : i32
    %dma_wait3A_2143 = arith.constant 11 : i32
    %dma_wait3A_2144 = arith.constant 0 : i32
    %dma_wait3A_2145 = tpu.memref_slice %arg6[%dma_wait3A_2143, %dma_wait3A_2144] : memref<40x128xi32, #tpu.memory_space<vmem>> -> memref<1x128xi32, #tpu.memory_space<vmem>>
    %dma_wait3A_2146 = tpu.memref_squeeze %dma_wait3A_2145 : memref<1x128xi32, #tpu.memory_space<vmem>> -> memref<128xi32, #tpu.memory_space<vmem>>
    %dma_wait3A_2147 = tpu.memref_slice %arg3[%dma_wait3A_2142, %mul3A_2141] : memref<2x320000xi32, #tpu.memory_space<hbm>> -> memref<1x128xi32, #tpu.memory_space<hbm>>
    %dma_wait3A_2148 = tpu.memref_squeeze %dma_wait3A_2147 : memref<1x128xi32, #tpu.memory_space<hbm>> -> memref<128xi32, #tpu.memory_space<hbm>>
    %dma_wait3A_2149 = arith.constant 0 : i32
    %dma_wait3A_2150 = tpu.memref_slice %arg6[%dma_wait3A_2143, %dma_wait3A_2149] : memref<40x128xi32, #tpu.memory_space<vmem>> -> memref<1x128xi32, #tpu.memory_space<vmem>>
    %dma_wait3A_2151 = tpu.memref_squeeze %dma_wait3A_2150 : memref<1x128xi32, #tpu.memory_space<vmem>> -> memref<128xi32, #tpu.memory_space<vmem>>
    %dma_wait3A_2152 = tpu.memref_slice %arg3[%dma_wait3A_2142, %mul3A_2141] : memref<2x320000xi32, #tpu.memory_space<hbm>> -> memref<1x128xi32, #tpu.memory_space<hbm>>
    %dma_wait3A_2153 = tpu.memref_squeeze %dma_wait3A_2152 : memref<1x128xi32, #tpu.memory_space<hbm>> -> memref<128xi32, #tpu.memory_space<hbm>>
    tpu.wait_dma2 semaphore(%arg13 : memref<!tpu.dma_semaphore, #tpu.memory_space<semaphore_mem>>) src(%dma_wait3A_2153 : memref<128xi32, #tpu.memory_space<hbm>>) dst(%dma_wait3A_2151 : memref<128xi32, #tpu.memory_space<vmem>>)
    %add3A_2154 = arith.constant 12 : i32
    %add3A_2155 = arith.addi %min3A_1318, %add3A_2154 : i32
    %mul3A_2156 = arith.constant 128 : i32
    %mul3A_2157 = arith.muli %add3A_2155, %mul3A_2156 : i32
    %dma_wait3A_2158 = arith.constant 1 : i32
    %dma_wait3A_2159 = arith.constant 12 : i32
    %dma_wait3A_2160 = arith.constant 0 : i32
    %dma_wait3A_2161 = tpu.memref_slice %arg6[%dma_wait3A_2159, %dma_wait3A_2160] : memref<40x128xi32, #tpu.memory_space<vmem>> -> memref<1x128xi32, #tpu.memory_space<vmem>>
    %dma_wait3A_2162 = tpu.memref_squeeze %dma_wait3A_2161 : memref<1x128xi32, #tpu.memory_space<vmem>> -> memref<128xi32, #tpu.memory_space<vmem>>
    %dma_wait3A_2163 = tpu.memref_slice %arg3[%dma_wait3A_2158, %mul3A_2157] : memref<2x320000xi32, #tpu.memory_space<hbm>> -> memref<1x128xi32, #tpu.memory_space<hbm>>
    %dma_wait3A_2164 = tpu.memref_squeeze %dma_wait3A_2163 : memref<1x128xi32, #tpu.memory_space<hbm>> -> memref<128xi32, #tpu.memory_space<hbm>>
    %dma_wait3A_2165 = arith.constant 0 : i32
    %dma_wait3A_2166 = tpu.memref_slice %arg6[%dma_wait3A_2159, %dma_wait3A_2165] : memref<40x128xi32, #tpu.memory_space<vmem>> -> memref<1x128xi32, #tpu.memory_space<vmem>>
    %dma_wait3A_2167 = tpu.memref_squeeze %dma_wait3A_2166 : memref<1x128xi32, #tpu.memory_space<vmem>> -> memref<128xi32, #tpu.memory_space<vmem>>
    %dma_wait3A_2168 = tpu.memref_slice %arg3[%dma_wait3A_2158, %mul3A_2157] : memref<2x320000xi32, #tpu.memory_space<hbm>> -> memref<1x128xi32, #tpu.memory_space<hbm>>
    %dma_wait3A_2169 = tpu.memref_squeeze %dma_wait3A_2168 : memref<1x128xi32, #tpu.memory_space<hbm>> -> memref<128xi32, #tpu.memory_space<hbm>>
    tpu.wait_dma2 semaphore(%arg13 : memref<!tpu.dma_semaphore, #tpu.memory_space<semaphore_mem>>) src(%dma_wait3A_2169 : memref<128xi32, #tpu.memory_space<hbm>>) dst(%dma_wait3A_2167 : memref<128xi32, #tpu.memory_space<vmem>>)
    %add3A_2170 = arith.constant 13 : i32
    %add3A_2171 = arith.addi %min3A_1318, %add3A_2170 : i32
    %mul3A_2172 = arith.constant 128 : i32
    %mul3A_2173 = arith.muli %add3A_2171, %mul3A_2172 : i32
    %dma_wait3A_2174 = arith.constant 1 : i32
    %dma_wait3A_2175 = arith.constant 13 : i32
    %dma_wait3A_2176 = arith.constant 0 : i32
    %dma_wait3A_2177 = tpu.memref_slice %arg6[%dma_wait3A_2175, %dma_wait3A_2176] : memref<40x128xi32, #tpu.memory_space<vmem>> -> memref<1x128xi32, #tpu.memory_space<vmem>>
    %dma_wait3A_2178 = tpu.memref_squeeze %dma_wait3A_2177 : memref<1x128xi32, #tpu.memory_space<vmem>> -> memref<128xi32, #tpu.memory_space<vmem>>
    %dma_wait3A_2179 = tpu.memref_slice %arg3[%dma_wait3A_2174, %mul3A_2173] : memref<2x320000xi32, #tpu.memory_space<hbm>> -> memref<1x128xi32, #tpu.memory_space<hbm>>
    %dma_wait3A_2180 = tpu.memref_squeeze %dma_wait3A_2179 : memref<1x128xi32, #tpu.memory_space<hbm>> -> memref<128xi32, #tpu.memory_space<hbm>>
    %dma_wait3A_2181 = arith.constant 0 : i32
    %dma_wait3A_2182 = tpu.memref_slice %arg6[%dma_wait3A_2175, %dma_wait3A_2181] : memref<40x128xi32, #tpu.memory_space<vmem>> -> memref<1x128xi32, #tpu.memory_space<vmem>>
    %dma_wait3A_2183 = tpu.memref_squeeze %dma_wait3A_2182 : memref<1x128xi32, #tpu.memory_space<vmem>> -> memref<128xi32, #tpu.memory_space<vmem>>
    %dma_wait3A_2184 = tpu.memref_slice %arg3[%dma_wait3A_2174, %mul3A_2173] : memref<2x320000xi32, #tpu.memory_space<hbm>> -> memref<1x128xi32, #tpu.memory_space<hbm>>
    %dma_wait3A_2185 = tpu.memref_squeeze %dma_wait3A_2184 : memref<1x128xi32, #tpu.memory_space<hbm>> -> memref<128xi32, #tpu.memory_space<hbm>>
    tpu.wait_dma2 semaphore(%arg13 : memref<!tpu.dma_semaphore, #tpu.memory_space<semaphore_mem>>) src(%dma_wait3A_2185 : memref<128xi32, #tpu.memory_space<hbm>>) dst(%dma_wait3A_2183 : memref<128xi32, #tpu.memory_space<vmem>>)
    %add3A_2186 = arith.constant 14 : i32
    %add3A_2187 = arith.addi %min3A_1318, %add3A_2186 : i32
    %mul3A_2188 = arith.constant 128 : i32
    %mul3A_2189 = arith.muli %add3A_2187, %mul3A_2188 : i32
    %dma_wait3A_2190 = arith.constant 1 : i32
    %dma_wait3A_2191 = arith.constant 14 : i32
    %dma_wait3A_2192 = arith.constant 0 : i32
    %dma_wait3A_2193 = tpu.memref_slice %arg6[%dma_wait3A_2191, %dma_wait3A_2192] : memref<40x128xi32, #tpu.memory_space<vmem>> -> memref<1x128xi32, #tpu.memory_space<vmem>>
    %dma_wait3A_2194 = tpu.memref_squeeze %dma_wait3A_2193 : memref<1x128xi32, #tpu.memory_space<vmem>> -> memref<128xi32, #tpu.memory_space<vmem>>
    %dma_wait3A_2195 = tpu.memref_slice %arg3[%dma_wait3A_2190, %mul3A_2189] : memref<2x320000xi32, #tpu.memory_space<hbm>> -> memref<1x128xi32, #tpu.memory_space<hbm>>
    %dma_wait3A_2196 = tpu.memref_squeeze %dma_wait3A_2195 : memref<1x128xi32, #tpu.memory_space<hbm>> -> memref<128xi32, #tpu.memory_space<hbm>>
    %dma_wait3A_2197 = arith.constant 0 : i32
    %dma_wait3A_2198 = tpu.memref_slice %arg6[%dma_wait3A_2191, %dma_wait3A_2197] : memref<40x128xi32, #tpu.memory_space<vmem>> -> memref<1x128xi32, #tpu.memory_space<vmem>>
    %dma_wait3A_2199 = tpu.memref_squeeze %dma_wait3A_2198 : memref<1x128xi32, #tpu.memory_space<vmem>> -> memref<128xi32, #tpu.memory_space<vmem>>
    %dma_wait3A_2200 = tpu.memref_slice %arg3[%dma_wait3A_2190, %mul3A_2189] : memref<2x320000xi32, #tpu.memory_space<hbm>> -> memref<1x128xi32, #tpu.memory_space<hbm>>
    %dma_wait3A_2201 = tpu.memref_squeeze %dma_wait3A_2200 : memref<1x128xi32, #tpu.memory_space<hbm>> -> memref<128xi32, #tpu.memory_space<hbm>>
    tpu.wait_dma2 semaphore(%arg13 : memref<!tpu.dma_semaphore, #tpu.memory_space<semaphore_mem>>) src(%dma_wait3A_2201 : memref<128xi32, #tpu.memory_space<hbm>>) dst(%dma_wait3A_2199 : memref<128xi32, #tpu.memory_space<vmem>>)
    %add3A_2202 = arith.constant 15 : i32
    %add3A_2203 = arith.addi %min3A_1318, %add3A_2202 : i32
    %mul3A_2204 = arith.constant 128 : i32
    %mul3A_2205 = arith.muli %add3A_2203, %mul3A_2204 : i32
    %dma_wait3A_2206 = arith.constant 1 : i32
    %dma_wait3A_2207 = arith.constant 15 : i32
    %dma_wait3A_2208 = arith.constant 0 : i32
    %dma_wait3A_2209 = tpu.memref_slice %arg6[%dma_wait3A_2207, %dma_wait3A_2208] : memref<40x128xi32, #tpu.memory_space<vmem>> -> memref<1x128xi32, #tpu.memory_space<vmem>>
    %dma_wait3A_2210 = tpu.memref_squeeze %dma_wait3A_2209 : memref<1x128xi32, #tpu.memory_space<vmem>> -> memref<128xi32, #tpu.memory_space<vmem>>
    %dma_wait3A_2211 = tpu.memref_slice %arg3[%dma_wait3A_2206, %mul3A_2205] : memref<2x320000xi32, #tpu.memory_space<hbm>> -> memref<1x128xi32, #tpu.memory_space<hbm>>
    %dma_wait3A_2212 = tpu.memref_squeeze %dma_wait3A_2211 : memref<1x128xi32, #tpu.memory_space<hbm>> -> memref<128xi32, #tpu.memory_space<hbm>>
    %dma_wait3A_2213 = arith.constant 0 : i32
    %dma_wait3A_2214 = tpu.memref_slice %arg6[%dma_wait3A_2207, %dma_wait3A_2213] : memref<40x128xi32, #tpu.memory_space<vmem>> -> memref<1x128xi32, #tpu.memory_space<vmem>>
    %dma_wait3A_2215 = tpu.memref_squeeze %dma_wait3A_2214 : memref<1x128xi32, #tpu.memory_space<vmem>> -> memref<128xi32, #tpu.memory_space<vmem>>
    %dma_wait3A_2216 = tpu.memref_slice %arg3[%dma_wait3A_2206, %mul3A_2205] : memref<2x320000xi32, #tpu.memory_space<hbm>> -> memref<1x128xi32, #tpu.memory_space<hbm>>
    %dma_wait3A_2217 = tpu.memref_squeeze %dma_wait3A_2216 : memref<1x128xi32, #tpu.memory_space<hbm>> -> memref<128xi32, #tpu.memory_space<hbm>>
    tpu.wait_dma2 semaphore(%arg13 : memref<!tpu.dma_semaphore, #tpu.memory_space<semaphore_mem>>) src(%dma_wait3A_2217 : memref<128xi32, #tpu.memory_space<hbm>>) dst(%dma_wait3A_2215 : memref<128xi32, #tpu.memory_space<vmem>>)
    %add3A_2218 = arith.constant 16 : i32
    %add3A_2219 = arith.addi %min3A_1318, %add3A_2218 : i32
    %mul3A_2220 = arith.constant 128 : i32
    %mul3A_2221 = arith.muli %add3A_2219, %mul3A_2220 : i32
    %dma_wait3A_2222 = arith.constant 1 : i32
    %dma_wait3A_2223 = arith.constant 16 : i32
    %dma_wait3A_2224 = arith.constant 0 : i32
    %dma_wait3A_2225 = tpu.memref_slice %arg6[%dma_wait3A_2223, %dma_wait3A_2224] : memref<40x128xi32, #tpu.memory_space<vmem>> -> memref<1x128xi32, #tpu.memory_space<vmem>>
    %dma_wait3A_2226 = tpu.memref_squeeze %dma_wait3A_2225 : memref<1x128xi32, #tpu.memory_space<vmem>> -> memref<128xi32, #tpu.memory_space<vmem>>
    %dma_wait3A_2227 = tpu.memref_slice %arg3[%dma_wait3A_2222, %mul3A_2221] : memref<2x320000xi32, #tpu.memory_space<hbm>> -> memref<1x128xi32, #tpu.memory_space<hbm>>
    %dma_wait3A_2228 = tpu.memref_squeeze %dma_wait3A_2227 : memref<1x128xi32, #tpu.memory_space<hbm>> -> memref<128xi32, #tpu.memory_space<hbm>>
    %dma_wait3A_2229 = arith.constant 0 : i32
    %dma_wait3A_2230 = tpu.memref_slice %arg6[%dma_wait3A_2223, %dma_wait3A_2229] : memref<40x128xi32, #tpu.memory_space<vmem>> -> memref<1x128xi32, #tpu.memory_space<vmem>>
    %dma_wait3A_2231 = tpu.memref_squeeze %dma_wait3A_2230 : memref<1x128xi32, #tpu.memory_space<vmem>> -> memref<128xi32, #tpu.memory_space<vmem>>
    %dma_wait3A_2232 = tpu.memref_slice %arg3[%dma_wait3A_2222, %mul3A_2221] : memref<2x320000xi32, #tpu.memory_space<hbm>> -> memref<1x128xi32, #tpu.memory_space<hbm>>
    %dma_wait3A_2233 = tpu.memref_squeeze %dma_wait3A_2232 : memref<1x128xi32, #tpu.memory_space<hbm>> -> memref<128xi32, #tpu.memory_space<hbm>>
    tpu.wait_dma2 semaphore(%arg13 : memref<!tpu.dma_semaphore, #tpu.memory_space<semaphore_mem>>) src(%dma_wait3A_2233 : memref<128xi32, #tpu.memory_space<hbm>>) dst(%dma_wait3A_2231 : memref<128xi32, #tpu.memory_space<vmem>>)
    %add3A_2234 = arith.constant 17 : i32
    %add3A_2235 = arith.addi %min3A_1318, %add3A_2234 : i32
    %mul3A_2236 = arith.constant 128 : i32
    %mul3A_2237 = arith.muli %add3A_2235, %mul3A_2236 : i32
    %dma_wait3A_2238 = arith.constant 1 : i32
    %dma_wait3A_2239 = arith.constant 17 : i32
    %dma_wait3A_2240 = arith.constant 0 : i32
    %dma_wait3A_2241 = tpu.memref_slice %arg6[%dma_wait3A_2239, %dma_wait3A_2240] : memref<40x128xi32, #tpu.memory_space<vmem>> -> memref<1x128xi32, #tpu.memory_space<vmem>>
    %dma_wait3A_2242 = tpu.memref_squeeze %dma_wait3A_2241 : memref<1x128xi32, #tpu.memory_space<vmem>> -> memref<128xi32, #tpu.memory_space<vmem>>
    %dma_wait3A_2243 = tpu.memref_slice %arg3[%dma_wait3A_2238, %mul3A_2237] : memref<2x320000xi32, #tpu.memory_space<hbm>> -> memref<1x128xi32, #tpu.memory_space<hbm>>
    %dma_wait3A_2244 = tpu.memref_squeeze %dma_wait3A_2243 : memref<1x128xi32, #tpu.memory_space<hbm>> -> memref<128xi32, #tpu.memory_space<hbm>>
    %dma_wait3A_2245 = arith.constant 0 : i32
    %dma_wait3A_2246 = tpu.memref_slice %arg6[%dma_wait3A_2239, %dma_wait3A_2245] : memref<40x128xi32, #tpu.memory_space<vmem>> -> memref<1x128xi32, #tpu.memory_space<vmem>>
    %dma_wait3A_2247 = tpu.memref_squeeze %dma_wait3A_2246 : memref<1x128xi32, #tpu.memory_space<vmem>> -> memref<128xi32, #tpu.memory_space<vmem>>
    %dma_wait3A_2248 = tpu.memref_slice %arg3[%dma_wait3A_2238, %mul3A_2237] : memref<2x320000xi32, #tpu.memory_space<hbm>> -> memref<1x128xi32, #tpu.memory_space<hbm>>
    %dma_wait3A_2249 = tpu.memref_squeeze %dma_wait3A_2248 : memref<1x128xi32, #tpu.memory_space<hbm>> -> memref<128xi32, #tpu.memory_space<hbm>>
    tpu.wait_dma2 semaphore(%arg13 : memref<!tpu.dma_semaphore, #tpu.memory_space<semaphore_mem>>) src(%dma_wait3A_2249 : memref<128xi32, #tpu.memory_space<hbm>>) dst(%dma_wait3A_2247 : memref<128xi32, #tpu.memory_space<vmem>>)
    %add3A_2250 = arith.constant 18 : i32
    %add3A_2251 = arith.addi %min3A_1318, %add3A_2250 : i32
    %mul3A_2252 = arith.constant 128 : i32
    %mul3A_2253 = arith.muli %add3A_2251, %mul3A_2252 : i32
    %dma_wait3A_2254 = arith.constant 1 : i32
    %dma_wait3A_2255 = arith.constant 18 : i32
    %dma_wait3A_2256 = arith.constant 0 : i32
    %dma_wait3A_2257 = tpu.memref_slice %arg6[%dma_wait3A_2255, %dma_wait3A_2256] : memref<40x128xi32, #tpu.memory_space<vmem>> -> memref<1x128xi32, #tpu.memory_space<vmem>>
    %dma_wait3A_2258 = tpu.memref_squeeze %dma_wait3A_2257 : memref<1x128xi32, #tpu.memory_space<vmem>> -> memref<128xi32, #tpu.memory_space<vmem>>
    %dma_wait3A_2259 = tpu.memref_slice %arg3[%dma_wait3A_2254, %mul3A_2253] : memref<2x320000xi32, #tpu.memory_space<hbm>> -> memref<1x128xi32, #tpu.memory_space<hbm>>
    %dma_wait3A_2260 = tpu.memref_squeeze %dma_wait3A_2259 : memref<1x128xi32, #tpu.memory_space<hbm>> -> memref<128xi32, #tpu.memory_space<hbm>>
    %dma_wait3A_2261 = arith.constant 0 : i32
    %dma_wait3A_2262 = tpu.memref_slice %arg6[%dma_wait3A_2255, %dma_wait3A_2261] : memref<40x128xi32, #tpu.memory_space<vmem>> -> memref<1x128xi32, #tpu.memory_space<vmem>>
    %dma_wait3A_2263 = tpu.memref_squeeze %dma_wait3A_2262 : memref<1x128xi32, #tpu.memory_space<vmem>> -> memref<128xi32, #tpu.memory_space<vmem>>
    %dma_wait3A_2264 = tpu.memref_slice %arg3[%dma_wait3A_2254, %mul3A_2253] : memref<2x320000xi32, #tpu.memory_space<hbm>> -> memref<1x128xi32, #tpu.memory_space<hbm>>
    %dma_wait3A_2265 = tpu.memref_squeeze %dma_wait3A_2264 : memref<1x128xi32, #tpu.memory_space<hbm>> -> memref<128xi32, #tpu.memory_space<hbm>>
    tpu.wait_dma2 semaphore(%arg13 : memref<!tpu.dma_semaphore, #tpu.memory_space<semaphore_mem>>) src(%dma_wait3A_2265 : memref<128xi32, #tpu.memory_space<hbm>>) dst(%dma_wait3A_2263 : memref<128xi32, #tpu.memory_space<vmem>>)
    %add3A_2266 = arith.constant 19 : i32
    %add3A_2267 = arith.addi %min3A_1318, %add3A_2266 : i32
    %mul3A_2268 = arith.constant 128 : i32
    %mul3A_2269 = arith.muli %add3A_2267, %mul3A_2268 : i32
    %dma_wait3A_2270 = arith.constant 1 : i32
    %dma_wait3A_2271 = arith.constant 19 : i32
    %dma_wait3A_2272 = arith.constant 0 : i32
    %dma_wait3A_2273 = tpu.memref_slice %arg6[%dma_wait3A_2271, %dma_wait3A_2272] : memref<40x128xi32, #tpu.memory_space<vmem>> -> memref<1x128xi32, #tpu.memory_space<vmem>>
    %dma_wait3A_2274 = tpu.memref_squeeze %dma_wait3A_2273 : memref<1x128xi32, #tpu.memory_space<vmem>> -> memref<128xi32, #tpu.memory_space<vmem>>
    %dma_wait3A_2275 = tpu.memref_slice %arg3[%dma_wait3A_2270, %mul3A_2269] : memref<2x320000xi32, #tpu.memory_space<hbm>> -> memref<1x128xi32, #tpu.memory_space<hbm>>
    %dma_wait3A_2276 = tpu.memref_squeeze %dma_wait3A_2275 : memref<1x128xi32, #tpu.memory_space<hbm>> -> memref<128xi32, #tpu.memory_space<hbm>>
    %dma_wait3A_2277 = arith.constant 0 : i32
    %dma_wait3A_2278 = tpu.memref_slice %arg6[%dma_wait3A_2271, %dma_wait3A_2277] : memref<40x128xi32, #tpu.memory_space<vmem>> -> memref<1x128xi32, #tpu.memory_space<vmem>>
    %dma_wait3A_2279 = tpu.memref_squeeze %dma_wait3A_2278 : memref<1x128xi32, #tpu.memory_space<vmem>> -> memref<128xi32, #tpu.memory_space<vmem>>
    %dma_wait3A_2280 = tpu.memref_slice %arg3[%dma_wait3A_2270, %mul3A_2269] : memref<2x320000xi32, #tpu.memory_space<hbm>> -> memref<1x128xi32, #tpu.memory_space<hbm>>
    %dma_wait3A_2281 = tpu.memref_squeeze %dma_wait3A_2280 : memref<1x128xi32, #tpu.memory_space<hbm>> -> memref<128xi32, #tpu.memory_space<hbm>>
    tpu.wait_dma2 semaphore(%arg13 : memref<!tpu.dma_semaphore, #tpu.memory_space<semaphore_mem>>) src(%dma_wait3A_2281 : memref<128xi32, #tpu.memory_space<hbm>>) dst(%dma_wait3A_2279 : memref<128xi32, #tpu.memory_space<vmem>>)
    %add3A_2282 = arith.constant 20 : i32
    %add3A_2283 = arith.addi %min3A_1318, %add3A_2282 : i32
    %mul3A_2284 = arith.constant 128 : i32
    %mul3A_2285 = arith.muli %add3A_2283, %mul3A_2284 : i32
    %dma_wait3A_2286 = arith.constant 1 : i32
    %dma_wait3A_2287 = arith.constant 20 : i32
    %dma_wait3A_2288 = arith.constant 0 : i32
    %dma_wait3A_2289 = tpu.memref_slice %arg6[%dma_wait3A_2287, %dma_wait3A_2288] : memref<40x128xi32, #tpu.memory_space<vmem>> -> memref<1x128xi32, #tpu.memory_space<vmem>>
    %dma_wait3A_2290 = tpu.memref_squeeze %dma_wait3A_2289 : memref<1x128xi32, #tpu.memory_space<vmem>> -> memref<128xi32, #tpu.memory_space<vmem>>
    %dma_wait3A_2291 = tpu.memref_slice %arg3[%dma_wait3A_2286, %mul3A_2285] : memref<2x320000xi32, #tpu.memory_space<hbm>> -> memref<1x128xi32, #tpu.memory_space<hbm>>
    %dma_wait3A_2292 = tpu.memref_squeeze %dma_wait3A_2291 : memref<1x128xi32, #tpu.memory_space<hbm>> -> memref<128xi32, #tpu.memory_space<hbm>>
    %dma_wait3A_2293 = arith.constant 0 : i32
    %dma_wait3A_2294 = tpu.memref_slice %arg6[%dma_wait3A_2287, %dma_wait3A_2293] : memref<40x128xi32, #tpu.memory_space<vmem>> -> memref<1x128xi32, #tpu.memory_space<vmem>>
    %dma_wait3A_2295 = tpu.memref_squeeze %dma_wait3A_2294 : memref<1x128xi32, #tpu.memory_space<vmem>> -> memref<128xi32, #tpu.memory_space<vmem>>
    %dma_wait3A_2296 = tpu.memref_slice %arg3[%dma_wait3A_2286, %mul3A_2285] : memref<2x320000xi32, #tpu.memory_space<hbm>> -> memref<1x128xi32, #tpu.memory_space<hbm>>
    %dma_wait3A_2297 = tpu.memref_squeeze %dma_wait3A_2296 : memref<1x128xi32, #tpu.memory_space<hbm>> -> memref<128xi32, #tpu.memory_space<hbm>>
    tpu.wait_dma2 semaphore(%arg13 : memref<!tpu.dma_semaphore, #tpu.memory_space<semaphore_mem>>) src(%dma_wait3A_2297 : memref<128xi32, #tpu.memory_space<hbm>>) dst(%dma_wait3A_2295 : memref<128xi32, #tpu.memory_space<vmem>>)
    %add3A_2298 = arith.constant 21 : i32
    %add3A_2299 = arith.addi %min3A_1318, %add3A_2298 : i32
    %mul3A_2300 = arith.constant 128 : i32
    %mul3A_2301 = arith.muli %add3A_2299, %mul3A_2300 : i32
    %dma_wait3A_2302 = arith.constant 1 : i32
    %dma_wait3A_2303 = arith.constant 21 : i32
    %dma_wait3A_2304 = arith.constant 0 : i32
    %dma_wait3A_2305 = tpu.memref_slice %arg6[%dma_wait3A_2303, %dma_wait3A_2304] : memref<40x128xi32, #tpu.memory_space<vmem>> -> memref<1x128xi32, #tpu.memory_space<vmem>>
    %dma_wait3A_2306 = tpu.memref_squeeze %dma_wait3A_2305 : memref<1x128xi32, #tpu.memory_space<vmem>> -> memref<128xi32, #tpu.memory_space<vmem>>
    %dma_wait3A_2307 = tpu.memref_slice %arg3[%dma_wait3A_2302, %mul3A_2301] : memref<2x320000xi32, #tpu.memory_space<hbm>> -> memref<1x128xi32, #tpu.memory_space<hbm>>
    %dma_wait3A_2308 = tpu.memref_squeeze %dma_wait3A_2307 : memref<1x128xi32, #tpu.memory_space<hbm>> -> memref<128xi32, #tpu.memory_space<hbm>>
    %dma_wait3A_2309 = arith.constant 0 : i32
    %dma_wait3A_2310 = tpu.memref_slice %arg6[%dma_wait3A_2303, %dma_wait3A_2309] : memref<40x128xi32, #tpu.memory_space<vmem>> -> memref<1x128xi32, #tpu.memory_space<vmem>>
    %dma_wait3A_2311 = tpu.memref_squeeze %dma_wait3A_2310 : memref<1x128xi32, #tpu.memory_space<vmem>> -> memref<128xi32, #tpu.memory_space<vmem>>
    %dma_wait3A_2312 = tpu.memref_slice %arg3[%dma_wait3A_2302, %mul3A_2301] : memref<2x320000xi32, #tpu.memory_space<hbm>> -> memref<1x128xi32, #tpu.memory_space<hbm>>
    %dma_wait3A_2313 = tpu.memref_squeeze %dma_wait3A_2312 : memref<1x128xi32, #tpu.memory_space<hbm>> -> memref<128xi32, #tpu.memory_space<hbm>>
    tpu.wait_dma2 semaphore(%arg13 : memref<!tpu.dma_semaphore, #tpu.memory_space<semaphore_mem>>) src(%dma_wait3A_2313 : memref<128xi32, #tpu.memory_space<hbm>>) dst(%dma_wait3A_2311 : memref<128xi32, #tpu.memory_space<vmem>>)
    %add3A_2314 = arith.constant 22 : i32
    %add3A_2315 = arith.addi %min3A_1318, %add3A_2314 : i32
    %mul3A_2316 = arith.constant 128 : i32
    %mul3A_2317 = arith.muli %add3A_2315, %mul3A_2316 : i32
    %dma_wait3A_2318 = arith.constant 1 : i32
    %dma_wait3A_2319 = arith.constant 22 : i32
    %dma_wait3A_2320 = arith.constant 0 : i32
    %dma_wait3A_2321 = tpu.memref_slice %arg6[%dma_wait3A_2319, %dma_wait3A_2320] : memref<40x128xi32, #tpu.memory_space<vmem>> -> memref<1x128xi32, #tpu.memory_space<vmem>>
    %dma_wait3A_2322 = tpu.memref_squeeze %dma_wait3A_2321 : memref<1x128xi32, #tpu.memory_space<vmem>> -> memref<128xi32, #tpu.memory_space<vmem>>
    %dma_wait3A_2323 = tpu.memref_slice %arg3[%dma_wait3A_2318, %mul3A_2317] : memref<2x320000xi32, #tpu.memory_space<hbm>> -> memref<1x128xi32, #tpu.memory_space<hbm>>
    %dma_wait3A_2324 = tpu.memref_squeeze %dma_wait3A_2323 : memref<1x128xi32, #tpu.memory_space<hbm>> -> memref<128xi32, #tpu.memory_space<hbm>>
    %dma_wait3A_2325 = arith.constant 0 : i32
    %dma_wait3A_2326 = tpu.memref_slice %arg6[%dma_wait3A_2319, %dma_wait3A_2325] : memref<40x128xi32, #tpu.memory_space<vmem>> -> memref<1x128xi32, #tpu.memory_space<vmem>>
    %dma_wait3A_2327 = tpu.memref_squeeze %dma_wait3A_2326 : memref<1x128xi32, #tpu.memory_space<vmem>> -> memref<128xi32, #tpu.memory_space<vmem>>
    %dma_wait3A_2328 = tpu.memref_slice %arg3[%dma_wait3A_2318, %mul3A_2317] : memref<2x320000xi32, #tpu.memory_space<hbm>> -> memref<1x128xi32, #tpu.memory_space<hbm>>
    %dma_wait3A_2329 = tpu.memref_squeeze %dma_wait3A_2328 : memref<1x128xi32, #tpu.memory_space<hbm>> -> memref<128xi32, #tpu.memory_space<hbm>>
    tpu.wait_dma2 semaphore(%arg13 : memref<!tpu.dma_semaphore, #tpu.memory_space<semaphore_mem>>) src(%dma_wait3A_2329 : memref<128xi32, #tpu.memory_space<hbm>>) dst(%dma_wait3A_2327 : memref<128xi32, #tpu.memory_space<vmem>>)
    %add3A_2330 = arith.constant 23 : i32
    %add3A_2331 = arith.addi %min3A_1318, %add3A_2330 : i32
    %mul3A_2332 = arith.constant 128 : i32
    %mul3A_2333 = arith.muli %add3A_2331, %mul3A_2332 : i32
    %dma_wait3A_2334 = arith.constant 1 : i32
    %dma_wait3A_2335 = arith.constant 23 : i32
    %dma_wait3A_2336 = arith.constant 0 : i32
    %dma_wait3A_2337 = tpu.memref_slice %arg6[%dma_wait3A_2335, %dma_wait3A_2336] : memref<40x128xi32, #tpu.memory_space<vmem>> -> memref<1x128xi32, #tpu.memory_space<vmem>>
    %dma_wait3A_2338 = tpu.memref_squeeze %dma_wait3A_2337 : memref<1x128xi32, #tpu.memory_space<vmem>> -> memref<128xi32, #tpu.memory_space<vmem>>
    %dma_wait3A_2339 = tpu.memref_slice %arg3[%dma_wait3A_2334, %mul3A_2333] : memref<2x320000xi32, #tpu.memory_space<hbm>> -> memref<1x128xi32, #tpu.memory_space<hbm>>
    %dma_wait3A_2340 = tpu.memref_squeeze %dma_wait3A_2339 : memref<1x128xi32, #tpu.memory_space<hbm>> -> memref<128xi32, #tpu.memory_space<hbm>>
    %dma_wait3A_2341 = arith.constant 0 : i32
    %dma_wait3A_2342 = tpu.memref_slice %arg6[%dma_wait3A_2335, %dma_wait3A_2341] : memref<40x128xi32, #tpu.memory_space<vmem>> -> memref<1x128xi32, #tpu.memory_space<vmem>>
    %dma_wait3A_2343 = tpu.memref_squeeze %dma_wait3A_2342 : memref<1x128xi32, #tpu.memory_space<vmem>> -> memref<128xi32, #tpu.memory_space<vmem>>
    %dma_wait3A_2344 = tpu.memref_slice %arg3[%dma_wait3A_2334, %mul3A_2333] : memref<2x320000xi32, #tpu.memory_space<hbm>> -> memref<1x128xi32, #tpu.memory_space<hbm>>
    %dma_wait3A_2345 = tpu.memref_squeeze %dma_wait3A_2344 : memref<1x128xi32, #tpu.memory_space<hbm>> -> memref<128xi32, #tpu.memory_space<hbm>>
    tpu.wait_dma2 semaphore(%arg13 : memref<!tpu.dma_semaphore, #tpu.memory_space<semaphore_mem>>) src(%dma_wait3A_2345 : memref<128xi32, #tpu.memory_space<hbm>>) dst(%dma_wait3A_2343 : memref<128xi32, #tpu.memory_space<vmem>>)
    %add3A_2346 = arith.constant 24 : i32
    %add3A_2347 = arith.addi %min3A_1318, %add3A_2346 : i32
    %mul3A_2348 = arith.constant 128 : i32
    %mul3A_2349 = arith.muli %add3A_2347, %mul3A_2348 : i32
    %dma_wait3A_2350 = arith.constant 1 : i32
    %dma_wait3A_2351 = arith.constant 24 : i32
    %dma_wait3A_2352 = arith.constant 0 : i32
    %dma_wait3A_2353 = tpu.memref_slice %arg6[%dma_wait3A_2351, %dma_wait3A_2352] : memref<40x128xi32, #tpu.memory_space<vmem>> -> memref<1x128xi32, #tpu.memory_space<vmem>>
    %dma_wait3A_2354 = tpu.memref_squeeze %dma_wait3A_2353 : memref<1x128xi32, #tpu.memory_space<vmem>> -> memref<128xi32, #tpu.memory_space<vmem>>
    %dma_wait3A_2355 = tpu.memref_slice %arg3[%dma_wait3A_2350, %mul3A_2349] : memref<2x320000xi32, #tpu.memory_space<hbm>> -> memref<1x128xi32, #tpu.memory_space<hbm>>
    %dma_wait3A_2356 = tpu.memref_squeeze %dma_wait3A_2355 : memref<1x128xi32, #tpu.memory_space<hbm>> -> memref<128xi32, #tpu.memory_space<hbm>>
    %dma_wait3A_2357 = arith.constant 0 : i32
    %dma_wait3A_2358 = tpu.memref_slice %arg6[%dma_wait3A_2351, %dma_wait3A_2357] : memref<40x128xi32, #tpu.memory_space<vmem>> -> memref<1x128xi32, #tpu.memory_space<vmem>>
    %dma_wait3A_2359 = tpu.memref_squeeze %dma_wait3A_2358 : memref<1x128xi32, #tpu.memory_space<vmem>> -> memref<128xi32, #tpu.memory_space<vmem>>
    %dma_wait3A_2360 = tpu.memref_slice %arg3[%dma_wait3A_2350, %mul3A_2349] : memref<2x320000xi32, #tpu.memory_space<hbm>> -> memref<1x128xi32, #tpu.memory_space<hbm>>
    %dma_wait3A_2361 = tpu.memref_squeeze %dma_wait3A_2360 : memref<1x128xi32, #tpu.memory_space<hbm>> -> memref<128xi32, #tpu.memory_space<hbm>>
    tpu.wait_dma2 semaphore(%arg13 : memref<!tpu.dma_semaphore, #tpu.memory_space<semaphore_mem>>) src(%dma_wait3A_2361 : memref<128xi32, #tpu.memory_space<hbm>>) dst(%dma_wait3A_2359 : memref<128xi32, #tpu.memory_space<vmem>>)
    %add3A_2362 = arith.constant 25 : i32
    %add3A_2363 = arith.addi %min3A_1318, %add3A_2362 : i32
    %mul3A_2364 = arith.constant 128 : i32
    %mul3A_2365 = arith.muli %add3A_2363, %mul3A_2364 : i32
    %dma_wait3A_2366 = arith.constant 1 : i32
    %dma_wait3A_2367 = arith.constant 25 : i32
    %dma_wait3A_2368 = arith.constant 0 : i32
    %dma_wait3A_2369 = tpu.memref_slice %arg6[%dma_wait3A_2367, %dma_wait3A_2368] : memref<40x128xi32, #tpu.memory_space<vmem>> -> memref<1x128xi32, #tpu.memory_space<vmem>>
    %dma_wait3A_2370 = tpu.memref_squeeze %dma_wait3A_2369 : memref<1x128xi32, #tpu.memory_space<vmem>> -> memref<128xi32, #tpu.memory_space<vmem>>
    %dma_wait3A_2371 = tpu.memref_slice %arg3[%dma_wait3A_2366, %mul3A_2365] : memref<2x320000xi32, #tpu.memory_space<hbm>> -> memref<1x128xi32, #tpu.memory_space<hbm>>
    %dma_wait3A_2372 = tpu.memref_squeeze %dma_wait3A_2371 : memref<1x128xi32, #tpu.memory_space<hbm>> -> memref<128xi32, #tpu.memory_space<hbm>>
    %dma_wait3A_2373 = arith.constant 0 : i32
    %dma_wait3A_2374 = tpu.memref_slice %arg6[%dma_wait3A_2367, %dma_wait3A_2373] : memref<40x128xi32, #tpu.memory_space<vmem>> -> memref<1x128xi32, #tpu.memory_space<vmem>>
    %dma_wait3A_2375 = tpu.memref_squeeze %dma_wait3A_2374 : memref<1x128xi32, #tpu.memory_space<vmem>> -> memref<128xi32, #tpu.memory_space<vmem>>
    %dma_wait3A_2376 = tpu.memref_slice %arg3[%dma_wait3A_2366, %mul3A_2365] : memref<2x320000xi32, #tpu.memory_space<hbm>> -> memref<1x128xi32, #tpu.memory_space<hbm>>
    %dma_wait3A_2377 = tpu.memref_squeeze %dma_wait3A_2376 : memref<1x128xi32, #tpu.memory_space<hbm>> -> memref<128xi32, #tpu.memory_space<hbm>>
    tpu.wait_dma2 semaphore(%arg13 : memref<!tpu.dma_semaphore, #tpu.memory_space<semaphore_mem>>) src(%dma_wait3A_2377 : memref<128xi32, #tpu.memory_space<hbm>>) dst(%dma_wait3A_2375 : memref<128xi32, #tpu.memory_space<vmem>>)
    %add3A_2378 = arith.constant 26 : i32
    %add3A_2379 = arith.addi %min3A_1318, %add3A_2378 : i32
    %mul3A_2380 = arith.constant 128 : i32
    %mul3A_2381 = arith.muli %add3A_2379, %mul3A_2380 : i32
    %dma_wait3A_2382 = arith.constant 1 : i32
    %dma_wait3A_2383 = arith.constant 26 : i32
    %dma_wait3A_2384 = arith.constant 0 : i32
    %dma_wait3A_2385 = tpu.memref_slice %arg6[%dma_wait3A_2383, %dma_wait3A_2384] : memref<40x128xi32, #tpu.memory_space<vmem>> -> memref<1x128xi32, #tpu.memory_space<vmem>>
    %dma_wait3A_2386 = tpu.memref_squeeze %dma_wait3A_2385 : memref<1x128xi32, #tpu.memory_space<vmem>> -> memref<128xi32, #tpu.memory_space<vmem>>
    %dma_wait3A_2387 = tpu.memref_slice %arg3[%dma_wait3A_2382, %mul3A_2381] : memref<2x320000xi32, #tpu.memory_space<hbm>> -> memref<1x128xi32, #tpu.memory_space<hbm>>
    %dma_wait3A_2388 = tpu.memref_squeeze %dma_wait3A_2387 : memref<1x128xi32, #tpu.memory_space<hbm>> -> memref<128xi32, #tpu.memory_space<hbm>>
    %dma_wait3A_2389 = arith.constant 0 : i32
    %dma_wait3A_2390 = tpu.memref_slice %arg6[%dma_wait3A_2383, %dma_wait3A_2389] : memref<40x128xi32, #tpu.memory_space<vmem>> -> memref<1x128xi32, #tpu.memory_space<vmem>>
    %dma_wait3A_2391 = tpu.memref_squeeze %dma_wait3A_2390 : memref<1x128xi32, #tpu.memory_space<vmem>> -> memref<128xi32, #tpu.memory_space<vmem>>
    %dma_wait3A_2392 = tpu.memref_slice %arg3[%dma_wait3A_2382, %mul3A_2381] : memref<2x320000xi32, #tpu.memory_space<hbm>> -> memref<1x128xi32, #tpu.memory_space<hbm>>
    %dma_wait3A_2393 = tpu.memref_squeeze %dma_wait3A_2392 : memref<1x128xi32, #tpu.memory_space<hbm>> -> memref<128xi32, #tpu.memory_space<hbm>>
    tpu.wait_dma2 semaphore(%arg13 : memref<!tpu.dma_semaphore, #tpu.memory_space<semaphore_mem>>) src(%dma_wait3A_2393 : memref<128xi32, #tpu.memory_space<hbm>>) dst(%dma_wait3A_2391 : memref<128xi32, #tpu.memory_space<vmem>>)
    %add3A_2394 = arith.constant 27 : i32
    %add3A_2395 = arith.addi %min3A_1318, %add3A_2394 : i32
    %mul3A_2396 = arith.constant 128 : i32
    %mul3A_2397 = arith.muli %add3A_2395, %mul3A_2396 : i32
    %dma_wait3A_2398 = arith.constant 1 : i32
    %dma_wait3A_2399 = arith.constant 27 : i32
    %dma_wait3A_2400 = arith.constant 0 : i32
    %dma_wait3A_2401 = tpu.memref_slice %arg6[%dma_wait3A_2399, %dma_wait3A_2400] : memref<40x128xi32, #tpu.memory_space<vmem>> -> memref<1x128xi32, #tpu.memory_space<vmem>>
    %dma_wait3A_2402 = tpu.memref_squeeze %dma_wait3A_2401 : memref<1x128xi32, #tpu.memory_space<vmem>> -> memref<128xi32, #tpu.memory_space<vmem>>
    %dma_wait3A_2403 = tpu.memref_slice %arg3[%dma_wait3A_2398, %mul3A_2397] : memref<2x320000xi32, #tpu.memory_space<hbm>> -> memref<1x128xi32, #tpu.memory_space<hbm>>
    %dma_wait3A_2404 = tpu.memref_squeeze %dma_wait3A_2403 : memref<1x128xi32, #tpu.memory_space<hbm>> -> memref<128xi32, #tpu.memory_space<hbm>>
    %dma_wait3A_2405 = arith.constant 0 : i32
    %dma_wait3A_2406 = tpu.memref_slice %arg6[%dma_wait3A_2399, %dma_wait3A_2405] : memref<40x128xi32, #tpu.memory_space<vmem>> -> memref<1x128xi32, #tpu.memory_space<vmem>>
    %dma_wait3A_2407 = tpu.memref_squeeze %dma_wait3A_2406 : memref<1x128xi32, #tpu.memory_space<vmem>> -> memref<128xi32, #tpu.memory_space<vmem>>
    %dma_wait3A_2408 = tpu.memref_slice %arg3[%dma_wait3A_2398, %mul3A_2397] : memref<2x320000xi32, #tpu.memory_space<hbm>> -> memref<1x128xi32, #tpu.memory_space<hbm>>
    %dma_wait3A_2409 = tpu.memref_squeeze %dma_wait3A_2408 : memref<1x128xi32, #tpu.memory_space<hbm>> -> memref<128xi32, #tpu.memory_space<hbm>>
    tpu.wait_dma2 semaphore(%arg13 : memref<!tpu.dma_semaphore, #tpu.memory_space<semaphore_mem>>) src(%dma_wait3A_2409 : memref<128xi32, #tpu.memory_space<hbm>>) dst(%dma_wait3A_2407 : memref<128xi32, #tpu.memory_space<vmem>>)
    %add3A_2410 = arith.constant 28 : i32
    %add3A_2411 = arith.addi %min3A_1318, %add3A_2410 : i32
    %mul3A_2412 = arith.constant 128 : i32
    %mul3A_2413 = arith.muli %add3A_2411, %mul3A_2412 : i32
    %dma_wait3A_2414 = arith.constant 1 : i32
    %dma_wait3A_2415 = arith.constant 28 : i32
    %dma_wait3A_2416 = arith.constant 0 : i32
    %dma_wait3A_2417 = tpu.memref_slice %arg6[%dma_wait3A_2415, %dma_wait3A_2416] : memref<40x128xi32, #tpu.memory_space<vmem>> -> memref<1x128xi32, #tpu.memory_space<vmem>>
    %dma_wait3A_2418 = tpu.memref_squeeze %dma_wait3A_2417 : memref<1x128xi32, #tpu.memory_space<vmem>> -> memref<128xi32, #tpu.memory_space<vmem>>
    %dma_wait3A_2419 = tpu.memref_slice %arg3[%dma_wait3A_2414, %mul3A_2413] : memref<2x320000xi32, #tpu.memory_space<hbm>> -> memref<1x128xi32, #tpu.memory_space<hbm>>
    %dma_wait3A_2420 = tpu.memref_squeeze %dma_wait3A_2419 : memref<1x128xi32, #tpu.memory_space<hbm>> -> memref<128xi32, #tpu.memory_space<hbm>>
    %dma_wait3A_2421 = arith.constant 0 : i32
    %dma_wait3A_2422 = tpu.memref_slice %arg6[%dma_wait3A_2415, %dma_wait3A_2421] : memref<40x128xi32, #tpu.memory_space<vmem>> -> memref<1x128xi32, #tpu.memory_space<vmem>>
    %dma_wait3A_2423 = tpu.memref_squeeze %dma_wait3A_2422 : memref<1x128xi32, #tpu.memory_space<vmem>> -> memref<128xi32, #tpu.memory_space<vmem>>
    %dma_wait3A_2424 = tpu.memref_slice %arg3[%dma_wait3A_2414, %mul3A_2413] : memref<2x320000xi32, #tpu.memory_space<hbm>> -> memref<1x128xi32, #tpu.memory_space<hbm>>
    %dma_wait3A_2425 = tpu.memref_squeeze %dma_wait3A_2424 : memref<1x128xi32, #tpu.memory_space<hbm>> -> memref<128xi32, #tpu.memory_space<hbm>>
    tpu.wait_dma2 semaphore(%arg13 : memref<!tpu.dma_semaphore, #tpu.memory_space<semaphore_mem>>) src(%dma_wait3A_2425 : memref<128xi32, #tpu.memory_space<hbm>>) dst(%dma_wait3A_2423 : memref<128xi32, #tpu.memory_space<vmem>>)
    %add3A_2426 = arith.constant 29 : i32
    %add3A_2427 = arith.addi %min3A_1318, %add3A_2426 : i32
    %mul3A_2428 = arith.constant 128 : i32
    %mul3A_2429 = arith.muli %add3A_2427, %mul3A_2428 : i32
    %dma_wait3A_2430 = arith.constant 1 : i32
    %dma_wait3A_2431 = arith.constant 29 : i32
    %dma_wait3A_2432 = arith.constant 0 : i32
    %dma_wait3A_2433 = tpu.memref_slice %arg6[%dma_wait3A_2431, %dma_wait3A_2432] : memref<40x128xi32, #tpu.memory_space<vmem>> -> memref<1x128xi32, #tpu.memory_space<vmem>>
    %dma_wait3A_2434 = tpu.memref_squeeze %dma_wait3A_2433 : memref<1x128xi32, #tpu.memory_space<vmem>> -> memref<128xi32, #tpu.memory_space<vmem>>
    %dma_wait3A_2435 = tpu.memref_slice %arg3[%dma_wait3A_2430, %mul3A_2429] : memref<2x320000xi32, #tpu.memory_space<hbm>> -> memref<1x128xi32, #tpu.memory_space<hbm>>
    %dma_wait3A_2436 = tpu.memref_squeeze %dma_wait3A_2435 : memref<1x128xi32, #tpu.memory_space<hbm>> -> memref<128xi32, #tpu.memory_space<hbm>>
    %dma_wait3A_2437 = arith.constant 0 : i32
    %dma_wait3A_2438 = tpu.memref_slice %arg6[%dma_wait3A_2431, %dma_wait3A_2437] : memref<40x128xi32, #tpu.memory_space<vmem>> -> memref<1x128xi32, #tpu.memory_space<vmem>>
    %dma_wait3A_2439 = tpu.memref_squeeze %dma_wait3A_2438 : memref<1x128xi32, #tpu.memory_space<vmem>> -> memref<128xi32, #tpu.memory_space<vmem>>
    %dma_wait3A_2440 = tpu.memref_slice %arg3[%dma_wait3A_2430, %mul3A_2429] : memref<2x320000xi32, #tpu.memory_space<hbm>> -> memref<1x128xi32, #tpu.memory_space<hbm>>
    %dma_wait3A_2441 = tpu.memref_squeeze %dma_wait3A_2440 : memref<1x128xi32, #tpu.memory_space<hbm>> -> memref<128xi32, #tpu.memory_space<hbm>>
    tpu.wait_dma2 semaphore(%arg13 : memref<!tpu.dma_semaphore, #tpu.memory_space<semaphore_mem>>) src(%dma_wait3A_2441 : memref<128xi32, #tpu.memory_space<hbm>>) dst(%dma_wait3A_2439 : memref<128xi32, #tpu.memory_space<vmem>>)
    %add3A_2442 = arith.constant 30 : i32
    %add3A_2443 = arith.addi %min3A_1318, %add3A_2442 : i32
    %mul3A_2444 = arith.constant 128 : i32
    %mul3A_2445 = arith.muli %add3A_2443, %mul3A_2444 : i32
    %dma_wait3A_2446 = arith.constant 1 : i32
    %dma_wait3A_2447 = arith.constant 30 : i32
    %dma_wait3A_2448 = arith.constant 0 : i32
    %dma_wait3A_2449 = tpu.memref_slice %arg6[%dma_wait3A_2447, %dma_wait3A_2448] : memref<40x128xi32, #tpu.memory_space<vmem>> -> memref<1x128xi32, #tpu.memory_space<vmem>>
    %dma_wait3A_2450 = tpu.memref_squeeze %dma_wait3A_2449 : memref<1x128xi32, #tpu.memory_space<vmem>> -> memref<128xi32, #tpu.memory_space<vmem>>
    %dma_wait3A_2451 = tpu.memref_slice %arg3[%dma_wait3A_2446, %mul3A_2445] : memref<2x320000xi32, #tpu.memory_space<hbm>> -> memref<1x128xi32, #tpu.memory_space<hbm>>
    %dma_wait3A_2452 = tpu.memref_squeeze %dma_wait3A_2451 : memref<1x128xi32, #tpu.memory_space<hbm>> -> memref<128xi32, #tpu.memory_space<hbm>>
    %dma_wait3A_2453 = arith.constant 0 : i32
    %dma_wait3A_2454 = tpu.memref_slice %arg6[%dma_wait3A_2447, %dma_wait3A_2453] : memref<40x128xi32, #tpu.memory_space<vmem>> -> memref<1x128xi32, #tpu.memory_space<vmem>>
    %dma_wait3A_2455 = tpu.memref_squeeze %dma_wait3A_2454 : memref<1x128xi32, #tpu.memory_space<vmem>> -> memref<128xi32, #tpu.memory_space<vmem>>
    %dma_wait3A_2456 = tpu.memref_slice %arg3[%dma_wait3A_2446, %mul3A_2445] : memref<2x320000xi32, #tpu.memory_space<hbm>> -> memref<1x128xi32, #tpu.memory_space<hbm>>
    %dma_wait3A_2457 = tpu.memref_squeeze %dma_wait3A_2456 : memref<1x128xi32, #tpu.memory_space<hbm>> -> memref<128xi32, #tpu.memory_space<hbm>>
    tpu.wait_dma2 semaphore(%arg13 : memref<!tpu.dma_semaphore, #tpu.memory_space<semaphore_mem>>) src(%dma_wait3A_2457 : memref<128xi32, #tpu.memory_space<hbm>>) dst(%dma_wait3A_2455 : memref<128xi32, #tpu.memory_space<vmem>>)
    %add3A_2458 = arith.constant 31 : i32
    %add3A_2459 = arith.addi %min3A_1318, %add3A_2458 : i32
    %mul3A_2460 = arith.constant 128 : i32
    %mul3A_2461 = arith.muli %add3A_2459, %mul3A_2460 : i32
    %dma_wait3A_2462 = arith.constant 1 : i32
    %dma_wait3A_2463 = arith.constant 31 : i32
    %dma_wait3A_2464 = arith.constant 0 : i32
    %dma_wait3A_2465 = tpu.memref_slice %arg6[%dma_wait3A_2463, %dma_wait3A_2464] : memref<40x128xi32, #tpu.memory_space<vmem>> -> memref<1x128xi32, #tpu.memory_space<vmem>>
    %dma_wait3A_2466 = tpu.memref_squeeze %dma_wait3A_2465 : memref<1x128xi32, #tpu.memory_space<vmem>> -> memref<128xi32, #tpu.memory_space<vmem>>
    %dma_wait3A_2467 = tpu.memref_slice %arg3[%dma_wait3A_2462, %mul3A_2461] : memref<2x320000xi32, #tpu.memory_space<hbm>> -> memref<1x128xi32, #tpu.memory_space<hbm>>
    %dma_wait3A_2468 = tpu.memref_squeeze %dma_wait3A_2467 : memref<1x128xi32, #tpu.memory_space<hbm>> -> memref<128xi32, #tpu.memory_space<hbm>>
    %dma_wait3A_2469 = arith.constant 0 : i32
    %dma_wait3A_2470 = tpu.memref_slice %arg6[%dma_wait3A_2463, %dma_wait3A_2469] : memref<40x128xi32, #tpu.memory_space<vmem>> -> memref<1x128xi32, #tpu.memory_space<vmem>>
    %dma_wait3A_2471 = tpu.memref_squeeze %dma_wait3A_2470 : memref<1x128xi32, #tpu.memory_space<vmem>> -> memref<128xi32, #tpu.memory_space<vmem>>
    %dma_wait3A_2472 = tpu.memref_slice %arg3[%dma_wait3A_2462, %mul3A_2461] : memref<2x320000xi32, #tpu.memory_space<hbm>> -> memref<1x128xi32, #tpu.memory_space<hbm>>
    %dma_wait3A_2473 = tpu.memref_squeeze %dma_wait3A_2472 : memref<1x128xi32, #tpu.memory_space<hbm>> -> memref<128xi32, #tpu.memory_space<hbm>>
    tpu.wait_dma2 semaphore(%arg13 : memref<!tpu.dma_semaphore, #tpu.memory_space<semaphore_mem>>) src(%dma_wait3A_2473 : memref<128xi32, #tpu.memory_space<hbm>>) dst(%dma_wait3A_2471 : memref<128xi32, #tpu.memory_space<vmem>>)
    %add3A_2474 = arith.constant 32 : i32
    %add3A_2475 = arith.addi %min3A_1318, %add3A_2474 : i32
    %mul3A_2476 = arith.constant 128 : i32
    %mul3A_2477 = arith.muli %add3A_2475, %mul3A_2476 : i32
    %dma_wait3A_2478 = arith.constant 1 : i32
    %dma_wait3A_2479 = arith.constant 32 : i32
    %dma_wait3A_2480 = arith.constant 0 : i32
    %dma_wait3A_2481 = tpu.memref_slice %arg6[%dma_wait3A_2479, %dma_wait3A_2480] : memref<40x128xi32, #tpu.memory_space<vmem>> -> memref<1x128xi32, #tpu.memory_space<vmem>>
    %dma_wait3A_2482 = tpu.memref_squeeze %dma_wait3A_2481 : memref<1x128xi32, #tpu.memory_space<vmem>> -> memref<128xi32, #tpu.memory_space<vmem>>
    %dma_wait3A_2483 = tpu.memref_slice %arg3[%dma_wait3A_2478, %mul3A_2477] : memref<2x320000xi32, #tpu.memory_space<hbm>> -> memref<1x128xi32, #tpu.memory_space<hbm>>
    %dma_wait3A_2484 = tpu.memref_squeeze %dma_wait3A_2483 : memref<1x128xi32, #tpu.memory_space<hbm>> -> memref<128xi32, #tpu.memory_space<hbm>>
    %dma_wait3A_2485 = arith.constant 0 : i32
    %dma_wait3A_2486 = tpu.memref_slice %arg6[%dma_wait3A_2479, %dma_wait3A_2485] : memref<40x128xi32, #tpu.memory_space<vmem>> -> memref<1x128xi32, #tpu.memory_space<vmem>>
    %dma_wait3A_2487 = tpu.memref_squeeze %dma_wait3A_2486 : memref<1x128xi32, #tpu.memory_space<vmem>> -> memref<128xi32, #tpu.memory_space<vmem>>
    %dma_wait3A_2488 = tpu.memref_slice %arg3[%dma_wait3A_2478, %mul3A_2477] : memref<2x320000xi32, #tpu.memory_space<hbm>> -> memref<1x128xi32, #tpu.memory_space<hbm>>
    %dma_wait3A_2489 = tpu.memref_squeeze %dma_wait3A_2488 : memref<1x128xi32, #tpu.memory_space<hbm>> -> memref<128xi32, #tpu.memory_space<hbm>>
    tpu.wait_dma2 semaphore(%arg13 : memref<!tpu.dma_semaphore, #tpu.memory_space<semaphore_mem>>) src(%dma_wait3A_2489 : memref<128xi32, #tpu.memory_space<hbm>>) dst(%dma_wait3A_2487 : memref<128xi32, #tpu.memory_space<vmem>>)
    %add3A_2490 = arith.constant 33 : i32
    %add3A_2491 = arith.addi %min3A_1318, %add3A_2490 : i32
    %mul3A_2492 = arith.constant 128 : i32
    %mul3A_2493 = arith.muli %add3A_2491, %mul3A_2492 : i32
    %dma_wait3A_2494 = arith.constant 1 : i32
    %dma_wait3A_2495 = arith.constant 33 : i32
    %dma_wait3A_2496 = arith.constant 0 : i32
    %dma_wait3A_2497 = tpu.memref_slice %arg6[%dma_wait3A_2495, %dma_wait3A_2496] : memref<40x128xi32, #tpu.memory_space<vmem>> -> memref<1x128xi32, #tpu.memory_space<vmem>>
    %dma_wait3A_2498 = tpu.memref_squeeze %dma_wait3A_2497 : memref<1x128xi32, #tpu.memory_space<vmem>> -> memref<128xi32, #tpu.memory_space<vmem>>
    %dma_wait3A_2499 = tpu.memref_slice %arg3[%dma_wait3A_2494, %mul3A_2493] : memref<2x320000xi32, #tpu.memory_space<hbm>> -> memref<1x128xi32, #tpu.memory_space<hbm>>
    %dma_wait3A_2500 = tpu.memref_squeeze %dma_wait3A_2499 : memref<1x128xi32, #tpu.memory_space<hbm>> -> memref<128xi32, #tpu.memory_space<hbm>>
    %dma_wait3A_2501 = arith.constant 0 : i32
    %dma_wait3A_2502 = tpu.memref_slice %arg6[%dma_wait3A_2495, %dma_wait3A_2501] : memref<40x128xi32, #tpu.memory_space<vmem>> -> memref<1x128xi32, #tpu.memory_space<vmem>>
    %dma_wait3A_2503 = tpu.memref_squeeze %dma_wait3A_2502 : memref<1x128xi32, #tpu.memory_space<vmem>> -> memref<128xi32, #tpu.memory_space<vmem>>
    %dma_wait3A_2504 = tpu.memref_slice %arg3[%dma_wait3A_2494, %mul3A_2493] : memref<2x320000xi32, #tpu.memory_space<hbm>> -> memref<1x128xi32, #tpu.memory_space<hbm>>
    %dma_wait3A_2505 = tpu.memref_squeeze %dma_wait3A_2504 : memref<1x128xi32, #tpu.memory_space<hbm>> -> memref<128xi32, #tpu.memory_space<hbm>>
    tpu.wait_dma2 semaphore(%arg13 : memref<!tpu.dma_semaphore, #tpu.memory_space<semaphore_mem>>) src(%dma_wait3A_2505 : memref<128xi32, #tpu.memory_space<hbm>>) dst(%dma_wait3A_2503 : memref<128xi32, #tpu.memory_space<vmem>>)
    %add3A_2506 = arith.constant 34 : i32
    %add3A_2507 = arith.addi %min3A_1318, %add3A_2506 : i32
    %mul3A_2508 = arith.constant 128 : i32
    %mul3A_2509 = arith.muli %add3A_2507, %mul3A_2508 : i32
    %dma_wait3A_2510 = arith.constant 1 : i32
    %dma_wait3A_2511 = arith.constant 34 : i32
    %dma_wait3A_2512 = arith.constant 0 : i32
    %dma_wait3A_2513 = tpu.memref_slice %arg6[%dma_wait3A_2511, %dma_wait3A_2512] : memref<40x128xi32, #tpu.memory_space<vmem>> -> memref<1x128xi32, #tpu.memory_space<vmem>>
    %dma_wait3A_2514 = tpu.memref_squeeze %dma_wait3A_2513 : memref<1x128xi32, #tpu.memory_space<vmem>> -> memref<128xi32, #tpu.memory_space<vmem>>
    %dma_wait3A_2515 = tpu.memref_slice %arg3[%dma_wait3A_2510, %mul3A_2509] : memref<2x320000xi32, #tpu.memory_space<hbm>> -> memref<1x128xi32, #tpu.memory_space<hbm>>
    %dma_wait3A_2516 = tpu.memref_squeeze %dma_wait3A_2515 : memref<1x128xi32, #tpu.memory_space<hbm>> -> memref<128xi32, #tpu.memory_space<hbm>>
    %dma_wait3A_2517 = arith.constant 0 : i32
    %dma_wait3A_2518 = tpu.memref_slice %arg6[%dma_wait3A_2511, %dma_wait3A_2517] : memref<40x128xi32, #tpu.memory_space<vmem>> -> memref<1x128xi32, #tpu.memory_space<vmem>>
    %dma_wait3A_2519 = tpu.memref_squeeze %dma_wait3A_2518 : memref<1x128xi32, #tpu.memory_space<vmem>> -> memref<128xi32, #tpu.memory_space<vmem>>
    %dma_wait3A_2520 = tpu.memref_slice %arg3[%dma_wait3A_2510, %mul3A_2509] : memref<2x320000xi32, #tpu.memory_space<hbm>> -> memref<1x128xi32, #tpu.memory_space<hbm>>
    %dma_wait3A_2521 = tpu.memref_squeeze %dma_wait3A_2520 : memref<1x128xi32, #tpu.memory_space<hbm>> -> memref<128xi32, #tpu.memory_space<hbm>>
    tpu.wait_dma2 semaphore(%arg13 : memref<!tpu.dma_semaphore, #tpu.memory_space<semaphore_mem>>) src(%dma_wait3A_2521 : memref<128xi32, #tpu.memory_space<hbm>>) dst(%dma_wait3A_2519 : memref<128xi32, #tpu.memory_space<vmem>>)
    %add3A_2522 = arith.constant 35 : i32
    %add3A_2523 = arith.addi %min3A_1318, %add3A_2522 : i32
    %mul3A_2524 = arith.constant 128 : i32
    %mul3A_2525 = arith.muli %add3A_2523, %mul3A_2524 : i32
    %dma_wait3A_2526 = arith.constant 1 : i32
    %dma_wait3A_2527 = arith.constant 35 : i32
    %dma_wait3A_2528 = arith.constant 0 : i32
    %dma_wait3A_2529 = tpu.memref_slice %arg6[%dma_wait3A_2527, %dma_wait3A_2528] : memref<40x128xi32, #tpu.memory_space<vmem>> -> memref<1x128xi32, #tpu.memory_space<vmem>>
    %dma_wait3A_2530 = tpu.memref_squeeze %dma_wait3A_2529 : memref<1x128xi32, #tpu.memory_space<vmem>> -> memref<128xi32, #tpu.memory_space<vmem>>
    %dma_wait3A_2531 = tpu.memref_slice %arg3[%dma_wait3A_2526, %mul3A_2525] : memref<2x320000xi32, #tpu.memory_space<hbm>> -> memref<1x128xi32, #tpu.memory_space<hbm>>
    %dma_wait3A_2532 = tpu.memref_squeeze %dma_wait3A_2531 : memref<1x128xi32, #tpu.memory_space<hbm>> -> memref<128xi32, #tpu.memory_space<hbm>>
    %dma_wait3A_2533 = arith.constant 0 : i32
    %dma_wait3A_2534 = tpu.memref_slice %arg6[%dma_wait3A_2527, %dma_wait3A_2533] : memref<40x128xi32, #tpu.memory_space<vmem>> -> memref<1x128xi32, #tpu.memory_space<vmem>>
    %dma_wait3A_2535 = tpu.memref_squeeze %dma_wait3A_2534 : memref<1x128xi32, #tpu.memory_space<vmem>> -> memref<128xi32, #tpu.memory_space<vmem>>
    %dma_wait3A_2536 = tpu.memref_slice %arg3[%dma_wait3A_2526, %mul3A_2525] : memref<2x320000xi32, #tpu.memory_space<hbm>> -> memref<1x128xi32, #tpu.memory_space<hbm>>
    %dma_wait3A_2537 = tpu.memref_squeeze %dma_wait3A_2536 : memref<1x128xi32, #tpu.memory_space<hbm>> -> memref<128xi32, #tpu.memory_space<hbm>>
    tpu.wait_dma2 semaphore(%arg13 : memref<!tpu.dma_semaphore, #tpu.memory_space<semaphore_mem>>) src(%dma_wait3A_2537 : memref<128xi32, #tpu.memory_space<hbm>>) dst(%dma_wait3A_2535 : memref<128xi32, #tpu.memory_space<vmem>>)
    %add3A_2538 = arith.constant 36 : i32
    %add3A_2539 = arith.addi %min3A_1318, %add3A_2538 : i32
    %mul3A_2540 = arith.constant 128 : i32
    %mul3A_2541 = arith.muli %add3A_2539, %mul3A_2540 : i32
    %dma_wait3A_2542 = arith.constant 1 : i32
    %dma_wait3A_2543 = arith.constant 36 : i32
    %dma_wait3A_2544 = arith.constant 0 : i32
    %dma_wait3A_2545 = tpu.memref_slice %arg6[%dma_wait3A_2543, %dma_wait3A_2544] : memref<40x128xi32, #tpu.memory_space<vmem>> -> memref<1x128xi32, #tpu.memory_space<vmem>>
    %dma_wait3A_2546 = tpu.memref_squeeze %dma_wait3A_2545 : memref<1x128xi32, #tpu.memory_space<vmem>> -> memref<128xi32, #tpu.memory_space<vmem>>
    %dma_wait3A_2547 = tpu.memref_slice %arg3[%dma_wait3A_2542, %mul3A_2541] : memref<2x320000xi32, #tpu.memory_space<hbm>> -> memref<1x128xi32, #tpu.memory_space<hbm>>
    %dma_wait3A_2548 = tpu.memref_squeeze %dma_wait3A_2547 : memref<1x128xi32, #tpu.memory_space<hbm>> -> memref<128xi32, #tpu.memory_space<hbm>>
    %dma_wait3A_2549 = arith.constant 0 : i32
    %dma_wait3A_2550 = tpu.memref_slice %arg6[%dma_wait3A_2543, %dma_wait3A_2549] : memref<40x128xi32, #tpu.memory_space<vmem>> -> memref<1x128xi32, #tpu.memory_space<vmem>>
    %dma_wait3A_2551 = tpu.memref_squeeze %dma_wait3A_2550 : memref<1x128xi32, #tpu.memory_space<vmem>> -> memref<128xi32, #tpu.memory_space<vmem>>
    %dma_wait3A_2552 = tpu.memref_slice %arg3[%dma_wait3A_2542, %mul3A_2541] : memref<2x320000xi32, #tpu.memory_space<hbm>> -> memref<1x128xi32, #tpu.memory_space<hbm>>
    %dma_wait3A_2553 = tpu.memref_squeeze %dma_wait3A_2552 : memref<1x128xi32, #tpu.memory_space<hbm>> -> memref<128xi32, #tpu.memory_space<hbm>>
    tpu.wait_dma2 semaphore(%arg13 : memref<!tpu.dma_semaphore, #tpu.memory_space<semaphore_mem>>) src(%dma_wait3A_2553 : memref<128xi32, #tpu.memory_space<hbm>>) dst(%dma_wait3A_2551 : memref<128xi32, #tpu.memory_space<vmem>>)
    %add3A_2554 = arith.constant 37 : i32
    %add3A_2555 = arith.addi %min3A_1318, %add3A_2554 : i32
    %mul3A_2556 = arith.constant 128 : i32
    %mul3A_2557 = arith.muli %add3A_2555, %mul3A_2556 : i32
    %dma_wait3A_2558 = arith.constant 1 : i32
    %dma_wait3A_2559 = arith.constant 37 : i32
    %dma_wait3A_2560 = arith.constant 0 : i32
    %dma_wait3A_2561 = tpu.memref_slice %arg6[%dma_wait3A_2559, %dma_wait3A_2560] : memref<40x128xi32, #tpu.memory_space<vmem>> -> memref<1x128xi32, #tpu.memory_space<vmem>>
    %dma_wait3A_2562 = tpu.memref_squeeze %dma_wait3A_2561 : memref<1x128xi32, #tpu.memory_space<vmem>> -> memref<128xi32, #tpu.memory_space<vmem>>
    %dma_wait3A_2563 = tpu.memref_slice %arg3[%dma_wait3A_2558, %mul3A_2557] : memref<2x320000xi32, #tpu.memory_space<hbm>> -> memref<1x128xi32, #tpu.memory_space<hbm>>
    %dma_wait3A_2564 = tpu.memref_squeeze %dma_wait3A_2563 : memref<1x128xi32, #tpu.memory_space<hbm>> -> memref<128xi32, #tpu.memory_space<hbm>>
    %dma_wait3A_2565 = arith.constant 0 : i32
    %dma_wait3A_2566 = tpu.memref_slice %arg6[%dma_wait3A_2559, %dma_wait3A_2565] : memref<40x128xi32, #tpu.memory_space<vmem>> -> memref<1x128xi32, #tpu.memory_space<vmem>>
    %dma_wait3A_2567 = tpu.memref_squeeze %dma_wait3A_2566 : memref<1x128xi32, #tpu.memory_space<vmem>> -> memref<128xi32, #tpu.memory_space<vmem>>
    %dma_wait3A_2568 = tpu.memref_slice %arg3[%dma_wait3A_2558, %mul3A_2557] : memref<2x320000xi32, #tpu.memory_space<hbm>> -> memref<1x128xi32, #tpu.memory_space<hbm>>
    %dma_wait3A_2569 = tpu.memref_squeeze %dma_wait3A_2568 : memref<1x128xi32, #tpu.memory_space<hbm>> -> memref<128xi32, #tpu.memory_space<hbm>>
    tpu.wait_dma2 semaphore(%arg13 : memref<!tpu.dma_semaphore, #tpu.memory_space<semaphore_mem>>) src(%dma_wait3A_2569 : memref<128xi32, #tpu.memory_space<hbm>>) dst(%dma_wait3A_2567 : memref<128xi32, #tpu.memory_space<vmem>>)
    %add3A_2570 = arith.constant 38 : i32
    %add3A_2571 = arith.addi %min3A_1318, %add3A_2570 : i32
    %mul3A_2572 = arith.constant 128 : i32
    %mul3A_2573 = arith.muli %add3A_2571, %mul3A_2572 : i32
    %dma_wait3A_2574 = arith.constant 1 : i32
    %dma_wait3A_2575 = arith.constant 38 : i32
    %dma_wait3A_2576 = arith.constant 0 : i32
    %dma_wait3A_2577 = tpu.memref_slice %arg6[%dma_wait3A_2575, %dma_wait3A_2576] : memref<40x128xi32, #tpu.memory_space<vmem>> -> memref<1x128xi32, #tpu.memory_space<vmem>>
    %dma_wait3A_2578 = tpu.memref_squeeze %dma_wait3A_2577 : memref<1x128xi32, #tpu.memory_space<vmem>> -> memref<128xi32, #tpu.memory_space<vmem>>
    %dma_wait3A_2579 = tpu.memref_slice %arg3[%dma_wait3A_2574, %mul3A_2573] : memref<2x320000xi32, #tpu.memory_space<hbm>> -> memref<1x128xi32, #tpu.memory_space<hbm>>
    %dma_wait3A_2580 = tpu.memref_squeeze %dma_wait3A_2579 : memref<1x128xi32, #tpu.memory_space<hbm>> -> memref<128xi32, #tpu.memory_space<hbm>>
    %dma_wait3A_2581 = arith.constant 0 : i32
    %dma_wait3A_2582 = tpu.memref_slice %arg6[%dma_wait3A_2575, %dma_wait3A_2581] : memref<40x128xi32, #tpu.memory_space<vmem>> -> memref<1x128xi32, #tpu.memory_space<vmem>>
    %dma_wait3A_2583 = tpu.memref_squeeze %dma_wait3A_2582 : memref<1x128xi32, #tpu.memory_space<vmem>> -> memref<128xi32, #tpu.memory_space<vmem>>
    %dma_wait3A_2584 = tpu.memref_slice %arg3[%dma_wait3A_2574, %mul3A_2573] : memref<2x320000xi32, #tpu.memory_space<hbm>> -> memref<1x128xi32, #tpu.memory_space<hbm>>
    %dma_wait3A_2585 = tpu.memref_squeeze %dma_wait3A_2584 : memref<1x128xi32, #tpu.memory_space<hbm>> -> memref<128xi32, #tpu.memory_space<hbm>>
    tpu.wait_dma2 semaphore(%arg13 : memref<!tpu.dma_semaphore, #tpu.memory_space<semaphore_mem>>) src(%dma_wait3A_2585 : memref<128xi32, #tpu.memory_space<hbm>>) dst(%dma_wait3A_2583 : memref<128xi32, #tpu.memory_space<vmem>>)
    %add3A_2586 = arith.constant 39 : i32
    %add3A_2587 = arith.addi %min3A_1318, %add3A_2586 : i32
    %mul3A_2588 = arith.constant 128 : i32
    %mul3A_2589 = arith.muli %add3A_2587, %mul3A_2588 : i32
    %dma_wait3A_2590 = arith.constant 1 : i32
    %dma_wait3A_2591 = arith.constant 39 : i32
    %dma_wait3A_2592 = arith.constant 0 : i32
    %dma_wait3A_2593 = tpu.memref_slice %arg6[%dma_wait3A_2591, %dma_wait3A_2592] : memref<40x128xi32, #tpu.memory_space<vmem>> -> memref<1x128xi32, #tpu.memory_space<vmem>>
    %dma_wait3A_2594 = tpu.memref_squeeze %dma_wait3A_2593 : memref<1x128xi32, #tpu.memory_space<vmem>> -> memref<128xi32, #tpu.memory_space<vmem>>
    %dma_wait3A_2595 = tpu.memref_slice %arg3[%dma_wait3A_2590, %mul3A_2589] : memref<2x320000xi32, #tpu.memory_space<hbm>> -> memref<1x128xi32, #tpu.memory_space<hbm>>
    %dma_wait3A_2596 = tpu.memref_squeeze %dma_wait3A_2595 : memref<1x128xi32, #tpu.memory_space<hbm>> -> memref<128xi32, #tpu.memory_space<hbm>>
    %dma_wait3A_2597 = arith.constant 0 : i32
    %dma_wait3A_2598 = tpu.memref_slice %arg6[%dma_wait3A_2591, %dma_wait3A_2597] : memref<40x128xi32, #tpu.memory_space<vmem>> -> memref<1x128xi32, #tpu.memory_space<vmem>>
    %dma_wait3A_2599 = tpu.memref_squeeze %dma_wait3A_2598 : memref<1x128xi32, #tpu.memory_space<vmem>> -> memref<128xi32, #tpu.memory_space<vmem>>
    %dma_wait3A_2600 = tpu.memref_slice %arg3[%dma_wait3A_2590, %mul3A_2589] : memref<2x320000xi32, #tpu.memory_space<hbm>> -> memref<1x128xi32, #tpu.memory_space<hbm>>
    %dma_wait3A_2601 = tpu.memref_squeeze %dma_wait3A_2600 : memref<1x128xi32, #tpu.memory_space<hbm>> -> memref<128xi32, #tpu.memory_space<hbm>>
    tpu.wait_dma2 semaphore(%arg13 : memref<!tpu.dma_semaphore, #tpu.memory_space<semaphore_mem>>) src(%dma_wait3A_2601 : memref<128xi32, #tpu.memory_space<hbm>>) dst(%dma_wait3A_2599 : memref<128xi32, #tpu.memory_space<vmem>>)
    %sub3A_2602 = arith.subi %add3A_1316, %min3A_1318 : i32
    %add3A_2603 = arith.constant 0 : i32
    %add3A_2604 = arith.addi %add3A_1316, %add3A_2603 : i32
    %lt3A_2605 = arith.constant 2500 : i32
    %lt3A_2606 = arith.cmpi slt, %add3A_2604, %lt3A_2605 : i32
    %convert_element_type3A_2607 = arith.extui %lt3A_2606 : i1 to i32
    %cond3A_2608 = arith.constant 0 : i32
    %cond3A_2609 = arith.cmpi ne, %convert_element_type3A_2607, %cond3A_2608 : i32
    scf.if %cond3A_2609 {
      %add3A_2628 = arith.constant 0 : i32
      %add3A_2629 = arith.addi %add3A_2628, %sub3A_2602 : i32
      %mul3A_2630 = arith.constant 128 : i32
      %mul3A_2631 = arith.muli %add3A_2629, %mul3A_2630 : i32
      %dma_start3A_2632 = tpu.memref_slice %arg5[%mul3A_2631] : memref<5120xi32, #tpu.memory_space<vmem>> -> memref<128xi32, #tpu.memory_space<vmem>>
      %dma_start3A_2633 = arith.constant 0 : i32
      %dma_start3A_2634 = arith.constant 0 : i32
      %dma_start3A_2635 = tpu.memref_slice %arg2[%dma_start3A_2633, %dma_start3A_2634] : memref<10000x128xf32, #tpu.memory_space<hbm>> -> memref<10000x128xf32, #tpu.memory_space<hbm>>
      tpu.enqueue_indirect_dma source(%dma_start3A_2635 : memref<10000x128xf32, #tpu.memory_space<hbm>>) target(%arg7 : memref<128x128xf32, #tpu.memory_space<vmem>>) offsets(%dma_start3A_2632 : memref<128xi32, #tpu.memory_space<vmem>>) semaphore(%arg11 : memref<!tpu.dma_semaphore, #tpu.memory_space<semaphore_mem>>)
    } else {
    }
    %add3A_2610 = arith.constant 1 : i32
    %add3A_2611 = arith.addi %add3A_1316, %add3A_2610 : i32
    %lt3A_2612 = arith.constant 2500 : i32
    %lt3A_2613 = arith.cmpi slt, %add3A_2611, %lt3A_2612 : i32
    %convert_element_type3A_2614 = arith.extui %lt3A_2613 : i1 to i32
    %cond3A_2615 = arith.constant 0 : i32
    %cond3A_2616 = arith.cmpi ne, %convert_element_type3A_2614, %cond3A_2615 : i32
    scf.if %cond3A_2616 {
      %add3A_2628 = arith.constant 1 : i32
      %add3A_2629 = arith.addi %add3A_2628, %sub3A_2602 : i32
      %mul3A_2630 = arith.constant 128 : i32
      %mul3A_2631 = arith.muli %add3A_2629, %mul3A_2630 : i32
      %dma_start3A_2632 = tpu.memref_slice %arg5[%mul3A_2631] : memref<5120xi32, #tpu.memory_space<vmem>> -> memref<128xi32, #tpu.memory_space<vmem>>
      %dma_start3A_2633 = arith.constant 0 : i32
      %dma_start3A_2634 = arith.constant 0 : i32
      %dma_start3A_2635 = tpu.memref_slice %arg2[%dma_start3A_2633, %dma_start3A_2634] : memref<10000x128xf32, #tpu.memory_space<hbm>> -> memref<10000x128xf32, #tpu.memory_space<hbm>>
      tpu.enqueue_indirect_dma source(%dma_start3A_2635 : memref<10000x128xf32, #tpu.memory_space<hbm>>) target(%arg8 : memref<128x128xf32, #tpu.memory_space<vmem>>) offsets(%dma_start3A_2632 : memref<128xi32, #tpu.memory_space<vmem>>) semaphore(%arg12 : memref<!tpu.dma_semaphore, #tpu.memory_space<semaphore_mem>>)
    } else {
    }
    %scan3A_2617 = arith.constant 0 : i32
    %scan3A_2618 = arith.constant 0 : i32
    %scan3A_2619 = arith.constant 20 : i32
    %scan3A_2620 = arith.addi %scan3A_2618, %scan3A_2619 : i32
    %scan3A_2621 = arith.constant 1 : i32
    scf.for %scan3A_2628 = %scan3A_2618 to %scan3A_2620 step %scan3A_2621  : i32 {
      %mul3A_2629 = arith.constant 2 : i32
      %mul3A_2630 = arith.muli %scan3A_2628, %mul3A_2629 : i32
      %add3A_2631 = arith.constant 0 : i32
      %add3A_2632 = arith.addi %mul3A_2630, %add3A_2631 : i32
      %add3A_2633 = arith.addi %add3A_1316, %add3A_2632 : i32
      %lt3A_2634 = arith.constant 2500 : i32
      %lt3A_2635 = arith.cmpi slt, %add3A_2633, %lt3A_2634 : i32
      %convert_element_type3A_2636 = arith.extui %lt3A_2635 : i1 to i32
      %cond3A_2637 = arith.constant 0 : i32
      %cond3A_2638 = arith.cmpi ne, %convert_element_type3A_2636, %cond3A_2637 : i32
      scf.if %cond3A_2638 {
        %add3A_2649 = arith.addi %add3A_2632, %sub3A_2602 : i32
        %mul3A_2650 = arith.constant 128 : i32
        %mul3A_2651 = arith.muli %add3A_2649, %mul3A_2650 : i32
        %dma_wait3A_2652 = tpu.memref_slice %arg5[%mul3A_2651] : memref<5120xi32, #tpu.memory_space<vmem>> -> memref<128xi32, #tpu.memory_space<vmem>>
        %dma_wait3A_2653 = arith.constant 0 : i32
        %dma_wait3A_2654 = arith.constant 0 : i32
        %dma_wait3A_2655 = tpu.memref_slice %arg2[%dma_wait3A_2653, %dma_wait3A_2654] : memref<10000x128xf32, #tpu.memory_space<hbm>> -> memref<10000x128xf32, #tpu.memory_space<hbm>>
        tpu.wait_indirect_dma semaphore(%arg11 : memref<!tpu.dma_semaphore, #tpu.memory_space<semaphore_mem>>) src(%dma_wait3A_2655 : memref<10000x128xf32, #tpu.memory_space<hbm>>) dst(%arg7 : memref<128x128xf32, #tpu.memory_space<vmem>>)
        %add3A_2656 = arith.addi %add3A_2632, %sub3A_2602 : i32
        "tpu.region"() ({
          %run_scoped3A_2669 = tpu.sem_alloc : memref<!tpu.dma_semaphore, #tpu.memory_space<semaphore_mem>>
          %dma_start3A_2670 = arith.constant 0 : i32
          %dma_start3A_2671 = tpu.memref_slice %arg6[%add3A_2656, %dma_start3A_2670] : memref<40x128xi32, #tpu.memory_space<vmem>> -> memref<1x128xi32, #tpu.memory_space<vmem>>
          %dma_start3A_2672 = tpu.memref_squeeze %dma_start3A_2671 : memref<1x128xi32, #tpu.memory_space<vmem>> -> memref<128xi32, #tpu.memory_space<vmem>>
          %dma_start3A_2673 = arith.constant 0 : i32
          %dma_start3A_2674 = arith.constant 0 : i32
          %dma_start3A_2675 = tpu.memref_slice %arg10[%dma_start3A_2673, %dma_start3A_2674] : memref<10240x128xf32, #tpu.memory_space<vmem_shared>> -> memref<10240x128xf32, #tpu.memory_space<vmem_shared>>
          tpu.enqueue_indirect_dma source(%arg7 : memref<128x128xf32, #tpu.memory_space<vmem>>) target(%dma_start3A_2675 : memref<10240x128xf32, #tpu.memory_space<vmem_shared>>) offsets(%dma_start3A_2672 : memref<128xi32, #tpu.memory_space<vmem>>) semaphore(%run_scoped3A_2669 : memref<!tpu.dma_semaphore, #tpu.memory_space<semaphore_mem>>) {add = true}
          %dma_wait3A_2676 = arith.constant 0 : i32
          %dma_wait3A_2677 = tpu.memref_slice %arg6[%add3A_2656, %dma_wait3A_2676] : memref<40x128xi32, #tpu.memory_space<vmem>> -> memref<1x128xi32, #tpu.memory_space<vmem>>
          %dma_wait3A_2678 = tpu.memref_squeeze %dma_wait3A_2677 : memref<1x128xi32, #tpu.memory_space<vmem>> -> memref<128xi32, #tpu.memory_space<vmem>>
          %dma_wait3A_2679 = arith.constant 0 : i32
          %dma_wait3A_2680 = arith.constant 0 : i32
          %dma_wait3A_2681 = tpu.memref_slice %arg10[%dma_wait3A_2679, %dma_wait3A_2680] : memref<10240x128xf32, #tpu.memory_space<vmem_shared>> -> memref<10240x128xf32, #tpu.memory_space<vmem_shared>>
          tpu.wait_indirect_dma semaphore(%run_scoped3A_2669 : memref<!tpu.dma_semaphore, #tpu.memory_space<semaphore_mem>>) src(%arg7 : memref<128x128xf32, #tpu.memory_space<vmem>>) dst(%dma_wait3A_2681 : memref<10240x128xf32, #tpu.memory_space<vmem_shared>>)
          tpu.yield
        }) : () -> ()
        %add3A_2657 = arith.constant 2 : i32
        %add3A_2658 = arith.addi %add3A_2632, %add3A_2657 : i32
        %lt3A_2659 = arith.constant 40 : i32
        %lt3A_2660 = arith.cmpi slt, %add3A_2658, %lt3A_2659 : i32
        %add3A_2661 = arith.addi %add3A_1316, %add3A_2632 : i32
        %add3A_2662 = arith.constant 2 : i32
        %add3A_2663 = arith.addi %add3A_2661, %add3A_2662 : i32
        %lt3A_2664 = arith.constant 2500 : i32
        %lt3A_2665 = arith.cmpi slt, %add3A_2663, %lt3A_2664 : i32
        %and3A = arith.andi %lt3A_2660, %lt3A_2665 : i1
        %convert_element_type3A_2666 = arith.extui %and3A : i1 to i32
        %cond3A_2667 = arith.constant 0 : i32
        %cond3A_2668 = arith.cmpi ne, %convert_element_type3A_2666, %cond3A_2667 : i32
        scf.if %cond3A_2668 {
          %add3A_2669 = arith.constant 2 : i32
          %add3A_2670 = arith.addi %add3A_2632, %add3A_2669 : i32
          %add3A_2671 = arith.addi %add3A_2670, %sub3A_2602 : i32
          %mul3A_2672 = arith.constant 128 : i32
          %mul3A_2673 = arith.muli %add3A_2671, %mul3A_2672 : i32
          %dma_start3A_2674 = tpu.memref_slice %arg5[%mul3A_2673] : memref<5120xi32, #tpu.memory_space<vmem>> -> memref<128xi32, #tpu.memory_space<vmem>>
          %dma_start3A_2675 = arith.constant 0 : i32
          %dma_start3A_2676 = arith.constant 0 : i32
          %dma_start3A_2677 = tpu.memref_slice %arg2[%dma_start3A_2675, %dma_start3A_2676] : memref<10000x128xf32, #tpu.memory_space<hbm>> -> memref<10000x128xf32, #tpu.memory_space<hbm>>
          tpu.enqueue_indirect_dma source(%dma_start3A_2677 : memref<10000x128xf32, #tpu.memory_space<hbm>>) target(%arg7 : memref<128x128xf32, #tpu.memory_space<vmem>>) offsets(%dma_start3A_2674 : memref<128xi32, #tpu.memory_space<vmem>>) semaphore(%arg11 : memref<!tpu.dma_semaphore, #tpu.memory_space<semaphore_mem>>)
        } else {
        }
      } else {
      }
      %mul3A_2639 = arith.constant 2 : i32
      %mul3A_2640 = arith.muli %scan3A_2628, %mul3A_2639 : i32
      %add3A_2641 = arith.constant 1 : i32
      %add3A_2642 = arith.addi %mul3A_2640, %add3A_2641 : i32
      %add3A_2643 = arith.addi %add3A_1316, %add3A_2642 : i32
      %lt3A_2644 = arith.constant 2500 : i32
      %lt3A_2645 = arith.cmpi slt, %add3A_2643, %lt3A_2644 : i32
      %convert_element_type3A_2646 = arith.extui %lt3A_2645 : i1 to i32
      %cond3A_2647 = arith.constant 0 : i32
      %cond3A_2648 = arith.cmpi ne, %convert_element_type3A_2646, %cond3A_2647 : i32
      scf.if %cond3A_2648 {
        %add3A_2649 = arith.addi %add3A_2642, %sub3A_2602 : i32
        %mul3A_2650 = arith.constant 128 : i32
        %mul3A_2651 = arith.muli %add3A_2649, %mul3A_2650 : i32
        %dma_wait3A_2652 = tpu.memref_slice %arg5[%mul3A_2651] : memref<5120xi32, #tpu.memory_space<vmem>> -> memref<128xi32, #tpu.memory_space<vmem>>
        %dma_wait3A_2653 = arith.constant 0 : i32
        %dma_wait3A_2654 = arith.constant 0 : i32
        %dma_wait3A_2655 = tpu.memref_slice %arg2[%dma_wait3A_2653, %dma_wait3A_2654] : memref<10000x128xf32, #tpu.memory_space<hbm>> -> memref<10000x128xf32, #tpu.memory_space<hbm>>
        tpu.wait_indirect_dma semaphore(%arg12 : memref<!tpu.dma_semaphore, #tpu.memory_space<semaphore_mem>>) src(%dma_wait3A_2655 : memref<10000x128xf32, #tpu.memory_space<hbm>>) dst(%arg8 : memref<128x128xf32, #tpu.memory_space<vmem>>)
        %add3A_2656 = arith.addi %add3A_2642, %sub3A_2602 : i32
        "tpu.region"() ({
          %run_scoped3A_2669 = tpu.sem_alloc : memref<!tpu.dma_semaphore, #tpu.memory_space<semaphore_mem>>
          %dma_start3A_2670 = arith.constant 0 : i32
          %dma_start3A_2671 = tpu.memref_slice %arg6[%add3A_2656, %dma_start3A_2670] : memref<40x128xi32, #tpu.memory_space<vmem>> -> memref<1x128xi32, #tpu.memory_space<vmem>>
          %dma_start3A_2672 = tpu.memref_squeeze %dma_start3A_2671 : memref<1x128xi32, #tpu.memory_space<vmem>> -> memref<128xi32, #tpu.memory_space<vmem>>
          %dma_start3A_2673 = arith.constant 0 : i32
          %dma_start3A_2674 = arith.constant 0 : i32
          %dma_start3A_2675 = tpu.memref_slice %arg10[%dma_start3A_2673, %dma_start3A_2674] : memref<10240x128xf32, #tpu.memory_space<vmem_shared>> -> memref<10240x128xf32, #tpu.memory_space<vmem_shared>>
          tpu.enqueue_indirect_dma source(%arg8 : memref<128x128xf32, #tpu.memory_space<vmem>>) target(%dma_start3A_2675 : memref<10240x128xf32, #tpu.memory_space<vmem_shared>>) offsets(%dma_start3A_2672 : memref<128xi32, #tpu.memory_space<vmem>>) semaphore(%run_scoped3A_2669 : memref<!tpu.dma_semaphore, #tpu.memory_space<semaphore_mem>>) {add = true}
          %dma_wait3A_2676 = arith.constant 0 : i32
          %dma_wait3A_2677 = tpu.memref_slice %arg6[%add3A_2656, %dma_wait3A_2676] : memref<40x128xi32, #tpu.memory_space<vmem>> -> memref<1x128xi32, #tpu.memory_space<vmem>>
          %dma_wait3A_2678 = tpu.memref_squeeze %dma_wait3A_2677 : memref<1x128xi32, #tpu.memory_space<vmem>> -> memref<128xi32, #tpu.memory_space<vmem>>
          %dma_wait3A_2679 = arith.constant 0 : i32
          %dma_wait3A_2680 = arith.constant 0 : i32
          %dma_wait3A_2681 = tpu.memref_slice %arg10[%dma_wait3A_2679, %dma_wait3A_2680] : memref<10240x128xf32, #tpu.memory_space<vmem_shared>> -> memref<10240x128xf32, #tpu.memory_space<vmem_shared>>
          tpu.wait_indirect_dma semaphore(%run_scoped3A_2669 : memref<!tpu.dma_semaphore, #tpu.memory_space<semaphore_mem>>) src(%arg8 : memref<128x128xf32, #tpu.memory_space<vmem>>) dst(%dma_wait3A_2681 : memref<10240x128xf32, #tpu.memory_space<vmem_shared>>)
          tpu.yield
        }) : () -> ()
        %add3A_2657 = arith.constant 2 : i32
        %add3A_2658 = arith.addi %add3A_2642, %add3A_2657 : i32
        %lt3A_2659 = arith.constant 40 : i32
        %lt3A_2660 = arith.cmpi slt, %add3A_2658, %lt3A_2659 : i32
        %add3A_2661 = arith.addi %add3A_1316, %add3A_2642 : i32
        %add3A_2662 = arith.constant 2 : i32
        %add3A_2663 = arith.addi %add3A_2661, %add3A_2662 : i32
        %lt3A_2664 = arith.constant 2500 : i32
        %lt3A_2665 = arith.cmpi slt, %add3A_2663, %lt3A_2664 : i32
        %and3A = arith.andi %lt3A_2660, %lt3A_2665 : i1
        %convert_element_type3A_2666 = arith.extui %and3A : i1 to i32
        %cond3A_2667 = arith.constant 0 : i32
        %cond3A_2668 = arith.cmpi ne, %convert_element_type3A_2666, %cond3A_2667 : i32
        scf.if %cond3A_2668 {
          %add3A_2669 = arith.constant 2 : i32
          %add3A_2670 = arith.addi %add3A_2642, %add3A_2669 : i32
          %add3A_2671 = arith.addi %add3A_2670, %sub3A_2602 : i32
          %mul3A_2672 = arith.constant 128 : i32
          %mul3A_2673 = arith.muli %add3A_2671, %mul3A_2672 : i32
          %dma_start3A_2674 = tpu.memref_slice %arg5[%mul3A_2673] : memref<5120xi32, #tpu.memory_space<vmem>> -> memref<128xi32, #tpu.memory_space<vmem>>
          %dma_start3A_2675 = arith.constant 0 : i32
          %dma_start3A_2676 = arith.constant 0 : i32
          %dma_start3A_2677 = tpu.memref_slice %arg2[%dma_start3A_2675, %dma_start3A_2676] : memref<10000x128xf32, #tpu.memory_space<hbm>> -> memref<10000x128xf32, #tpu.memory_space<hbm>>
          tpu.enqueue_indirect_dma source(%dma_start3A_2677 : memref<10000x128xf32, #tpu.memory_space<hbm>>) target(%arg8 : memref<128x128xf32, #tpu.memory_space<vmem>>) offsets(%dma_start3A_2674 : memref<128xi32, #tpu.memory_space<vmem>>) semaphore(%arg12 : memref<!tpu.dma_semaphore, #tpu.memory_space<semaphore_mem>>)
        } else {
        }
      } else {
      }
    }
    %scan3A_2622 = arith.constant 20 : i32
    %barrier3A_2623 = arith.constant 0 : index
    tpu.barrier barrier_id(%barrier3A_2623)
    %mul3A_2624 = arith.constant 640 : i32
    %mul3A_2625 = arith.muli %arg1, %mul3A_2624 : i32
    %mul3A_2626 = arith.constant 640 : i32
    %mul3A_2627 = arith.muli %arg1, %mul3A_2626 : i32
    "tpu.region"() ({
      %run_scoped3A_2628 = tpu.sem_alloc : memref<!tpu.dma_semaphore, #tpu.memory_space<semaphore_mem>>
      %dma_start3A_2629 = arith.constant 0 : i32
      %dma_start3A_2630 = arith.constant 0 : i32
      %dma_start3A_2631 = tpu.memref_slice %arg4[%arg0, %dma_start3A_2629, %dma_start3A_2630] : memref<2x10240x128xf32, #tpu.memory_space<hbm>> -> memref<1x10240x128xf32, #tpu.memory_space<hbm>>
      %dma_start3A_2632 = tpu.memref_squeeze %dma_start3A_2631 : memref<1x10240x128xf32, #tpu.memory_space<hbm>> -> memref<10240x128xf32, #tpu.memory_space<hbm>>
      %dma_start3A_2633 = arith.constant 0 : i32
      %dma_start3A_2634 = tpu.memref_slice %dma_start3A_2632[%mul3A_2627, %dma_start3A_2633] : memref<10240x128xf32, #tpu.memory_space<hbm>> -> memref<640x128xf32, #tpu.memory_space<hbm>>
      %dma_start3A_2635 = arith.constant 0 : i32
      %dma_start3A_2636 = tpu.memref_slice %arg10[%mul3A_2625, %dma_start3A_2635] : memref<10240x128xf32, #tpu.memory_space<vmem_shared>> -> memref<640x128xf32, #tpu.memory_space<vmem_shared>>
      tpu.enqueue_dma source(%dma_start3A_2636 : memref<640x128xf32, #tpu.memory_space<vmem_shared>>) target(%dma_start3A_2634 : memref<640x128xf32, #tpu.memory_space<hbm>>) target_semaphore(%run_scoped3A_2628 : memref<!tpu.dma_semaphore, #tpu.memory_space<semaphore_mem>>)
      %dma_wait3A_2637 = arith.constant 0 : i32
      %dma_wait3A_2638 = arith.constant 0 : i32
      %dma_wait3A_2639 = tpu.memref_slice %arg4[%arg0, %dma_wait3A_2637, %dma_wait3A_2638] : memref<2x10240x128xf32, #tpu.memory_space<hbm>> -> memref<1x10240x128xf32, #tpu.memory_space<hbm>>
      %dma_wait3A_2640 = tpu.memref_squeeze %dma_wait3A_2639 : memref<1x10240x128xf32, #tpu.memory_space<hbm>> -> memref<10240x128xf32, #tpu.memory_space<hbm>>
      %dma_wait3A_2641 = arith.constant 0 : i32
      %dma_wait3A_2642 = tpu.memref_slice %dma_wait3A_2640[%mul3A_2627, %dma_wait3A_2641] : memref<10240x128xf32, #tpu.memory_space<hbm>> -> memref<640x128xf32, #tpu.memory_space<hbm>>
      %dma_wait3A_2643 = arith.constant 0 : i32
      %dma_wait3A_2644 = tpu.memref_slice %arg10[%mul3A_2625, %dma_wait3A_2643] : memref<10240x128xf32, #tpu.memory_space<vmem_shared>> -> memref<640x128xf32, #tpu.memory_space<vmem_shared>>
      tpu.wait_dma2 semaphore(%run_scoped3A_2628 : memref<!tpu.dma_semaphore, #tpu.memory_space<semaphore_mem>>) src(%dma_wait3A_2644 : memref<640x128xf32, #tpu.memory_space<vmem_shared>>) dst(%dma_wait3A_2642 : memref<640x128xf32, #tpu.memory_space<hbm>>)
      tpu.yield
    }) : () -> ()
    return
  }
}

module attributes {stable_mosaic.version = 14 : i64} {
  func.func @_combine_body(%arg0: i32, %arg1: memref<2x5000x128xf32, #tpu.memory_space<vmem>>, %arg2: memref<5000x1xf32, #tpu.memory_space<vmem>>, %arg3: memref<1x128xf32, #tpu.memory_space<vmem>>, %arg4: memref<5000x128xf32, #tpu.memory_space<vmem>>) attributes {dimension_semantics = [#tpu.dimension_semantics<arbitrary>], iteration_bounds = array<i64: 2>, scalar_prefetch = 0 : i64, scratch_operands = 0 : i64, tpu.core_type = #tpu.core_type<tc>, window_params = [{transform_indices = @transform_0, window_bounds = array<i64: 2, 5000, 128>}, {transform_indices = @transform_1, window_bounds = array<i64: 5000, 1>}, {pipeline_mode = #tpu.pipeline_mode<synchronous>, transform_indices = @transform_2, window_bounds = array<i64: 1, 128>}, {transform_indices = @transform_3, window_bounds = array<i64: 5000, 128>}]} {
    %get3A = arith.constant 0 : index
    %get3A_0 = arith.constant 0 : index
    %get3A_1 = arith.constant 0 : index
    %get3A_2 = vector.load %arg1[%get3A, %get3A_0, %get3A_1] : memref<2x5000x128xf32, #tpu.memory_space<vmem>>, vector<1x5000x128xf32>
    %get3A_3 = vector.shape_cast %get3A_2 : vector<1x5000x128xf32> to vector<5000x128xf32>
    %get3A_4 = arith.constant 1 : index
    %get3A_5 = arith.constant 0 : index
    %get3A_6 = arith.constant 0 : index
    %get3A_7 = vector.load %arg1[%get3A_4, %get3A_5, %get3A_6] : memref<2x5000x128xf32, #tpu.memory_space<vmem>>, vector<1x5000x128xf32>
    %get3A_8 = vector.shape_cast %get3A_7 : vector<1x5000x128xf32> to vector<5000x128xf32>
    %add3A = arith.addf %get3A_3, %get3A_8 : vector<5000x128xf32>
    %get3A_9 = arith.constant 0 : index
    %get3A_10 = arith.constant 0 : index
    %get3A_11 = vector.load %arg2[%get3A_9, %get3A_10] : memref<5000x1xf32, #tpu.memory_space<vmem>>, vector<5000x1xf32>
    %mul3A = vector.broadcast %get3A_11 : vector<5000x1xf32> to vector<5000x128xf32>
    %mul3A_12 = arith.mulf %add3A, %mul3A : vector<5000x128xf32>
    %get3A_13 = arith.constant 0 : index
    %get3A_14 = arith.constant 0 : index
    %get3A_15 = vector.load %arg3[%get3A_13, %get3A_14] : memref<1x128xf32, #tpu.memory_space<vmem>>, vector<1x128xf32>
    %add3A_16 = vector.broadcast %get3A_15 : vector<1x128xf32> to vector<5000x128xf32>
    %add3A_17 = arith.addf %mul3A_12, %add3A_16 : vector<5000x128xf32>
    %max3A = arith.constant 0.000000e+00 : f32
    %max3A_18 = vector.broadcast %max3A : f32 to vector<5000x128xf32>
    %max3A_19 = arith.maximumf %add3A_17, %max3A_18 : vector<5000x128xf32>
    %swap3A = arith.constant 0 : index
    %swap3A_20 = arith.constant 0 : index
    %swap3A_21 = vector.load %arg4[%swap3A, %swap3A_20] : memref<5000x128xf32, #tpu.memory_space<vmem>>, vector<5000x128xf32>
    tpu.vector_store %arg4[%swap3A, %swap3A_20], %max3A_19 {strides = array<i32>} : memref<5000x128xf32, #tpu.memory_space<vmem>>, vector<5000x128xf32>,
    return
  }
  func.func @transform_0(%arg0: i32) -> (i32, i32, i32) {
    %c0_i32 = arith.constant 0 : i32
    %c0_i32_0 = arith.constant 0 : i32
    %c0_i32_1 = arith.constant 0 : i32
    return %c0_i32, %arg0, %c0_i32_0 : i32, i32, i32
  }
  func.func @transform_1(%arg0: i32) -> (i32, i32) {
    %c0_i32 = arith.constant 0 : i32
    %c0_i32_0 = arith.constant 0 : i32
    return %arg0, %c0_i32 : i32, i32
  }
  func.func @transform_2(%arg0: i32) -> (i32, i32) {
    %c0_i32 = arith.constant 0 : i32
    %c0_i32_0 = arith.constant 0 : i32
    %c0_i32_1 = arith.constant 0 : i32
    return %c0_i32, %c0_i32_0 : i32, i32
  }
  func.func @transform_3(%arg0: i32) -> (i32, i32) {
    %c0_i32 = arith.constant 0 : i32
    %c0_i32_0 = arith.constant 0 : i32
    return %arg0, %c0_i32 : i32, i32
  }
}

module attributes {stable_mosaic.version = 14 : i64} {
  func.func @_matmul_body(%arg0: i32, %arg1: memref<5000x128xf32, #tpu.memory_space<vmem>>, %arg2: memref<128x128xf32, #tpu.memory_space<vmem>>, %arg3: memref<5000x1xf32, #tpu.memory_space<vmem>>, %arg4: memref<5000x128xf32, #tpu.memory_space<vmem>>) attributes {dimension_semantics = [#tpu.dimension_semantics<arbitrary>], iteration_bounds = array<i64: 2>, scalar_prefetch = 0 : i64, scratch_operands = 0 : i64, tpu.core_type = #tpu.core_type<tc>, window_params = [{transform_indices = @transform_0, window_bounds = array<i64: 5000, 128>}, {pipeline_mode = #tpu.pipeline_mode<synchronous>, transform_indices = @transform_1, window_bounds = array<i64: 128, 128>}, {transform_indices = @transform_2, window_bounds = array<i64: 5000, 1>}, {transform_indices = @transform_3, window_bounds = array<i64: 5000, 128>}]} {
    %get3A = arith.constant 0 : index
    %get3A_0 = arith.constant 0 : index
    %get3A_1 = vector.load %arg1[%get3A, %get3A_0] : memref<5000x128xf32, #tpu.memory_space<vmem>>, vector<5000x128xf32>
    %get3A_2 = arith.constant 0 : index
    %get3A_3 = arith.constant 0 : index
    %get3A_4 = vector.load %arg2[%get3A_2, %get3A_3] : memref<128x128xf32, #tpu.memory_space<vmem>>, vector<128x128xf32>
    %dot_general3A = arith.constant dense<0.000000e+00> : vector<5000x128xf32>
    %dot_general3A_5 = tpu.matmul %get3A_1, %get3A_4, %dot_general3A {dimension_numbers = #tpu.dot_dimension_numbers<[1], [0], [0], [1], [0, 0, 1, 1], [], []>, transpose_lhs_hint = false} : vector<5000x128xf32>, vector<128x128xf32>, vector<5000x128xf32> -> vector<5000x128xf32>
    %get3A_6 = arith.constant 0 : index
    %get3A_7 = arith.constant 0 : index
    %get3A_8 = vector.load %arg3[%get3A_6, %get3A_7] : memref<5000x1xf32, #tpu.memory_space<vmem>>, vector<5000x1xf32>
    %mul3A = vector.broadcast %get3A_8 : vector<5000x1xf32> to vector<5000x128xf32>
    %mul3A_9 = arith.mulf %dot_general3A_5, %mul3A : vector<5000x128xf32>
    %swap3A = arith.constant 0 : index
    %swap3A_10 = arith.constant 0 : index
    %swap3A_11 = vector.load %arg4[%swap3A, %swap3A_10] : memref<5000x128xf32, #tpu.memory_space<vmem>>, vector<5000x128xf32>
    tpu.vector_store %arg4[%swap3A, %swap3A_10], %mul3A_9 {strides = array<i32>} : memref<5000x128xf32, #tpu.memory_space<vmem>>, vector<5000x128xf32>,
    return
  }
  func.func @transform_0(%arg0: i32) -> (i32, i32) {
    %c0_i32 = arith.constant 0 : i32
    %c0_i32_0 = arith.constant 0 : i32
    return %arg0, %c0_i32 : i32, i32
  }
  func.func @transform_1(%arg0: i32) -> (i32, i32) {
    %c0_i32 = arith.constant 0 : i32
    %c0_i32_0 = arith.constant 0 : i32
    %c0_i32_1 = arith.constant 0 : i32
    return %c0_i32, %c0_i32_0 : i32, i32
  }
  func.func @transform_2(%arg0: i32) -> (i32, i32) {
    %c0_i32 = arith.constant 0 : i32
    %c0_i32_0 = arith.constant 0 : i32
    return %arg0, %c0_i32 : i32, i32
  }
  func.func @transform_3(%arg0: i32) -> (i32, i32) {
    %c0_i32 = arith.constant 0 : i32
    %c0_i32_0 = arith.constant 0 : i32
    return %arg0, %c0_i32 : i32, i32
  }
}

</mosaic_0001>

<sc_bundles>
// kernel: kernel.5.cloned.1.call-start
scs
__scs_entry_jumppad:
0x0: {  	(pc) =	sbr.rel $0x88, $3  }
0x1: {  	(tag) =	ssettag $0x0;
	lr =	simm.s32 $0x1  }
0x2: {  	[smem:$0x3F9C] =	sst lr;
	_ =	strace $0xD0000000  }
0x3: {  	_ = 	snop  }
0x4: {  	_ = 	snop  }
0x5: {  	_ = 	snop  }
0x6: {  	_ = 	snop  }
0x7: {  	_ = 	snop  }
__scs_overlays_trampoline_lowered:
0x8: {  	[smem:$0x3FAB] =	sst s0  }
0x9: {  	[smem:$0x3FAC] =	sst s1  }
0xa: {  	[smem:$0x3FAD] =	sst s2  }
0xb: {  	[smem:$0x3FAE] =	sst s3  }
0xc: {  	[smem:$0x3FAF] =	sst s4  }
0xd: {  	[smem:$0x3FB0] =	sst s5  }
0xe: {  	[smem:$0x3FB1] =	sst s6  }
0xf: {  	[smem:$0x3FB2] =	sst s7  }
0x10: {  	[smem:$0x3FB3] =	sst s8  }
0x11: {  	[smem:$0x3FB4] =	sst s9;
	s0 =	simm.s32 @!p0 $0x0  }
0x12: {  	s1 =	sld [smem:$0x3F9A];
	s0 =	simm.s32 @p0 $0x1  }
0x13: {  	[smem:$0x3FB5] =	sst s0;
	s0 =	simm.s32 @!p1 $0x0  }
0x14: {  	s2 =	sld [smem:$0x3F99];
	s0 =	simm.s32 @p1 $0x1  }
0x15: {  	[smem:$0x3FB6] =	sst s0;
	s0 =	simm.s32 @!p2 $0x0  }
0x16: {  	s3 =	sld [smem:$0x3FDB];
	s0 =	simm.s32 @p2 $0x1  }
0x17: {  	s4 =	simm.s32 $0x1BF5;
	[smem:$0x3FB8] =	sst s0  }
0x18: {  	s0 =	sld [smem:$0x3F9B];
	_ =	swait.ge [sflag:s4], $0x0  }
0x19: {  	s7 =	sld [smem:$0x3F9C]  }
0x1a: {  	s8 =	sadd.s32 $0xFFFFE003, lr  }
0x1b: {  	s9 =	sadd.s32 $0xFFFFFEF7, lr;
	s5 =	simm.s32 $0xFFFFFFFF;
	p2 =	slt.u32 s8, $0xFFFFF086  }
0x1c: {  	p1 =	slt.u32 s9, $0xF7A;
	s5 =	simm.s32 @!p2 $0x0  }
0x1d: {  	s5 =	simm.s32 @p1 $0x1;
	p0 =	seq.s32 s7, s2  }
0x1e: {  	s7 =	smul.u32 @!p0 $0xF7A, s2;
	p2 =	seq.s32 @!p0 s5, $0x0  }
0x1f: {  	s9 =	smul.u32 $0xF7A, s1;
	s8 =	simm.s32 @!p0 $0x1BF5;
	p2 =	por !p2, p0  }
0x20: {  	[sflag:s8] =	ssyncset.s32 @!p0 $0xFFFFF086;
	s6 =	sadd.s32 @!p0 s3, s7;
	s7 =	simm.s32 @!p0 $0x108  }
0x21: {  	s3 =	sadd.s32 s3, s9;
	s6 =	sadd.s32 @!p0 $0x88, s6;
	s7 =	simm.s32 @p2 $0x1082  }
0x22: {  	[simem:s7], [sflag:s8] =	dma.local @!p0 [hbm:s6], $0xF7A  }
0x23: {  	s9 =	sor.u32 $0xD0000000, s2;
	s6 =	simm.s32 $0x108;
	_ =	swait.ge @!p0 [sflag:s8], $0x0  }
0x24: {  	s3 =	sadd.s32 $0x88, s3;
	s6 =	simm.s32 @!p1 $0x1082;
	[sflag:s4] =	ssyncset.s32 $0xFFFFF086  }
0x25: {  	[simem:s6], [sflag:s4] =	dma.local [hbm:s3], $0xF7A  }
0x26: {  	[smem:$0x3F9C] =	sst s1;
	(tag) =	ssettag s2;
	_ =	strace s9  }
0x27: {  	s1 =	sld [smem:$0x3FAC]  }
0x28: {  	s2 =	sld [smem:$0x3FAD]  }
0x29: {  	s4 =	sld [smem:$0x3FAF]  }
0x2a: {  	p0 =	seq.s32 s5, $0x0;
	s5 =	sld [smem:$0x3FB0]  }
0x2b: {  	s6 =	sld [smem:$0x3FB1]  }
0x2c: {  	s7 =	sld [smem:$0x3FB2]  }
0x2d: {  	s3 =	simm.s32 $0x108;
	s8 =	sld [smem:$0x3FB3]  }
0x2e: {  	s3 =	simm.s32 @!p0 $0x1082;
	s9 =	sld [smem:$0x3FB4]  }
0x2f: {  	lr =	sadd.s32 s0, s3;
	s0 =	sld [smem:$0x3FAB]  }
0x30: {  	s3 =	sld [smem:$0x3FAE]  }
0x31: {  	[smem:$0x3FB7] =	sst s10  }
0x32: {  	s10 =	sld [smem:$0x3FB5];
	_ =	sdelay $0x3  }
0x33: {  	p0 =	seq.s32 s10, $0x1;
	s10 =	sld [smem:$0x3FB7];
	_ =	sdelay $0x3  }
0x34: {  	[smem:$0x3FB7] =	sst s10  }
0x35: {  	s10 =	sld [smem:$0x3FB6];
	_ =	sdelay $0x3  }
0x36: {  	p1 =	seq.s32 s10, $0x1;
	s10 =	sld [smem:$0x3FB7];
	_ =	sdelay $0x3  }
0x37: {  	[smem:$0x3FB7] =	sst s10  }
0x38: {  	s10 =	sld [smem:$0x3FB8]  }
0x39: {  	_ = 	snop;
	(pc) =	sbr.ind lr, $3  }
0x3a: {  	_ = 	snop  }
0x3b: {  	_ = 	snop  }
0x3c: {  	p2 =	seq.s32 s10, $0x1;
	s10 =	sld [smem:$0x3FB7]  }
0x3d: {  	_ =	shalt  }
0x3e: {  	_ =	shalt  }
0x3f: {  	_ =	shalt  }
0x40: {  	_ =	shalt  }
0x41: {  	_ =	shalt  }
0x42: {  	_ =	shalt  }
0x43: {  	_ =	shalt  }
0x44: {  	_ =	shalt  }
0x45: {  	_ =	shalt  }
0x46: {  	_ =	shalt  }
0x47: {  	_ =	shalt  }
0x48: {  	_ =	shalt  }
0x49: {  	_ =	shalt  }
0x4a: {  	_ =	shalt  }
0x4b: {  	_ =	shalt  }
0x4c: {  	_ =	shalt  }
0x4d: {  	_ =	shalt  }
0x4e: {  	_ =	shalt  }
0x4f: {  	_ =	shalt  }
0x50: {  	_ =	shalt  }
0x51: {  	_ =	shalt  }
0x52: {  	_ =	shalt  }
0x53: {  	_ =	shalt  }
0x54: {  	_ =	shalt  }
0x55: {  	_ =	shalt  }
0x56: {  	_ =	shalt  }
0x57: {  	_ =	shalt  }
0x58: {  	_ =	shalt  }
0x59: {  	_ =	shalt  }
0x5a: {  	_ =	shalt  }
0x5b: {  	_ =	shalt  }
0x5c: {  	_ =	shalt  }
0x5d: {  	_ =	shalt  }
0x5e: {  	_ =	shalt  }
0x5f: {  	_ =	shalt  }
0x60: {  	_ =	shalt  }
0x61: {  	_ =	shalt  }
0x62: {  	_ =	shalt  }
0x63: {  	_ =	shalt  }
0x64: {  	_ =	shalt  }
0x65: {  	_ =	shalt  }
0x66: {  	_ =	shalt  }
0x67: {  	_ =	shalt  }
0x68: {  	_ =	shalt  }
0x69: {  	_ =	shalt  }
0x6a: {  	_ =	shalt  }
0x6b: {  	_ =	shalt  }
0x6c: {  	_ =	shalt  }
0x6d: {  	_ =	shalt  }
0x6e: {  	_ =	shalt  }
0x6f: {  	_ =	shalt  }
0x70: {  	_ =	shalt  }
0x71: {  	_ =	shalt  }
0x72: {  	_ =	shalt  }
0x73: {  	_ =	shalt  }
0x74: {  	_ =	shalt  }
0x75: {  	_ =	shalt  }
0x76: {  	_ =	shalt  }
0x77: {  	_ =	shalt  }
0x78: {  	_ =	shalt  }
0x79: {  	_ =	shalt  }
0x7a: {  	_ =	shalt  }
0x7b: {  	_ =	shalt  }
0x7c: {  	_ =	shalt  }
0x7d: {  	_ =	shalt  }
0x7e: {  	_ =	shalt  }
0x7f: {  	_ =	shalt  }
0x80: {  	_ =	shalt  }
0x81: {  	_ =	shalt  }
0x82: {  	_ =	shalt  }
0x83: {  	_ =	shalt  }
0x84: {  	_ =	shalt  }
0x85: {  	_ =	shalt  }
0x86: {  	_ =	shalt  }
0x87: {  	_ =	shalt  }
.Lfunc_end0:
.L_simem_size_0:
called_computation_lowered:
.L_overlay_start_0:
0x88: {  	s2 =	sld [smem:$0x3FD9]  }
0x89: {  	s3 =	sld [smem:$0x3FFE];
	_ =	sdelay $0x1  }
0x8a: {  	s1 =	srdreg.scid  }
0x8b: {  	s0 =	sand.u32 $0x1, s1  }
0x8c: {  	s17 =	sshll.u32 s0, $0xA;
	s2 =	sadd.s32 s3, s2  }
0x8d: {  	s2 =	sadd.s32 s2, s17  }
0x8e: {  	[smem:$0x3FC3] =	sst s2  }
0x8f: {  	_ = 	snop  }
0x90: {  	s2 =	sld [smem:$0x3FC8]  }
0x91: {  	s18 =	sld [smem:$0x3FD0];
	(tm) =	ssettm $0x1  }
0x92: {  	s4 =	sld [smem:$0x3FFB];
	_ =	sdelay $0x3  }
0x93: {  	_ =	strace s4  }
0x94: {  	s4 =	sld [smem:$0x3FFC];
	_ =	sdelay $0x3  }
0x95: {  	_ =	strace s4  }
0x96: {  	s4 =	sld [smem:$0x3FFD];
	_ =	sdelay $0x3  }
0x97: {  	_ =	strace s4  }
0x98: {  	_ =	strace $0x8FFFFFFF  }
0x99: {  	s19 =	sld [smem:$0x3FDB];
	_ =	sdelay $0x1  }
0x9a: {  	s5 =	simm.s32 $_scs_section_size  }
0x9b: {  	s6 =	simm.s32 $_size__tile_overlayer_lowered;
	s7 =	simm.s32 $_tile_overlayer_lowered  }
0x9c: {  	s22 =	simm.s32 $0x1BFF;
	s21 =	sshll.u32 s7, $0x1;
	s4 =	sadd.s32 s5, s19  }
0x9d: {  	s8 =	simm.s32 $0x0;
	s20 =	sshll.u32 s6, $0x1;
	s6 =	sadd.s32 s21, s4  }
0x9e: {  	[timem:s8], [sflag:s22] =	dma.local [hbm:s6], s20  }
0x9f: {  	_ =	swait.ge [sflag:s22], s20  }
0xa0: {  	s5 =	ssub.s32 $0x0, s20;
	[sflag:s22] =	ssyncset.done $0x0  }
0xa1: {  	[sflag:s22] =	ssyncadd.s32 s5;
	_ =	sdelay $0x1  }
0xa2: {  	s23 =	simm.s32 $0x1B8B  }
0xa3: {  	_ =	swait.ge [sflag:s23], $0x1  }
0xa4: {  	[sflag:s23] =	ssyncset.done $0x0  }
0xa5: {  	s25 =	simm.s32 $0x1B8E;
	s24 =	sld [smem:$0x3FFE];
	[sflag:s23] =	ssyncadd.s32 $0xFFFFFFFF  }
0xa6: {  	s26 =	simm.s32 $execute0_lowered;
	[smem:$0x3FD2] =	sst s25  }
0xa7: {  	s6 =	sshll.u32 s26, $0x1;
	_ =	strace $0x80000046;
	[dreg:$0x1] =	wrdreg $0xFFFFFFFF  }
0xa8: {  	s28 =	simm.s32 $_size_execute0_lowered;
	s4 =	sadd.s32 s4, s6;
	[dreg:$0x0] =	wrdreg $0x0  }
0xa9: {  	s6 =	sshll.u32 s28, $0x1;
	[dreg:$0x2] =	wrdreg s4  }
0xaa: {  	[dreg:$0x3] =	wrdreg s6  }
0xab: {  	[dreg:$0x4] =	wrdreg $0xC0  }
0xac: {  	_ =	task [dreg:s8], $0x5FFFF  }
0xad: {  	[dreg:$0x1] =	wrdreg $0xFFFFFFFF  }
0xae: {  	[dreg:$0x0] =	wrdreg $0x60  }
0xaf: {  	[dreg:$0x2] =	wrdreg s18  }
0xb0: {  	[dreg:$0x3] =	wrdreg s2  }
0xb1: {  	[dreg:$0x4] =	wrdreg s24  }
0xb2: {  	[dreg:$0x5] =	wrdreg $0xB0000  }
0xb3: {  	[dreg:$0x6] =	wrdreg $0x9  }
0xb4: {  	_ =	task.clear_ibuf [dreg:s8], $0x7FFFF;
	_ =	strace $0x90000046  }
0xb5: {  	s29 =	simm.s32 $0x9;
	_ =	strace $0x80000048  }
0xb6: {  	_ =	swait.ge [sflag:s29], $0x1  }
0xb7: {  	[sflag:s29] =	ssyncadd.s32 $0xFFFFFFFF  }
0xb8: {  	_ =	strace $0x90000048  }
0xb9: {  	_ =	sfence  }
0xba: {  	s30 =	sld [smem:$0x0];
	_ =	sdelay $0x2  }
0xbb: {  	s31 =	sshll.u32 s1, $0xD;
	s1 =	sshrl.u32 s1, $0x2  }
0xbc: {  	s3 =	sand.u32 $0x4000, s31;
	s1 =	sadd.s32 s1, s30  }
0xbd: {  	s0 =	sor.u32 s3, s0;
	s1 =	sshll.u32 s1, $0x11  }
0xbe: {  	s0 =	sor.u32 s1, s0  }
0xbf: {  	s0 =	sadd.s32 $0x8F2B, s0  }
0xc0: {  	[sflag:s0] =	ssyncadd.remote.s32 $0x1  }
0xc1: {  	_ =	sfence.sel $0xFFFF  }
0xc2: {  	[dreg:$0x0] =	wrdreg $0xFFFFFFFF;
	(pc) =	sbr.abs _section_cstart, $3  }
0xc3: {  	[dreg:$0x1] =	wrdreg $0xFFFFFFFF  }
0xc4: {  	_ =	task.clear_ibuf [dreg:s8], $0x2FFFF;
	_ =	strace $0x9FFFFFFF  }
0xc5: {  	(tm) =	ssettm $0x7FFFFFFF  }
tec
execute0_lowered:
.L_overlay_start_1:
0x0: {  	(tag) =	ssettag $0x1  }
0x1: {  	s6 =	rddreg [dreg:$0x1]  }
0x2: {  	s4 =	rddreg [dreg:$0x2];
	s14 =	sadd.s32 $0x10, s6  }
0x3: {  	s16 =	sadd.s32 $0x30, s6;
	[smem:$0x7BA] =	sst s14  }
0x4: {  	s20 =	sadd.s32 $0x50, s6;
	[smem:$0x7BC] =	sst s16  }
0x5: {  	s21 =	sadd.s32 $0x70, s6;
	[smem:$0x7BE] =	sst s20  }
0x6: {  	s0 =	srdreg.scid;
	s22 =	sadd.s32 $0x90, s6;
	[smem:$0x7C0] =	sst s21  }
0x7: {  	s1 =	stileid.u32;
	s25 =	sadd.s32 $0xB0, s6;
	[smem:$0x7C2] =	sst s22  }
0x8: {  	s15 =	sand.u32 $0x1, s0;
	s26 =	sadd.s32 $0xD0, s6;
	[smem:$0x7C4] =	sst s25  }
0x9: {  	s29 =	sadd.s32 $0xF0, s6;
	s8 =	sadd.s32 $0x110, s6;
	[smem:$0x7C6] =	sst s26  }
0xa: {  	s10 =	sadd.s32 $0x130, s6;
	s0 =	sshll.u32 s15, $0x4;
	[smem:$0x7C8] =	sst s29  }
0xb: {  	s2 =	smul.u32 $0x28000, s15;
	s11 =	ssub.s32 $0x2, s15;
	[smem:$0x7CA] =	sst s8  }
0xc: {  	[smem:$0x7CC] =	sst s10;
	s1 =	sor.u32 s1, s0;
	s7 =	sshrl.u32 s11, $0x1  }
0xd: {  	[smem:$0x7F2] =	sst s1;
	s5 =	smul.u32 $0x50, s1;
	s12 =	sadd.s32 s2, s4  }
0xe: {  	s0 =	ssub.s32 s11, s7;
	[smem:$0x7F3] =	sst s12  }
0xf: {  	s11 =	sadd.s32 $0x150, s6;
	[smem:$0x7F6] =	sst s0;
	s13 =	smin.u32 s5, $0x99C  }
0x10: {  	[smem:$0x7CE] =	sst s11;
	s7 =	ssub.s32 s5, s13  }
0x11: {  	s9 =	sshll.u32 s13, $0x5;
	s13 =	sadd.s32 $0x170, s6;
	[smem:$0x7F5] =	sst s7  }
0x12: {  	s17 =	sadd.s32 s6, s9;
	[smem:$0x7D0] =	sst s13  }
0x13: {  	s18 =	sadd.s32 s9, s14;
	[dreg:$0x5] =	wrdreg s17  }
0x14: {  	s19 =	sadd.s32 s9, s16;
	[dreg:$0x6] =	wrdreg s18  }
0x15: {  	s0 =	sadd.s32 s9, s20;
	[dreg:$0x7] =	wrdreg s19  }
0x16: {  	s23 =	sadd.s32 s9, s21;
	[dreg:$0x8] =	wrdreg s0  }
0x17: {  	s24 =	sadd.s32 s9, s22;
	[dreg:$0x9] =	wrdreg s23  }
0x18: {  	s1 =	sadd.s32 s9, s26;
	[dreg:$0xa] =	wrdreg s24  }
0x19: {  	s3 =	sadd.s32 s9, s29;
	[dreg:$0xc] =	wrdreg s1  }
0x1a: {  	s12 =	sadd.s32 s9, s11;
	[dreg:$0xd] =	wrdreg s3  }
0x1b: {  	s14 =	sadd.s32 $0x190, s6;
	[dreg:$0x10] =	wrdreg s12  }
0x1c: {  	s28 =	sadd.s32 $0x270, s6;
	s16 =	sadd.s32 $0x1B0, s6;
	[smem:$0x7D2] =	sst s14  }
0x1d: {  	s31 =	sadd.s32 $0x2D0, s6;
	s29 =	sadd.s32 s9, s28;
	[smem:$0x7D4] =	sst s16  }
0x1e: {  	s4 =	sadd.s32 s9, s31;
	[dreg:$0x19] =	wrdreg s29  }
0x1f: {  	s0 =	sadd.s32 s9, s25;
	[dreg:$0x1c] =	wrdreg s4  }
0x20: {  	s1 =	sadd.s32 $0x28, s5;
	[dreg:$0xb] =	wrdreg s0  }
0x21: {  	s17 =	sadd.s32 s9, s16;
	[smem:$0x7F1] =	sst s1  }
0x22: {  	s26 =	sadd.s32 $0x250, s6;
	s18 =	sadd.s32 $0x1D0, s6;
	[dreg:$0x13] =	wrdreg s17  }
0x23: {  	s30 =	sadd.s32 $0x2B0, s6;
	s22 =	sadd.s32 s9, s26;
	[smem:$0x7D6] =	sst s18  }
0x24: {  	s3 =	sadd.s32 s9, s30;
	[dreg:$0x18] =	wrdreg s22  }
0x25: {  	s23 =	sadd.s32 $0x1F0, s6;
	s0 =	sadd.s32 s9, s8;
	[dreg:$0x1b] =	wrdreg s3  }
0x26: {  	s24 =	sadd.s32 $0x210, s6;
	s19 =	sadd.s32 s9, s23;
	[dreg:$0xe] =	wrdreg s0  }
0x27: {  	s25 =	sadd.s32 $0x230, s6;
	s20 =	sadd.s32 s9, s24;
	[dreg:$0x15] =	wrdreg s19  }
0x28: {  	s29 =	sadd.s32 $0x290, s6;
	s21 =	sadd.s32 s9, s25;
	[dreg:$0x16] =	wrdreg s20  }
0x29: {  	s16 =	sadd.s32 $0x370, s6;
	s2 =	sadd.s32 s9, s29;
	[dreg:$0x17] =	wrdreg s21  }
0x2a: {  	s11 =	sadd.s32 s9, s16;
	[dreg:$0x1a] =	wrdreg s2  }
0x2b: {  	s17 =	sadd.s32 $0x390, s6;
	s0 =	sadd.s32 s9, s10;
	[smem:$0x7AC] =	sst s11  }
0x2c: {  	s12 =	sadd.s32 s9, s17;
	[dreg:$0xf] =	wrdreg s0  }
0x2d: {  	s21 =	sadd.s32 $0x2F0, s6;
	s0 =	sadd.s32 s9, s13;
	[smem:$0x7AD] =	sst s12  }
0x2e: {  	s19 =	sadd.s32 $0x310, s6;
	s5 =	sadd.s32 s9, s21;
	[dreg:$0x11] =	wrdreg s0  }
0x2f: {  	s20 =	sadd.s32 $0x330, s6;
	s7 =	sadd.s32 s9, s19;
	[dreg:$0x1d] =	wrdreg s5  }
0x30: {  	s8 =	sadd.s32 s9, s20;
	[dreg:$0x1e] =	wrdreg s7  }
0x31: {  	s12 =	sadd.s32 $0x3D0, s6;
	s0 =	sadd.s32 s9, s14;
	[dreg:$0x1f] =	wrdreg s8  }
0x32: {  	s22 =	sadd.s32 s9, s12;
	[dreg:$0x12] =	wrdreg s0  }
0x33: {  	s14 =	sadd.s32 $0x3B0, s6;
	s0 =	sadd.s32 s9, s18;
	[smem:$0x7AF] =	sst s22  }
0x34: {  	s7 =	sadd.s32 $0x430, s6;
	s13 =	sadd.s32 s9, s14;
	[dreg:$0x14] =	wrdreg s0  }
0x35: {  	s8 =	sadd.s32 $0x450, s6;
	s4 =	sadd.s32 s9, s7;
	[smem:$0x7AE] =	sst s13  }
0x36: {  	s18 =	sadd.s32 $0x350, s6;
	s5 =	sadd.s32 s9, s8;
	[smem:$0x7B2] =	sst s4  }
0x37: {  	s10 =	sadd.s32 s9, s18;
	s13 =	sadd.s32 $0x3F0, s6;
	[smem:$0x7B3] =	sst s5  }
0x38: {  	s4 =	sadd.s32 $0x490, s6;
	[smem:$0x7AB] =	sst s10;
	s2 =	sadd.s32 s9, s13  }
0x39: {  	s10 =	sadd.s32 $0x410, s6;
	s22 =	sadd.s32 s9, s4;
	[smem:$0x7B0] =	sst s2  }
0x3a: {  	s5 =	sadd.s32 $0x4B0, s6;
	s3 =	sadd.s32 s9, s10;
	[smem:$0x7B5] =	sst s22  }
0x3b: {  	s2 =	sadd.s32 s9, s5;
	[smem:$0x7B1] =	sst s3;
	s3 =	sadd.s32 $0x470, s6  }
0x3c: {  	[smem:$0x7B6] =	sst s2;
	s2 =	sadd.s32 $0x4D0, s6;
	s11 =	sadd.s32 s9, s3  }
0x3d: {  	s22 =	sadd.s32 s9, s2;
	[smem:$0x7B4] =	sst s11  }
0x3e: {  	s11 =	smin.u32 s1, $0x99C;
	s1 =	sadd.s32 $0x4F0, s6;
	[smem:$0x7B7] =	sst s22  }
0x3f: {  	s22 =	sld [smem:$0x7BC];
	s9 =	sadd.s32 s9, s1  }
0x40: {  	s0 =	sshll.u32 s11, $0x5;
	[smem:$0x7B8] =	sst s9  }
0x41: {  	s6 =	sadd.s32 s6, s0;
	s9 =	sld [smem:$0x7BA]  }
0x42: {  	s29 =	sadd.s32 s0, s29;
	[smem:$0x7B9] =	sst s6  }
0x43: {  	s7 =	sadd.s32 s0, s7;
	[smem:$0x7DD] =	sst s29  }
0x44: {  	s8 =	sadd.s32 s0, s8;
	[smem:$0x7EA] =	sst s7  }
0x45: {  	s3 =	sadd.s32 s0, s3;
	[smem:$0x7EB] =	sst s8  }
0x46: {  	s4 =	sadd.s32 s0, s4;
	[smem:$0x7EC] =	sst s3  }
0x47: {  	s2 =	sadd.s32 s0, s2;
	[smem:$0x7ED] =	sst s4  }
0x48: {  	s29 =	sadd.s32 s0, s16;
	[smem:$0x7EF] =	sst s2  }
0x49: {  	s16 =	sadd.s32 s0, s14;
	[smem:$0x7E4] =	sst s29  }
0x4a: {  	[smem:$0x7E6] =	sst s16  }
0x4b: {  	s6 =	sadd.s32 s0, s9;
	s9 =	sld [smem:$0x7BE]  }
0x4c: {  	[smem:$0x7BB] =	sst s6  }
0x4d: {  	s6 =	sadd.s32 s0, s22;
	s22 =	sld [smem:$0x7C0]  }
0x4e: {  	[smem:$0x7BD] =	sst s6  }
0x4f: {  	s6 =	sadd.s32 s0, s9;
	s9 =	sld [smem:$0x7C2]  }
0x50: {  	[smem:$0x7BF] =	sst s6  }
0x51: {  	s6 =	sadd.s32 s0, s22;
	s22 =	sld [smem:$0x7C4]  }
0x52: {  	[smem:$0x7C1] =	sst s6  }
0x53: {  	s6 =	sadd.s32 s0, s9;
	s9 =	sld [smem:$0x7C6]  }
0x54: {  	[smem:$0x7C3] =	sst s6  }
0x55: {  	s6 =	sadd.s32 s0, s22;
	s22 =	sld [smem:$0x7C8]  }
0x56: {  	[smem:$0x7C5] =	sst s6  }
0x57: {  	s6 =	sadd.s32 s0, s9;
	s9 =	sld [smem:$0x7CA]  }
0x58: {  	[smem:$0x7C7] =	sst s6  }
0x59: {  	s6 =	sadd.s32 s0, s22;
	s22 =	sld [smem:$0x7CC]  }
0x5a: {  	[smem:$0x7C9] =	sst s6  }
0x5b: {  	s6 =	sadd.s32 s0, s9;
	s9 =	sld [smem:$0x7CE]  }
0x5c: {  	[smem:$0x7CB] =	sst s6  }
0x5d: {  	s6 =	sadd.s32 s0, s22;
	s22 =	sld [smem:$0x7D0]  }
0x5e: {  	[smem:$0x7CD] =	sst s6  }
0x5f: {  	s6 =	sadd.s32 s0, s9;
	s9 =	sld [smem:$0x7D2]  }
0x60: {  	[smem:$0x7CF] =	sst s6  }
0x61: {  	s6 =	sadd.s32 s0, s22;
	s22 =	sld [smem:$0x7D4]  }
0x62: {  	[smem:$0x7D1] =	sst s6  }
0x63: {  	s6 =	sadd.s32 s0, s9;
	s9 =	sld [smem:$0x7D6]  }
0x64: {  	[smem:$0x7D3] =	sst s6;
	s6 =	sadd.s32 s0, s22  }
0x65: {  	s22 =	sadd.s32 s0, s23;
	[smem:$0x7D5] =	sst s6  }
0x66: {  	s23 =	sadd.s32 s0, s24;
	[smem:$0x7D8] =	sst s22  }
0x67: {  	s24 =	sadd.s32 s0, s25;
	[smem:$0x7D9] =	sst s23  }
0x68: {  	s25 =	sadd.s32 s0, s26;
	[smem:$0x7DA] =	sst s24  }
0x69: {  	s26 =	sadd.s32 s0, s28;
	[smem:$0x7DB] =	sst s25  }
0x6a: {  	[smem:$0x7DC] =	sst s26;
	s22 =	sadd.s32 s0, s31  }
0x6b: {  	s25 =	sadd.s32 s0, s20;
	s20 =	sadd.s32 s0, s10;
	s10 =	sld [smem:$0x7F2]  }
0x6c: {  	s23 =	sadd.s32 s0, s21;
	[smem:$0x7DF] =	sst s22  }
0x6d: {  	s24 =	sadd.s32 s0, s19;
	[smem:$0x7E0] =	sst s23  }
0x6e: {  	[smem:$0x7E1] =	sst s24  }
0x6f: {  	s26 =	sadd.s32 s0, s18;
	[smem:$0x7E2] =	sst s25  }
0x70: {  	s18 =	sadd.s32 s0, s13;
	[smem:$0x7E3] =	sst s26  }
0x71: {  	[smem:$0x7E8] =	sst s18  }
0x72: {  	s19 =	smul.u32 $0xA0000, s15;
	[smem:$0x7E9] =	sst s20  }
0x73: {  	s6 =	sadd.s32 s0, s9;
	s24 =	sadd.s32 s0, s5;
	s5 =	sld [smem:$0x7F1]  }
0x74: {  	s21 =	smul.u32 $0x500, s15;
	s9 =	sadd.s32 s0, s30;
	[smem:$0x7D7] =	sst s6  }
0x75: {  	s22 =	stileid.u32;
	[smem:$0x7DE] =	sst s9  }
0x76: {  	s23 =	smul.u32 $0x50, s22;
	[smem:$0x7EE] =	sst s24  }
0x77: {  	s25 =	smul.u32 $0xA000, s22;
	s22 =	rddreg [dreg:$0x0]  }
0x78: {  	s9 =	sadd.s32 s0, s17;
	s17 =	sadd.s32 s0, s12;
	s12 =	sld [smem:$0x7F3]  }
0x79: {  	s26 =	stileid.u32;
	s0 =	sadd.s32 s0, s1;
	[smem:$0x7E5] =	sst s9  }
0x7a: {  	s13 =	smul.u32 $0x50000, s26;
	s6 =	simm.s32 $0x2680;
	[smem:$0x7E7] =	sst s17  }
0x7b: {  	[smem:$0x7F0] =	sst s0;
	p0 =	seq.s32 s10, $0x1F;
	s10 =	simm.s32 $0x80  }
0x7c: {  	s29 =	sadd.s32 s23, s21;
	s0 =	ssub.s32 s5, s11;
	s7 =	sadd.s32 s25, s19  }
0x7d: {  	s21 =	simm.s32 $0x0;
	s23 =	rddreg [dreg:$0x3];
	s3 =	sadd.s32 $0x28, s29  }
0x7e: {  	s11 =	smul.u32 $0x2800, s26;
	s15 =	sshrl.u32 s13, $0x2;
	s3 =	smin.u32 s3, $0x99C  }
0x7f: {  	s9 =	smin.u32 s29, $0x99C;
	s5 =	sadd.s32 $0xE00, s12;
	s3 =	sshll.u32 s3, $0x9  }
0x80: {  	[smem:$0x7FF] =	sst s21;
	s2 =	ssub.s32 s7, s3;
	s3 =	sadd.s32 s11, s5  }
0x81: {  	s0 =	sshll.u32 s0, $0x9;
	s26 =	sadd.s32 s15, s23;
	[smem:$0x7F4] =	sst s3  }
0x82: {  	s1 =	sadd.s32 $0x29, s29;
	s12 =	simm.s32 $0x4;
	_ =	strace $0x80000047  }
0x83: {  	s4 =	sshll.u32 s9, $0x9;
	s28 =	sshra.s32 s0, $0x2;
	s14 =	sld [smem:$0x7F5]  }
0x84: {  	s4 =	ssub.s32 s7, s4;
	s18 =	sor.u32 $0x80, s28;
	s16 =	sld [smem:$0x7F6]  }
0x85: {  	s24 =	sadd.s32 $0x2700, s28;
	s30 =	sshra.s32 s4, $0x2;
	s5 =	simm.s32 $0x100  }
0x86: {  	s7 =	simm.s32 $0x2780;
	[smem:$0x7F9] =	sst s18;
	s3 =	sshll.u32 s14, $0x9  }
0x87: {  	[smem:$0x7FC] =	sst s24;
	s0 =	smax.u32 s16, $0x1;
	s25 =	sshra.s32 s3, $0x2  }
0x88: {  	[smem:$0x7F7] =	sst s0;
	s0 =	sor.u32 $0x1, s29;
	s29 =	sadd.s32 $0x2780, s28  }
0x89: {  	s31 =	sshra.s32 s2, $0x2;
	s17 =	sor.u32 $0x80, s25;
	[smem:$0x7FD] =	sst s29  }
0x8a: {  	s8 =	sadd.s32 $0x1400, s30;
	s19 =	sadd.s32 $0x2700, s25;
	[smem:$0x7F8] =	sst s17  }
0x8b: {  	s9 =	sadd.s32 $0x1400, s31;
	s20 =	sadd.s32 $0x2780, s25;
	[smem:$0x7FA] =	sst s19  }
0x8c: {  	s18 =	simm.s32 $0x2700;
	s24 =	simm.s32 $0x0;
	[smem:$0x7FB] =	sst s20  }
0x8d: {  	v0 =	vimm.f32 $0.0e+00;
	s17 =	simm.s32 $0x2600;
	s19 =	simm.s32 $0x3;
	s20 =	simm.s32 $0xA800  }
.LBB2_1:
0x8e: {  	s11 =	simm.s32 $0x0;
	s13 =	simm.s32 $0x200  }
.LBB2_2:
0x8f: {  	p1 =	sne.s32 s13, $0x1E00;
	[tilespmem:s11+$0xA870] =	vst v0  }
0x90: {  	[tilespmem:s11+$0xA800] =	vst v0  }
0x91: {  	[tilespmem:s11+$0xA810] =	vst v0  }
.Ltmp0:
0x92: {  	[tilespmem:s11+$0xA820] =	vst v0;
	(pc) =	sbr.rel @p1 .LBB2_2-.Ltmp0, $4  }
0x93: {  	[tilespmem:s11+$0xA830] =	vst v0  }
0x94: {  	[tilespmem:s11+$0xA840] =	vst v0  }
0x95: {  	[tilespmem:s11+$0xA850] =	vst v0  }
0x96: {  	[tilespmem:s11+$0xA860] =	vst v0;
	s11 =	sshra.s32 s13, $0x2;
	s13 =	sadd.s32 $0x200, s13  }
0x97: {  	[tilespmem:s11+$0xA870] =	vst v0  }
0x98: {  	[tilespmem:s11+$0xA800] =	vst v0  }
0x99: {  	[tilespmem:s11+$0xA810] =	vst v0  }
0x9a: {  	[tilespmem:s11+$0xA820] =	vst v0  }
0x9b: {  	[tilespmem:s11+$0xA830] =	vst v0  }
0x9c: {  	[tilespmem:s11+$0xA840] =	vst v0  }
0x9d: {  	[tilespmem:s11+$0xA850] =	vst v0  }
0x9e: {  	[tilespmem:s11+$0xA860] =	vst v0;
	s2 =	simm.s32 $0x0;
	s3 =	rddreg [dreg:$0x5]  }
0x9f: {  	[tilespmem:s2], [sflag:$0x4] =	stream.strided.gather [hbm4b:s3+s10], $0x1400, s5, s10, $0x38;
	[tilespmem:$0x1F000] =	vst v63  }
0xa0: {  	_ =	swait.ge [sflag:s12], $0x1400  }
0xa1: {  	[sflag:s12] =	ssyncset.done $0x0;
	s13 =	rddreg [dreg:$0x6]  }
0xa2: {  	s4 =	simm.s32 $0x1400;
	s14 =	rddreg [dreg:$0x7];
	[sflag:s12] =	ssyncadd.s32 $0xFFFFEC00  }
0xa3: {  	[tilespmem:s4], [sflag:$0x3] =	stream.linear.gather [hbm4b:s13+s2], $0x80, $0x38;
	[tilespmem:$0x1F000] =	vst v63  }
0xa4: {  	s15 =	simm.s32 $0x1480;
	s16 =	rddreg [dreg:$0x8]  }
0xa5: {  	[tilespmem:s15], [sflag:$0x3] =	stream.linear.gather [hbm4b:s14+s2], $0x80, $0x38;
	[tilespmem:$0x1F000] =	vst v63  }
0xa6: {  	s29 =	simm.s32 $0x1500;
	s11 =	rddreg [dreg:$0x9]  }
0xa7: {  	[tilespmem:s29], [sflag:$0x3] =	stream.linear.gather [hbm4b:s16+s2], $0x80, $0x38;
	[tilespmem:$0x1F000] =	vst v63  }
0xa8: {  	s13 =	simm.s32 $0x1580;
	s14 =	rddreg [dreg:$0xa]  }
0xa9: {  	[tilespmem:s13], [sflag:$0x3] =	stream.linear.gather [hbm4b:s11+s2], $0x80, $0x38;
	[tilespmem:$0x1F000] =	vst v63  }
0xaa: {  	s15 =	simm.s32 $0x1600;
	s16 =	rddreg [dreg:$0xb]  }
0xab: {  	[tilespmem:s15], [sflag:$0x3] =	stream.linear.gather [hbm4b:s14+s2], $0x80, $0x38;
	[tilespmem:$0x1F000] =	vst v63  }
0xac: {  	s29 =	simm.s32 $0x1680;
	s11 =	rddreg [dreg:$0xc]  }
0xad: {  	[tilespmem:s29], [sflag:$0x3] =	stream.linear.gather [hbm4b:s16+s2], $0x80, $0x38;
	[tilespmem:$0x1F000] =	vst v63  }
0xae: {  	s13 =	simm.s32 $0x1700;
	s14 =	rddreg [dreg:$0xd]  }
0xaf: {  	[tilespmem:s13], [sflag:$0x3] =	stream.linear.gather [hbm4b:s11+s2], $0x80, $0x38;
	[tilespmem:$0x1F000] =	vst v63  }
0xb0: {  	s15 =	simm.s32 $0x1780;
	s16 =	rddreg [dreg:$0xe]  }
0xb1: {  	[tilespmem:s15], [sflag:$0x3] =	stream.linear.gather [hbm4b:s14+s2], $0x80, $0x38;
	[tilespmem:$0x1F000] =	vst v63  }
0xb2: {  	s29 =	simm.s32 $0x1800;
	s11 =	rddreg [dreg:$0xf]  }
0xb3: {  	[tilespmem:s29], [sflag:$0x3] =	stream.linear.gather [hbm4b:s16+s2], $0x80, $0x38;
	[tilespmem:$0x1F000] =	vst v63  }
0xb4: {  	s13 =	simm.s32 $0x1880;
	s14 =	rddreg [dreg:$0x10]  }
0xb5: {  	[tilespmem:s13], [sflag:$0x3] =	stream.linear.gather [hbm4b:s11+s2], $0x80, $0x38;
	[tilespmem:$0x1F000] =	vst v63  }
0xb6: {  	s15 =	simm.s32 $0x1900;
	s16 =	rddreg [dreg:$0x11]  }
0xb7: {  	[tilespmem:s15], [sflag:$0x3] =	stream.linear.gather [hbm4b:s14+s2], $0x80, $0x38;
	[tilespmem:$0x1F000] =	vst v63  }
0xb8: {  	s29 =	simm.s32 $0x1980;
	s11 =	rddreg [dreg:$0x12]  }
0xb9: {  	[tilespmem:s29], [sflag:$0x3] =	stream.linear.gather [hbm4b:s16+s2], $0x80, $0x38;
	[tilespmem:$0x1F000] =	vst v63  }
0xba: {  	s13 =	simm.s32 $0x1A00;
	s14 =	rddreg [dreg:$0x13]  }
0xbb: {  	[tilespmem:s13], [sflag:$0x3] =	stream.linear.gather [hbm4b:s11+s2], $0x80, $0x38;
	[tilespmem:$0x1F000] =	vst v63  }
0xbc: {  	s15 =	simm.s32 $0x1A80;
	s16 =	rddreg [dreg:$0x14]  }
0xbd: {  	[tilespmem:s15], [sflag:$0x3] =	stream.linear.gather [hbm4b:s14+s2], $0x80, $0x38;
	[tilespmem:$0x1F000] =	vst v63  }
0xbe: {  	s29 =	simm.s32 $0x1B00;
	s11 =	rddreg [dreg:$0x15]  }
0xbf: {  	[tilespmem:s29], [sflag:$0x3] =	stream.linear.gather [hbm4b:s16+s2], $0x80, $0x38;
	[tilespmem:$0x1F000] =	vst v63  }
0xc0: {  	s13 =	simm.s32 $0x1B80;
	s14 =	rddreg [dreg:$0x16]  }
0xc1: {  	[tilespmem:s13], [sflag:$0x3] =	stream.linear.gather [hbm4b:s11+s2], $0x80, $0x38;
	[tilespmem:$0x1F000] =	vst v63  }
0xc2: {  	s15 =	simm.s32 $0x1C00;
	s16 =	rddreg [dreg:$0x17]  }
0xc3: {  	[tilespmem:s15], [sflag:$0x3] =	stream.linear.gather [hbm4b:s14+s2], $0x80, $0x38;
	[tilespmem:$0x1F000] =	vst v63  }
0xc4: {  	s29 =	simm.s32 $0x1C80;
	s11 =	rddreg [dreg:$0x18]  }
0xc5: {  	[tilespmem:s29], [sflag:$0x3] =	stream.linear.gather [hbm4b:s16+s2], $0x80, $0x38;
	[tilespmem:$0x1F000] =	vst v63  }
0xc6: {  	s13 =	simm.s32 $0x1D00;
	s14 =	rddreg [dreg:$0x19]  }
0xc7: {  	[tilespmem:s13], [sflag:$0x3] =	stream.linear.gather [hbm4b:s11+s2], $0x80, $0x38;
	[tilespmem:$0x1F000] =	vst v63  }
0xc8: {  	s15 =	simm.s32 $0x1D80;
	s16 =	rddreg [dreg:$0x1a]  }
0xc9: {  	[tilespmem:s15], [sflag:$0x3] =	stream.linear.gather [hbm4b:s14+s2], $0x80, $0x38;
	[tilespmem:$0x1F000] =	vst v63  }
0xca: {  	s29 =	simm.s32 $0x1E00;
	s11 =	rddreg [dreg:$0x1b]  }
0xcb: {  	[tilespmem:s29], [sflag:$0x3] =	stream.linear.gather [hbm4b:s16+s2], $0x80, $0x38;
	[tilespmem:$0x1F000] =	vst v63  }
0xcc: {  	s13 =	simm.s32 $0x1E80;
	s14 =	rddreg [dreg:$0x1c]  }
0xcd: {  	[tilespmem:s13], [sflag:$0x3] =	stream.linear.gather [hbm4b:s11+s2], $0x80, $0x38;
	[tilespmem:$0x1F000] =	vst v63  }
0xce: {  	s15 =	simm.s32 $0x1F00;
	s16 =	rddreg [dreg:$0x1d]  }
0xcf: {  	[tilespmem:s15], [sflag:$0x3] =	stream.linear.gather [hbm4b:s14+s2], $0x80, $0x38;
	[tilespmem:$0x1F000] =	vst v63  }
0xd0: {  	s29 =	simm.s32 $0x1F80;
	s11 =	rddreg [dreg:$0x1e]  }
0xd1: {  	[tilespmem:s29], [sflag:$0x3] =	stream.linear.gather [hbm4b:s16+s2], $0x80, $0x38;
	[tilespmem:$0x1F000] =	vst v63  }
0xd2: {  	s13 =	simm.s32 $0x2000;
	s14 =	rddreg [dreg:$0x1f]  }
0xd3: {  	[tilespmem:s13], [sflag:$0x3] =	stream.linear.gather [hbm4b:s11+s2], $0x80, $0x38;
	[tilespmem:$0x1F000] =	vst v63  }
0xd4: {  	s15 =	simm.s32 $0x2080;
	s16 =	sld [smem:$0x7AB]  }
0xd5: {  	[tilespmem:s15], [sflag:$0x3] =	stream.linear.gather [hbm4b:s14+s2], $0x80, $0x38;
	[tilespmem:$0x1F000] =	vst v63  }
0xd6: {  	s29 =	simm.s32 $0x2100;
	s11 =	sld [smem:$0x7AC]  }
0xd7: {  	[tilespmem:s29], [sflag:$0x3] =	stream.linear.gather [hbm4b:s16+s2], $0x80, $0x38;
	[tilespmem:$0x1F000] =	vst v63  }
0xd8: {  	s13 =	simm.s32 $0x2180;
	s14 =	sld [smem:$0x7AD]  }
0xd9: {  	[tilespmem:s13], [sflag:$0x3] =	stream.linear.gather [hbm4b:s11+s2], $0x80, $0x38;
	[tilespmem:$0x1F000] =	vst v63  }
0xda: {  	s15 =	simm.s32 $0x2200;
	s16 =	sld [smem:$0x7AE]  }
0xdb: {  	[tilespmem:s15], [sflag:$0x3] =	stream.linear.gather [hbm4b:s14+s2], $0x80, $0x38;
	[tilespmem:$0x1F000] =	vst v63  }
0xdc: {  	s29 =	simm.s32 $0x2280;
	s11 =	sld [smem:$0x7AF]  }
0xdd: {  	[tilespmem:s29], [sflag:$0x3] =	stream.linear.gather [hbm4b:s16+s2], $0x80, $0x38;
	[tilespmem:$0x1F000] =	vst v63  }
0xde: {  	s13 =	simm.s32 $0x2300;
	s14 =	sld [smem:$0x7B0]  }
0xdf: {  	[tilespmem:s13], [sflag:$0x3] =	stream.linear.gather [hbm4b:s11+s2], $0x80, $0x38;
	[tilespmem:$0x1F000] =	vst v63  }
0xe0: {  	s15 =	simm.s32 $0x2380;
	s16 =	sld [smem:$0x7B1]  }
0xe1: {  	[tilespmem:s15], [sflag:$0x3] =	stream.linear.gather [hbm4b:s14+s2], $0x80, $0x38;
	[tilespmem:$0x1F000] =	vst v63  }
0xe2: {  	s4 =	sld [smem:$0x7B2];
	s29 =	simm.s32 $0x2400  }
0xe3: {  	[tilespmem:s29], [sflag:$0x3] =	stream.linear.gather [hbm4b:s16+s2], $0x80, $0x38;
	[tilespmem:$0x1F000] =	vst v63  }
0xe4: {  	s11 =	simm.s32 $0x2480;
	s13 =	sld [smem:$0x7B3]  }
0xe5: {  	[tilespmem:s11], [sflag:$0x3] =	stream.linear.gather [hbm4b:s4+s2], $0x80, $0x38;
	[tilespmem:$0x1F000] =	vst v63  }
0xe6: {  	s14 =	simm.s32 $0x2500;
	s15 =	sld [smem:$0x7B4]  }
0xe7: {  	[tilespmem:s14], [sflag:$0x3] =	stream.linear.gather [hbm4b:s13+s2], $0x80, $0x38;
	[tilespmem:$0x1F000] =	vst v63  }
0xe8: {  	s16 =	simm.s32 $0x2580;
	s29 =	sld [smem:$0x7B5]  }
0xe9: {  	[tilespmem:s16], [sflag:$0x3] =	stream.linear.gather [hbm4b:s15+s2], $0x80, $0x38;
	[tilespmem:$0x1F000] =	vst v63  }
0xea: {  	s4 =	sld [smem:$0x7B6]  }
0xeb: {  	[tilespmem:s17], [sflag:$0x3] =	stream.linear.gather [hbm4b:s29+s2], $0x80, $0x38;
	[tilespmem:$0x1F000] =	vst v63  }
0xec: {  	s11 =	sld [smem:$0x7B7]  }
0xed: {  	[tilespmem:s6], [sflag:$0x3] =	stream.linear.gather [hbm4b:s4+s2], $0x80, $0x38;
	[tilespmem:$0x1F000] =	vst v63  }
0xee: {  	s13 =	sld [smem:$0x7B8]  }
0xef: {  	[tilespmem:s18], [sflag:$0x3] =	stream.linear.gather [hbm4b:s11+s2], $0x80, $0x38;
	[tilespmem:$0x1F000] =	vst v63  }
0xf0: {  	_ = 	snop  }
0xf1: {  	[tilespmem:s7], [sflag:$0x3] =	stream.linear.gather [hbm4b:s13+s2], $0x80, $0x38;
	[tilespmem:$0x1F000] =	vst v63  }
0xf2: {  	_ =	swait.ge [sflag:s19], $0x80  }
0xf3: {  	[sflag:s19] =	ssyncset.done $0x0  }
0xf4: {  	[sflag:s19] =	ssyncadd.s32 $0xFFFFFF80  }
0xf5: {  	_ =	swait.ge [sflag:s19], $0x80  }
0xf6: {  	[sflag:s19] =	ssyncset.done $0x0  }
0xf7: {  	[sflag:s19] =	ssyncadd.s32 $0xFFFFFF80  }
0xf8: {  	_ =	swait.ge [sflag:s19], $0x80  }
0xf9: {  	[sflag:s19] =	ssyncset.done $0x0  }
0xfa: {  	[sflag:s19] =	ssyncadd.s32 $0xFFFFFF80  }
0xfb: {  	_ =	swait.ge [sflag:s19], $0x80  }
0xfc: {  	[sflag:s19] =	ssyncset.done $0x0  }
0xfd: {  	[sflag:s19] =	ssyncadd.s32 $0xFFFFFF80  }
0xfe: {  	_ =	swait.ge [sflag:s19], $0x80  }
0xff: {  	[sflag:s19] =	ssyncset.done $0x0  }
0x100: {  	[sflag:s19] =	ssyncadd.s32 $0xFFFFFF80  }
0x101: {  	_ =	swait.ge [sflag:s19], $0x80  }
0x102: {  	[sflag:s19] =	ssyncset.done $0x0  }
0x103: {  	[sflag:s19] =	ssyncadd.s32 $0xFFFFFF80  }
0x104: {  	_ =	swait.ge [sflag:s19], $0x80  }
0x105: {  	[sflag:s19] =	ssyncset.done $0x0  }
0x106: {  	[sflag:s19] =	ssyncadd.s32 $0xFFFFFF80  }
0x107: {  	_ =	swait.ge [sflag:s19], $0x80  }
0x108: {  	[sflag:s19] =	ssyncset.done $0x0  }
0x109: {  	[sflag:s19] =	ssyncadd.s32 $0xFFFFFF80  }
0x10a: {  	_ =	swait.ge [sflag:s19], $0x80  }
0x10b: {  	[sflag:s19] =	ssyncset.done $0x0  }
0x10c: {  	[sflag:s19] =	ssyncadd.s32 $0xFFFFFF80  }
0x10d: {  	_ =	swait.ge [sflag:s19], $0x80  }
0x10e: {  	[sflag:s19] =	ssyncset.done $0x0  }
0x10f: {  	[sflag:s19] =	ssyncadd.s32 $0xFFFFFF80  }
0x110: {  	_ =	swait.ge [sflag:s19], $0x80  }
0x111: {  	[sflag:s19] =	ssyncset.done $0x0  }
0x112: {  	[sflag:s19] =	ssyncadd.s32 $0xFFFFFF80  }
0x113: {  	_ =	swait.ge [sflag:s19], $0x80  }
0x114: {  	[sflag:s19] =	ssyncset.done $0x0  }
0x115: {  	[sflag:s19] =	ssyncadd.s32 $0xFFFFFF80  }
0x116: {  	_ =	swait.ge [sflag:s19], $0x80  }
0x117: {  	[sflag:s19] =	ssyncset.done $0x0  }
0x118: {  	[sflag:s19] =	ssyncadd.s32 $0xFFFFFF80  }
0x119: {  	_ =	swait.ge [sflag:s19], $0x80  }
0x11a: {  	[sflag:s19] =	ssyncset.done $0x0  }
0x11b: {  	[sflag:s19] =	ssyncadd.s32 $0xFFFFFF80  }
0x11c: {  	_ =	swait.ge [sflag:s19], $0x80  }
0x11d: {  	[sflag:s19] =	ssyncset.done $0x0  }
0x11e: {  	[sflag:s19] =	ssyncadd.s32 $0xFFFFFF80  }
0x11f: {  	_ =	swait.ge [sflag:s19], $0x80  }
0x120: {  	[sflag:s19] =	ssyncset.done $0x0  }
0x121: {  	[sflag:s19] =	ssyncadd.s32 $0xFFFFFF80  }
0x122: {  	_ =	swait.ge [sflag:s19], $0x80  }
0x123: {  	[sflag:s19] =	ssyncset.done $0x0  }
0x124: {  	[sflag:s19] =	ssyncadd.s32 $0xFFFFFF80  }
0x125: {  	_ =	swait.ge [sflag:s19], $0x80  }
0x126: {  	[sflag:s19] =	ssyncset.done $0x0  }
0x127: {  	[sflag:s19] =	ssyncadd.s32 $0xFFFFFF80  }
0x128: {  	_ =	swait.ge [sflag:s19], $0x80  }
0x129: {  	[sflag:s19] =	ssyncset.done $0x0  }
0x12a: {  	[sflag:s19] =	ssyncadd.s32 $0xFFFFFF80  }
0x12b: {  	_ =	swait.ge [sflag:s19], $0x80  }
0x12c: {  	[sflag:s19] =	ssyncset.done $0x0  }
0x12d: {  	[sflag:s19] =	ssyncadd.s32 $0xFFFFFF80  }
0x12e: {  	_ =	swait.ge [sflag:s19], $0x80  }
0x12f: {  	[sflag:s19] =	ssyncset.done $0x0  }
0x130: {  	[sflag:s19] =	ssyncadd.s32 $0xFFFFFF80  }
0x131: {  	_ =	swait.ge [sflag:s19], $0x80  }
0x132: {  	[sflag:s19] =	ssyncset.done $0x0  }
0x133: {  	[sflag:s19] =	ssyncadd.s32 $0xFFFFFF80  }
0x134: {  	_ =	swait.ge [sflag:s19], $0x80  }
0x135: {  	[sflag:s19] =	ssyncset.done $0x0  }
0x136: {  	[sflag:s19] =	ssyncadd.s32 $0xFFFFFF80  }
0x137: {  	_ =	swait.ge [sflag:s19], $0x80  }
0x138: {  	[sflag:s19] =	ssyncset.done $0x0  }
0x139: {  	[sflag:s19] =	ssyncadd.s32 $0xFFFFFF80  }
0x13a: {  	_ =	swait.ge [sflag:s19], $0x80  }
0x13b: {  	[sflag:s19] =	ssyncset.done $0x0  }
0x13c: {  	[sflag:s19] =	ssyncadd.s32 $0xFFFFFF80  }
0x13d: {  	_ =	swait.ge [sflag:s19], $0x80  }
0x13e: {  	[sflag:s19] =	ssyncset.done $0x0  }
0x13f: {  	[sflag:s19] =	ssyncadd.s32 $0xFFFFFF80  }
0x140: {  	_ =	swait.ge [sflag:s19], $0x80  }
0x141: {  	[sflag:s19] =	ssyncset.done $0x0  }
0x142: {  	[sflag:s19] =	ssyncadd.s32 $0xFFFFFF80  }
0x143: {  	_ =	swait.ge [sflag:s19], $0x80  }
0x144: {  	[sflag:s19] =	ssyncset.done $0x0  }
0x145: {  	[sflag:s19] =	ssyncadd.s32 $0xFFFFFF80  }
0x146: {  	_ =	swait.ge [sflag:s19], $0x80  }
0x147: {  	[sflag:s19] =	ssyncset.done $0x0  }
0x148: {  	[sflag:s19] =	ssyncadd.s32 $0xFFFFFF80  }
0x149: {  	_ =	swait.ge [sflag:s19], $0x80  }
0x14a: {  	[sflag:s19] =	ssyncset.done $0x0  }
0x14b: {  	[sflag:s19] =	ssyncadd.s32 $0xFFFFFF80  }
0x14c: {  	_ =	swait.ge [sflag:s19], $0x80  }
0x14d: {  	[sflag:s19] =	ssyncset.done $0x0  }
0x14e: {  	[sflag:s19] =	ssyncadd.s32 $0xFFFFFF80  }
0x14f: {  	_ =	swait.ge [sflag:s19], $0x80  }
0x150: {  	[sflag:s19] =	ssyncset.done $0x0  }
0x151: {  	[sflag:s19] =	ssyncadd.s32 $0xFFFFFF80  }
0x152: {  	_ =	swait.ge [sflag:s19], $0x80  }
0x153: {  	[sflag:s19] =	ssyncset.done $0x0  }
0x154: {  	[sflag:s19] =	ssyncadd.s32 $0xFFFFFF80  }
0x155: {  	_ =	swait.ge [sflag:s19], $0x80  }
0x156: {  	[sflag:s19] =	ssyncset.done $0x0  }
0x157: {  	[sflag:s19] =	ssyncadd.s32 $0xFFFFFF80  }
0x158: {  	_ =	swait.ge [sflag:s19], $0x80  }
0x159: {  	[sflag:s19] =	ssyncset.done $0x0  }
0x15a: {  	[sflag:s19] =	ssyncadd.s32 $0xFFFFFF80  }
0x15b: {  	_ =	swait.ge [sflag:s19], $0x80  }
0x15c: {  	[sflag:s19] =	ssyncset.done $0x0  }
0x15d: {  	[sflag:s19] =	ssyncadd.s32 $0xFFFFFF80  }
0x15e: {  	_ =	swait.ge [sflag:s19], $0x80  }
0x15f: {  	[sflag:s19] =	ssyncset.done $0x0  }
0x160: {  	[sflag:s19] =	ssyncadd.s32 $0xFFFFFF80  }
0x161: {  	_ =	swait.ge [sflag:s19], $0x80  }
0x162: {  	[sflag:s19] =	ssyncset.done $0x0  }
0x163: {  	[sflag:s19] =	ssyncadd.s32 $0xFFFFFF80  }
0x164: {  	_ =	swait.ge [sflag:s19], $0x80  }
0x165: {  	[sflag:s19] =	ssyncset.done $0x0  }
0x166: {  	[sflag:s19] =	ssyncadd.s32 $0xFFFFFF80  }
0x167: {  	_ =	swait.ge [sflag:s19], $0x80  }
0x168: {  	[sflag:s19] =	ssyncset.done $0x0  }
0x169: {  	s14 =	simm.s32 $0x2800;
	s15 =	sld [smem:$0x7F8];
	[sflag:s19] =	ssyncadd.s32 $0xFFFFFF80  }
0x16a: {  	[tilespmem:s14], [sflag:$0x1] =	stream.indirect.gather [hbm4b:s22+s10], $0x80, s25, s10, $0xb8;
	[tilespmem:$0x1F000] =	vst v63  }
0x16b: {  	s16 =	simm.s32 $0x6800  }
0x16c: {  	[tilespmem:s16], [sflag:$0x2] =	stream.indirect.gather [hbm4b:s22+s10], $0x80, s15, s10, $0xb8;
	[tilespmem:$0x1F000] =	vst v63  }
0x16d: {  	s29 =	sadd.s32 $0x0, s26  }
0x16e: {  	[spmem:s29] =	stream.linear.scatter [tilespmem:s20], [sflag:$0x4], $0x800, $0x38;
	[tilespmem:$0x1F000] =	vst v63  }
0x16f: {  	s2 =	simm.s32 $0x2000;
	_ =	swait.ge [sflag:s12], $0x800  }
.LBB2_4:
0x170: {  	s3 =	sshra.s32 s2, $0x2;
	[sflag:s12] =	ssyncset.done $0x0;
	p1 =	sne.s32 s2, $0x4E000  }
.Ltmp1:
0x171: {  	s3 =	sadd.s32 s3, s26;
	[sflag:s12] =	ssyncadd.s32 $0xFFFFF800;
	(pc) =	sbr.rel @p1 .LBB2_4-.Ltmp1, $3  }
0x172: {  	[spmem:s3] =	stream.linear.scatter [tilespmem:s20], [sflag:$0x4], $0x800, $0x38;
	[tilespmem:$0x1F000] =	vst v63  }
0x173: {  	s2 =	sadd.s32 $0x2000, s2;
	_ =	sdelay $0x1  }
0x174: {  	_ =	swait.ge [sflag:s12], $0x800  }
0x175: {  	[sflag:s12] =	ssyncset.done $0x0;
	s2 =	sadd.s32 $0xFFFFFFFF, s0  }
0x176: {  	[sflag:s12] =	ssyncadd.s32 $0xFFFFF800;
	p1 =	sgt.u32 s2, $0x9C3  }
0x177: {  	[bflag:$0x0] =	sbarrier.arrive $0xFFFF;
	s3 =	simm.s32 @!p1 $0x1  }
0x178: {  	p2 =	sgt.u32 @!p1 s2, $0x9C1;
	_ =	swait.ge @!p1 [sflag:s3], $0x4000  }
0x179: {  	s2 =	sadd.s32 @!p1 $0x0, s8;
	s11 =	simm.s32 @!p1 $0x4;
	[sflag:s3] =	ssyncset.done @!p1 $0x0  }
0x17a: {  	s13 =	simm.s32 @!p1 $0x2800;
	[sflag:s3] =	ssyncadd.s32 @!p1 $0xFFFFC000;
	s3 =	simm.s32 @!p1 $0x80  }
0x17b: {  	[spmem:s23] =	stream.indirect.scatter.add.f32 @!p1 [tilespmem:s13], [sflag:$0x4], $0x80, s2, s3, $0xb8;
	[tilespmem:$0x1F000] =	vst v63  }
0x17c: {  	p3 =	por p2, p1;
	p2 =	sgt.u32 s0, $0x9C3;
	_ =	swait.ge @!p1 [sflag:s11], $0x4000  }
0x17d: {  	s2 =	sadd.s32 @!p3 $0x0, s30;
	s3 =	simm.s32 @!p3 $0x2800;
	[sflag:s11] =	ssyncset.done @!p1 $0x0  }
0x17e: {  	s2 =	sadd.s32 @!p3 $0x100, s2;
	[sflag:s11] =	ssyncadd.s32 @!p1 $0xFFFFC000;
	s11 =	simm.s32 @!p3 $0x80  }
0x17f: {  	[tilespmem:s3], [sflag:$0x1] =	stream.indirect.gather @!p3 [hbm4b:s22+s11], $0x80, s2, s11, $0xb8;
	[tilespmem:$0x1F000] =	vst v63  }
0x180: {  	s14 =	simm.s32 @!p2 $0x80;
	s13 =	sadd.s32 @!p2 $0x0, s8;
	s2 =	simm.s32 @!p2 $0x2  }
0x181: {  	s29 =	simm.s32 @!p2 $0x4;
	s13 =	sadd.s32 @!p2 $0x80, s13;
	_ =	swait.ge @!p2 [sflag:s2], $0x4000  }
0x182: {  	p1 =	sgt.u32 @!p2 s0, $0x9C1;
	s11 =	simm.s32 $0x400;
	[sflag:s2] =	ssyncset.done @!p2 $0x0  }
0x183: {  	s3 =	simm.s32 @!p2 $0x6800;
	p3 =	por p1, p2;
	[sflag:s2] =	ssyncadd.s32 @!p2 $0xFFFFC000  }
0x184: {  	[spmem:s23] =	stream.indirect.scatter.add.f32 @!p2 [tilespmem:s3], [sflag:$0x4], $0x80, s13, s14, $0xb8;
	[tilespmem:$0x1F000] =	vst v63  }
0x185: {  	s2 =	simm.s32 @!p3 $0x6800;
	s13 =	sadd.s32 $0x2, s0;
	_ =	swait.ge @!p2 [sflag:s29], $0x4000  }
0x186: {  	s3 =	sadd.s32 @!p3 $0x0, s30;
	s14 =	simm.s32 @!p3 $0x80;
	[sflag:s29] =	ssyncset.done @!p2 $0x0  }
.LBB2_6:
0x187: {  	[sflag:s29] =	ssyncadd.s32 @!p2 $0xFFFFC000;
	s3 =	sadd.s32 @!p3 $0x180, s3  }
0x188: {  	s15 =	smov.u32 s11;
	s11 =	sadd.s32 $0x400, s11;
	s29 =	smov.u32 s13  }
0x189: {  	[tilespmem:s2], [sflag:$0x2] =	stream.indirect.gather @!p3 [hbm4b:s22+s14], $0x80, s3, s14, $0xb8;
	[tilespmem:$0x1F000] =	vst v63  }
0x18a: {  	s2 =	sadd.s32 $0xFFFFFFFF, s13;
	p1 =	sne.s32 s11, $0x4C00  }
0x18b: {  	s13 =	sadd.s32 $0x2, s13;
	p3 =	sgt.u32 s2, $0x9C3  }
0x18c: {  	s3 =	simm.s32 @!p3 $0x1;
	s14 =	sshra.s32 @!p3 s15, $0x2;
	p2 =	sgt.u32 @!p3 s2, $0x9C1  }
0x18d: {  	s2 =	sadd.s32 @!p3 s14, s8;
	p4 =	por p2, p3;
	_ =	swait.ge @!p3 [sflag:s3], $0x4000  }
0x18e: {  	s14 =	simm.s32 @!p3 $0x4;
	s4 =	sshra.s32 @!p4 s15, $0x2;
	[sflag:s3] =	ssyncset.done @!p3 $0x0  }
0x18f: {  	s16 =	simm.s32 @!p3 $0x2800;
	[sflag:s3] =	ssyncadd.s32 @!p3 $0xFFFFC000;
	s3 =	simm.s32 @!p3 $0x80  }
0x190: {  	[spmem:s23] =	stream.indirect.scatter.add.f32 @!p3 [tilespmem:s16], [sflag:$0x4], $0x80, s2, s3, $0xb8;
	[tilespmem:$0x1F000] =	vst v63  }
0x191: {  	s2 =	sadd.s32 @!p4 s4, s30;
	s3 =	simm.s32 @!p4 $0x2800;
	_ =	swait.ge @!p3 [sflag:s14], $0x4000  }
0x192: {  	p2 =	sgt.u32 s29, $0x9C3;
	s2 =	sadd.s32 @!p4 $0x100, s2;
	[sflag:s14] =	ssyncset.done @!p3 $0x0  }
0x193: {  	s4 =	simm.s32 @!p4 $0x80;
	[sflag:s14] =	ssyncadd.s32 @!p3 $0xFFFFC000;
	p3 =	sgt.u32 @!p2 s29, $0x9C1  }
0x194: {  	[tilespmem:s3], [sflag:$0x1] =	stream.indirect.gather @!p4 [hbm4b:s22+s4], $0x80, s2, s4, $0xb8;
	[tilespmem:$0x1F000] =	vst v63  }
0x195: {  	s2 =	simm.s32 @!p2 $0x2;
	s3 =	sshra.s32 @!p2 s15, $0x2;
	s4 =	simm.s32 @!p2 $0x6800  }
0x196: {  	s14 =	simm.s32 @!p2 $0x80;
	s3 =	sadd.s32 @!p2 s3, s8;
	_ =	swait.ge @!p2 [sflag:s2], $0x4000  }
.Ltmp2:
0x197: {  	s3 =	sadd.s32 @!p2 $0x80, s3;
	[sflag:s2] =	ssyncset.done @!p2 $0x0;
	(pc) =	sbr.rel @p1 .LBB2_6-.Ltmp2, $4  }
0x198: {  	s29 =	simm.s32 @!p2 $0x4;
	p3 =	por p3, p2;
	[sflag:s2] =	ssyncadd.s32 @!p2 $0xFFFFC000  }
0x199: {  	[spmem:s23] =	stream.indirect.scatter.add.f32 @!p2 [tilespmem:s4], [sflag:$0x4], $0x80, s3, s14, $0xb8;
	[tilespmem:$0x1F000] =	vst v63  }
0x19a: {  	s2 =	simm.s32 @!p3 $0x6800;
	s3 =	sshra.s32 @!p3 s15, $0x2;
	_ =	swait.ge @!p2 [sflag:s29], $0x4000  }
0x19b: {  	s14 =	simm.s32 @!p3 $0x80;
	s3 =	sadd.s32 @!p3 s3, s30;
	[sflag:s29] =	ssyncset.done @!p2 $0x0  }
0x19c: {  	[sflag:s29] =	ssyncadd.s32 @!p2 $0xFFFFC000;
	s3 =	sadd.s32 @!p3 $0x180, s3  }
0x19d: {  	[tilespmem:s2], [sflag:$0x2] =	stream.indirect.gather @!p3 [hbm4b:s22+s14], $0x80, s3, s14, $0xb8;
	[tilespmem:$0x1F000] =	vst v63  }
0x19e: {  	s2 =	simm.s32 @!p0 $0x1  }
0x19f: {  	_ =	swait.ge @!p0 [sflag:s2], $0x4000  }
0x1a0: {  	[sflag:s2] =	ssyncset.done @!p0 $0x0  }
0x1a1: {  	[sflag:s2] =	ssyncadd.s32 @!p0 $0xFFFFC000;
	s2 =	sld [smem:$0x7FA];
	_ =	sdelay $0x1  }
0x1a2: {  	s29 =	simm.s32 @!p0 $0x80;
	s11 =	simm.s32 @!p0 $0x2800  }
0x1a3: {  	[spmem:s23] =	stream.indirect.scatter.add.f32 @!p0 [tilespmem:s11], [sflag:$0x4], $0x80, s2, s29, $0xb8;
	[tilespmem:$0x1F000] =	vst v63  }
0x1a4: {  	s2 =	simm.s32 @!p0 $0x4  }
0x1a5: {  	_ =	swait.ge @!p0 [sflag:s2], $0x4000  }
0x1a6: {  	[sflag:s2] =	ssyncset.done @!p0 $0x0  }
0x1a7: {  	s3 =	simm.s32 @!p0 $0x2;
	[sflag:s2] =	ssyncadd.s32 @!p0 $0xFFFFC000  }
0x1a8: {  	_ =	swait.ge @!p0 [sflag:s3], $0x4000  }
0x1a9: {  	[sflag:s3] =	ssyncset.done @!p0 $0x0  }
0x1aa: {  	[sflag:s3] =	ssyncadd.s32 @!p0 $0xFFFFC000;
	s3 =	sld [smem:$0x7FB];
	_ =	sdelay $0x1  }
0x1ab: {  	s13 =	simm.s32 @!p0 $0x6800  }
0x1ac: {  	[spmem:s23] =	stream.indirect.scatter.add.f32 @!p0 [tilespmem:s13], [sflag:$0x4], $0x80, s3, s29, $0xb8;
	[tilespmem:$0x1F000] =	vst v63  }
0x1ad: {  	_ =	swait.ge @!p0 [sflag:s2], $0x4000  }
0x1ae: {  	s4 =	sld [smem:$0x7B9]  }
0x1af: {  	[sflag:s2] =	ssyncset.done @!p0 $0x0  }
0x1b0: {  	[sflag:s2] =	ssyncadd.s32 @!p0 $0xFFFFC000  }
0x1b1: {  	[tilespmem:s21], [sflag:$0x4] =	stream.strided.gather [hbm4b:s4+s10], $0x1400, s5, s10, $0x38;
	[tilespmem:$0x1F000] =	vst v63  }
0x1b2: {  	_ =	swait.ge [sflag:s12], $0x1400  }
0x1b3: {  	s5 =	sld [smem:$0x7BB]  }
0x1b4: {  	[sflag:s12] =	ssyncset.done $0x0  }
0x1b5: {  	s14 =	simm.s32 $0x1400;
	s15 =	sld [smem:$0x7BD];
	[sflag:s12] =	ssyncadd.s32 $0xFFFFEC00  }
0x1b6: {  	[tilespmem:s14], [sflag:$0x3] =	stream.linear.gather [hbm4b:s5+s21], $0x80, $0x38;
	[tilespmem:$0x1F000] =	vst v63  }
0x1b7: {  	s16 =	simm.s32 $0x1480;
	s3 =	sld [smem:$0x7BF]  }
0x1b8: {  	[tilespmem:s16], [sflag:$0x3] =	stream.linear.gather [hbm4b:s15+s21], $0x80, $0x38;
	[tilespmem:$0x1F000] =	vst v63  }
0x1b9: {  	s4 =	simm.s32 $0x1500;
	s5 =	sld [smem:$0x7C1]  }
0x1ba: {  	[tilespmem:s4], [sflag:$0x3] =	stream.linear.gather [hbm4b:s3+s21], $0x80, $0x38;
	[tilespmem:$0x1F000] =	vst v63  }
0x1bb: {  	s14 =	simm.s32 $0x1580;
	s15 =	sld [smem:$0x7C3]  }
0x1bc: {  	[tilespmem:s14], [sflag:$0x3] =	stream.linear.gather [hbm4b:s5+s21], $0x80, $0x38;
	[tilespmem:$0x1F000] =	vst v63  }
0x1bd: {  	s16 =	simm.s32 $0x1600;
	s3 =	sld [smem:$0x7C5]  }
0x1be: {  	[tilespmem:s16], [sflag:$0x3] =	stream.linear.gather [hbm4b:s15+s21], $0x80, $0x38;
	[tilespmem:$0x1F000] =	vst v63  }
0x1bf: {  	s4 =	simm.s32 $0x1680;
	s5 =	sld [smem:$0x7C7]  }
0x1c0: {  	[tilespmem:s4], [sflag:$0x3] =	stream.linear.gather [hbm4b:s3+s21], $0x80, $0x38;
	[tilespmem:$0x1F000] =	vst v63  }
0x1c1: {  	s14 =	simm.s32 $0x1700;
	s15 =	sld [smem:$0x7C9]  }
0x1c2: {  	[tilespmem:s14], [sflag:$0x3] =	stream.linear.gather [hbm4b:s5+s21], $0x80, $0x38;
	[tilespmem:$0x1F000] =	vst v63  }
0x1c3: {  	s16 =	simm.s32 $0x1780;
	s3 =	sld [smem:$0x7CB]  }
0x1c4: {  	[tilespmem:s16], [sflag:$0x3] =	stream.linear.gather [hbm4b:s15+s21], $0x80, $0x38;
	[tilespmem:$0x1F000] =	vst v63  }
0x1c5: {  	s4 =	simm.s32 $0x1800;
	s5 =	sld [smem:$0x7CD]  }
0x1c6: {  	[tilespmem:s4], [sflag:$0x3] =	stream.linear.gather [hbm4b:s3+s21], $0x80, $0x38;
	[tilespmem:$0x1F000] =	vst v63  }
0x1c7: {  	s14 =	simm.s32 $0x1880;
	s15 =	sld [smem:$0x7CF]  }
0x1c8: {  	[tilespmem:s14], [sflag:$0x3] =	stream.linear.gather [hbm4b:s5+s21], $0x80, $0x38;
	[tilespmem:$0x1F000] =	vst v63  }
0x1c9: {  	s16 =	simm.s32 $0x1900;
	s3 =	sld [smem:$0x7D1]  }
0x1ca: {  	[tilespmem:s16], [sflag:$0x3] =	stream.linear.gather [hbm4b:s15+s21], $0x80, $0x38;
	[tilespmem:$0x1F000] =	vst v63  }
0x1cb: {  	s4 =	simm.s32 $0x1980;
	s5 =	sld [smem:$0x7D3]  }
0x1cc: {  	[tilespmem:s4], [sflag:$0x3] =	stream.linear.gather [hbm4b:s3+s21], $0x80, $0x38;
	[tilespmem:$0x1F000] =	vst v63  }
0x1cd: {  	s14 =	simm.s32 $0x1A00;
	s15 =	sld [smem:$0x7D5]  }
0x1ce: {  	[tilespmem:s14], [sflag:$0x3] =	stream.linear.gather [hbm4b:s5+s21], $0x80, $0x38;
	[tilespmem:$0x1F000] =	vst v63  }
0x1cf: {  	s16 =	simm.s32 $0x1A80;
	s3 =	sld [smem:$0x7D7]  }
0x1d0: {  	[tilespmem:s16], [sflag:$0x3] =	stream.linear.gather [hbm4b:s15+s21], $0x80, $0x38;
	[tilespmem:$0x1F000] =	vst v63  }
0x1d1: {  	s4 =	simm.s32 $0x1B00;
	s5 =	sld [smem:$0x7D8]  }
0x1d2: {  	[tilespmem:s4], [sflag:$0x3] =	stream.linear.gather [hbm4b:s3+s21], $0x80, $0x38;
	[tilespmem:$0x1F000] =	vst v63  }
0x1d3: {  	s14 =	simm.s32 $0x1B80;
	s15 =	sld [smem:$0x7D9]  }
0x1d4: {  	[tilespmem:s14], [sflag:$0x3] =	stream.linear.gather [hbm4b:s5+s21], $0x80, $0x38;
	[tilespmem:$0x1F000] =	vst v63  }
0x1d5: {  	s16 =	simm.s32 $0x1C00;
	s3 =	sld [smem:$0x7DA]  }
0x1d6: {  	[tilespmem:s16], [sflag:$0x3] =	stream.linear.gather [hbm4b:s15+s21], $0x80, $0x38;
	[tilespmem:$0x1F000] =	vst v63  }
0x1d7: {  	s4 =	simm.s32 $0x1C80;
	s5 =	sld [smem:$0x7DB]  }
0x1d8: {  	[tilespmem:s4], [sflag:$0x3] =	stream.linear.gather [hbm4b:s3+s21], $0x80, $0x38;
	[tilespmem:$0x1F000] =	vst v63  }
0x1d9: {  	s14 =	simm.s32 $0x1D00;
	s15 =	sld [smem:$0x7DC]  }
0x1da: {  	[tilespmem:s14], [sflag:$0x3] =	stream.linear.gather [hbm4b:s5+s21], $0x80, $0x38;
	[tilespmem:$0x1F000] =	vst v63  }
0x1db: {  	s16 =	simm.s32 $0x1D80;
	s3 =	sld [smem:$0x7DD]  }
0x1dc: {  	[tilespmem:s16], [sflag:$0x3] =	stream.linear.gather [hbm4b:s15+s21], $0x80, $0x38;
	[tilespmem:$0x1F000] =	vst v63  }
0x1dd: {  	s4 =	simm.s32 $0x1E00;
	s5 =	sld [smem:$0x7DE]  }
0x1de: {  	[tilespmem:s4], [sflag:$0x3] =	stream.linear.gather [hbm4b:s3+s21], $0x80, $0x38;
	[tilespmem:$0x1F000] =	vst v63  }
0x1df: {  	s14 =	simm.s32 $0x1E80;
	s15 =	sld [smem:$0x7DF]  }
0x1e0: {  	[tilespmem:s14], [sflag:$0x3] =	stream.linear.gather [hbm4b:s5+s21], $0x80, $0x38;
	[tilespmem:$0x1F000] =	vst v63  }
0x1e1: {  	s16 =	simm.s32 $0x1F00;
	s3 =	sld [smem:$0x7E0]  }
0x1e2: {  	[tilespmem:s16], [sflag:$0x3] =	stream.linear.gather [hbm4b:s15+s21], $0x80, $0x38;
	[tilespmem:$0x1F000] =	vst v63  }
0x1e3: {  	s4 =	simm.s32 $0x1F80;
	s5 =	sld [smem:$0x7E1]  }
0x1e4: {  	[tilespmem:s4], [sflag:$0x3] =	stream.linear.gather [hbm4b:s3+s21], $0x80, $0x38;
	[tilespmem:$0x1F000] =	vst v63  }
0x1e5: {  	s14 =	simm.s32 $0x2000;
	s15 =	sld [smem:$0x7E2]  }
0x1e6: {  	[tilespmem:s14], [sflag:$0x3] =	stream.linear.gather [hbm4b:s5+s21], $0x80, $0x38;
	[tilespmem:$0x1F000] =	vst v63  }
0x1e7: {  	s16 =	simm.s32 $0x2080;
	s3 =	sld [smem:$0x7E3]  }
0x1e8: {  	[tilespmem:s16], [sflag:$0x3] =	stream.linear.gather [hbm4b:s15+s21], $0x80, $0x38;
	[tilespmem:$0x1F000] =	vst v63  }
0x1e9: {  	s4 =	simm.s32 $0x2100;
	s5 =	sld [smem:$0x7E4]  }
0x1ea: {  	[tilespmem:s4], [sflag:$0x3] =	stream.linear.gather [hbm4b:s3+s21], $0x80, $0x38;
	[tilespmem:$0x1F000] =	vst v63  }
0x1eb: {  	s14 =	simm.s32 $0x2180;
	s15 =	sld [smem:$0x7E5]  }
0x1ec: {  	[tilespmem:s14], [sflag:$0x3] =	stream.linear.gather [hbm4b:s5+s21], $0x80, $0x38;
	[tilespmem:$0x1F000] =	vst v63  }
0x1ed: {  	s16 =	simm.s32 $0x2200;
	s3 =	sld [smem:$0x7E6]  }
0x1ee: {  	[tilespmem:s16], [sflag:$0x3] =	stream.linear.gather [hbm4b:s15+s21], $0x80, $0x38;
	[tilespmem:$0x1F000] =	vst v63  }
0x1ef: {  	s4 =	simm.s32 $0x2280;
	s5 =	sld [smem:$0x7E7]  }
0x1f0: {  	[tilespmem:s4], [sflag:$0x3] =	stream.linear.gather [hbm4b:s3+s21], $0x80, $0x38;
	[tilespmem:$0x1F000] =	vst v63  }
0x1f1: {  	s14 =	simm.s32 $0x2300;
	s15 =	sld [smem:$0x7E8]  }
0x1f2: {  	[tilespmem:s14], [sflag:$0x3] =	stream.linear.gather [hbm4b:s5+s21], $0x80, $0x38;
	[tilespmem:$0x1F000] =	vst v63  }
0x1f3: {  	s16 =	simm.s32 $0x2380;
	s3 =	sld [smem:$0x7E9]  }
0x1f4: {  	[tilespmem:s16], [sflag:$0x3] =	stream.linear.gather [hbm4b:s15+s21], $0x80, $0x38;
	[tilespmem:$0x1F000] =	vst v63  }
0x1f5: {  	s4 =	simm.s32 $0x2400;
	s5 =	sld [smem:$0x7EA]  }
0x1f6: {  	[tilespmem:s4], [sflag:$0x3] =	stream.linear.gather [hbm4b:s3+s21], $0x80, $0x38;
	[tilespmem:$0x1F000] =	vst v63  }
0x1f7: {  	s14 =	simm.s32 $0x2480;
	s15 =	sld [smem:$0x7EB]  }
0x1f8: {  	[tilespmem:s14], [sflag:$0x3] =	stream.linear.gather [hbm4b:s5+s21], $0x80, $0x38;
	[tilespmem:$0x1F000] =	vst v63  }
0x1f9: {  	s16 =	simm.s32 $0x2500;
	s3 =	sld [smem:$0x7EC]  }
0x1fa: {  	[tilespmem:s16], [sflag:$0x3] =	stream.linear.gather [hbm4b:s15+s21], $0x80, $0x38;
	[tilespmem:$0x1F000] =	vst v63  }
0x1fb: {  	s4 =	simm.s32 $0x2580;
	s5 =	sld [smem:$0x7ED]  }
0x1fc: {  	[tilespmem:s4], [sflag:$0x3] =	stream.linear.gather [hbm4b:s3+s21], $0x80, $0x38;
	[tilespmem:$0x1F000] =	vst v63  }
0x1fd: {  	s14 =	sld [smem:$0x7EE]  }
0x1fe: {  	[tilespmem:s17], [sflag:$0x3] =	stream.linear.gather [hbm4b:s5+s21], $0x80, $0x38;
	[tilespmem:$0x1F000] =	vst v63  }
0x1ff: {  	s15 =	sld [smem:$0x7EF]  }
0x200: {  	[tilespmem:s6], [sflag:$0x3] =	stream.linear.gather [hbm4b:s14+s21], $0x80, $0x38;
	[tilespmem:$0x1F000] =	vst v63  }
0x201: {  	s16 =	sld [smem:$0x7F0]  }
0x202: {  	[tilespmem:s18], [sflag:$0x3] =	stream.linear.gather [hbm4b:s15+s21], $0x80, $0x38;
	[tilespmem:$0x1F000] =	vst v63  }
0x203: {  	_ = 	snop  }
0x204: {  	[tilespmem:s7], [sflag:$0x3] =	stream.linear.gather [hbm4b:s16+s21], $0x80, $0x38;
	[tilespmem:$0x1F000] =	vst v63  }
0x205: {  	_ =	swait.ge [sflag:s19], $0x80  }
0x206: {  	[sflag:s19] =	ssyncset.done $0x0  }
0x207: {  	[sflag:s19] =	ssyncadd.s32 $0xFFFFFF80  }
0x208: {  	_ =	swait.ge [sflag:s19], $0x80  }
0x209: {  	[sflag:s19] =	ssyncset.done $0x0  }
0x20a: {  	[sflag:s19] =	ssyncadd.s32 $0xFFFFFF80  }
0x20b: {  	_ =	swait.ge [sflag:s19], $0x80  }
0x20c: {  	[sflag:s19] =	ssyncset.done $0x0  }
0x20d: {  	[sflag:s19] =	ssyncadd.s32 $0xFFFFFF80  }
0x20e: {  	_ =	swait.ge [sflag:s19], $0x80  }
0x20f: {  	[sflag:s19] =	ssyncset.done $0x0  }
0x210: {  	[sflag:s19] =	ssyncadd.s32 $0xFFFFFF80  }
0x211: {  	_ =	swait.ge [sflag:s19], $0x80  }
0x212: {  	[sflag:s19] =	ssyncset.done $0x0  }
0x213: {  	[sflag:s19] =	ssyncadd.s32 $0xFFFFFF80  }
0x214: {  	_ =	swait.ge [sflag:s19], $0x80  }
0x215: {  	[sflag:s19] =	ssyncset.done $0x0  }
0x216: {  	[sflag:s19] =	ssyncadd.s32 $0xFFFFFF80  }
0x217: {  	_ =	swait.ge [sflag:s19], $0x80  }
0x218: {  	[sflag:s19] =	ssyncset.done $0x0  }
0x219: {  	[sflag:s19] =	ssyncadd.s32 $0xFFFFFF80  }
0x21a: {  	_ =	swait.ge [sflag:s19], $0x80  }
0x21b: {  	[sflag:s19] =	ssyncset.done $0x0  }
0x21c: {  	[sflag:s19] =	ssyncadd.s32 $0xFFFFFF80  }
0x21d: {  	_ =	swait.ge [sflag:s19], $0x80  }
0x21e: {  	[sflag:s19] =	ssyncset.done $0x0  }
0x21f: {  	[sflag:s19] =	ssyncadd.s32 $0xFFFFFF80  }
0x220: {  	_ =	swait.ge [sflag:s19], $0x80  }
0x221: {  	[sflag:s19] =	ssyncset.done $0x0  }
0x222: {  	[sflag:s19] =	ssyncadd.s32 $0xFFFFFF80  }
0x223: {  	_ =	swait.ge [sflag:s19], $0x80  }
0x224: {  	[sflag:s19] =	ssyncset.done $0x0  }
0x225: {  	[sflag:s19] =	ssyncadd.s32 $0xFFFFFF80  }
0x226: {  	_ =	swait.ge [sflag:s19], $0x80  }
0x227: {  	[sflag:s19] =	ssyncset.done $0x0  }
0x228: {  	[sflag:s19] =	ssyncadd.s32 $0xFFFFFF80  }
0x229: {  	_ =	swait.ge [sflag:s19], $0x80  }
0x22a: {  	[sflag:s19] =	ssyncset.done $0x0  }
0x22b: {  	[sflag:s19] =	ssyncadd.s32 $0xFFFFFF80  }
0x22c: {  	_ =	swait.ge [sflag:s19], $0x80  }
0x22d: {  	[sflag:s19] =	ssyncset.done $0x0  }
0x22e: {  	[sflag:s19] =	ssyncadd.s32 $0xFFFFFF80  }
0x22f: {  	_ =	swait.ge [sflag:s19], $0x80  }
0x230: {  	[sflag:s19] =	ssyncset.done $0x0  }
0x231: {  	[sflag:s19] =	ssyncadd.s32 $0xFFFFFF80  }
0x232: {  	_ =	swait.ge [sflag:s19], $0x80  }
0x233: {  	[sflag:s19] =	ssyncset.done $0x0  }
0x234: {  	[sflag:s19] =	ssyncadd.s32 $0xFFFFFF80  }
0x235: {  	_ =	swait.ge [sflag:s19], $0x80  }
0x236: {  	[sflag:s19] =	ssyncset.done $0x0  }
0x237: {  	[sflag:s19] =	ssyncadd.s32 $0xFFFFFF80  }
0x238: {  	_ =	swait.ge [sflag:s19], $0x80  }
0x239: {  	[sflag:s19] =	ssyncset.done $0x0  }
0x23a: {  	[sflag:s19] =	ssyncadd.s32 $0xFFFFFF80  }
0x23b: {  	_ =	swait.ge [sflag:s19], $0x80  }
0x23c: {  	[sflag:s19] =	ssyncset.done $0x0  }
0x23d: {  	[sflag:s19] =	ssyncadd.s32 $0xFFFFFF80  }
0x23e: {  	_ =	swait.ge [sflag:s19], $0x80  }
0x23f: {  	[sflag:s19] =	ssyncset.done $0x0  }
0x240: {  	[sflag:s19] =	ssyncadd.s32 $0xFFFFFF80  }
0x241: {  	_ =	swait.ge [sflag:s19], $0x80  }
0x242: {  	[sflag:s19] =	ssyncset.done $0x0  }
0x243: {  	[sflag:s19] =	ssyncadd.s32 $0xFFFFFF80  }
0x244: {  	_ =	swait.ge [sflag:s19], $0x80  }
0x245: {  	[sflag:s19] =	ssyncset.done $0x0  }
0x246: {  	[sflag:s19] =	ssyncadd.s32 $0xFFFFFF80  }
0x247: {  	_ =	swait.ge [sflag:s19], $0x80  }
0x248: {  	[sflag:s19] =	ssyncset.done $0x0  }
0x249: {  	[sflag:s19] =	ssyncadd.s32 $0xFFFFFF80  }
0x24a: {  	_ =	swait.ge [sflag:s19], $0x80  }
0x24b: {  	[sflag:s19] =	ssyncset.done $0x0  }
0x24c: {  	[sflag:s19] =	ssyncadd.s32 $0xFFFFFF80  }
0x24d: {  	_ =	swait.ge [sflag:s19], $0x80  }
0x24e: {  	[sflag:s19] =	ssyncset.done $0x0  }
0x24f: {  	[sflag:s19] =	ssyncadd.s32 $0xFFFFFF80  }
0x250: {  	_ =	swait.ge [sflag:s19], $0x80  }
0x251: {  	[sflag:s19] =	ssyncset.done $0x0  }
0x252: {  	[sflag:s19] =	ssyncadd.s32 $0xFFFFFF80  }
0x253: {  	_ =	swait.ge [sflag:s19], $0x80  }
0x254: {  	[sflag:s19] =	ssyncset.done $0x0  }
0x255: {  	[sflag:s19] =	ssyncadd.s32 $0xFFFFFF80  }
0x256: {  	_ =	swait.ge [sflag:s19], $0x80  }
0x257: {  	[sflag:s19] =	ssyncset.done $0x0  }
0x258: {  	[sflag:s19] =	ssyncadd.s32 $0xFFFFFF80  }
0x259: {  	_ =	swait.ge [sflag:s19], $0x80  }
0x25a: {  	[sflag:s19] =	ssyncset.done $0x0  }
0x25b: {  	[sflag:s19] =	ssyncadd.s32 $0xFFFFFF80  }
0x25c: {  	_ =	swait.ge [sflag:s19], $0x80  }
0x25d: {  	[sflag:s19] =	ssyncset.done $0x0  }
0x25e: {  	[sflag:s19] =	ssyncadd.s32 $0xFFFFFF80  }
0x25f: {  	_ =	swait.ge [sflag:s19], $0x80  }
0x260: {  	[sflag:s19] =	ssyncset.done $0x0  }
0x261: {  	[sflag:s19] =	ssyncadd.s32 $0xFFFFFF80  }
0x262: {  	_ =	swait.ge [sflag:s19], $0x80  }
0x263: {  	[sflag:s19] =	ssyncset.done $0x0  }
0x264: {  	[sflag:s19] =	ssyncadd.s32 $0xFFFFFF80  }
0x265: {  	_ =	swait.ge [sflag:s19], $0x80  }
0x266: {  	[sflag:s19] =	ssyncset.done $0x0  }
0x267: {  	[sflag:s19] =	ssyncadd.s32 $0xFFFFFF80  }
0x268: {  	_ =	swait.ge [sflag:s19], $0x80  }
0x269: {  	[sflag:s19] =	ssyncset.done $0x0  }
0x26a: {  	[sflag:s19] =	ssyncadd.s32 $0xFFFFFF80  }
0x26b: {  	_ =	swait.ge [sflag:s19], $0x80  }
0x26c: {  	[sflag:s19] =	ssyncset.done $0x0  }
0x26d: {  	[sflag:s19] =	ssyncadd.s32 $0xFFFFFF80  }
0x26e: {  	_ =	swait.ge [sflag:s19], $0x80  }
0x26f: {  	[sflag:s19] =	ssyncset.done $0x0  }
0x270: {  	[sflag:s19] =	ssyncadd.s32 $0xFFFFFF80  }
0x271: {  	_ =	swait.ge [sflag:s19], $0x80  }
0x272: {  	[sflag:s19] =	ssyncset.done $0x0  }
0x273: {  	[sflag:s19] =	ssyncadd.s32 $0xFFFFFF80  }
0x274: {  	_ =	swait.ge [sflag:s19], $0x80  }
0x275: {  	[sflag:s19] =	ssyncset.done $0x0  }
0x276: {  	[sflag:s19] =	ssyncadd.s32 $0xFFFFFF80  }
0x277: {  	_ =	swait.ge [sflag:s19], $0x80  }
0x278: {  	[sflag:s19] =	ssyncset.done $0x0  }
0x279: {  	[sflag:s19] =	ssyncadd.s32 $0xFFFFFF80  }
0x27a: {  	_ =	swait.ge [sflag:s19], $0x80  }
0x27b: {  	[sflag:s19] =	ssyncset.done $0x0  }
0x27c: {  	s2 =	sld [smem:$0x7F9];
	[sflag:s19] =	ssyncadd.s32 $0xFFFFFF80  }
0x27d: {  	[tilespmem:s11], [sflag:$0x1] =	stream.indirect.gather @!p0 [hbm4b:s22+s29], $0x80, s28, s29, $0xb8;
	[tilespmem:$0x1F000] =	vst v63  }
0x27e: {  	_ = 	snop  }
0x27f: {  	[tilespmem:s13], [sflag:$0x2] =	stream.indirect.gather @!p0 [hbm4b:s22+s29], $0x80, s2, s29, $0xb8;
	[tilespmem:$0x1F000] =	vst v63  }
0x280: {  	s2 =	sadd.s32 $0xFFFFFFFF, s1  }
0x281: {  	p2 =	sgt.u32 s2, $0x9C3  }
0x282: {  	s3 =	simm.s32 @!p2 $0x1;
	s4 =	simm.s32 @!p2 $0x2800  }
0x283: {  	s11 =	sadd.s32 @!p2 $0x0, s9;
	p1 =	sgt.u32 @!p2 s2, $0x9C1;
	_ =	swait.ge @!p2 [sflag:s3], $0x4000  }
0x284: {  	s2 =	sadd.s32 @!p2 $0x1400, s11;
	p3 =	por p1, p2;
	[sflag:s3] =	ssyncset.done @!p2 $0x0  }
0x285: {  	p1 =	sgt.u32 s1, $0x9C3;
	[sflag:s3] =	ssyncadd.s32 @!p2 $0xFFFFC000;
	s3 =	simm.s32 @!p2 $0x80  }
0x286: {  	[spmem:s23] =	stream.indirect.scatter.add.f32 @!p2 [tilespmem:s4], [sflag:$0x4], $0x80, s2, s3, $0xb8;
	[tilespmem:$0x1F000] =	vst v63  }
0x287: {  	s13 =	simm.s32 @!p1 $0x2;
	s11 =	simm.s32 @!p3 $0x80;
	s2 =	simm.s32 @!p2 $0x4  }
0x288: {  	s29 =	simm.s32 @!p1 $0x4;
	s4 =	sadd.s32 @!p3 $0x0, s31;
	_ =	swait.ge @!p2 [sflag:s2], $0x4000  }
0x289: {  	s3 =	simm.s32 @!p3 $0x2800;
	s4 =	sadd.s32 @!p3 $0x1500, s4;
	[sflag:s2] =	ssyncset.done @!p2 $0x0  }
0x28a: {  	[sflag:s2] =	ssyncadd.s32 @!p2 $0xFFFFC000;
	s2 =	sadd.s32 @!p1 $0x0, s9;
	p2 =	sgt.u32 @!p1 s1, $0x9C1  }
0x28b: {  	[tilespmem:s3], [sflag:$0x1] =	stream.indirect.gather @!p3 [hbm4b:s22+s11], $0x80, s4, s11, $0xb8;
	[tilespmem:$0x1F000] =	vst v63  }
0x28c: {  	s11 =	simm.s32 $0x400;
	s2 =	sadd.s32 @!p1 $0x1480, s2;
	_ =	swait.ge @!p1 [sflag:s13], $0x4000  }
0x28d: {  	s3 =	simm.s32 @!p1 $0x6800;
	s4 =	simm.s32 @!p1 $0x80;
	[sflag:s13] =	ssyncset.done @!p1 $0x0  }
0x28e: {  	p3 =	por p2, p1;
	[sflag:s13] =	ssyncadd.s32 @!p1 $0xFFFFC000;
	s13 =	sadd.s32 $0x2, s1  }
0x28f: {  	[spmem:s23] =	stream.indirect.scatter.add.f32 @!p1 [tilespmem:s3], [sflag:$0x4], $0x80, s2, s4, $0xb8;
	[tilespmem:$0x1F000] =	vst v63  }
0x290: {  	s3 =	sadd.s32 @!p3 $0x0, s31;
	s2 =	simm.s32 @!p3 $0x80;
	_ =	swait.ge @!p1 [sflag:s29], $0x4000  }
.LBB2_8:
0x291: {  	[sflag:s29] =	ssyncset.done @!p1 $0x0  }
0x292: {  	s3 =	sadd.s32 @!p3 $0x1580, s3;
	s4 =	smov.u32 s11;
	s11 =	sadd.s32 $0x400, s11  }
0x293: {  	s14 =	sadd.s32 $0xFFFFFFFF, s13;
	s15 =	simm.s32 @!p3 $0x6800;
	[sflag:s29] =	ssyncadd.s32 @!p1 $0xFFFFC000  }
0x294: {  	[tilespmem:s15], [sflag:$0x2] =	stream.indirect.gather @!p3 [hbm4b:s22+s2], $0x80, s3, s2, $0xb8;
	[tilespmem:$0x1F000] =	vst v63  }
0x295: {  	p2 =	sne.s32 s11, $0x4C00;
	p3 =	sgt.u32 s14, $0x9C3  }
0x296: {  	s2 =	simm.s32 @!p3 $0x1;
	s3 =	sshra.s32 @!p3 s4, $0x2;
	s15 =	simm.s32 @!p3 $0x2800  }
0x297: {  	p1 =	sgt.u32 @!p3 s14, $0x9C1;
	s3 =	sadd.s32 @!p3 s3, s9;
	_ =	swait.ge @!p3 [sflag:s2], $0x4000  }
0x298: {  	p4 =	por p1, p3;
	s3 =	sadd.s32 @!p3 $0x1400, s3;
	[sflag:s2] =	ssyncset.done @!p3 $0x0  }
0x299: {  	s14 =	simm.s32 @!p4 $0x2800;
	[sflag:s2] =	ssyncadd.s32 @!p3 $0xFFFFC000;
	s2 =	simm.s32 @!p3 $0x80  }
0x29a: {  	[spmem:s23] =	stream.indirect.scatter.add.f32 @!p3 [tilespmem:s15], [sflag:$0x4], $0x80, s3, s2, $0xb8;
	[tilespmem:$0x1F000] =	vst v63  }
0x29b: {  	p1 =	sgt.u32 s13, $0x9C3;
	s2 =	simm.s32 @!p3 $0x4;
	s3 =	sshra.s32 @!p4 s4, $0x2  }
0x29c: {  	s29 =	simm.s32 @!p1 $0x4;
	s15 =	simm.s32 @!p1 $0x2;
	s3 =	sadd.s32 @!p4 s3, s31  }
0x29d: {  	s16 =	simm.s32 @!p4 $0x80;
	s3 =	sadd.s32 @!p4 $0x1500, s3;
	_ =	swait.ge @!p3 [sflag:s2], $0x4000  }
0x29e: {  	s5 =	sshra.s32 @!p1 s4, $0x2;
	p5 =	sgt.u32 @!p1 s13, $0x9C1;
	[sflag:s2] =	ssyncset.done @!p3 $0x0  }
0x29f: {  	s13 =	sadd.s32 $0x2, s13;
	[sflag:s2] =	ssyncadd.s32 @!p3 $0xFFFFC000;
	s2 =	sadd.s32 @!p1 s5, s9  }
0x2a0: {  	[tilespmem:s14], [sflag:$0x1] =	stream.indirect.gather @!p4 [hbm4b:s22+s16], $0x80, s3, s16, $0xb8;
	[tilespmem:$0x1F000] =	vst v63  }
.Ltmp3:
0x2a1: {  	s2 =	sadd.s32 @!p1 $0x1480, s2;
	_ =	swait.ge @!p1 [sflag:s15], $0x4000;
	(pc) =	sbr.rel @p2 .LBB2_8-.Ltmp3, $4  }
0x2a2: {  	p3 =	por p5, p1;
	s3 =	simm.s32 @!p1 $0x6800;
	[sflag:s15] =	ssyncset.done @!p1 $0x0  }
0x2a3: {  	s5 =	simm.s32 @!p1 $0x80;
	s4 =	sshra.s32 @!p3 s4, $0x2;
	[sflag:s15] =	ssyncadd.s32 @!p1 $0xFFFFC000  }
0x2a4: {  	[spmem:s23] =	stream.indirect.scatter.add.f32 @!p1 [tilespmem:s3], [sflag:$0x4], $0x80, s2, s5, $0xb8;
	[tilespmem:$0x1F000] =	vst v63  }
0x2a5: {  	s3 =	sadd.s32 @!p3 s4, s31;
	s2 =	simm.s32 @!p3 $0x80;
	_ =	swait.ge @!p1 [sflag:s29], $0x4000  }
0x2a6: {  	[sflag:s29] =	ssyncset.done @!p1 $0x0  }
0x2a7: {  	s3 =	sadd.s32 @!p3 $0x1580, s3;
	s4 =	simm.s32 @!p3 $0x6800;
	[sflag:s29] =	ssyncadd.s32 @!p1 $0xFFFFC000  }
0x2a8: {  	[tilespmem:s4], [sflag:$0x2] =	stream.indirect.gather @!p3 [hbm4b:s22+s2], $0x80, s3, s2, $0xb8;
	[tilespmem:$0x1F000] =	vst v63  }
0x2a9: {  	s2 =	simm.s32 @!p0 $0x1  }
0x2aa: {  	_ =	swait.ge @!p0 [sflag:s2], $0x4000  }
0x2ab: {  	s4 =	sld [smem:$0x7FC]  }
0x2ac: {  	[sflag:s2] =	ssyncset.done @!p0 $0x0  }
0x2ad: {  	s3 =	simm.s32 @!p0 $0x2800;
	[sflag:s2] =	ssyncadd.s32 @!p0 $0xFFFFC000;
	s2 =	simm.s32 @!p0 $0x80  }
0x2ae: {  	[spmem:s23] =	stream.indirect.scatter.add.f32 @!p0 [tilespmem:s3], [sflag:$0x4], $0x80, s4, s2, $0xb8;
	[tilespmem:$0x1F000] =	vst v63  }
0x2af: {  	s3 =	simm.s32 @!p0 $0x4  }
0x2b0: {  	_ =	swait.ge @!p0 [sflag:s3], $0x4000  }
0x2b1: {  	[sflag:s3] =	ssyncset.done @!p0 $0x0  }
0x2b2: {  	s4 =	simm.s32 @!p0 $0x2;
	[sflag:s3] =	ssyncadd.s32 @!p0 $0xFFFFC000  }
0x2b3: {  	_ =	swait.ge @!p0 [sflag:s4], $0x4000  }
0x2b4: {  	s5 =	sld [smem:$0x7FD]  }
0x2b5: {  	[sflag:s4] =	ssyncset.done @!p0 $0x0  }
0x2b6: {  	[sflag:s4] =	ssyncadd.s32 @!p0 $0xFFFFC000;
	s4 =	simm.s32 @!p0 $0x6800  }
0x2b7: {  	[spmem:s23] =	stream.indirect.scatter.add.f32 @!p0 [tilespmem:s4], [sflag:$0x4], $0x80, s5, s2, $0xb8;
	[tilespmem:$0x1F000] =	vst v63  }
0x2b8: {  	_ =	swait.ge @!p0 [sflag:s3], $0x4000  }
0x2b9: {  	[sflag:s3] =	ssyncset.done @!p0 $0x0  }
0x2ba: {  	[sflag:s3] =	ssyncadd.s32 @!p0 $0xFFFFC000  }
0x2bb: {  	[bflag:$0x0] =	sbarrier.arrive $0xFFFF  }
0x2bc: {  	s14 =	stileid.u32;
	s16 =	sld [smem:$0x7F4]  }
0x2bd: {  	s2 =	sshll.u32 s14, $0x6  }
0x2be: {  	s15 =	sshrl.u32 s26, $0x3;
	s2 =	sor.u32 $0x1C04, s2  }
0x2bf: {  	[hbm:s16], [sflag:s2] =	dma.local [spmem:s15], $0x2800  }
0x2c0: {  	_ =	swait.ge [sflag:s12], $0x2800  }
0x2c1: {  	s29 =	sld [smem:$0x7F7];
	_ =	sdelay $0x1  }
0x2c2: {  	s24 =	sadd.s32 $0x1, s24  }
0x2c3: {  	p1 =	sne.s32 s24, s29  }
.Ltmp4:
0x2c4: {  	_ = 	snop;
	(pc) =	sbr.rel @p1 .LBB2_1-.Ltmp4, $3  }
0x2c5: {  	_ =	sdelay $0x1  }
0x2c6: {  	[sflag:s12] =	ssyncset.done $0x0  }
0x2c7: {  	s5 =	simm.s32 $0x100;
	[sflag:s12] =	ssyncadd.s32 $0xFFFFD800  }
0x2c8: {  	_ =	sfence.sel $0x180000  }
0x2c9: {  	[bflag:$0x0] =	sbarrier.arrive $0xFFFF  }
0x2ca: {  	_ =	strace $0x90000047  }
0x2cb: {  	s0 =	stileid.u32;
	[bflag:$0x2] =	sbarrier.arrive $0xFFFF  }
0x2cc: {  	p0 =	sne.s32 s0, $0x0;
	s0 =	rddreg [dreg:$0x4]  }
0x2cd: {  	s0 =	sadd.s32 @!p0 $0x100000, s0  }
0x2ce: {  	[sflag:s0] =	ssyncadd.tile.s32 @!p0 $0x1;
	_ =	shalt  }
.Lfunc_end2:
_tile_overlayer_lowered:
.L_overlay_start_2:
0x2cf: {  	(tag) =	ssettag $0x2  }
0x2d0: {  	s0 =	rddreg [dreg:$0x0];
	s2 =	stileid.u32  }
0x2d1: {  	s1 =	rddreg [dreg:$0x1];
	p0 =	sne.s32 s2, $0x0  }
0x2d2: {  	s3 =	rddreg [dreg:$0x2];
	[bflag:$0x3] =	sbarrier.arrive $0xFFFF;
	s2 =	simm.s32 @!p0 $0x1C04  }
0x2d3: {  	[timem:s3], [sflag:s2] =	dma.local @!p0 [hbm:s0], s1  }
0x2d4: {  	s0 =	simm.s32 @!p0 $0x4  }
0x2d5: {  	_ =	swait.ge @!p0 [sflag:s0], s1  }
0x2d6: {  	s1 =	ssub.s32 @!p0 $0x0, s1;
	[sflag:s0] =	ssyncset.done @!p0 $0x0  }
0x2d7: {  	[sflag:s0] =	ssyncadd.s32 @!p0 s1  }
0x2d8: {  	[bflag:$0x3] =	sbarrier.arrive $0xFFFF  }
0x2d9: {  	_ =	shalt  }

</sc_bundles>
